<compile_context>
chip_gen: v7x
topology: tpu7x:2x2x1
jax: 0.10.2.dev20260603
libtpu: 0.0.44.dev20260713+nightly
codegen_flags: <defaults>
</compile_context>

<pallas_src>
import functools

import jax
import jax.numpy as jnp
from jax import lax
from jax.experimental import pallas as pl
from jax.experimental.pallas import tpu as pltpu
from jax.experimental.pallas import tpu_sc as plsc

VOCAB = 1000000
EMB = 16
BATCH = 16384
GROUP = 128 // EMB
NGROUPS = VOCAB // GROUP

NC = 2
NS = 16
NW = NC * NS
BPW = BATCH // NW
CHUNK = 128
NCK = BPW // CHUNK


def _rsqrt_nr(x):
    i = lax.bitcast_convert_type(x, jnp.int32)
    i = jnp.int32(0x5F3759DF) - lax.shift_right_logical(i, 1)
    y = lax.bitcast_convert_type(i, jnp.float32)
    half = jnp.float32(0.5) * x
    for _ in range(3):
        y = y * (jnp.float32(1.5) - half * y * y)
    return y


def _make_sc_kernel():
    mesh = plsc.VectorSubcoreMesh(core_axis_name="c", subcore_axis_name="s")

    @functools.partial(
        pl.kernel,
        mesh=mesh,
        out_type=jax.ShapeDtypeStruct((BATCH,), jnp.float32),
        compiler_params=pltpu.CompilerParams(needs_layout_passes=False),
        scratch_types=[
            pltpu.VMEM((2 * BPW,), jnp.int32),
            pltpu.VMEM((BPW,), jnp.int32),
            pltpu.VMEM((BPW,), jnp.int32),
            pltpu.VMEM((BPW,), jnp.int32),
            pltpu.VMEM((BPW,), jnp.int32),
            pltpu.VMEM((CHUNK, 128), jnp.float32),
            pltpu.VMEM((CHUNK, 128), jnp.float32),
            pltpu.VMEM((BPW,), jnp.float32),
            pltpu.SemaphoreType.DMA,
        ],
    )
    def sc_kernel(inp_hbm, table_hbm, out_hbm,
                  iv, ja, jb, ra, rb, ag, bg, outv, sem):
        wid = lax.axis_index("s") * NC + lax.axis_index("c")
        base = wid * BPW

        pltpu.sync_copy(inp_hbm.at[pl.ds(2 * base, 2 * BPW)], iv)

        lane = lax.iota(jnp.int32, 16)

        def prep(k, _):
            pos = 2 * (k * 16 + lane)
            for off, jref, rref in ((0, ja, ra), (1, jb, rb)):
                idx = plsc.load_gather(iv, [pos + off])
                jref[pl.ds(k * 16, 16)] = lax.shift_right_logical(idx, 3)
                rref[pl.ds(k * 16, 16)] = idx & (GROUP - 1)
            return 0

        lax.fori_loop(0, BPW // 16, prep, 0)

        eps2 = jnp.full((16,), 1e-16, jnp.float32)

        for c in range(NCK):
            cpa = pltpu.async_copy(
                table_hbm.at[ja.at[pl.ds(c * CHUNK, CHUNK)]], ag, sem)
            cpb = pltpu.async_copy(
                table_hbm.at[jb.at[pl.ds(c * CHUNK, CHUNK)]], bg, sem)
            cpa.wait()
            cpb.wait()

            def cbody(g, _, c=c):
                rows = g * 16 + lane
                pbase = c * CHUNK + g * 16
                ca = plsc.load_gather(ra, [pbase + lane])
                cb = plsc.load_gather(rb, [pbase + lane])
                dot = jnp.zeros((16,), jnp.float32)
                a2 = jnp.zeros((16,), jnp.float32)
                b2 = jnp.zeros((16,), jnp.float32)
                for d in range(EMB):
                    av = plsc.load_gather(ag, [rows, ca + d * GROUP])
                    bv = plsc.load_gather(bg, [rows, cb + d * GROUP])
                    dot = dot + av * bv
                    a2 = a2 + av * av
                    b2 = b2 + bv * bv
                denom2 = jnp.maximum(a2 * b2, eps2)
                outv[pl.ds(pbase, 16)] = dot * _rsqrt_nr(denom2)
                return 0

            lax.fori_loop(0, CHUNK // 16, cbody, 0)

        pltpu.sync_copy(outv, out_hbm.at[pl.ds(base, BPW)])

    return sc_kernel


_sc_kernel = _make_sc_kernel()


def kernel(input, table):
    inp = input.reshape(2 * BATCH)
    tab_fm = lax.optimization_barrier(table.T)
    tab = (tab_fm.reshape(EMB, NGROUPS, GROUP)
           .transpose(1, 0, 2)
           .reshape(NGROUPS, GROUP * EMB))
    return _sc_kernel(inp, tab)

# --- scband reference (transcript-rebuilt; emitter-appended) ---
"""Pipeline reference for scband-similarity-model-68367289418461 (READ-ONLY COPY).

The authoritative reference and input builder live on the scoring server;
editing this copy changes nothing except your own understanding.
"""

import jax, jax.numpy as jnp
import numpy as np

VOCAB = 1000000
EMB = 16
BATCH = 16384

def setup_inputs(seed: int = 0) -> dict:
    key = jax.random.key(seed)
    k1, k2 = jax.random.split(key)
    inp = jax.random.randint(k1, (BATCH, 2), 0, VOCAB, dtype=jnp.int64 if jax.config.jax_enable_x64 else jnp.int32).astype(jnp.int32)
    table = jax.random.normal(k2, (VOCAB, EMB), dtype=jnp.float32) * 0.02
    return {"input": inp, "table": table}

def reference(input, table):
    # input: [B, 2] int; transpose to [2, B] (mirrors torch transpose_(0,1))
    inp_t = input.T  # [2, B]
    embedded = jnp.take(table, inp_t, axis=0)  # [2, B, EMB]
    A = embedded[0]  # [B, EMB]
    B = embedded[1]  # [B, EMB]
    eps = 1e-8
    dot = jnp.sum(A * B, axis=1)
    normA = jnp.sqrt(jnp.sum(A * A, axis=1))
    normB = jnp.sqrt(jnp.sum(B * B, axis=1))
    denom = jnp.maximum(normA * normB, eps)
    return dot / denom

if __name__ == "__main__":
    import jax
    _d = setup_inputs()
    print(jax.jit(kernel)(*tuple(_d.values())))

</pallas_src>

<mosaic_0001>
#map = affine_map<(d0, d1) -> (0)>
#map1 = affine_map<(d0, d1) -> (0, 0)>
module attributes {stable_mosaic.version = 14 : i64} {
  func.func @sc_kernel(%arg0: i32, %arg1: i32, %arg2: memref<32768xi32, #tpu.memory_space<hbm>>, %arg3: memref<125000x128xf32, #tpu.memory_space<hbm>>, %arg4: memref<16384xf32, #tpu.memory_space<hbm>>, %arg5: memref<1024xi32, #tpu.memory_space<vmem>>, %arg6: memref<512xi32, #tpu.memory_space<vmem>>, %arg7: memref<512xi32, #tpu.memory_space<vmem>>, %arg8: memref<512xi32, #tpu.memory_space<vmem>>, %arg9: memref<512xi32, #tpu.memory_space<vmem>>, %arg10: memref<128x128xf32, #tpu.memory_space<vmem>>, %arg11: memref<128x128xf32, #tpu.memory_space<vmem>>, %arg12: memref<512xf32, #tpu.memory_space<vmem>>, %arg13: memref<!tpu.dma_semaphore, #tpu.memory_space<semaphore_mem>>) attributes {dimension_semantics = [#tpu.dimension_semantics<core_parallel>, #tpu.dimension_semantics<subcore_parallel>], iteration_bounds = array<i64: 2, 16>, scalar_prefetch = 0 : i64, scratch_operands = 9 : i64, tpu.core_type = #tpu.core_type<sc_vector_subcore>, window_params = [{transform_indices = #map}, {transform_indices = #map1}, {transform_indices = #map}]} {
    %mul3A = arith.constant 2 : i32
    %mul3A_0 = arith.muli %arg1, %mul3A : i32
    %add3A = arith.addi %mul3A_0, %arg0 : i32
    %mul3A_1 = arith.constant 512 : i32
    %mul3A_2 = arith.muli %add3A, %mul3A_1 : i32
    %mul3A_3 = arith.constant 2 : i32
    %mul3A_4 = arith.muli %mul3A_3, %mul3A_2 : i32
    "tpu.region"() ({
      %run_scoped3A = tpu.sem_alloc : memref<!tpu.dma_semaphore, #tpu.memory_space<semaphore_mem>>
      %dma_start3A_118 = tpu.memref_slice %arg2[%mul3A_4] : memref<32768xi32, #tpu.memory_space<hbm>> -> memref<1024xi32, #tpu.memory_space<hbm>>
      %dma_start3A_119 = tpu.memref_slice %arg2[%mul3A_4] : memref<32768xi32, #tpu.memory_space<hbm>> -> memref<1024xi32, #tpu.memory_space<hbm>>
      tpu.enqueue_dma source(%dma_start3A_119 : memref<1024xi32, #tpu.memory_space<hbm>>) target(%arg5 : memref<1024xi32, #tpu.memory_space<vmem>>) target_semaphore(%run_scoped3A : memref<!tpu.dma_semaphore, #tpu.memory_space<semaphore_mem>>)
      %dma_wait3A_120 = tpu.memref_slice %arg2[%mul3A_4] : memref<32768xi32, #tpu.memory_space<hbm>> -> memref<1024xi32, #tpu.memory_space<hbm>>
      %dma_wait3A_121 = tpu.memref_slice %arg2[%mul3A_4] : memref<32768xi32, #tpu.memory_space<hbm>> -> memref<1024xi32, #tpu.memory_space<hbm>>
      tpu.wait_dma2 semaphore(%run_scoped3A : memref<!tpu.dma_semaphore, #tpu.memory_space<semaphore_mem>>) src(%dma_wait3A_121 : memref<1024xi32, #tpu.memory_space<hbm>>) dst(%arg5 : memref<1024xi32, #tpu.memory_space<vmem>>)
      tpu.yield
    }) : () -> ()
    %iota3A = tpu.iota {dimensions = array<i32: 0>} : vector<16xi32>
    %scan3A = arith.constant 0 : i32
    %scan3A_5 = arith.constant 0 : i32
    %scan3A_6 = arith.constant 32 : i32
    %scan3A_7 = arith.addi %scan3A_5, %scan3A_6 : i32
    %scan3A_8 = arith.constant 1 : i32
    %scan3A_9 = scf.for %scan3A_118 = %scan3A_5 to %scan3A_7 step %scan3A_8 iter_args(%scan3A_119 = %scan3A) -> (i32)  : i32 {
      %mul3A_120 = arith.constant 16 : i32
      %mul3A_121 = arith.muli %scan3A_118, %mul3A_120 : i32
      %add3A_122 = vector.broadcast %mul3A_121 : i32 to vector<16xi32>
      %add3A_123 = arith.addi %add3A_122, %iota3A : vector<16xi32>
      %mul3A_124 = arith.constant 2 : i32
      %mul3A_125 = vector.broadcast %mul3A_124 : i32 to vector<16xi32>
      %mul3A_126 = arith.muli %mul3A_125, %add3A_123 : vector<16xi32>
      %add3A_127 = arith.constant 0 : i32
      %add3A_128 = vector.broadcast %add3A_127 : i32 to vector<16xi32>
      %add3A_129 = arith.addi %mul3A_126, %add3A_128 : vector<16xi32>
      %gather3A = tpu.vector_load_idx %arg5[%add3A_129] : memref<1024xi32, #tpu.memory_space<vmem>>[vector<16xi32>], vector<16xi32>,
      %shift_right_logical3A = arith.constant 3 : i32
      %shift_right_logical3A_130 = vector.broadcast %shift_right_logical3A : i32 to vector<16xi32>
      %shift_right_logical3A_131 = arith.shrui %gather3A, %shift_right_logical3A_130 : vector<16xi32>
      %mul3A_132 = arith.constant 16 : i32
      %mul3A_133 = arith.muli %scan3A_118, %mul3A_132 : i32
      %swap3A = arith.index_cast %mul3A_133 : i32 to index
      %swap3A_134 = tpu.vector_load %arg6[%swap3A] {strides = array<i32>} : memref<512xi32, #tpu.memory_space<vmem>>, vector<16xi32>,
      tpu.vector_store %arg6[%swap3A], %shift_right_logical3A_131 {strides = array<i32>} : memref<512xi32, #tpu.memory_space<vmem>>, vector<16xi32>,
      %and3A = arith.constant 7 : i32
      %and3A_135 = vector.broadcast %and3A : i32 to vector<16xi32>
      %and3A_136 = arith.andi %gather3A, %and3A_135 : vector<16xi32>
      %mul3A_137 = arith.constant 16 : i32
      %mul3A_138 = arith.muli %scan3A_118, %mul3A_137 : i32
      %swap3A_139 = arith.index_cast %mul3A_138 : i32 to index
      %swap3A_140 = tpu.vector_load %arg8[%swap3A_139] {strides = array<i32>} : memref<512xi32, #tpu.memory_space<vmem>>, vector<16xi32>,
      tpu.vector_store %arg8[%swap3A_139], %and3A_136 {strides = array<i32>} : memref<512xi32, #tpu.memory_space<vmem>>, vector<16xi32>,
      %add3A_141 = arith.constant 1 : i32
      %add3A_142 = vector.broadcast %add3A_141 : i32 to vector<16xi32>
      %add3A_143 = arith.addi %mul3A_126, %add3A_142 : vector<16xi32>
      %gather3A_144 = tpu.vector_load_idx %arg5[%add3A_143] : memref<1024xi32, #tpu.memory_space<vmem>>[vector<16xi32>], vector<16xi32>,
      %shift_right_logical3A_145 = arith.constant 3 : i32
      %shift_right_logical3A_146 = vector.broadcast %shift_right_logical3A_145 : i32 to vector<16xi32>
      %shift_right_logical3A_147 = arith.shrui %gather3A_144, %shift_right_logical3A_146 : vector<16xi32>
      %mul3A_148 = arith.constant 16 : i32
      %mul3A_149 = arith.muli %scan3A_118, %mul3A_148 : i32
      %swap3A_150 = arith.index_cast %mul3A_149 : i32 to index
      %swap3A_151 = tpu.vector_load %arg7[%swap3A_150] {strides = array<i32>} : memref<512xi32, #tpu.memory_space<vmem>>, vector<16xi32>,
      tpu.vector_store %arg7[%swap3A_150], %shift_right_logical3A_147 {strides = array<i32>} : memref<512xi32, #tpu.memory_space<vmem>>, vector<16xi32>,
      %and3A_152 = arith.constant 7 : i32
      %and3A_153 = vector.broadcast %and3A_152 : i32 to vector<16xi32>
      %and3A_154 = arith.andi %gather3A_144, %and3A_153 : vector<16xi32>
      %mul3A_155 = arith.constant 16 : i32
      %mul3A_156 = arith.muli %scan3A_118, %mul3A_155 : i32
      %swap3A_157 = arith.index_cast %mul3A_156 : i32 to index
      %swap3A_158 = tpu.vector_load %arg9[%swap3A_157] {strides = array<i32>} : memref<512xi32, #tpu.memory_space<vmem>>, vector<16xi32>,
      tpu.vector_store %arg9[%swap3A_157], %and3A_154 {strides = array<i32>} : memref<512xi32, #tpu.memory_space<vmem>>, vector<16xi32>,
      %scan3A_159 = arith.constant 0 : i32
      scf.yield %scan3A_159 : i32
    }
    %scan3A_10 = arith.constant 32 : i32
    %broadcast_in_dim3A = arith.constant 1.000000e-16 : f32
    %broadcast_in_dim3A_11 = vector.broadcast %broadcast_in_dim3A : f32 to vector<16xf32>
    %dma_start3A = arith.constant 0 : i32
    %dma_start3A_12 = tpu.memref_slice %arg6[%dma_start3A] : memref<512xi32, #tpu.memory_space<vmem>> -> memref<128xi32, #tpu.memory_space<vmem>>
    %dma_start3A_13 = arith.constant 0 : i32
    %dma_start3A_14 = arith.constant 0 : i32
    %dma_start3A_15 = tpu.memref_slice %arg3[%dma_start3A_13, %dma_start3A_14] : memref<125000x128xf32, #tpu.memory_space<hbm>> -> memref<125000x128xf32, #tpu.memory_space<hbm>>
    tpu.enqueue_indirect_dma source(%dma_start3A_15 : memref<125000x128xf32, #tpu.memory_space<hbm>>) target(%arg10 : memref<128x128xf32, #tpu.memory_space<vmem>>) offsets(%dma_start3A_12 : memref<128xi32, #tpu.memory_space<vmem>>) semaphore(%arg13 : memref<!tpu.dma_semaphore, #tpu.memory_space<semaphore_mem>>)
    %dma_start3A_16 = arith.constant 0 : i32
    %dma_start3A_17 = tpu.memref_slice %arg7[%dma_start3A_16] : memref<512xi32, #tpu.memory_space<vmem>> -> memref<128xi32, #tpu.memory_space<vmem>>
    %dma_start3A_18 = arith.constant 0 : i32
    %dma_start3A_19 = arith.constant 0 : i32
    %dma_start3A_20 = tpu.memref_slice %arg3[%dma_start3A_18, %dma_start3A_19] : memref<125000x128xf32, #tpu.memory_space<hbm>> -> memref<125000x128xf32, #tpu.memory_space<hbm>>
    tpu.enqueue_indirect_dma source(%dma_start3A_20 : memref<125000x128xf32, #tpu.memory_space<hbm>>) target(%arg11 : memref<128x128xf32, #tpu.memory_space<vmem>>) offsets(%dma_start3A_17 : memref<128xi32, #tpu.memory_space<vmem>>) semaphore(%arg13 : memref<!tpu.dma_semaphore, #tpu.memory_space<semaphore_mem>>)
    %dma_wait3A = arith.constant 0 : i32
    %dma_wait3A_21 = tpu.memref_slice %arg6[%dma_wait3A] : memref<512xi32, #tpu.memory_space<vmem>> -> memref<128xi32, #tpu.memory_space<vmem>>
    %dma_wait3A_22 = arith.constant 0 : i32
    %dma_wait3A_23 = arith.constant 0 : i32
    %dma_wait3A_24 = tpu.memref_slice %arg3[%dma_wait3A_22, %dma_wait3A_23] : memref<125000x128xf32, #tpu.memory_space<hbm>> -> memref<125000x128xf32, #tpu.memory_space<hbm>>
    tpu.wait_indirect_dma semaphore(%arg13 : memref<!tpu.dma_semaphore, #tpu.memory_space<semaphore_mem>>) src(%dma_wait3A_24 : memref<125000x128xf32, #tpu.memory_space<hbm>>) dst(%arg10 : memref<128x128xf32, #tpu.memory_space<vmem>>)
    %dma_wait3A_25 = arith.constant 0 : i32
    %dma_wait3A_26 = tpu.memref_slice %arg7[%dma_wait3A_25] : memref<512xi32, #tpu.memory_space<vmem>> -> memref<128xi32, #tpu.memory_space<vmem>>
    %dma_wait3A_27 = arith.constant 0 : i32
    %dma_wait3A_28 = arith.constant 0 : i32
    %dma_wait3A_29 = tpu.memref_slice %arg3[%dma_wait3A_27, %dma_wait3A_28] : memref<125000x128xf32, #tpu.memory_space<hbm>> -> memref<125000x128xf32, #tpu.memory_space<hbm>>
    tpu.wait_indirect_dma semaphore(%arg13 : memref<!tpu.dma_semaphore, #tpu.memory_space<semaphore_mem>>) src(%dma_wait3A_29 : memref<125000x128xf32, #tpu.memory_space<hbm>>) dst(%arg11 : memref<128x128xf32, #tpu.memory_space<vmem>>)
    %scan3A_30 = arith.constant 0 : i32
    %scan3A_31 = arith.constant 0 : i32
    %scan3A_32 = arith.constant 8 : i32
    %scan3A_33 = arith.addi %scan3A_31, %scan3A_32 : i32
    %scan3A_34 = arith.constant 1 : i32
    %scan3A_35 = scf.for %scan3A_118 = %scan3A_31 to %scan3A_33 step %scan3A_34 iter_args(%scan3A_119 = %scan3A_30) -> (i32)  : i32 {
      %mul3A_120 = arith.constant 16 : i32
      %mul3A_121 = arith.muli %scan3A_118, %mul3A_120 : i32
      %add3A_122 = vector.broadcast %mul3A_121 : i32 to vector<16xi32>
      %add3A_123 = arith.addi %add3A_122, %iota3A : vector<16xi32>
      %mul3A_124 = arith.constant 16 : i32
      %mul3A_125 = arith.muli %scan3A_118, %mul3A_124 : i32
      %add3A_126 = arith.constant 0 : i32
      %add3A_127 = arith.addi %add3A_126, %mul3A_125 : i32
      %add3A_128 = vector.broadcast %add3A_127 : i32 to vector<16xi32>
      %add3A_129 = arith.addi %add3A_128, %iota3A : vector<16xi32>
      %gather3A = tpu.vector_load_idx %arg8[%add3A_129] : memref<512xi32, #tpu.memory_space<vmem>>[vector<16xi32>], vector<16xi32>,
      %add3A_130 = vector.broadcast %add3A_127 : i32 to vector<16xi32>
      %add3A_131 = arith.addi %add3A_130, %iota3A : vector<16xi32>
      %gather3A_132 = tpu.vector_load_idx %arg9[%add3A_131] : memref<512xi32, #tpu.memory_space<vmem>>[vector<16xi32>], vector<16xi32>,
      %broadcast_in_dim3A_133 = arith.constant 0.000000e+00 : f32
      %broadcast_in_dim3A_134 = vector.broadcast %broadcast_in_dim3A_133 : f32 to vector<16xf32>
      %broadcast_in_dim3A_135 = arith.constant 0.000000e+00 : f32
      %broadcast_in_dim3A_136 = vector.broadcast %broadcast_in_dim3A_135 : f32 to vector<16xf32>
      %broadcast_in_dim3A_137 = arith.constant 0.000000e+00 : f32
      %broadcast_in_dim3A_138 = vector.broadcast %broadcast_in_dim3A_137 : f32 to vector<16xf32>
      %add3A_139 = arith.constant 0 : i32
      %add3A_140 = vector.broadcast %add3A_139 : i32 to vector<16xi32>
      %add3A_141 = arith.addi %gather3A, %add3A_140 : vector<16xi32>
      %gather3A_142 = tpu.vector_load_idx %arg10[%add3A_123, %add3A_141] : memref<128x128xf32, #tpu.memory_space<vmem>>[vector<16xi32>, vector<16xi32>], vector<16xf32>,
      %add3A_143 = arith.constant 0 : i32
      %add3A_144 = vector.broadcast %add3A_143 : i32 to vector<16xi32>
      %add3A_145 = arith.addi %gather3A_132, %add3A_144 : vector<16xi32>
      %gather3A_146 = tpu.vector_load_idx %arg11[%add3A_123, %add3A_145] : memref<128x128xf32, #tpu.memory_space<vmem>>[vector<16xi32>, vector<16xi32>], vector<16xf32>,
      %mul3A_147 = arith.mulf %gather3A_142, %gather3A_146 : vector<16xf32>
      %add3A_148 = arith.addf %broadcast_in_dim3A_134, %mul3A_147 : vector<16xf32>
      %mul3A_149 = arith.mulf %gather3A_142, %gather3A_142 : vector<16xf32>
      %add3A_150 = arith.addf %broadcast_in_dim3A_136, %mul3A_149 : vector<16xf32>
      %mul3A_151 = arith.mulf %gather3A_146, %gather3A_146 : vector<16xf32>
      %add3A_152 = arith.addf %broadcast_in_dim3A_138, %mul3A_151 : vector<16xf32>
      %add3A_153 = arith.constant 8 : i32
      %add3A_154 = vector.broadcast %add3A_153 : i32 to vector<16xi32>
      %add3A_155 = arith.addi %gather3A, %add3A_154 : vector<16xi32>
      %gather3A_156 = tpu.vector_load_idx %arg10[%add3A_123, %add3A_155] : memref<128x128xf32, #tpu.memory_space<vmem>>[vector<16xi32>, vector<16xi32>], vector<16xf32>,
      %add3A_157 = arith.constant 8 : i32
      %add3A_158 = vector.broadcast %add3A_157 : i32 to vector<16xi32>
      %add3A_159 = arith.addi %gather3A_132, %add3A_158 : vector<16xi32>
      %gather3A_160 = tpu.vector_load_idx %arg11[%add3A_123, %add3A_159] : memref<128x128xf32, #tpu.memory_space<vmem>>[vector<16xi32>, vector<16xi32>], vector<16xf32>,
      %mul3A_161 = arith.mulf %gather3A_156, %gather3A_160 : vector<16xf32>
      %add3A_162 = arith.addf %add3A_148, %mul3A_161 : vector<16xf32>
      %mul3A_163 = arith.mulf %gather3A_156, %gather3A_156 : vector<16xf32>
      %add3A_164 = arith.addf %add3A_150, %mul3A_163 : vector<16xf32>
      %mul3A_165 = arith.mulf %gather3A_160, %gather3A_160 : vector<16xf32>
      %add3A_166 = arith.addf %add3A_152, %mul3A_165 : vector<16xf32>
      %add3A_167 = arith.constant 16 : i32
      %add3A_168 = vector.broadcast %add3A_167 : i32 to vector<16xi32>
      %add3A_169 = arith.addi %gather3A, %add3A_168 : vector<16xi32>
      %gather3A_170 = tpu.vector_load_idx %arg10[%add3A_123, %add3A_169] : memref<128x128xf32, #tpu.memory_space<vmem>>[vector<16xi32>, vector<16xi32>], vector<16xf32>,
      %add3A_171 = arith.constant 16 : i32
      %add3A_172 = vector.broadcast %add3A_171 : i32 to vector<16xi32>
      %add3A_173 = arith.addi %gather3A_132, %add3A_172 : vector<16xi32>
      %gather3A_174 = tpu.vector_load_idx %arg11[%add3A_123, %add3A_173] : memref<128x128xf32, #tpu.memory_space<vmem>>[vector<16xi32>, vector<16xi32>], vector<16xf32>,
      %mul3A_175 = arith.mulf %gather3A_170, %gather3A_174 : vector<16xf32>
      %add3A_176 = arith.addf %add3A_162, %mul3A_175 : vector<16xf32>
      %mul3A_177 = arith.mulf %gather3A_170, %gather3A_170 : vector<16xf32>
      %add3A_178 = arith.addf %add3A_164, %mul3A_177 : vector<16xf32>
      %mul3A_179 = arith.mulf %gather3A_174, %gather3A_174 : vector<16xf32>
      %add3A_180 = arith.addf %add3A_166, %mul3A_179 : vector<16xf32>
      %add3A_181 = arith.constant 24 : i32
      %add3A_182 = vector.broadcast %add3A_181 : i32 to vector<16xi32>
      %add3A_183 = arith.addi %gather3A, %add3A_182 : vector<16xi32>
      %gather3A_184 = tpu.vector_load_idx %arg10[%add3A_123, %add3A_183] : memref<128x128xf32, #tpu.memory_space<vmem>>[vector<16xi32>, vector<16xi32>], vector<16xf32>,
      %add3A_185 = arith.constant 24 : i32
      %add3A_186 = vector.broadcast %add3A_185 : i32 to vector<16xi32>
      %add3A_187 = arith.addi %gather3A_132, %add3A_186 : vector<16xi32>
      %gather3A_188 = tpu.vector_load_idx %arg11[%add3A_123, %add3A_187] : memref<128x128xf32, #tpu.memory_space<vmem>>[vector<16xi32>, vector<16xi32>], vector<16xf32>,
      %mul3A_189 = arith.mulf %gather3A_184, %gather3A_188 : vector<16xf32>
      %add3A_190 = arith.addf %add3A_176, %mul3A_189 : vector<16xf32>
      %mul3A_191 = arith.mulf %gather3A_184, %gather3A_184 : vector<16xf32>
      %add3A_192 = arith.addf %add3A_178, %mul3A_191 : vector<16xf32>
      %mul3A_193 = arith.mulf %gather3A_188, %gather3A_188 : vector<16xf32>
      %add3A_194 = arith.addf %add3A_180, %mul3A_193 : vector<16xf32>
      %add3A_195 = arith.constant 32 : i32
      %add3A_196 = vector.broadcast %add3A_195 : i32 to vector<16xi32>
      %add3A_197 = arith.addi %gather3A, %add3A_196 : vector<16xi32>
      %gather3A_198 = tpu.vector_load_idx %arg10[%add3A_123, %add3A_197] : memref<128x128xf32, #tpu.memory_space<vmem>>[vector<16xi32>, vector<16xi32>], vector<16xf32>,
      %add3A_199 = arith.constant 32 : i32
      %add3A_200 = vector.broadcast %add3A_199 : i32 to vector<16xi32>
      %add3A_201 = arith.addi %gather3A_132, %add3A_200 : vector<16xi32>
      %gather3A_202 = tpu.vector_load_idx %arg11[%add3A_123, %add3A_201] : memref<128x128xf32, #tpu.memory_space<vmem>>[vector<16xi32>, vector<16xi32>], vector<16xf32>,
      %mul3A_203 = arith.mulf %gather3A_198, %gather3A_202 : vector<16xf32>
      %add3A_204 = arith.addf %add3A_190, %mul3A_203 : vector<16xf32>
      %mul3A_205 = arith.mulf %gather3A_198, %gather3A_198 : vector<16xf32>
      %add3A_206 = arith.addf %add3A_192, %mul3A_205 : vector<16xf32>
      %mul3A_207 = arith.mulf %gather3A_202, %gather3A_202 : vector<16xf32>
      %add3A_208 = arith.addf %add3A_194, %mul3A_207 : vector<16xf32>
      %add3A_209 = arith.constant 40 : i32
      %add3A_210 = vector.broadcast %add3A_209 : i32 to vector<16xi32>
      %add3A_211 = arith.addi %gather3A, %add3A_210 : vector<16xi32>
      %gather3A_212 = tpu.vector_load_idx %arg10[%add3A_123, %add3A_211] : memref<128x128xf32, #tpu.memory_space<vmem>>[vector<16xi32>, vector<16xi32>], vector<16xf32>,
      %add3A_213 = arith.constant 40 : i32
      %add3A_214 = vector.broadcast %add3A_213 : i32 to vector<16xi32>
      %add3A_215 = arith.addi %gather3A_132, %add3A_214 : vector<16xi32>
      %gather3A_216 = tpu.vector_load_idx %arg11[%add3A_123, %add3A_215] : memref<128x128xf32, #tpu.memory_space<vmem>>[vector<16xi32>, vector<16xi32>], vector<16xf32>,
      %mul3A_217 = arith.mulf %gather3A_212, %gather3A_216 : vector<16xf32>
      %add3A_218 = arith.addf %add3A_204, %mul3A_217 : vector<16xf32>
      %mul3A_219 = arith.mulf %gather3A_212, %gather3A_212 : vector<16xf32>
      %add3A_220 = arith.addf %add3A_206, %mul3A_219 : vector<16xf32>
      %mul3A_221 = arith.mulf %gather3A_216, %gather3A_216 : vector<16xf32>
      %add3A_222 = arith.addf %add3A_208, %mul3A_221 : vector<16xf32>
      %add3A_223 = arith.constant 48 : i32
      %add3A_224 = vector.broadcast %add3A_223 : i32 to vector<16xi32>
      %add3A_225 = arith.addi %gather3A, %add3A_224 : vector<16xi32>
      %gather3A_226 = tpu.vector_load_idx %arg10[%add3A_123, %add3A_225] : memref<128x128xf32, #tpu.memory_space<vmem>>[vector<16xi32>, vector<16xi32>], vector<16xf32>,
      %add3A_227 = arith.constant 48 : i32
      %add3A_228 = vector.broadcast %add3A_227 : i32 to vector<16xi32>
      %add3A_229 = arith.addi %gather3A_132, %add3A_228 : vector<16xi32>
      %gather3A_230 = tpu.vector_load_idx %arg11[%add3A_123, %add3A_229] : memref<128x128xf32, #tpu.memory_space<vmem>>[vector<16xi32>, vector<16xi32>], vector<16xf32>,
      %mul3A_231 = arith.mulf %gather3A_226, %gather3A_230 : vector<16xf32>
      %add3A_232 = arith.addf %add3A_218, %mul3A_231 : vector<16xf32>
      %mul3A_233 = arith.mulf %gather3A_226, %gather3A_226 : vector<16xf32>
      %add3A_234 = arith.addf %add3A_220, %mul3A_233 : vector<16xf32>
      %mul3A_235 = arith.mulf %gather3A_230, %gather3A_230 : vector<16xf32>
      %add3A_236 = arith.addf %add3A_222, %mul3A_235 : vector<16xf32>
      %add3A_237 = arith.constant 56 : i32
      %add3A_238 = vector.broadcast %add3A_237 : i32 to vector<16xi32>
      %add3A_239 = arith.addi %gather3A, %add3A_238 : vector<16xi32>
      %gather3A_240 = tpu.vector_load_idx %arg10[%add3A_123, %add3A_239] : memref<128x128xf32, #tpu.memory_space<vmem>>[vector<16xi32>, vector<16xi32>], vector<16xf32>,
      %add3A_241 = arith.constant 56 : i32
      %add3A_242 = vector.broadcast %add3A_241 : i32 to vector<16xi32>
      %add3A_243 = arith.addi %gather3A_132, %add3A_242 : vector<16xi32>
      %gather3A_244 = tpu.vector_load_idx %arg11[%add3A_123, %add3A_243] : memref<128x128xf32, #tpu.memory_space<vmem>>[vector<16xi32>, vector<16xi32>], vector<16xf32>,
      %mul3A_245 = arith.mulf %gather3A_240, %gather3A_244 : vector<16xf32>
      %add3A_246 = arith.addf %add3A_232, %mul3A_245 : vector<16xf32>
      %mul3A_247 = arith.mulf %gather3A_240, %gather3A_240 : vector<16xf32>
      %add3A_248 = arith.addf %add3A_234, %mul3A_247 : vector<16xf32>
      %mul3A_249 = arith.mulf %gather3A_244, %gather3A_244 : vector<16xf32>
      %add3A_250 = arith.addf %add3A_236, %mul3A_249 : vector<16xf32>
      %add3A_251 = arith.constant 64 : i32
      %add3A_252 = vector.broadcast %add3A_251 : i32 to vector<16xi32>
      %add3A_253 = arith.addi %gather3A, %add3A_252 : vector<16xi32>
      %gather3A_254 = tpu.vector_load_idx %arg10[%add3A_123, %add3A_253] : memref<128x128xf32, #tpu.memory_space<vmem>>[vector<16xi32>, vector<16xi32>], vector<16xf32>,
      %add3A_255 = arith.constant 64 : i32
      %add3A_256 = vector.broadcast %add3A_255 : i32 to vector<16xi32>
      %add3A_257 = arith.addi %gather3A_132, %add3A_256 : vector<16xi32>
      %gather3A_258 = tpu.vector_load_idx %arg11[%add3A_123, %add3A_257] : memref<128x128xf32, #tpu.memory_space<vmem>>[vector<16xi32>, vector<16xi32>], vector<16xf32>,
      %mul3A_259 = arith.mulf %gather3A_254, %gather3A_258 : vector<16xf32>
      %add3A_260 = arith.addf %add3A_246, %mul3A_259 : vector<16xf32>
      %mul3A_261 = arith.mulf %gather3A_254, %gather3A_254 : vector<16xf32>
      %add3A_262 = arith.addf %add3A_248, %mul3A_261 : vector<16xf32>
      %mul3A_263 = arith.mulf %gather3A_258, %gather3A_258 : vector<16xf32>
      %add3A_264 = arith.addf %add3A_250, %mul3A_263 : vector<16xf32>
      %add3A_265 = arith.constant 72 : i32
      %add3A_266 = vector.broadcast %add3A_265 : i32 to vector<16xi32>
      %add3A_267 = arith.addi %gather3A, %add3A_266 : vector<16xi32>
      %gather3A_268 = tpu.vector_load_idx %arg10[%add3A_123, %add3A_267] : memref<128x128xf32, #tpu.memory_space<vmem>>[vector<16xi32>, vector<16xi32>], vector<16xf32>,
      %add3A_269 = arith.constant 72 : i32
      %add3A_270 = vector.broadcast %add3A_269 : i32 to vector<16xi32>
      %add3A_271 = arith.addi %gather3A_132, %add3A_270 : vector<16xi32>
      %gather3A_272 = tpu.vector_load_idx %arg11[%add3A_123, %add3A_271] : memref<128x128xf32, #tpu.memory_space<vmem>>[vector<16xi32>, vector<16xi32>], vector<16xf32>,
      %mul3A_273 = arith.mulf %gather3A_268, %gather3A_272 : vector<16xf32>
      %add3A_274 = arith.addf %add3A_260, %mul3A_273 : vector<16xf32>
      %mul3A_275 = arith.mulf %gather3A_268, %gather3A_268 : vector<16xf32>
      %add3A_276 = arith.addf %add3A_262, %mul3A_275 : vector<16xf32>
      %mul3A_277 = arith.mulf %gather3A_272, %gather3A_272 : vector<16xf32>
      %add3A_278 = arith.addf %add3A_264, %mul3A_277 : vector<16xf32>
      %add3A_279 = arith.constant 80 : i32
      %add3A_280 = vector.broadcast %add3A_279 : i32 to vector<16xi32>
      %add3A_281 = arith.addi %gather3A, %add3A_280 : vector<16xi32>
      %gather3A_282 = tpu.vector_load_idx %arg10[%add3A_123, %add3A_281] : memref<128x128xf32, #tpu.memory_space<vmem>>[vector<16xi32>, vector<16xi32>], vector<16xf32>,
      %add3A_283 = arith.constant 80 : i32
      %add3A_284 = vector.broadcast %add3A_283 : i32 to vector<16xi32>
      %add3A_285 = arith.addi %gather3A_132, %add3A_284 : vector<16xi32>
      %gather3A_286 = tpu.vector_load_idx %arg11[%add3A_123, %add3A_285] : memref<128x128xf32, #tpu.memory_space<vmem>>[vector<16xi32>, vector<16xi32>], vector<16xf32>,
      %mul3A_287 = arith.mulf %gather3A_282, %gather3A_286 : vector<16xf32>
      %add3A_288 = arith.addf %add3A_274, %mul3A_287 : vector<16xf32>
      %mul3A_289 = arith.mulf %gather3A_282, %gather3A_282 : vector<16xf32>
      %add3A_290 = arith.addf %add3A_276, %mul3A_289 : vector<16xf32>
      %mul3A_291 = arith.mulf %gather3A_286, %gather3A_286 : vector<16xf32>
      %add3A_292 = arith.addf %add3A_278, %mul3A_291 : vector<16xf32>
      %add3A_293 = arith.constant 88 : i32
      %add3A_294 = vector.broadcast %add3A_293 : i32 to vector<16xi32>
      %add3A_295 = arith.addi %gather3A, %add3A_294 : vector<16xi32>
      %gather3A_296 = tpu.vector_load_idx %arg10[%add3A_123, %add3A_295] : memref<128x128xf32, #tpu.memory_space<vmem>>[vector<16xi32>, vector<16xi32>], vector<16xf32>,
      %add3A_297 = arith.constant 88 : i32
      %add3A_298 = vector.broadcast %add3A_297 : i32 to vector<16xi32>
      %add3A_299 = arith.addi %gather3A_132, %add3A_298 : vector<16xi32>
      %gather3A_300 = tpu.vector_load_idx %arg11[%add3A_123, %add3A_299] : memref<128x128xf32, #tpu.memory_space<vmem>>[vector<16xi32>, vector<16xi32>], vector<16xf32>,
      %mul3A_301 = arith.mulf %gather3A_296, %gather3A_300 : vector<16xf32>
      %add3A_302 = arith.addf %add3A_288, %mul3A_301 : vector<16xf32>
      %mul3A_303 = arith.mulf %gather3A_296, %gather3A_296 : vector<16xf32>
      %add3A_304 = arith.addf %add3A_290, %mul3A_303 : vector<16xf32>
      %mul3A_305 = arith.mulf %gather3A_300, %gather3A_300 : vector<16xf32>
      %add3A_306 = arith.addf %add3A_292, %mul3A_305 : vector<16xf32>
      %add3A_307 = arith.constant 96 : i32
      %add3A_308 = vector.broadcast %add3A_307 : i32 to vector<16xi32>
      %add3A_309 = arith.addi %gather3A, %add3A_308 : vector<16xi32>
      %gather3A_310 = tpu.vector_load_idx %arg10[%add3A_123, %add3A_309] : memref<128x128xf32, #tpu.memory_space<vmem>>[vector<16xi32>, vector<16xi32>], vector<16xf32>,
      %add3A_311 = arith.constant 96 : i32
      %add3A_312 = vector.broadcast %add3A_311 : i32 to vector<16xi32>
      %add3A_313 = arith.addi %gather3A_132, %add3A_312 : vector<16xi32>
      %gather3A_314 = tpu.vector_load_idx %arg11[%add3A_123, %add3A_313] : memref<128x128xf32, #tpu.memory_space<vmem>>[vector<16xi32>, vector<16xi32>], vector<16xf32>,
      %mul3A_315 = arith.mulf %gather3A_310, %gather3A_314 : vector<16xf32>
      %add3A_316 = arith.addf %add3A_302, %mul3A_315 : vector<16xf32>
      %mul3A_317 = arith.mulf %gather3A_310, %gather3A_310 : vector<16xf32>
      %add3A_318 = arith.addf %add3A_304, %mul3A_317 : vector<16xf32>
      %mul3A_319 = arith.mulf %gather3A_314, %gather3A_314 : vector<16xf32>
      %add3A_320 = arith.addf %add3A_306, %mul3A_319 : vector<16xf32>
      %add3A_321 = arith.constant 104 : i32
      %add3A_322 = vector.broadcast %add3A_321 : i32 to vector<16xi32>
      %add3A_323 = arith.addi %gather3A, %add3A_322 : vector<16xi32>
      %gather3A_324 = tpu.vector_load_idx %arg10[%add3A_123, %add3A_323] : memref<128x128xf32, #tpu.memory_space<vmem>>[vector<16xi32>, vector<16xi32>], vector<16xf32>,
      %add3A_325 = arith.constant 104 : i32
      %add3A_326 = vector.broadcast %add3A_325 : i32 to vector<16xi32>
      %add3A_327 = arith.addi %gather3A_132, %add3A_326 : vector<16xi32>
      %gather3A_328 = tpu.vector_load_idx %arg11[%add3A_123, %add3A_327] : memref<128x128xf32, #tpu.memory_space<vmem>>[vector<16xi32>, vector<16xi32>], vector<16xf32>,
      %mul3A_329 = arith.mulf %gather3A_324, %gather3A_328 : vector<16xf32>
      %add3A_330 = arith.addf %add3A_316, %mul3A_329 : vector<16xf32>
      %mul3A_331 = arith.mulf %gather3A_324, %gather3A_324 : vector<16xf32>
      %add3A_332 = arith.addf %add3A_318, %mul3A_331 : vector<16xf32>
      %mul3A_333 = arith.mulf %gather3A_328, %gather3A_328 : vector<16xf32>
      %add3A_334 = arith.addf %add3A_320, %mul3A_333 : vector<16xf32>
      %add3A_335 = arith.constant 112 : i32
      %add3A_336 = vector.broadcast %add3A_335 : i32 to vector<16xi32>
      %add3A_337 = arith.addi %gather3A, %add3A_336 : vector<16xi32>
      %gather3A_338 = tpu.vector_load_idx %arg10[%add3A_123, %add3A_337] : memref<128x128xf32, #tpu.memory_space<vmem>>[vector<16xi32>, vector<16xi32>], vector<16xf32>,
      %add3A_339 = arith.constant 112 : i32
      %add3A_340 = vector.broadcast %add3A_339 : i32 to vector<16xi32>
      %add3A_341 = arith.addi %gather3A_132, %add3A_340 : vector<16xi32>
      %gather3A_342 = tpu.vector_load_idx %arg11[%add3A_123, %add3A_341] : memref<128x128xf32, #tpu.memory_space<vmem>>[vector<16xi32>, vector<16xi32>], vector<16xf32>,
      %mul3A_343 = arith.mulf %gather3A_338, %gather3A_342 : vector<16xf32>
      %add3A_344 = arith.addf %add3A_330, %mul3A_343 : vector<16xf32>
      %mul3A_345 = arith.mulf %gather3A_338, %gather3A_338 : vector<16xf32>
      %add3A_346 = arith.addf %add3A_332, %mul3A_345 : vector<16xf32>
      %mul3A_347 = arith.mulf %gather3A_342, %gather3A_342 : vector<16xf32>
      %add3A_348 = arith.addf %add3A_334, %mul3A_347 : vector<16xf32>
      %add3A_349 = arith.constant 120 : i32
      %add3A_350 = vector.broadcast %add3A_349 : i32 to vector<16xi32>
      %add3A_351 = arith.addi %gather3A, %add3A_350 : vector<16xi32>
      %gather3A_352 = tpu.vector_load_idx %arg10[%add3A_123, %add3A_351] : memref<128x128xf32, #tpu.memory_space<vmem>>[vector<16xi32>, vector<16xi32>], vector<16xf32>,
      %add3A_353 = arith.constant 120 : i32
      %add3A_354 = vector.broadcast %add3A_353 : i32 to vector<16xi32>
      %add3A_355 = arith.addi %gather3A_132, %add3A_354 : vector<16xi32>
      %gather3A_356 = tpu.vector_load_idx %arg11[%add3A_123, %add3A_355] : memref<128x128xf32, #tpu.memory_space<vmem>>[vector<16xi32>, vector<16xi32>], vector<16xf32>,
      %mul3A_357 = arith.mulf %gather3A_352, %gather3A_356 : vector<16xf32>
      %add3A_358 = arith.addf %add3A_344, %mul3A_357 : vector<16xf32>
      %mul3A_359 = arith.mulf %gather3A_352, %gather3A_352 : vector<16xf32>
      %add3A_360 = arith.addf %add3A_346, %mul3A_359 : vector<16xf32>
      %mul3A_361 = arith.mulf %gather3A_356, %gather3A_356 : vector<16xf32>
      %add3A_362 = arith.addf %add3A_348, %mul3A_361 : vector<16xf32>
      %mul3A_363 = arith.mulf %add3A_360, %add3A_362 : vector<16xf32>
      %max3A = arith.maximumf %mul3A_363, %broadcast_in_dim3A_11 : vector<16xf32>
      %bitcast_convert_type3A = tpu.bitcast %max3A : vector<16xf32> -> vector<16xi32>
      %shift_right_logical3A = arith.constant 1 : i32
      %shift_right_logical3A_364 = vector.broadcast %shift_right_logical3A : i32 to vector<16xi32>
      %shift_right_logical3A_365 = arith.shrui %bitcast_convert_type3A, %shift_right_logical3A_364 : vector<16xi32>
      %sub3A = arith.constant 1597463007 : i32
      %sub3A_366 = vector.broadcast %sub3A : i32 to vector<16xi32>
      %sub3A_367 = arith.subi %sub3A_366, %shift_right_logical3A_365 : vector<16xi32>
      %bitcast_convert_type3A_368 = tpu.bitcast %sub3A_367 : vector<16xi32> -> vector<16xf32>
      %mul3A_369 = arith.constant 5.000000e-01 : f32
      %mul3A_370 = vector.broadcast %mul3A_369 : f32 to vector<16xf32>
      %mul3A_371 = arith.mulf %mul3A_370, %max3A : vector<16xf32>
      %mul3A_372 = arith.mulf %mul3A_371, %bitcast_convert_type3A_368 : vector<16xf32>
      %mul3A_373 = arith.mulf %mul3A_372, %bitcast_convert_type3A_368 : vector<16xf32>
      %sub3A_374 = arith.constant 1.500000e+00 : f32
      %sub3A_375 = vector.broadcast %sub3A_374 : f32 to vector<16xf32>
      %sub3A_376 = arith.subf %sub3A_375, %mul3A_373 : vector<16xf32>
      %mul3A_377 = arith.mulf %bitcast_convert_type3A_368, %sub3A_376 : vector<16xf32>
      %mul3A_378 = arith.mulf %mul3A_371, %mul3A_377 : vector<16xf32>
      %mul3A_379 = arith.mulf %mul3A_378, %mul3A_377 : vector<16xf32>
      %sub3A_380 = arith.constant 1.500000e+00 : f32
      %sub3A_381 = vector.broadcast %sub3A_380 : f32 to vector<16xf32>
      %sub3A_382 = arith.subf %sub3A_381, %mul3A_379 : vector<16xf32>
      %mul3A_383 = arith.mulf %mul3A_377, %sub3A_382 : vector<16xf32>
      %mul3A_384 = arith.mulf %mul3A_371, %mul3A_383 : vector<16xf32>
      %mul3A_385 = arith.mulf %mul3A_384, %mul3A_383 : vector<16xf32>
      %sub3A_386 = arith.constant 1.500000e+00 : f32
      %sub3A_387 = vector.broadcast %sub3A_386 : f32 to vector<16xf32>
      %sub3A_388 = arith.subf %sub3A_387, %mul3A_385 : vector<16xf32>
      %mul3A_389 = arith.mulf %mul3A_383, %sub3A_388 : vector<16xf32>
      %mul3A_390 = arith.mulf %add3A_358, %mul3A_389 : vector<16xf32>
      %swap3A = arith.index_cast %add3A_127 : i32 to index
      %swap3A_391 = tpu.vector_load %arg12[%swap3A] {strides = array<i32>} : memref<512xf32, #tpu.memory_space<vmem>>, vector<16xf32>,
      tpu.vector_store %arg12[%swap3A], %mul3A_390 {strides = array<i32>} : memref<512xf32, #tpu.memory_space<vmem>>, vector<16xf32>,
      %scan3A_392 = arith.constant 0 : i32
      scf.yield %scan3A_392 : i32
    }
    %scan3A_36 = arith.constant 8 : i32
    %dma_start3A_37 = arith.constant 128 : i32
    %dma_start3A_38 = tpu.memref_slice %arg6[%dma_start3A_37] : memref<512xi32, #tpu.memory_space<vmem>> -> memref<128xi32, #tpu.memory_space<vmem>>
    %dma_start3A_39 = arith.constant 0 : i32
    %dma_start3A_40 = arith.constant 0 : i32
    %dma_start3A_41 = tpu.memref_slice %arg3[%dma_start3A_39, %dma_start3A_40] : memref<125000x128xf32, #tpu.memory_space<hbm>> -> memref<125000x128xf32, #tpu.memory_space<hbm>>
    tpu.enqueue_indirect_dma source(%dma_start3A_41 : memref<125000x128xf32, #tpu.memory_space<hbm>>) target(%arg10 : memref<128x128xf32, #tpu.memory_space<vmem>>) offsets(%dma_start3A_38 : memref<128xi32, #tpu.memory_space<vmem>>) semaphore(%arg13 : memref<!tpu.dma_semaphore, #tpu.memory_space<semaphore_mem>>)
    %dma_start3A_42 = arith.constant 128 : i32
    %dma_start3A_43 = tpu.memref_slice %arg7[%dma_start3A_42] : memref<512xi32, #tpu.memory_space<vmem>> -> memref<128xi32, #tpu.memory_space<vmem>>
    %dma_start3A_44 = arith.constant 0 : i32
    %dma_start3A_45 = arith.constant 0 : i32
    %dma_start3A_46 = tpu.memref_slice %arg3[%dma_start3A_44, %dma_start3A_45] : memref<125000x128xf32, #tpu.memory_space<hbm>> -> memref<125000x128xf32, #tpu.memory_space<hbm>>
    tpu.enqueue_indirect_dma source(%dma_start3A_46 : memref<125000x128xf32, #tpu.memory_space<hbm>>) target(%arg11 : memref<128x128xf32, #tpu.memory_space<vmem>>) offsets(%dma_start3A_43 : memref<128xi32, #tpu.memory_space<vmem>>) semaphore(%arg13 : memref<!tpu.dma_semaphore, #tpu.memory_space<semaphore_mem>>)
    %dma_wait3A_47 = arith.constant 128 : i32
    %dma_wait3A_48 = tpu.memref_slice %arg6[%dma_wait3A_47] : memref<512xi32, #tpu.memory_space<vmem>> -> memref<128xi32, #tpu.memory_space<vmem>>
    %dma_wait3A_49 = arith.constant 0 : i32
    %dma_wait3A_50 = arith.constant 0 : i32
    %dma_wait3A_51 = tpu.memref_slice %arg3[%dma_wait3A_49, %dma_wait3A_50] : memref<125000x128xf32, #tpu.memory_space<hbm>> -> memref<125000x128xf32, #tpu.memory_space<hbm>>
    tpu.wait_indirect_dma semaphore(%arg13 : memref<!tpu.dma_semaphore, #tpu.memory_space<semaphore_mem>>) src(%dma_wait3A_51 : memref<125000x128xf32, #tpu.memory_space<hbm>>) dst(%arg10 : memref<128x128xf32, #tpu.memory_space<vmem>>)
    %dma_wait3A_52 = arith.constant 128 : i32
    %dma_wait3A_53 = tpu.memref_slice %arg7[%dma_wait3A_52] : memref<512xi32, #tpu.memory_space<vmem>> -> memref<128xi32, #tpu.memory_space<vmem>>
    %dma_wait3A_54 = arith.constant 0 : i32
    %dma_wait3A_55 = arith.constant 0 : i32
    %dma_wait3A_56 = tpu.memref_slice %arg3[%dma_wait3A_54, %dma_wait3A_55] : memref<125000x128xf32, #tpu.memory_space<hbm>> -> memref<125000x128xf32, #tpu.memory_space<hbm>>
    tpu.wait_indirect_dma semaphore(%arg13 : memref<!tpu.dma_semaphore, #tpu.memory_space<semaphore_mem>>) src(%dma_wait3A_56 : memref<125000x128xf32, #tpu.memory_space<hbm>>) dst(%arg11 : memref<128x128xf32, #tpu.memory_space<vmem>>)
    %scan3A_57 = arith.constant 0 : i32
    %scan3A_58 = arith.constant 0 : i32
    %scan3A_59 = arith.constant 8 : i32
    %scan3A_60 = arith.addi %scan3A_58, %scan3A_59 : i32
    %scan3A_61 = arith.constant 1 : i32
    %scan3A_62 = scf.for %scan3A_118 = %scan3A_58 to %scan3A_60 step %scan3A_61 iter_args(%scan3A_119 = %scan3A_57) -> (i32)  : i32 {
      %mul3A_120 = arith.constant 16 : i32
      %mul3A_121 = arith.muli %scan3A_118, %mul3A_120 : i32
      %add3A_122 = vector.broadcast %mul3A_121 : i32 to vector<16xi32>
      %add3A_123 = arith.addi %add3A_122, %iota3A : vector<16xi32>
      %mul3A_124 = arith.constant 16 : i32
      %mul3A_125 = arith.muli %scan3A_118, %mul3A_124 : i32
      %add3A_126 = arith.constant 128 : i32
      %add3A_127 = arith.addi %add3A_126, %mul3A_125 : i32
      %add3A_128 = vector.broadcast %add3A_127 : i32 to vector<16xi32>
      %add3A_129 = arith.addi %add3A_128, %iota3A : vector<16xi32>
      %gather3A = tpu.vector_load_idx %arg8[%add3A_129] : memref<512xi32, #tpu.memory_space<vmem>>[vector<16xi32>], vector<16xi32>,
      %add3A_130 = vector.broadcast %add3A_127 : i32 to vector<16xi32>
      %add3A_131 = arith.addi %add3A_130, %iota3A : vector<16xi32>
      %gather3A_132 = tpu.vector_load_idx %arg9[%add3A_131] : memref<512xi32, #tpu.memory_space<vmem>>[vector<16xi32>], vector<16xi32>,
      %broadcast_in_dim3A_133 = arith.constant 0.000000e+00 : f32
      %broadcast_in_dim3A_134 = vector.broadcast %broadcast_in_dim3A_133 : f32 to vector<16xf32>
      %broadcast_in_dim3A_135 = arith.constant 0.000000e+00 : f32
      %broadcast_in_dim3A_136 = vector.broadcast %broadcast_in_dim3A_135 : f32 to vector<16xf32>
      %broadcast_in_dim3A_137 = arith.constant 0.000000e+00 : f32
      %broadcast_in_dim3A_138 = vector.broadcast %broadcast_in_dim3A_137 : f32 to vector<16xf32>
      %add3A_139 = arith.constant 0 : i32
      %add3A_140 = vector.broadcast %add3A_139 : i32 to vector<16xi32>
      %add3A_141 = arith.addi %gather3A, %add3A_140 : vector<16xi32>
      %gather3A_142 = tpu.vector_load_idx %arg10[%add3A_123, %add3A_141] : memref<128x128xf32, #tpu.memory_space<vmem>>[vector<16xi32>, vector<16xi32>], vector<16xf32>,
      %add3A_143 = arith.constant 0 : i32
      %add3A_144 = vector.broadcast %add3A_143 : i32 to vector<16xi32>
      %add3A_145 = arith.addi %gather3A_132, %add3A_144 : vector<16xi32>
      %gather3A_146 = tpu.vector_load_idx %arg11[%add3A_123, %add3A_145] : memref<128x128xf32, #tpu.memory_space<vmem>>[vector<16xi32>, vector<16xi32>], vector<16xf32>,
      %mul3A_147 = arith.mulf %gather3A_142, %gather3A_146 : vector<16xf32>
      %add3A_148 = arith.addf %broadcast_in_dim3A_134, %mul3A_147 : vector<16xf32>
      %mul3A_149 = arith.mulf %gather3A_142, %gather3A_142 : vector<16xf32>
      %add3A_150 = arith.addf %broadcast_in_dim3A_136, %mul3A_149 : vector<16xf32>
      %mul3A_151 = arith.mulf %gather3A_146, %gather3A_146 : vector<16xf32>
      %add3A_152 = arith.addf %broadcast_in_dim3A_138, %mul3A_151 : vector<16xf32>
      %add3A_153 = arith.constant 8 : i32
      %add3A_154 = vector.broadcast %add3A_153 : i32 to vector<16xi32>
      %add3A_155 = arith.addi %gather3A, %add3A_154 : vector<16xi32>
      %gather3A_156 = tpu.vector_load_idx %arg10[%add3A_123, %add3A_155] : memref<128x128xf32, #tpu.memory_space<vmem>>[vector<16xi32>, vector<16xi32>], vector<16xf32>,
      %add3A_157 = arith.constant 8 : i32
      %add3A_158 = vector.broadcast %add3A_157 : i32 to vector<16xi32>
      %add3A_159 = arith.addi %gather3A_132, %add3A_158 : vector<16xi32>
      %gather3A_160 = tpu.vector_load_idx %arg11[%add3A_123, %add3A_159] : memref<128x128xf32, #tpu.memory_space<vmem>>[vector<16xi32>, vector<16xi32>], vector<16xf32>,
      %mul3A_161 = arith.mulf %gather3A_156, %gather3A_160 : vector<16xf32>
      %add3A_162 = arith.addf %add3A_148, %mul3A_161 : vector<16xf32>
      %mul3A_163 = arith.mulf %gather3A_156, %gather3A_156 : vector<16xf32>
      %add3A_164 = arith.addf %add3A_150, %mul3A_163 : vector<16xf32>
      %mul3A_165 = arith.mulf %gather3A_160, %gather3A_160 : vector<16xf32>
      %add3A_166 = arith.addf %add3A_152, %mul3A_165 : vector<16xf32>
      %add3A_167 = arith.constant 16 : i32
      %add3A_168 = vector.broadcast %add3A_167 : i32 to vector<16xi32>
      %add3A_169 = arith.addi %gather3A, %add3A_168 : vector<16xi32>
      %gather3A_170 = tpu.vector_load_idx %arg10[%add3A_123, %add3A_169] : memref<128x128xf32, #tpu.memory_space<vmem>>[vector<16xi32>, vector<16xi32>], vector<16xf32>,
      %add3A_171 = arith.constant 16 : i32
      %add3A_172 = vector.broadcast %add3A_171 : i32 to vector<16xi32>
      %add3A_173 = arith.addi %gather3A_132, %add3A_172 : vector<16xi32>
      %gather3A_174 = tpu.vector_load_idx %arg11[%add3A_123, %add3A_173] : memref<128x128xf32, #tpu.memory_space<vmem>>[vector<16xi32>, vector<16xi32>], vector<16xf32>,
      %mul3A_175 = arith.mulf %gather3A_170, %gather3A_174 : vector<16xf32>
      %add3A_176 = arith.addf %add3A_162, %mul3A_175 : vector<16xf32>
      %mul3A_177 = arith.mulf %gather3A_170, %gather3A_170 : vector<16xf32>
      %add3A_178 = arith.addf %add3A_164, %mul3A_177 : vector<16xf32>
      %mul3A_179 = arith.mulf %gather3A_174, %gather3A_174 : vector<16xf32>
      %add3A_180 = arith.addf %add3A_166, %mul3A_179 : vector<16xf32>
      %add3A_181 = arith.constant 24 : i32
      %add3A_182 = vector.broadcast %add3A_181 : i32 to vector<16xi32>
      %add3A_183 = arith.addi %gather3A, %add3A_182 : vector<16xi32>
      %gather3A_184 = tpu.vector_load_idx %arg10[%add3A_123, %add3A_183] : memref<128x128xf32, #tpu.memory_space<vmem>>[vector<16xi32>, vector<16xi32>], vector<16xf32>,
      %add3A_185 = arith.constant 24 : i32
      %add3A_186 = vector.broadcast %add3A_185 : i32 to vector<16xi32>
      %add3A_187 = arith.addi %gather3A_132, %add3A_186 : vector<16xi32>
      %gather3A_188 = tpu.vector_load_idx %arg11[%add3A_123, %add3A_187] : memref<128x128xf32, #tpu.memory_space<vmem>>[vector<16xi32>, vector<16xi32>], vector<16xf32>,
      %mul3A_189 = arith.mulf %gather3A_184, %gather3A_188 : vector<16xf32>
      %add3A_190 = arith.addf %add3A_176, %mul3A_189 : vector<16xf32>
      %mul3A_191 = arith.mulf %gather3A_184, %gather3A_184 : vector<16xf32>
      %add3A_192 = arith.addf %add3A_178, %mul3A_191 : vector<16xf32>
      %mul3A_193 = arith.mulf %gather3A_188, %gather3A_188 : vector<16xf32>
      %add3A_194 = arith.addf %add3A_180, %mul3A_193 : vector<16xf32>
      %add3A_195 = arith.constant 32 : i32
      %add3A_196 = vector.broadcast %add3A_195 : i32 to vector<16xi32>
      %add3A_197 = arith.addi %gather3A, %add3A_196 : vector<16xi32>
      %gather3A_198 = tpu.vector_load_idx %arg10[%add3A_123, %add3A_197] : memref<128x128xf32, #tpu.memory_space<vmem>>[vector<16xi32>, vector<16xi32>], vector<16xf32>,
      %add3A_199 = arith.constant 32 : i32
      %add3A_200 = vector.broadcast %add3A_199 : i32 to vector<16xi32>
      %add3A_201 = arith.addi %gather3A_132, %add3A_200 : vector<16xi32>
      %gather3A_202 = tpu.vector_load_idx %arg11[%add3A_123, %add3A_201] : memref<128x128xf32, #tpu.memory_space<vmem>>[vector<16xi32>, vector<16xi32>], vector<16xf32>,
      %mul3A_203 = arith.mulf %gather3A_198, %gather3A_202 : vector<16xf32>
      %add3A_204 = arith.addf %add3A_190, %mul3A_203 : vector<16xf32>
      %mul3A_205 = arith.mulf %gather3A_198, %gather3A_198 : vector<16xf32>
      %add3A_206 = arith.addf %add3A_192, %mul3A_205 : vector<16xf32>
      %mul3A_207 = arith.mulf %gather3A_202, %gather3A_202 : vector<16xf32>
      %add3A_208 = arith.addf %add3A_194, %mul3A_207 : vector<16xf32>
      %add3A_209 = arith.constant 40 : i32
      %add3A_210 = vector.broadcast %add3A_209 : i32 to vector<16xi32>
      %add3A_211 = arith.addi %gather3A, %add3A_210 : vector<16xi32>
      %gather3A_212 = tpu.vector_load_idx %arg10[%add3A_123, %add3A_211] : memref<128x128xf32, #tpu.memory_space<vmem>>[vector<16xi32>, vector<16xi32>], vector<16xf32>,
      %add3A_213 = arith.constant 40 : i32
      %add3A_214 = vector.broadcast %add3A_213 : i32 to vector<16xi32>
      %add3A_215 = arith.addi %gather3A_132, %add3A_214 : vector<16xi32>
      %gather3A_216 = tpu.vector_load_idx %arg11[%add3A_123, %add3A_215] : memref<128x128xf32, #tpu.memory_space<vmem>>[vector<16xi32>, vector<16xi32>], vector<16xf32>,
      %mul3A_217 = arith.mulf %gather3A_212, %gather3A_216 : vector<16xf32>
      %add3A_218 = arith.addf %add3A_204, %mul3A_217 : vector<16xf32>
      %mul3A_219 = arith.mulf %gather3A_212, %gather3A_212 : vector<16xf32>
      %add3A_220 = arith.addf %add3A_206, %mul3A_219 : vector<16xf32>
      %mul3A_221 = arith.mulf %gather3A_216, %gather3A_216 : vector<16xf32>
      %add3A_222 = arith.addf %add3A_208, %mul3A_221 : vector<16xf32>
      %add3A_223 = arith.constant 48 : i32
      %add3A_224 = vector.broadcast %add3A_223 : i32 to vector<16xi32>
      %add3A_225 = arith.addi %gather3A, %add3A_224 : vector<16xi32>
      %gather3A_226 = tpu.vector_load_idx %arg10[%add3A_123, %add3A_225] : memref<128x128xf32, #tpu.memory_space<vmem>>[vector<16xi32>, vector<16xi32>], vector<16xf32>,
      %add3A_227 = arith.constant 48 : i32
      %add3A_228 = vector.broadcast %add3A_227 : i32 to vector<16xi32>
      %add3A_229 = arith.addi %gather3A_132, %add3A_228 : vector<16xi32>
      %gather3A_230 = tpu.vector_load_idx %arg11[%add3A_123, %add3A_229] : memref<128x128xf32, #tpu.memory_space<vmem>>[vector<16xi32>, vector<16xi32>], vector<16xf32>,
      %mul3A_231 = arith.mulf %gather3A_226, %gather3A_230 : vector<16xf32>
      %add3A_232 = arith.addf %add3A_218, %mul3A_231 : vector<16xf32>
      %mul3A_233 = arith.mulf %gather3A_226, %gather3A_226 : vector<16xf32>
      %add3A_234 = arith.addf %add3A_220, %mul3A_233 : vector<16xf32>
      %mul3A_235 = arith.mulf %gather3A_230, %gather3A_230 : vector<16xf32>
      %add3A_236 = arith.addf %add3A_222, %mul3A_235 : vector<16xf32>
      %add3A_237 = arith.constant 56 : i32
      %add3A_238 = vector.broadcast %add3A_237 : i32 to vector<16xi32>
      %add3A_239 = arith.addi %gather3A, %add3A_238 : vector<16xi32>
      %gather3A_240 = tpu.vector_load_idx %arg10[%add3A_123, %add3A_239] : memref<128x128xf32, #tpu.memory_space<vmem>>[vector<16xi32>, vector<16xi32>], vector<16xf32>,
      %add3A_241 = arith.constant 56 : i32
      %add3A_242 = vector.broadcast %add3A_241 : i32 to vector<16xi32>
      %add3A_243 = arith.addi %gather3A_132, %add3A_242 : vector<16xi32>
      %gather3A_244 = tpu.vector_load_idx %arg11[%add3A_123, %add3A_243] : memref<128x128xf32, #tpu.memory_space<vmem>>[vector<16xi32>, vector<16xi32>], vector<16xf32>,
      %mul3A_245 = arith.mulf %gather3A_240, %gather3A_244 : vector<16xf32>
      %add3A_246 = arith.addf %add3A_232, %mul3A_245 : vector<16xf32>
      %mul3A_247 = arith.mulf %gather3A_240, %gather3A_240 : vector<16xf32>
      %add3A_248 = arith.addf %add3A_234, %mul3A_247 : vector<16xf32>
      %mul3A_249 = arith.mulf %gather3A_244, %gather3A_244 : vector<16xf32>
      %add3A_250 = arith.addf %add3A_236, %mul3A_249 : vector<16xf32>
      %add3A_251 = arith.constant 64 : i32
      %add3A_252 = vector.broadcast %add3A_251 : i32 to vector<16xi32>
      %add3A_253 = arith.addi %gather3A, %add3A_252 : vector<16xi32>
      %gather3A_254 = tpu.vector_load_idx %arg10[%add3A_123, %add3A_253] : memref<128x128xf32, #tpu.memory_space<vmem>>[vector<16xi32>, vector<16xi32>], vector<16xf32>,
      %add3A_255 = arith.constant 64 : i32
      %add3A_256 = vector.broadcast %add3A_255 : i32 to vector<16xi32>
      %add3A_257 = arith.addi %gather3A_132, %add3A_256 : vector<16xi32>
      %gather3A_258 = tpu.vector_load_idx %arg11[%add3A_123, %add3A_257] : memref<128x128xf32, #tpu.memory_space<vmem>>[vector<16xi32>, vector<16xi32>], vector<16xf32>,
      %mul3A_259 = arith.mulf %gather3A_254, %gather3A_258 : vector<16xf32>
      %add3A_260 = arith.addf %add3A_246, %mul3A_259 : vector<16xf32>
      %mul3A_261 = arith.mulf %gather3A_254, %gather3A_254 : vector<16xf32>
      %add3A_262 = arith.addf %add3A_248, %mul3A_261 : vector<16xf32>
      %mul3A_263 = arith.mulf %gather3A_258, %gather3A_258 : vector<16xf32>
      %add3A_264 = arith.addf %add3A_250, %mul3A_263 : vector<16xf32>
      %add3A_265 = arith.constant 72 : i32
      %add3A_266 = vector.broadcast %add3A_265 : i32 to vector<16xi32>
      %add3A_267 = arith.addi %gather3A, %add3A_266 : vector<16xi32>
      %gather3A_268 = tpu.vector_load_idx %arg10[%add3A_123, %add3A_267] : memref<128x128xf32, #tpu.memory_space<vmem>>[vector<16xi32>, vector<16xi32>], vector<16xf32>,
      %add3A_269 = arith.constant 72 : i32
      %add3A_270 = vector.broadcast %add3A_269 : i32 to vector<16xi32>
      %add3A_271 = arith.addi %gather3A_132, %add3A_270 : vector<16xi32>
      %gather3A_272 = tpu.vector_load_idx %arg11[%add3A_123, %add3A_271] : memref<128x128xf32, #tpu.memory_space<vmem>>[vector<16xi32>, vector<16xi32>], vector<16xf32>,
      %mul3A_273 = arith.mulf %gather3A_268, %gather3A_272 : vector<16xf32>
      %add3A_274 = arith.addf %add3A_260, %mul3A_273 : vector<16xf32>
      %mul3A_275 = arith.mulf %gather3A_268, %gather3A_268 : vector<16xf32>
      %add3A_276 = arith.addf %add3A_262, %mul3A_275 : vector<16xf32>
      %mul3A_277 = arith.mulf %gather3A_272, %gather3A_272 : vector<16xf32>
      %add3A_278 = arith.addf %add3A_264, %mul3A_277 : vector<16xf32>
      %add3A_279 = arith.constant 80 : i32
      %add3A_280 = vector.broadcast %add3A_279 : i32 to vector<16xi32>
      %add3A_281 = arith.addi %gather3A, %add3A_280 : vector<16xi32>
      %gather3A_282 = tpu.vector_load_idx %arg10[%add3A_123, %add3A_281] : memref<128x128xf32, #tpu.memory_space<vmem>>[vector<16xi32>, vector<16xi32>], vector<16xf32>,
      %add3A_283 = arith.constant 80 : i32
      %add3A_284 = vector.broadcast %add3A_283 : i32 to vector<16xi32>
      %add3A_285 = arith.addi %gather3A_132, %add3A_284 : vector<16xi32>
      %gather3A_286 = tpu.vector_load_idx %arg11[%add3A_123, %add3A_285] : memref<128x128xf32, #tpu.memory_space<vmem>>[vector<16xi32>, vector<16xi32>], vector<16xf32>,
      %mul3A_287 = arith.mulf %gather3A_282, %gather3A_286 : vector<16xf32>
      %add3A_288 = arith.addf %add3A_274, %mul3A_287 : vector<16xf32>
      %mul3A_289 = arith.mulf %gather3A_282, %gather3A_282 : vector<16xf32>
      %add3A_290 = arith.addf %add3A_276, %mul3A_289 : vector<16xf32>
      %mul3A_291 = arith.mulf %gather3A_286, %gather3A_286 : vector<16xf32>
      %add3A_292 = arith.addf %add3A_278, %mul3A_291 : vector<16xf32>
      %add3A_293 = arith.constant 88 : i32
      %add3A_294 = vector.broadcast %add3A_293 : i32 to vector<16xi32>
      %add3A_295 = arith.addi %gather3A, %add3A_294 : vector<16xi32>
      %gather3A_296 = tpu.vector_load_idx %arg10[%add3A_123, %add3A_295] : memref<128x128xf32, #tpu.memory_space<vmem>>[vector<16xi32>, vector<16xi32>], vector<16xf32>,
      %add3A_297 = arith.constant 88 : i32
      %add3A_298 = vector.broadcast %add3A_297 : i32 to vector<16xi32>
      %add3A_299 = arith.addi %gather3A_132, %add3A_298 : vector<16xi32>
      %gather3A_300 = tpu.vector_load_idx %arg11[%add3A_123, %add3A_299] : memref<128x128xf32, #tpu.memory_space<vmem>>[vector<16xi32>, vector<16xi32>], vector<16xf32>,
      %mul3A_301 = arith.mulf %gather3A_296, %gather3A_300 : vector<16xf32>
      %add3A_302 = arith.addf %add3A_288, %mul3A_301 : vector<16xf32>
      %mul3A_303 = arith.mulf %gather3A_296, %gather3A_296 : vector<16xf32>
      %add3A_304 = arith.addf %add3A_290, %mul3A_303 : vector<16xf32>
      %mul3A_305 = arith.mulf %gather3A_300, %gather3A_300 : vector<16xf32>
      %add3A_306 = arith.addf %add3A_292, %mul3A_305 : vector<16xf32>
      %add3A_307 = arith.constant 96 : i32
      %add3A_308 = vector.broadcast %add3A_307 : i32 to vector<16xi32>
      %add3A_309 = arith.addi %gather3A, %add3A_308 : vector<16xi32>
      %gather3A_310 = tpu.vector_load_idx %arg10[%add3A_123, %add3A_309] : memref<128x128xf32, #tpu.memory_space<vmem>>[vector<16xi32>, vector<16xi32>], vector<16xf32>,
      %add3A_311 = arith.constant 96 : i32
      %add3A_312 = vector.broadcast %add3A_311 : i32 to vector<16xi32>
      %add3A_313 = arith.addi %gather3A_132, %add3A_312 : vector<16xi32>
      %gather3A_314 = tpu.vector_load_idx %arg11[%add3A_123, %add3A_313] : memref<128x128xf32, #tpu.memory_space<vmem>>[vector<16xi32>, vector<16xi32>], vector<16xf32>,
      %mul3A_315 = arith.mulf %gather3A_310, %gather3A_314 : vector<16xf32>
      %add3A_316 = arith.addf %add3A_302, %mul3A_315 : vector<16xf32>
      %mul3A_317 = arith.mulf %gather3A_310, %gather3A_310 : vector<16xf32>
      %add3A_318 = arith.addf %add3A_304, %mul3A_317 : vector<16xf32>
      %mul3A_319 = arith.mulf %gather3A_314, %gather3A_314 : vector<16xf32>
      %add3A_320 = arith.addf %add3A_306, %mul3A_319 : vector<16xf32>
      %add3A_321 = arith.constant 104 : i32
      %add3A_322 = vector.broadcast %add3A_321 : i32 to vector<16xi32>
      %add3A_323 = arith.addi %gather3A, %add3A_322 : vector<16xi32>
      %gather3A_324 = tpu.vector_load_idx %arg10[%add3A_123, %add3A_323] : memref<128x128xf32, #tpu.memory_space<vmem>>[vector<16xi32>, vector<16xi32>], vector<16xf32>,
      %add3A_325 = arith.constant 104 : i32
      %add3A_326 = vector.broadcast %add3A_325 : i32 to vector<16xi32>
      %add3A_327 = arith.addi %gather3A_132, %add3A_326 : vector<16xi32>
      %gather3A_328 = tpu.vector_load_idx %arg11[%add3A_123, %add3A_327] : memref<128x128xf32, #tpu.memory_space<vmem>>[vector<16xi32>, vector<16xi32>], vector<16xf32>,
      %mul3A_329 = arith.mulf %gather3A_324, %gather3A_328 : vector<16xf32>
      %add3A_330 = arith.addf %add3A_316, %mul3A_329 : vector<16xf32>
      %mul3A_331 = arith.mulf %gather3A_324, %gather3A_324 : vector<16xf32>
      %add3A_332 = arith.addf %add3A_318, %mul3A_331 : vector<16xf32>
      %mul3A_333 = arith.mulf %gather3A_328, %gather3A_328 : vector<16xf32>
      %add3A_334 = arith.addf %add3A_320, %mul3A_333 : vector<16xf32>
      %add3A_335 = arith.constant 112 : i32
      %add3A_336 = vector.broadcast %add3A_335 : i32 to vector<16xi32>
      %add3A_337 = arith.addi %gather3A, %add3A_336 : vector<16xi32>
      %gather3A_338 = tpu.vector_load_idx %arg10[%add3A_123, %add3A_337] : memref<128x128xf32, #tpu.memory_space<vmem>>[vector<16xi32>, vector<16xi32>], vector<16xf32>,
      %add3A_339 = arith.constant 112 : i32
      %add3A_340 = vector.broadcast %add3A_339 : i32 to vector<16xi32>
      %add3A_341 = arith.addi %gather3A_132, %add3A_340 : vector<16xi32>
      %gather3A_342 = tpu.vector_load_idx %arg11[%add3A_123, %add3A_341] : memref<128x128xf32, #tpu.memory_space<vmem>>[vector<16xi32>, vector<16xi32>], vector<16xf32>,
      %mul3A_343 = arith.mulf %gather3A_338, %gather3A_342 : vector<16xf32>
      %add3A_344 = arith.addf %add3A_330, %mul3A_343 : vector<16xf32>
      %mul3A_345 = arith.mulf %gather3A_338, %gather3A_338 : vector<16xf32>
      %add3A_346 = arith.addf %add3A_332, %mul3A_345 : vector<16xf32>
      %mul3A_347 = arith.mulf %gather3A_342, %gather3A_342 : vector<16xf32>
      %add3A_348 = arith.addf %add3A_334, %mul3A_347 : vector<16xf32>
      %add3A_349 = arith.constant 120 : i32
      %add3A_350 = vector.broadcast %add3A_349 : i32 to vector<16xi32>
      %add3A_351 = arith.addi %gather3A, %add3A_350 : vector<16xi32>
      %gather3A_352 = tpu.vector_load_idx %arg10[%add3A_123, %add3A_351] : memref<128x128xf32, #tpu.memory_space<vmem>>[vector<16xi32>, vector<16xi32>], vector<16xf32>,
      %add3A_353 = arith.constant 120 : i32
      %add3A_354 = vector.broadcast %add3A_353 : i32 to vector<16xi32>
      %add3A_355 = arith.addi %gather3A_132, %add3A_354 : vector<16xi32>
      %gather3A_356 = tpu.vector_load_idx %arg11[%add3A_123, %add3A_355] : memref<128x128xf32, #tpu.memory_space<vmem>>[vector<16xi32>, vector<16xi32>], vector<16xf32>,
      %mul3A_357 = arith.mulf %gather3A_352, %gather3A_356 : vector<16xf32>
      %add3A_358 = arith.addf %add3A_344, %mul3A_357 : vector<16xf32>
      %mul3A_359 = arith.mulf %gather3A_352, %gather3A_352 : vector<16xf32>
      %add3A_360 = arith.addf %add3A_346, %mul3A_359 : vector<16xf32>
      %mul3A_361 = arith.mulf %gather3A_356, %gather3A_356 : vector<16xf32>
      %add3A_362 = arith.addf %add3A_348, %mul3A_361 : vector<16xf32>
      %mul3A_363 = arith.mulf %add3A_360, %add3A_362 : vector<16xf32>
      %max3A = arith.maximumf %mul3A_363, %broadcast_in_dim3A_11 : vector<16xf32>
      %bitcast_convert_type3A = tpu.bitcast %max3A : vector<16xf32> -> vector<16xi32>
      %shift_right_logical3A = arith.constant 1 : i32
      %shift_right_logical3A_364 = vector.broadcast %shift_right_logical3A : i32 to vector<16xi32>
      %shift_right_logical3A_365 = arith.shrui %bitcast_convert_type3A, %shift_right_logical3A_364 : vector<16xi32>
      %sub3A = arith.constant 1597463007 : i32
      %sub3A_366 = vector.broadcast %sub3A : i32 to vector<16xi32>
      %sub3A_367 = arith.subi %sub3A_366, %shift_right_logical3A_365 : vector<16xi32>
      %bitcast_convert_type3A_368 = tpu.bitcast %sub3A_367 : vector<16xi32> -> vector<16xf32>
      %mul3A_369 = arith.constant 5.000000e-01 : f32
      %mul3A_370 = vector.broadcast %mul3A_369 : f32 to vector<16xf32>
      %mul3A_371 = arith.mulf %mul3A_370, %max3A : vector<16xf32>
      %mul3A_372 = arith.mulf %mul3A_371, %bitcast_convert_type3A_368 : vector<16xf32>
      %mul3A_373 = arith.mulf %mul3A_372, %bitcast_convert_type3A_368 : vector<16xf32>
      %sub3A_374 = arith.constant 1.500000e+00 : f32
      %sub3A_375 = vector.broadcast %sub3A_374 : f32 to vector<16xf32>
      %sub3A_376 = arith.subf %sub3A_375, %mul3A_373 : vector<16xf32>
      %mul3A_377 = arith.mulf %bitcast_convert_type3A_368, %sub3A_376 : vector<16xf32>
      %mul3A_378 = arith.mulf %mul3A_371, %mul3A_377 : vector<16xf32>
      %mul3A_379 = arith.mulf %mul3A_378, %mul3A_377 : vector<16xf32>
      %sub3A_380 = arith.constant 1.500000e+00 : f32
      %sub3A_381 = vector.broadcast %sub3A_380 : f32 to vector<16xf32>
      %sub3A_382 = arith.subf %sub3A_381, %mul3A_379 : vector<16xf32>
      %mul3A_383 = arith.mulf %mul3A_377, %sub3A_382 : vector<16xf32>
      %mul3A_384 = arith.mulf %mul3A_371, %mul3A_383 : vector<16xf32>
      %mul3A_385 = arith.mulf %mul3A_384, %mul3A_383 : vector<16xf32>
      %sub3A_386 = arith.constant 1.500000e+00 : f32
      %sub3A_387 = vector.broadcast %sub3A_386 : f32 to vector<16xf32>
      %sub3A_388 = arith.subf %sub3A_387, %mul3A_385 : vector<16xf32>
      %mul3A_389 = arith.mulf %mul3A_383, %sub3A_388 : vector<16xf32>
      %mul3A_390 = arith.mulf %add3A_358, %mul3A_389 : vector<16xf32>
      %swap3A = arith.index_cast %add3A_127 : i32 to index
      %swap3A_391 = tpu.vector_load %arg12[%swap3A] {strides = array<i32>} : memref<512xf32, #tpu.memory_space<vmem>>, vector<16xf32>,
      tpu.vector_store %arg12[%swap3A], %mul3A_390 {strides = array<i32>} : memref<512xf32, #tpu.memory_space<vmem>>, vector<16xf32>,
      %scan3A_392 = arith.constant 0 : i32
      scf.yield %scan3A_392 : i32
    }
    %scan3A_63 = arith.constant 8 : i32
    %dma_start3A_64 = arith.constant 256 : i32
    %dma_start3A_65 = tpu.memref_slice %arg6[%dma_start3A_64] : memref<512xi32, #tpu.memory_space<vmem>> -> memref<128xi32, #tpu.memory_space<vmem>>
    %dma_start3A_66 = arith.constant 0 : i32
    %dma_start3A_67 = arith.constant 0 : i32
    %dma_start3A_68 = tpu.memref_slice %arg3[%dma_start3A_66, %dma_start3A_67] : memref<125000x128xf32, #tpu.memory_space<hbm>> -> memref<125000x128xf32, #tpu.memory_space<hbm>>
    tpu.enqueue_indirect_dma source(%dma_start3A_68 : memref<125000x128xf32, #tpu.memory_space<hbm>>) target(%arg10 : memref<128x128xf32, #tpu.memory_space<vmem>>) offsets(%dma_start3A_65 : memref<128xi32, #tpu.memory_space<vmem>>) semaphore(%arg13 : memref<!tpu.dma_semaphore, #tpu.memory_space<semaphore_mem>>)
    %dma_start3A_69 = arith.constant 256 : i32
    %dma_start3A_70 = tpu.memref_slice %arg7[%dma_start3A_69] : memref<512xi32, #tpu.memory_space<vmem>> -> memref<128xi32, #tpu.memory_space<vmem>>
    %dma_start3A_71 = arith.constant 0 : i32
    %dma_start3A_72 = arith.constant 0 : i32
    %dma_start3A_73 = tpu.memref_slice %arg3[%dma_start3A_71, %dma_start3A_72] : memref<125000x128xf32, #tpu.memory_space<hbm>> -> memref<125000x128xf32, #tpu.memory_space<hbm>>
    tpu.enqueue_indirect_dma source(%dma_start3A_73 : memref<125000x128xf32, #tpu.memory_space<hbm>>) target(%arg11 : memref<128x128xf32, #tpu.memory_space<vmem>>) offsets(%dma_start3A_70 : memref<128xi32, #tpu.memory_space<vmem>>) semaphore(%arg13 : memref<!tpu.dma_semaphore, #tpu.memory_space<semaphore_mem>>)
    %dma_wait3A_74 = arith.constant 256 : i32
    %dma_wait3A_75 = tpu.memref_slice %arg6[%dma_wait3A_74] : memref<512xi32, #tpu.memory_space<vmem>> -> memref<128xi32, #tpu.memory_space<vmem>>
    %dma_wait3A_76 = arith.constant 0 : i32
    %dma_wait3A_77 = arith.constant 0 : i32
    %dma_wait3A_78 = tpu.memref_slice %arg3[%dma_wait3A_76, %dma_wait3A_77] : memref<125000x128xf32, #tpu.memory_space<hbm>> -> memref<125000x128xf32, #tpu.memory_space<hbm>>
    tpu.wait_indirect_dma semaphore(%arg13 : memref<!tpu.dma_semaphore, #tpu.memory_space<semaphore_mem>>) src(%dma_wait3A_78 : memref<125000x128xf32, #tpu.memory_space<hbm>>) dst(%arg10 : memref<128x128xf32, #tpu.memory_space<vmem>>)
    %dma_wait3A_79 = arith.constant 256 : i32
    %dma_wait3A_80 = tpu.memref_slice %arg7[%dma_wait3A_79] : memref<512xi32, #tpu.memory_space<vmem>> -> memref<128xi32, #tpu.memory_space<vmem>>
    %dma_wait3A_81 = arith.constant 0 : i32
    %dma_wait3A_82 = arith.constant 0 : i32
    %dma_wait3A_83 = tpu.memref_slice %arg3[%dma_wait3A_81, %dma_wait3A_82] : memref<125000x128xf32, #tpu.memory_space<hbm>> -> memref<125000x128xf32, #tpu.memory_space<hbm>>
    tpu.wait_indirect_dma semaphore(%arg13 : memref<!tpu.dma_semaphore, #tpu.memory_space<semaphore_mem>>) src(%dma_wait3A_83 : memref<125000x128xf32, #tpu.memory_space<hbm>>) dst(%arg11 : memref<128x128xf32, #tpu.memory_space<vmem>>)
    %scan3A_84 = arith.constant 0 : i32
    %scan3A_85 = arith.constant 0 : i32
    %scan3A_86 = arith.constant 8 : i32
    %scan3A_87 = arith.addi %scan3A_85, %scan3A_86 : i32
    %scan3A_88 = arith.constant 1 : i32
    %scan3A_89 = scf.for %scan3A_118 = %scan3A_85 to %scan3A_87 step %scan3A_88 iter_args(%scan3A_119 = %scan3A_84) -> (i32)  : i32 {
      %mul3A_120 = arith.constant 16 : i32
      %mul3A_121 = arith.muli %scan3A_118, %mul3A_120 : i32
      %add3A_122 = vector.broadcast %mul3A_121 : i32 to vector<16xi32>
      %add3A_123 = arith.addi %add3A_122, %iota3A : vector<16xi32>
      %mul3A_124 = arith.constant 16 : i32
      %mul3A_125 = arith.muli %scan3A_118, %mul3A_124 : i32
      %add3A_126 = arith.constant 256 : i32
      %add3A_127 = arith.addi %add3A_126, %mul3A_125 : i32
      %add3A_128 = vector.broadcast %add3A_127 : i32 to vector<16xi32>
      %add3A_129 = arith.addi %add3A_128, %iota3A : vector<16xi32>
      %gather3A = tpu.vector_load_idx %arg8[%add3A_129] : memref<512xi32, #tpu.memory_space<vmem>>[vector<16xi32>], vector<16xi32>,
      %add3A_130 = vector.broadcast %add3A_127 : i32 to vector<16xi32>
      %add3A_131 = arith.addi %add3A_130, %iota3A : vector<16xi32>
      %gather3A_132 = tpu.vector_load_idx %arg9[%add3A_131] : memref<512xi32, #tpu.memory_space<vmem>>[vector<16xi32>], vector<16xi32>,
      %broadcast_in_dim3A_133 = arith.constant 0.000000e+00 : f32
      %broadcast_in_dim3A_134 = vector.broadcast %broadcast_in_dim3A_133 : f32 to vector<16xf32>
      %broadcast_in_dim3A_135 = arith.constant 0.000000e+00 : f32
      %broadcast_in_dim3A_136 = vector.broadcast %broadcast_in_dim3A_135 : f32 to vector<16xf32>
      %broadcast_in_dim3A_137 = arith.constant 0.000000e+00 : f32
      %broadcast_in_dim3A_138 = vector.broadcast %broadcast_in_dim3A_137 : f32 to vector<16xf32>
      %add3A_139 = arith.constant 0 : i32
      %add3A_140 = vector.broadcast %add3A_139 : i32 to vector<16xi32>
      %add3A_141 = arith.addi %gather3A, %add3A_140 : vector<16xi32>
      %gather3A_142 = tpu.vector_load_idx %arg10[%add3A_123, %add3A_141] : memref<128x128xf32, #tpu.memory_space<vmem>>[vector<16xi32>, vector<16xi32>], vector<16xf32>,
      %add3A_143 = arith.constant 0 : i32
      %add3A_144 = vector.broadcast %add3A_143 : i32 to vector<16xi32>
      %add3A_145 = arith.addi %gather3A_132, %add3A_144 : vector<16xi32>
      %gather3A_146 = tpu.vector_load_idx %arg11[%add3A_123, %add3A_145] : memref<128x128xf32, #tpu.memory_space<vmem>>[vector<16xi32>, vector<16xi32>], vector<16xf32>,
      %mul3A_147 = arith.mulf %gather3A_142, %gather3A_146 : vector<16xf32>
      %add3A_148 = arith.addf %broadcast_in_dim3A_134, %mul3A_147 : vector<16xf32>
      %mul3A_149 = arith.mulf %gather3A_142, %gather3A_142 : vector<16xf32>
      %add3A_150 = arith.addf %broadcast_in_dim3A_136, %mul3A_149 : vector<16xf32>
      %mul3A_151 = arith.mulf %gather3A_146, %gather3A_146 : vector<16xf32>
      %add3A_152 = arith.addf %broadcast_in_dim3A_138, %mul3A_151 : vector<16xf32>
      %add3A_153 = arith.constant 8 : i32
      %add3A_154 = vector.broadcast %add3A_153 : i32 to vector<16xi32>
      %add3A_155 = arith.addi %gather3A, %add3A_154 : vector<16xi32>
      %gather3A_156 = tpu.vector_load_idx %arg10[%add3A_123, %add3A_155] : memref<128x128xf32, #tpu.memory_space<vmem>>[vector<16xi32>, vector<16xi32>], vector<16xf32>,
      %add3A_157 = arith.constant 8 : i32
      %add3A_158 = vector.broadcast %add3A_157 : i32 to vector<16xi32>
      %add3A_159 = arith.addi %gather3A_132, %add3A_158 : vector<16xi32>
      %gather3A_160 = tpu.vector_load_idx %arg11[%add3A_123, %add3A_159] : memref<128x128xf32, #tpu.memory_space<vmem>>[vector<16xi32>, vector<16xi32>], vector<16xf32>,
      %mul3A_161 = arith.mulf %gather3A_156, %gather3A_160 : vector<16xf32>
      %add3A_162 = arith.addf %add3A_148, %mul3A_161 : vector<16xf32>
      %mul3A_163 = arith.mulf %gather3A_156, %gather3A_156 : vector<16xf32>
      %add3A_164 = arith.addf %add3A_150, %mul3A_163 : vector<16xf32>
      %mul3A_165 = arith.mulf %gather3A_160, %gather3A_160 : vector<16xf32>
      %add3A_166 = arith.addf %add3A_152, %mul3A_165 : vector<16xf32>
      %add3A_167 = arith.constant 16 : i32
      %add3A_168 = vector.broadcast %add3A_167 : i32 to vector<16xi32>
      %add3A_169 = arith.addi %gather3A, %add3A_168 : vector<16xi32>
      %gather3A_170 = tpu.vector_load_idx %arg10[%add3A_123, %add3A_169] : memref<128x128xf32, #tpu.memory_space<vmem>>[vector<16xi32>, vector<16xi32>], vector<16xf32>,
      %add3A_171 = arith.constant 16 : i32
      %add3A_172 = vector.broadcast %add3A_171 : i32 to vector<16xi32>
      %add3A_173 = arith.addi %gather3A_132, %add3A_172 : vector<16xi32>
      %gather3A_174 = tpu.vector_load_idx %arg11[%add3A_123, %add3A_173] : memref<128x128xf32, #tpu.memory_space<vmem>>[vector<16xi32>, vector<16xi32>], vector<16xf32>,
      %mul3A_175 = arith.mulf %gather3A_170, %gather3A_174 : vector<16xf32>
      %add3A_176 = arith.addf %add3A_162, %mul3A_175 : vector<16xf32>
      %mul3A_177 = arith.mulf %gather3A_170, %gather3A_170 : vector<16xf32>
      %add3A_178 = arith.addf %add3A_164, %mul3A_177 : vector<16xf32>
      %mul3A_179 = arith.mulf %gather3A_174, %gather3A_174 : vector<16xf32>
      %add3A_180 = arith.addf %add3A_166, %mul3A_179 : vector<16xf32>
      %add3A_181 = arith.constant 24 : i32
      %add3A_182 = vector.broadcast %add3A_181 : i32 to vector<16xi32>
      %add3A_183 = arith.addi %gather3A, %add3A_182 : vector<16xi32>
      %gather3A_184 = tpu.vector_load_idx %arg10[%add3A_123, %add3A_183] : memref<128x128xf32, #tpu.memory_space<vmem>>[vector<16xi32>, vector<16xi32>], vector<16xf32>,
      %add3A_185 = arith.constant 24 : i32
      %add3A_186 = vector.broadcast %add3A_185 : i32 to vector<16xi32>
      %add3A_187 = arith.addi %gather3A_132, %add3A_186 : vector<16xi32>
      %gather3A_188 = tpu.vector_load_idx %arg11[%add3A_123, %add3A_187] : memref<128x128xf32, #tpu.memory_space<vmem>>[vector<16xi32>, vector<16xi32>], vector<16xf32>,
      %mul3A_189 = arith.mulf %gather3A_184, %gather3A_188 : vector<16xf32>
      %add3A_190 = arith.addf %add3A_176, %mul3A_189 : vector<16xf32>
      %mul3A_191 = arith.mulf %gather3A_184, %gather3A_184 : vector<16xf32>
      %add3A_192 = arith.addf %add3A_178, %mul3A_191 : vector<16xf32>
      %mul3A_193 = arith.mulf %gather3A_188, %gather3A_188 : vector<16xf32>
      %add3A_194 = arith.addf %add3A_180, %mul3A_193 : vector<16xf32>
      %add3A_195 = arith.constant 32 : i32
      %add3A_196 = vector.broadcast %add3A_195 : i32 to vector<16xi32>
      %add3A_197 = arith.addi %gather3A, %add3A_196 : vector<16xi32>
      %gather3A_198 = tpu.vector_load_idx %arg10[%add3A_123, %add3A_197] : memref<128x128xf32, #tpu.memory_space<vmem>>[vector<16xi32>, vector<16xi32>], vector<16xf32>,
      %add3A_199 = arith.constant 32 : i32
      %add3A_200 = vector.broadcast %add3A_199 : i32 to vector<16xi32>
      %add3A_201 = arith.addi %gather3A_132, %add3A_200 : vector<16xi32>
      %gather3A_202 = tpu.vector_load_idx %arg11[%add3A_123, %add3A_201] : memref<128x128xf32, #tpu.memory_space<vmem>>[vector<16xi32>, vector<16xi32>], vector<16xf32>,
      %mul3A_203 = arith.mulf %gather3A_198, %gather3A_202 : vector<16xf32>
      %add3A_204 = arith.addf %add3A_190, %mul3A_203 : vector<16xf32>
      %mul3A_205 = arith.mulf %gather3A_198, %gather3A_198 : vector<16xf32>
      %add3A_206 = arith.addf %add3A_192, %mul3A_205 : vector<16xf32>
      %mul3A_207 = arith.mulf %gather3A_202, %gather3A_202 : vector<16xf32>
      %add3A_208 = arith.addf %add3A_194, %mul3A_207 : vector<16xf32>
      %add3A_209 = arith.constant 40 : i32
      %add3A_210 = vector.broadcast %add3A_209 : i32 to vector<16xi32>
      %add3A_211 = arith.addi %gather3A, %add3A_210 : vector<16xi32>
      %gather3A_212 = tpu.vector_load_idx %arg10[%add3A_123, %add3A_211] : memref<128x128xf32, #tpu.memory_space<vmem>>[vector<16xi32>, vector<16xi32>], vector<16xf32>,
      %add3A_213 = arith.constant 40 : i32
      %add3A_214 = vector.broadcast %add3A_213 : i32 to vector<16xi32>
      %add3A_215 = arith.addi %gather3A_132, %add3A_214 : vector<16xi32>
      %gather3A_216 = tpu.vector_load_idx %arg11[%add3A_123, %add3A_215] : memref<128x128xf32, #tpu.memory_space<vmem>>[vector<16xi32>, vector<16xi32>], vector<16xf32>,
      %mul3A_217 = arith.mulf %gather3A_212, %gather3A_216 : vector<16xf32>
      %add3A_218 = arith.addf %add3A_204, %mul3A_217 : vector<16xf32>
      %mul3A_219 = arith.mulf %gather3A_212, %gather3A_212 : vector<16xf32>
      %add3A_220 = arith.addf %add3A_206, %mul3A_219 : vector<16xf32>
      %mul3A_221 = arith.mulf %gather3A_216, %gather3A_216 : vector<16xf32>
      %add3A_222 = arith.addf %add3A_208, %mul3A_221 : vector<16xf32>
      %add3A_223 = arith.constant 48 : i32
      %add3A_224 = vector.broadcast %add3A_223 : i32 to vector<16xi32>
      %add3A_225 = arith.addi %gather3A, %add3A_224 : vector<16xi32>
      %gather3A_226 = tpu.vector_load_idx %arg10[%add3A_123, %add3A_225] : memref<128x128xf32, #tpu.memory_space<vmem>>[vector<16xi32>, vector<16xi32>], vector<16xf32>,
      %add3A_227 = arith.constant 48 : i32
      %add3A_228 = vector.broadcast %add3A_227 : i32 to vector<16xi32>
      %add3A_229 = arith.addi %gather3A_132, %add3A_228 : vector<16xi32>
      %gather3A_230 = tpu.vector_load_idx %arg11[%add3A_123, %add3A_229] : memref<128x128xf32, #tpu.memory_space<vmem>>[vector<16xi32>, vector<16xi32>], vector<16xf32>,
      %mul3A_231 = arith.mulf %gather3A_226, %gather3A_230 : vector<16xf32>
      %add3A_232 = arith.addf %add3A_218, %mul3A_231 : vector<16xf32>
      %mul3A_233 = arith.mulf %gather3A_226, %gather3A_226 : vector<16xf32>
      %add3A_234 = arith.addf %add3A_220, %mul3A_233 : vector<16xf32>
      %mul3A_235 = arith.mulf %gather3A_230, %gather3A_230 : vector<16xf32>
      %add3A_236 = arith.addf %add3A_222, %mul3A_235 : vector<16xf32>
      %add3A_237 = arith.constant 56 : i32
      %add3A_238 = vector.broadcast %add3A_237 : i32 to vector<16xi32>
      %add3A_239 = arith.addi %gather3A, %add3A_238 : vector<16xi32>
      %gather3A_240 = tpu.vector_load_idx %arg10[%add3A_123, %add3A_239] : memref<128x128xf32, #tpu.memory_space<vmem>>[vector<16xi32>, vector<16xi32>], vector<16xf32>,
      %add3A_241 = arith.constant 56 : i32
      %add3A_242 = vector.broadcast %add3A_241 : i32 to vector<16xi32>
      %add3A_243 = arith.addi %gather3A_132, %add3A_242 : vector<16xi32>
      %gather3A_244 = tpu.vector_load_idx %arg11[%add3A_123, %add3A_243] : memref<128x128xf32, #tpu.memory_space<vmem>>[vector<16xi32>, vector<16xi32>], vector<16xf32>,
      %mul3A_245 = arith.mulf %gather3A_240, %gather3A_244 : vector<16xf32>
      %add3A_246 = arith.addf %add3A_232, %mul3A_245 : vector<16xf32>
      %mul3A_247 = arith.mulf %gather3A_240, %gather3A_240 : vector<16xf32>
      %add3A_248 = arith.addf %add3A_234, %mul3A_247 : vector<16xf32>
      %mul3A_249 = arith.mulf %gather3A_244, %gather3A_244 : vector<16xf32>
      %add3A_250 = arith.addf %add3A_236, %mul3A_249 : vector<16xf32>
      %add3A_251 = arith.constant 64 : i32
      %add3A_252 = vector.broadcast %add3A_251 : i32 to vector<16xi32>
      %add3A_253 = arith.addi %gather3A, %add3A_252 : vector<16xi32>
      %gather3A_254 = tpu.vector_load_idx %arg10[%add3A_123, %add3A_253] : memref<128x128xf32, #tpu.memory_space<vmem>>[vector<16xi32>, vector<16xi32>], vector<16xf32>,
      %add3A_255 = arith.constant 64 : i32
      %add3A_256 = vector.broadcast %add3A_255 : i32 to vector<16xi32>
      %add3A_257 = arith.addi %gather3A_132, %add3A_256 : vector<16xi32>
      %gather3A_258 = tpu.vector_load_idx %arg11[%add3A_123, %add3A_257] : memref<128x128xf32, #tpu.memory_space<vmem>>[vector<16xi32>, vector<16xi32>], vector<16xf32>,
      %mul3A_259 = arith.mulf %gather3A_254, %gather3A_258 : vector<16xf32>
      %add3A_260 = arith.addf %add3A_246, %mul3A_259 : vector<16xf32>
      %mul3A_261 = arith.mulf %gather3A_254, %gather3A_254 : vector<16xf32>
      %add3A_262 = arith.addf %add3A_248, %mul3A_261 : vector<16xf32>
      %mul3A_263 = arith.mulf %gather3A_258, %gather3A_258 : vector<16xf32>
      %add3A_264 = arith.addf %add3A_250, %mul3A_263 : vector<16xf32>
      %add3A_265 = arith.constant 72 : i32
      %add3A_266 = vector.broadcast %add3A_265 : i32 to vector<16xi32>
      %add3A_267 = arith.addi %gather3A, %add3A_266 : vector<16xi32>
      %gather3A_268 = tpu.vector_load_idx %arg10[%add3A_123, %add3A_267] : memref<128x128xf32, #tpu.memory_space<vmem>>[vector<16xi32>, vector<16xi32>], vector<16xf32>,
      %add3A_269 = arith.constant 72 : i32
      %add3A_270 = vector.broadcast %add3A_269 : i32 to vector<16xi32>
      %add3A_271 = arith.addi %gather3A_132, %add3A_270 : vector<16xi32>
      %gather3A_272 = tpu.vector_load_idx %arg11[%add3A_123, %add3A_271] : memref<128x128xf32, #tpu.memory_space<vmem>>[vector<16xi32>, vector<16xi32>], vector<16xf32>,
      %mul3A_273 = arith.mulf %gather3A_268, %gather3A_272 : vector<16xf32>
      %add3A_274 = arith.addf %add3A_260, %mul3A_273 : vector<16xf32>
      %mul3A_275 = arith.mulf %gather3A_268, %gather3A_268 : vector<16xf32>
      %add3A_276 = arith.addf %add3A_262, %mul3A_275 : vector<16xf32>
      %mul3A_277 = arith.mulf %gather3A_272, %gather3A_272 : vector<16xf32>
      %add3A_278 = arith.addf %add3A_264, %mul3A_277 : vector<16xf32>
      %add3A_279 = arith.constant 80 : i32
      %add3A_280 = vector.broadcast %add3A_279 : i32 to vector<16xi32>
      %add3A_281 = arith.addi %gather3A, %add3A_280 : vector<16xi32>
      %gather3A_282 = tpu.vector_load_idx %arg10[%add3A_123, %add3A_281] : memref<128x128xf32, #tpu.memory_space<vmem>>[vector<16xi32>, vector<16xi32>], vector<16xf32>,
      %add3A_283 = arith.constant 80 : i32
      %add3A_284 = vector.broadcast %add3A_283 : i32 to vector<16xi32>
      %add3A_285 = arith.addi %gather3A_132, %add3A_284 : vector<16xi32>
      %gather3A_286 = tpu.vector_load_idx %arg11[%add3A_123, %add3A_285] : memref<128x128xf32, #tpu.memory_space<vmem>>[vector<16xi32>, vector<16xi32>], vector<16xf32>,
      %mul3A_287 = arith.mulf %gather3A_282, %gather3A_286 : vector<16xf32>
      %add3A_288 = arith.addf %add3A_274, %mul3A_287 : vector<16xf32>
      %mul3A_289 = arith.mulf %gather3A_282, %gather3A_282 : vector<16xf32>
      %add3A_290 = arith.addf %add3A_276, %mul3A_289 : vector<16xf32>
      %mul3A_291 = arith.mulf %gather3A_286, %gather3A_286 : vector<16xf32>
      %add3A_292 = arith.addf %add3A_278, %mul3A_291 : vector<16xf32>
      %add3A_293 = arith.constant 88 : i32
      %add3A_294 = vector.broadcast %add3A_293 : i32 to vector<16xi32>
      %add3A_295 = arith.addi %gather3A, %add3A_294 : vector<16xi32>
      %gather3A_296 = tpu.vector_load_idx %arg10[%add3A_123, %add3A_295] : memref<128x128xf32, #tpu.memory_space<vmem>>[vector<16xi32>, vector<16xi32>], vector<16xf32>,
      %add3A_297 = arith.constant 88 : i32
      %add3A_298 = vector.broadcast %add3A_297 : i32 to vector<16xi32>
      %add3A_299 = arith.addi %gather3A_132, %add3A_298 : vector<16xi32>
      %gather3A_300 = tpu.vector_load_idx %arg11[%add3A_123, %add3A_299] : memref<128x128xf32, #tpu.memory_space<vmem>>[vector<16xi32>, vector<16xi32>], vector<16xf32>,
      %mul3A_301 = arith.mulf %gather3A_296, %gather3A_300 : vector<16xf32>
      %add3A_302 = arith.addf %add3A_288, %mul3A_301 : vector<16xf32>
      %mul3A_303 = arith.mulf %gather3A_296, %gather3A_296 : vector<16xf32>
      %add3A_304 = arith.addf %add3A_290, %mul3A_303 : vector<16xf32>
      %mul3A_305 = arith.mulf %gather3A_300, %gather3A_300 : vector<16xf32>
      %add3A_306 = arith.addf %add3A_292, %mul3A_305 : vector<16xf32>
      %add3A_307 = arith.constant 96 : i32
      %add3A_308 = vector.broadcast %add3A_307 : i32 to vector<16xi32>
      %add3A_309 = arith.addi %gather3A, %add3A_308 : vector<16xi32>
      %gather3A_310 = tpu.vector_load_idx %arg10[%add3A_123, %add3A_309] : memref<128x128xf32, #tpu.memory_space<vmem>>[vector<16xi32>, vector<16xi32>], vector<16xf32>,
      %add3A_311 = arith.constant 96 : i32
      %add3A_312 = vector.broadcast %add3A_311 : i32 to vector<16xi32>
      %add3A_313 = arith.addi %gather3A_132, %add3A_312 : vector<16xi32>
      %gather3A_314 = tpu.vector_load_idx %arg11[%add3A_123, %add3A_313] : memref<128x128xf32, #tpu.memory_space<vmem>>[vector<16xi32>, vector<16xi32>], vector<16xf32>,
      %mul3A_315 = arith.mulf %gather3A_310, %gather3A_314 : vector<16xf32>
      %add3A_316 = arith.addf %add3A_302, %mul3A_315 : vector<16xf32>
      %mul3A_317 = arith.mulf %gather3A_310, %gather3A_310 : vector<16xf32>
      %add3A_318 = arith.addf %add3A_304, %mul3A_317 : vector<16xf32>
      %mul3A_319 = arith.mulf %gather3A_314, %gather3A_314 : vector<16xf32>
      %add3A_320 = arith.addf %add3A_306, %mul3A_319 : vector<16xf32>
      %add3A_321 = arith.constant 104 : i32
      %add3A_322 = vector.broadcast %add3A_321 : i32 to vector<16xi32>
      %add3A_323 = arith.addi %gather3A, %add3A_322 : vector<16xi32>
      %gather3A_324 = tpu.vector_load_idx %arg10[%add3A_123, %add3A_323] : memref<128x128xf32, #tpu.memory_space<vmem>>[vector<16xi32>, vector<16xi32>], vector<16xf32>,
      %add3A_325 = arith.constant 104 : i32
      %add3A_326 = vector.broadcast %add3A_325 : i32 to vector<16xi32>
      %add3A_327 = arith.addi %gather3A_132, %add3A_326 : vector<16xi32>
      %gather3A_328 = tpu.vector_load_idx %arg11[%add3A_123, %add3A_327] : memref<128x128xf32, #tpu.memory_space<vmem>>[vector<16xi32>, vector<16xi32>], vector<16xf32>,
      %mul3A_329 = arith.mulf %gather3A_324, %gather3A_328 : vector<16xf32>
      %add3A_330 = arith.addf %add3A_316, %mul3A_329 : vector<16xf32>
      %mul3A_331 = arith.mulf %gather3A_324, %gather3A_324 : vector<16xf32>
      %add3A_332 = arith.addf %add3A_318, %mul3A_331 : vector<16xf32>
      %mul3A_333 = arith.mulf %gather3A_328, %gather3A_328 : vector<16xf32>
      %add3A_334 = arith.addf %add3A_320, %mul3A_333 : vector<16xf32>
      %add3A_335 = arith.constant 112 : i32
      %add3A_336 = vector.broadcast %add3A_335 : i32 to vector<16xi32>
      %add3A_337 = arith.addi %gather3A, %add3A_336 : vector<16xi32>
      %gather3A_338 = tpu.vector_load_idx %arg10[%add3A_123, %add3A_337] : memref<128x128xf32, #tpu.memory_space<vmem>>[vector<16xi32>, vector<16xi32>], vector<16xf32>,
      %add3A_339 = arith.constant 112 : i32
      %add3A_340 = vector.broadcast %add3A_339 : i32 to vector<16xi32>
      %add3A_341 = arith.addi %gather3A_132, %add3A_340 : vector<16xi32>
      %gather3A_342 = tpu.vector_load_idx %arg11[%add3A_123, %add3A_341] : memref<128x128xf32, #tpu.memory_space<vmem>>[vector<16xi32>, vector<16xi32>], vector<16xf32>,
      %mul3A_343 = arith.mulf %gather3A_338, %gather3A_342 : vector<16xf32>
      %add3A_344 = arith.addf %add3A_330, %mul3A_343 : vector<16xf32>
      %mul3A_345 = arith.mulf %gather3A_338, %gather3A_338 : vector<16xf32>
      %add3A_346 = arith.addf %add3A_332, %mul3A_345 : vector<16xf32>
      %mul3A_347 = arith.mulf %gather3A_342, %gather3A_342 : vector<16xf32>
      %add3A_348 = arith.addf %add3A_334, %mul3A_347 : vector<16xf32>
      %add3A_349 = arith.constant 120 : i32
      %add3A_350 = vector.broadcast %add3A_349 : i32 to vector<16xi32>
      %add3A_351 = arith.addi %gather3A, %add3A_350 : vector<16xi32>
      %gather3A_352 = tpu.vector_load_idx %arg10[%add3A_123, %add3A_351] : memref<128x128xf32, #tpu.memory_space<vmem>>[vector<16xi32>, vector<16xi32>], vector<16xf32>,
      %add3A_353 = arith.constant 120 : i32
      %add3A_354 = vector.broadcast %add3A_353 : i32 to vector<16xi32>
      %add3A_355 = arith.addi %gather3A_132, %add3A_354 : vector<16xi32>
      %gather3A_356 = tpu.vector_load_idx %arg11[%add3A_123, %add3A_355] : memref<128x128xf32, #tpu.memory_space<vmem>>[vector<16xi32>, vector<16xi32>], vector<16xf32>,
      %mul3A_357 = arith.mulf %gather3A_352, %gather3A_356 : vector<16xf32>
      %add3A_358 = arith.addf %add3A_344, %mul3A_357 : vector<16xf32>
      %mul3A_359 = arith.mulf %gather3A_352, %gather3A_352 : vector<16xf32>
      %add3A_360 = arith.addf %add3A_346, %mul3A_359 : vector<16xf32>
      %mul3A_361 = arith.mulf %gather3A_356, %gather3A_356 : vector<16xf32>
      %add3A_362 = arith.addf %add3A_348, %mul3A_361 : vector<16xf32>
      %mul3A_363 = arith.mulf %add3A_360, %add3A_362 : vector<16xf32>
      %max3A = arith.maximumf %mul3A_363, %broadcast_in_dim3A_11 : vector<16xf32>
      %bitcast_convert_type3A = tpu.bitcast %max3A : vector<16xf32> -> vector<16xi32>
      %shift_right_logical3A = arith.constant 1 : i32
      %shift_right_logical3A_364 = vector.broadcast %shift_right_logical3A : i32 to vector<16xi32>
      %shift_right_logical3A_365 = arith.shrui %bitcast_convert_type3A, %shift_right_logical3A_364 : vector<16xi32>
      %sub3A = arith.constant 1597463007 : i32
      %sub3A_366 = vector.broadcast %sub3A : i32 to vector<16xi32>
      %sub3A_367 = arith.subi %sub3A_366, %shift_right_logical3A_365 : vector<16xi32>
      %bitcast_convert_type3A_368 = tpu.bitcast %sub3A_367 : vector<16xi32> -> vector<16xf32>
      %mul3A_369 = arith.constant 5.000000e-01 : f32
      %mul3A_370 = vector.broadcast %mul3A_369 : f32 to vector<16xf32>
      %mul3A_371 = arith.mulf %mul3A_370, %max3A : vector<16xf32>
      %mul3A_372 = arith.mulf %mul3A_371, %bitcast_convert_type3A_368 : vector<16xf32>
      %mul3A_373 = arith.mulf %mul3A_372, %bitcast_convert_type3A_368 : vector<16xf32>
      %sub3A_374 = arith.constant 1.500000e+00 : f32
      %sub3A_375 = vector.broadcast %sub3A_374 : f32 to vector<16xf32>
      %sub3A_376 = arith.subf %sub3A_375, %mul3A_373 : vector<16xf32>
      %mul3A_377 = arith.mulf %bitcast_convert_type3A_368, %sub3A_376 : vector<16xf32>
      %mul3A_378 = arith.mulf %mul3A_371, %mul3A_377 : vector<16xf32>
      %mul3A_379 = arith.mulf %mul3A_378, %mul3A_377 : vector<16xf32>
      %sub3A_380 = arith.constant 1.500000e+00 : f32
      %sub3A_381 = vector.broadcast %sub3A_380 : f32 to vector<16xf32>
      %sub3A_382 = arith.subf %sub3A_381, %mul3A_379 : vector<16xf32>
      %mul3A_383 = arith.mulf %mul3A_377, %sub3A_382 : vector<16xf32>
      %mul3A_384 = arith.mulf %mul3A_371, %mul3A_383 : vector<16xf32>
      %mul3A_385 = arith.mulf %mul3A_384, %mul3A_383 : vector<16xf32>
      %sub3A_386 = arith.constant 1.500000e+00 : f32
      %sub3A_387 = vector.broadcast %sub3A_386 : f32 to vector<16xf32>
      %sub3A_388 = arith.subf %sub3A_387, %mul3A_385 : vector<16xf32>
      %mul3A_389 = arith.mulf %mul3A_383, %sub3A_388 : vector<16xf32>
      %mul3A_390 = arith.mulf %add3A_358, %mul3A_389 : vector<16xf32>
      %swap3A = arith.index_cast %add3A_127 : i32 to index
      %swap3A_391 = tpu.vector_load %arg12[%swap3A] {strides = array<i32>} : memref<512xf32, #tpu.memory_space<vmem>>, vector<16xf32>,
      tpu.vector_store %arg12[%swap3A], %mul3A_390 {strides = array<i32>} : memref<512xf32, #tpu.memory_space<vmem>>, vector<16xf32>,
      %scan3A_392 = arith.constant 0 : i32
      scf.yield %scan3A_392 : i32
    }
    %scan3A_90 = arith.constant 8 : i32
    %dma_start3A_91 = arith.constant 384 : i32
    %dma_start3A_92 = tpu.memref_slice %arg6[%dma_start3A_91] : memref<512xi32, #tpu.memory_space<vmem>> -> memref<128xi32, #tpu.memory_space<vmem>>
    %dma_start3A_93 = arith.constant 0 : i32
    %dma_start3A_94 = arith.constant 0 : i32
    %dma_start3A_95 = tpu.memref_slice %arg3[%dma_start3A_93, %dma_start3A_94] : memref<125000x128xf32, #tpu.memory_space<hbm>> -> memref<125000x128xf32, #tpu.memory_space<hbm>>
    tpu.enqueue_indirect_dma source(%dma_start3A_95 : memref<125000x128xf32, #tpu.memory_space<hbm>>) target(%arg10 : memref<128x128xf32, #tpu.memory_space<vmem>>) offsets(%dma_start3A_92 : memref<128xi32, #tpu.memory_space<vmem>>) semaphore(%arg13 : memref<!tpu.dma_semaphore, #tpu.memory_space<semaphore_mem>>)
    %dma_start3A_96 = arith.constant 384 : i32
    %dma_start3A_97 = tpu.memref_slice %arg7[%dma_start3A_96] : memref<512xi32, #tpu.memory_space<vmem>> -> memref<128xi32, #tpu.memory_space<vmem>>
    %dma_start3A_98 = arith.constant 0 : i32
    %dma_start3A_99 = arith.constant 0 : i32
    %dma_start3A_100 = tpu.memref_slice %arg3[%dma_start3A_98, %dma_start3A_99] : memref<125000x128xf32, #tpu.memory_space<hbm>> -> memref<125000x128xf32, #tpu.memory_space<hbm>>
    tpu.enqueue_indirect_dma source(%dma_start3A_100 : memref<125000x128xf32, #tpu.memory_space<hbm>>) target(%arg11 : memref<128x128xf32, #tpu.memory_space<vmem>>) offsets(%dma_start3A_97 : memref<128xi32, #tpu.memory_space<vmem>>) semaphore(%arg13 : memref<!tpu.dma_semaphore, #tpu.memory_space<semaphore_mem>>)
    %dma_wait3A_101 = arith.constant 384 : i32
    %dma_wait3A_102 = tpu.memref_slice %arg6[%dma_wait3A_101] : memref<512xi32, #tpu.memory_space<vmem>> -> memref<128xi32, #tpu.memory_space<vmem>>
    %dma_wait3A_103 = arith.constant 0 : i32
    %dma_wait3A_104 = arith.constant 0 : i32
    %dma_wait3A_105 = tpu.memref_slice %arg3[%dma_wait3A_103, %dma_wait3A_104] : memref<125000x128xf32, #tpu.memory_space<hbm>> -> memref<125000x128xf32, #tpu.memory_space<hbm>>
    tpu.wait_indirect_dma semaphore(%arg13 : memref<!tpu.dma_semaphore, #tpu.memory_space<semaphore_mem>>) src(%dma_wait3A_105 : memref<125000x128xf32, #tpu.memory_space<hbm>>) dst(%arg10 : memref<128x128xf32, #tpu.memory_space<vmem>>)
    %dma_wait3A_106 = arith.constant 384 : i32
    %dma_wait3A_107 = tpu.memref_slice %arg7[%dma_wait3A_106] : memref<512xi32, #tpu.memory_space<vmem>> -> memref<128xi32, #tpu.memory_space<vmem>>
    %dma_wait3A_108 = arith.constant 0 : i32
    %dma_wait3A_109 = arith.constant 0 : i32
    %dma_wait3A_110 = tpu.memref_slice %arg3[%dma_wait3A_108, %dma_wait3A_109] : memref<125000x128xf32, #tpu.memory_space<hbm>> -> memref<125000x128xf32, #tpu.memory_space<hbm>>
    tpu.wait_indirect_dma semaphore(%arg13 : memref<!tpu.dma_semaphore, #tpu.memory_space<semaphore_mem>>) src(%dma_wait3A_110 : memref<125000x128xf32, #tpu.memory_space<hbm>>) dst(%arg11 : memref<128x128xf32, #tpu.memory_space<vmem>>)
    %scan3A_111 = arith.constant 0 : i32
    %scan3A_112 = arith.constant 0 : i32
    %scan3A_113 = arith.constant 8 : i32
    %scan3A_114 = arith.addi %scan3A_112, %scan3A_113 : i32
    %scan3A_115 = arith.constant 1 : i32
    %scan3A_116 = scf.for %scan3A_118 = %scan3A_112 to %scan3A_114 step %scan3A_115 iter_args(%scan3A_119 = %scan3A_111) -> (i32)  : i32 {
      %mul3A_120 = arith.constant 16 : i32
      %mul3A_121 = arith.muli %scan3A_118, %mul3A_120 : i32
      %add3A_122 = vector.broadcast %mul3A_121 : i32 to vector<16xi32>
      %add3A_123 = arith.addi %add3A_122, %iota3A : vector<16xi32>
      %mul3A_124 = arith.constant 16 : i32
      %mul3A_125 = arith.muli %scan3A_118, %mul3A_124 : i32
      %add3A_126 = arith.constant 384 : i32
      %add3A_127 = arith.addi %add3A_126, %mul3A_125 : i32
      %add3A_128 = vector.broadcast %add3A_127 : i32 to vector<16xi32>
      %add3A_129 = arith.addi %add3A_128, %iota3A : vector<16xi32>
      %gather3A = tpu.vector_load_idx %arg8[%add3A_129] : memref<512xi32, #tpu.memory_space<vmem>>[vector<16xi32>], vector<16xi32>,
      %add3A_130 = vector.broadcast %add3A_127 : i32 to vector<16xi32>
      %add3A_131 = arith.addi %add3A_130, %iota3A : vector<16xi32>
      %gather3A_132 = tpu.vector_load_idx %arg9[%add3A_131] : memref<512xi32, #tpu.memory_space<vmem>>[vector<16xi32>], vector<16xi32>,
      %broadcast_in_dim3A_133 = arith.constant 0.000000e+00 : f32
      %broadcast_in_dim3A_134 = vector.broadcast %broadcast_in_dim3A_133 : f32 to vector<16xf32>
      %broadcast_in_dim3A_135 = arith.constant 0.000000e+00 : f32
      %broadcast_in_dim3A_136 = vector.broadcast %broadcast_in_dim3A_135 : f32 to vector<16xf32>
      %broadcast_in_dim3A_137 = arith.constant 0.000000e+00 : f32
      %broadcast_in_dim3A_138 = vector.broadcast %broadcast_in_dim3A_137 : f32 to vector<16xf32>
      %add3A_139 = arith.constant 0 : i32
      %add3A_140 = vector.broadcast %add3A_139 : i32 to vector<16xi32>
      %add3A_141 = arith.addi %gather3A, %add3A_140 : vector<16xi32>
      %gather3A_142 = tpu.vector_load_idx %arg10[%add3A_123, %add3A_141] : memref<128x128xf32, #tpu.memory_space<vmem>>[vector<16xi32>, vector<16xi32>], vector<16xf32>,
      %add3A_143 = arith.constant 0 : i32
      %add3A_144 = vector.broadcast %add3A_143 : i32 to vector<16xi32>
      %add3A_145 = arith.addi %gather3A_132, %add3A_144 : vector<16xi32>
      %gather3A_146 = tpu.vector_load_idx %arg11[%add3A_123, %add3A_145] : memref<128x128xf32, #tpu.memory_space<vmem>>[vector<16xi32>, vector<16xi32>], vector<16xf32>,
      %mul3A_147 = arith.mulf %gather3A_142, %gather3A_146 : vector<16xf32>
      %add3A_148 = arith.addf %broadcast_in_dim3A_134, %mul3A_147 : vector<16xf32>
      %mul3A_149 = arith.mulf %gather3A_142, %gather3A_142 : vector<16xf32>
      %add3A_150 = arith.addf %broadcast_in_dim3A_136, %mul3A_149 : vector<16xf32>
      %mul3A_151 = arith.mulf %gather3A_146, %gather3A_146 : vector<16xf32>
      %add3A_152 = arith.addf %broadcast_in_dim3A_138, %mul3A_151 : vector<16xf32>
      %add3A_153 = arith.constant 8 : i32
      %add3A_154 = vector.broadcast %add3A_153 : i32 to vector<16xi32>
      %add3A_155 = arith.addi %gather3A, %add3A_154 : vector<16xi32>
      %gather3A_156 = tpu.vector_load_idx %arg10[%add3A_123, %add3A_155] : memref<128x128xf32, #tpu.memory_space<vmem>>[vector<16xi32>, vector<16xi32>], vector<16xf32>,
      %add3A_157 = arith.constant 8 : i32
      %add3A_158 = vector.broadcast %add3A_157 : i32 to vector<16xi32>
      %add3A_159 = arith.addi %gather3A_132, %add3A_158 : vector<16xi32>
      %gather3A_160 = tpu.vector_load_idx %arg11[%add3A_123, %add3A_159] : memref<128x128xf32, #tpu.memory_space<vmem>>[vector<16xi32>, vector<16xi32>], vector<16xf32>,
      %mul3A_161 = arith.mulf %gather3A_156, %gather3A_160 : vector<16xf32>
      %add3A_162 = arith.addf %add3A_148, %mul3A_161 : vector<16xf32>
      %mul3A_163 = arith.mulf %gather3A_156, %gather3A_156 : vector<16xf32>
      %add3A_164 = arith.addf %add3A_150, %mul3A_163 : vector<16xf32>
      %mul3A_165 = arith.mulf %gather3A_160, %gather3A_160 : vector<16xf32>
      %add3A_166 = arith.addf %add3A_152, %mul3A_165 : vector<16xf32>
      %add3A_167 = arith.constant 16 : i32
      %add3A_168 = vector.broadcast %add3A_167 : i32 to vector<16xi32>
      %add3A_169 = arith.addi %gather3A, %add3A_168 : vector<16xi32>
      %gather3A_170 = tpu.vector_load_idx %arg10[%add3A_123, %add3A_169] : memref<128x128xf32, #tpu.memory_space<vmem>>[vector<16xi32>, vector<16xi32>], vector<16xf32>,
      %add3A_171 = arith.constant 16 : i32
      %add3A_172 = vector.broadcast %add3A_171 : i32 to vector<16xi32>
      %add3A_173 = arith.addi %gather3A_132, %add3A_172 : vector<16xi32>
      %gather3A_174 = tpu.vector_load_idx %arg11[%add3A_123, %add3A_173] : memref<128x128xf32, #tpu.memory_space<vmem>>[vector<16xi32>, vector<16xi32>], vector<16xf32>,
      %mul3A_175 = arith.mulf %gather3A_170, %gather3A_174 : vector<16xf32>
      %add3A_176 = arith.addf %add3A_162, %mul3A_175 : vector<16xf32>
      %mul3A_177 = arith.mulf %gather3A_170, %gather3A_170 : vector<16xf32>
      %add3A_178 = arith.addf %add3A_164, %mul3A_177 : vector<16xf32>
      %mul3A_179 = arith.mulf %gather3A_174, %gather3A_174 : vector<16xf32>
      %add3A_180 = arith.addf %add3A_166, %mul3A_179 : vector<16xf32>
      %add3A_181 = arith.constant 24 : i32
      %add3A_182 = vector.broadcast %add3A_181 : i32 to vector<16xi32>
      %add3A_183 = arith.addi %gather3A, %add3A_182 : vector<16xi32>
      %gather3A_184 = tpu.vector_load_idx %arg10[%add3A_123, %add3A_183] : memref<128x128xf32, #tpu.memory_space<vmem>>[vector<16xi32>, vector<16xi32>], vector<16xf32>,
      %add3A_185 = arith.constant 24 : i32
      %add3A_186 = vector.broadcast %add3A_185 : i32 to vector<16xi32>
      %add3A_187 = arith.addi %gather3A_132, %add3A_186 : vector<16xi32>
      %gather3A_188 = tpu.vector_load_idx %arg11[%add3A_123, %add3A_187] : memref<128x128xf32, #tpu.memory_space<vmem>>[vector<16xi32>, vector<16xi32>], vector<16xf32>,
      %mul3A_189 = arith.mulf %gather3A_184, %gather3A_188 : vector<16xf32>
      %add3A_190 = arith.addf %add3A_176, %mul3A_189 : vector<16xf32>
      %mul3A_191 = arith.mulf %gather3A_184, %gather3A_184 : vector<16xf32>
      %add3A_192 = arith.addf %add3A_178, %mul3A_191 : vector<16xf32>
      %mul3A_193 = arith.mulf %gather3A_188, %gather3A_188 : vector<16xf32>
      %add3A_194 = arith.addf %add3A_180, %mul3A_193 : vector<16xf32>
      %add3A_195 = arith.constant 32 : i32
      %add3A_196 = vector.broadcast %add3A_195 : i32 to vector<16xi32>
      %add3A_197 = arith.addi %gather3A, %add3A_196 : vector<16xi32>
      %gather3A_198 = tpu.vector_load_idx %arg10[%add3A_123, %add3A_197] : memref<128x128xf32, #tpu.memory_space<vmem>>[vector<16xi32>, vector<16xi32>], vector<16xf32>,
      %add3A_199 = arith.constant 32 : i32
      %add3A_200 = vector.broadcast %add3A_199 : i32 to vector<16xi32>
      %add3A_201 = arith.addi %gather3A_132, %add3A_200 : vector<16xi32>
      %gather3A_202 = tpu.vector_load_idx %arg11[%add3A_123, %add3A_201] : memref<128x128xf32, #tpu.memory_space<vmem>>[vector<16xi32>, vector<16xi32>], vector<16xf32>,
      %mul3A_203 = arith.mulf %gather3A_198, %gather3A_202 : vector<16xf32>
      %add3A_204 = arith.addf %add3A_190, %mul3A_203 : vector<16xf32>
      %mul3A_205 = arith.mulf %gather3A_198, %gather3A_198 : vector<16xf32>
      %add3A_206 = arith.addf %add3A_192, %mul3A_205 : vector<16xf32>
      %mul3A_207 = arith.mulf %gather3A_202, %gather3A_202 : vector<16xf32>
      %add3A_208 = arith.addf %add3A_194, %mul3A_207 : vector<16xf32>
      %add3A_209 = arith.constant 40 : i32
      %add3A_210 = vector.broadcast %add3A_209 : i32 to vector<16xi32>
      %add3A_211 = arith.addi %gather3A, %add3A_210 : vector<16xi32>
      %gather3A_212 = tpu.vector_load_idx %arg10[%add3A_123, %add3A_211] : memref<128x128xf32, #tpu.memory_space<vmem>>[vector<16xi32>, vector<16xi32>], vector<16xf32>,
      %add3A_213 = arith.constant 40 : i32
      %add3A_214 = vector.broadcast %add3A_213 : i32 to vector<16xi32>
      %add3A_215 = arith.addi %gather3A_132, %add3A_214 : vector<16xi32>
      %gather3A_216 = tpu.vector_load_idx %arg11[%add3A_123, %add3A_215] : memref<128x128xf32, #tpu.memory_space<vmem>>[vector<16xi32>, vector<16xi32>], vector<16xf32>,
      %mul3A_217 = arith.mulf %gather3A_212, %gather3A_216 : vector<16xf32>
      %add3A_218 = arith.addf %add3A_204, %mul3A_217 : vector<16xf32>
      %mul3A_219 = arith.mulf %gather3A_212, %gather3A_212 : vector<16xf32>
      %add3A_220 = arith.addf %add3A_206, %mul3A_219 : vector<16xf32>
      %mul3A_221 = arith.mulf %gather3A_216, %gather3A_216 : vector<16xf32>
      %add3A_222 = arith.addf %add3A_208, %mul3A_221 : vector<16xf32>
      %add3A_223 = arith.constant 48 : i32
      %add3A_224 = vector.broadcast %add3A_223 : i32 to vector<16xi32>
      %add3A_225 = arith.addi %gather3A, %add3A_224 : vector<16xi32>
      %gather3A_226 = tpu.vector_load_idx %arg10[%add3A_123, %add3A_225] : memref<128x128xf32, #tpu.memory_space<vmem>>[vector<16xi32>, vector<16xi32>], vector<16xf32>,
      %add3A_227 = arith.constant 48 : i32
      %add3A_228 = vector.broadcast %add3A_227 : i32 to vector<16xi32>
      %add3A_229 = arith.addi %gather3A_132, %add3A_228 : vector<16xi32>
      %gather3A_230 = tpu.vector_load_idx %arg11[%add3A_123, %add3A_229] : memref<128x128xf32, #tpu.memory_space<vmem>>[vector<16xi32>, vector<16xi32>], vector<16xf32>,
      %mul3A_231 = arith.mulf %gather3A_226, %gather3A_230 : vector<16xf32>
      %add3A_232 = arith.addf %add3A_218, %mul3A_231 : vector<16xf32>
      %mul3A_233 = arith.mulf %gather3A_226, %gather3A_226 : vector<16xf32>
      %add3A_234 = arith.addf %add3A_220, %mul3A_233 : vector<16xf32>
      %mul3A_235 = arith.mulf %gather3A_230, %gather3A_230 : vector<16xf32>
      %add3A_236 = arith.addf %add3A_222, %mul3A_235 : vector<16xf32>
      %add3A_237 = arith.constant 56 : i32
      %add3A_238 = vector.broadcast %add3A_237 : i32 to vector<16xi32>
      %add3A_239 = arith.addi %gather3A, %add3A_238 : vector<16xi32>
      %gather3A_240 = tpu.vector_load_idx %arg10[%add3A_123, %add3A_239] : memref<128x128xf32, #tpu.memory_space<vmem>>[vector<16xi32>, vector<16xi32>], vector<16xf32>,
      %add3A_241 = arith.constant 56 : i32
      %add3A_242 = vector.broadcast %add3A_241 : i32 to vector<16xi32>
      %add3A_243 = arith.addi %gather3A_132, %add3A_242 : vector<16xi32>
      %gather3A_244 = tpu.vector_load_idx %arg11[%add3A_123, %add3A_243] : memref<128x128xf32, #tpu.memory_space<vmem>>[vector<16xi32>, vector<16xi32>], vector<16xf32>,
      %mul3A_245 = arith.mulf %gather3A_240, %gather3A_244 : vector<16xf32>
      %add3A_246 = arith.addf %add3A_232, %mul3A_245 : vector<16xf32>
      %mul3A_247 = arith.mulf %gather3A_240, %gather3A_240 : vector<16xf32>
      %add3A_248 = arith.addf %add3A_234, %mul3A_247 : vector<16xf32>
      %mul3A_249 = arith.mulf %gather3A_244, %gather3A_244 : vector<16xf32>
      %add3A_250 = arith.addf %add3A_236, %mul3A_249 : vector<16xf32>
      %add3A_251 = arith.constant 64 : i32
      %add3A_252 = vector.broadcast %add3A_251 : i32 to vector<16xi32>
      %add3A_253 = arith.addi %gather3A, %add3A_252 : vector<16xi32>
      %gather3A_254 = tpu.vector_load_idx %arg10[%add3A_123, %add3A_253] : memref<128x128xf32, #tpu.memory_space<vmem>>[vector<16xi32>, vector<16xi32>], vector<16xf32>,
      %add3A_255 = arith.constant 64 : i32
      %add3A_256 = vector.broadcast %add3A_255 : i32 to vector<16xi32>
      %add3A_257 = arith.addi %gather3A_132, %add3A_256 : vector<16xi32>
      %gather3A_258 = tpu.vector_load_idx %arg11[%add3A_123, %add3A_257] : memref<128x128xf32, #tpu.memory_space<vmem>>[vector<16xi32>, vector<16xi32>], vector<16xf32>,
      %mul3A_259 = arith.mulf %gather3A_254, %gather3A_258 : vector<16xf32>
      %add3A_260 = arith.addf %add3A_246, %mul3A_259 : vector<16xf32>
      %mul3A_261 = arith.mulf %gather3A_254, %gather3A_254 : vector<16xf32>
      %add3A_262 = arith.addf %add3A_248, %mul3A_261 : vector<16xf32>
      %mul3A_263 = arith.mulf %gather3A_258, %gather3A_258 : vector<16xf32>
      %add3A_264 = arith.addf %add3A_250, %mul3A_263 : vector<16xf32>
      %add3A_265 = arith.constant 72 : i32
      %add3A_266 = vector.broadcast %add3A_265 : i32 to vector<16xi32>
      %add3A_267 = arith.addi %gather3A, %add3A_266 : vector<16xi32>
      %gather3A_268 = tpu.vector_load_idx %arg10[%add3A_123, %add3A_267] : memref<128x128xf32, #tpu.memory_space<vmem>>[vector<16xi32>, vector<16xi32>], vector<16xf32>,
      %add3A_269 = arith.constant 72 : i32
      %add3A_270 = vector.broadcast %add3A_269 : i32 to vector<16xi32>
      %add3A_271 = arith.addi %gather3A_132, %add3A_270 : vector<16xi32>
      %gather3A_272 = tpu.vector_load_idx %arg11[%add3A_123, %add3A_271] : memref<128x128xf32, #tpu.memory_space<vmem>>[vector<16xi32>, vector<16xi32>], vector<16xf32>,
      %mul3A_273 = arith.mulf %gather3A_268, %gather3A_272 : vector<16xf32>
      %add3A_274 = arith.addf %add3A_260, %mul3A_273 : vector<16xf32>
      %mul3A_275 = arith.mulf %gather3A_268, %gather3A_268 : vector<16xf32>
      %add3A_276 = arith.addf %add3A_262, %mul3A_275 : vector<16xf32>
      %mul3A_277 = arith.mulf %gather3A_272, %gather3A_272 : vector<16xf32>
      %add3A_278 = arith.addf %add3A_264, %mul3A_277 : vector<16xf32>
      %add3A_279 = arith.constant 80 : i32
      %add3A_280 = vector.broadcast %add3A_279 : i32 to vector<16xi32>
      %add3A_281 = arith.addi %gather3A, %add3A_280 : vector<16xi32>
      %gather3A_282 = tpu.vector_load_idx %arg10[%add3A_123, %add3A_281] : memref<128x128xf32, #tpu.memory_space<vmem>>[vector<16xi32>, vector<16xi32>], vector<16xf32>,
      %add3A_283 = arith.constant 80 : i32
      %add3A_284 = vector.broadcast %add3A_283 : i32 to vector<16xi32>
      %add3A_285 = arith.addi %gather3A_132, %add3A_284 : vector<16xi32>
      %gather3A_286 = tpu.vector_load_idx %arg11[%add3A_123, %add3A_285] : memref<128x128xf32, #tpu.memory_space<vmem>>[vector<16xi32>, vector<16xi32>], vector<16xf32>,
      %mul3A_287 = arith.mulf %gather3A_282, %gather3A_286 : vector<16xf32>
      %add3A_288 = arith.addf %add3A_274, %mul3A_287 : vector<16xf32>
      %mul3A_289 = arith.mulf %gather3A_282, %gather3A_282 : vector<16xf32>
      %add3A_290 = arith.addf %add3A_276, %mul3A_289 : vector<16xf32>
      %mul3A_291 = arith.mulf %gather3A_286, %gather3A_286 : vector<16xf32>
      %add3A_292 = arith.addf %add3A_278, %mul3A_291 : vector<16xf32>
      %add3A_293 = arith.constant 88 : i32
      %add3A_294 = vector.broadcast %add3A_293 : i32 to vector<16xi32>
      %add3A_295 = arith.addi %gather3A, %add3A_294 : vector<16xi32>
      %gather3A_296 = tpu.vector_load_idx %arg10[%add3A_123, %add3A_295] : memref<128x128xf32, #tpu.memory_space<vmem>>[vector<16xi32>, vector<16xi32>], vector<16xf32>,
      %add3A_297 = arith.constant 88 : i32
      %add3A_298 = vector.broadcast %add3A_297 : i32 to vector<16xi32>
      %add3A_299 = arith.addi %gather3A_132, %add3A_298 : vector<16xi32>
      %gather3A_300 = tpu.vector_load_idx %arg11[%add3A_123, %add3A_299] : memref<128x128xf32, #tpu.memory_space<vmem>>[vector<16xi32>, vector<16xi32>], vector<16xf32>,
      %mul3A_301 = arith.mulf %gather3A_296, %gather3A_300 : vector<16xf32>
      %add3A_302 = arith.addf %add3A_288, %mul3A_301 : vector<16xf32>
      %mul3A_303 = arith.mulf %gather3A_296, %gather3A_296 : vector<16xf32>
      %add3A_304 = arith.addf %add3A_290, %mul3A_303 : vector<16xf32>
      %mul3A_305 = arith.mulf %gather3A_300, %gather3A_300 : vector<16xf32>
      %add3A_306 = arith.addf %add3A_292, %mul3A_305 : vector<16xf32>
      %add3A_307 = arith.constant 96 : i32
      %add3A_308 = vector.broadcast %add3A_307 : i32 to vector<16xi32>
      %add3A_309 = arith.addi %gather3A, %add3A_308 : vector<16xi32>
      %gather3A_310 = tpu.vector_load_idx %arg10[%add3A_123, %add3A_309] : memref<128x128xf32, #tpu.memory_space<vmem>>[vector<16xi32>, vector<16xi32>], vector<16xf32>,
      %add3A_311 = arith.constant 96 : i32
      %add3A_312 = vector.broadcast %add3A_311 : i32 to vector<16xi32>
      %add3A_313 = arith.addi %gather3A_132, %add3A_312 : vector<16xi32>
      %gather3A_314 = tpu.vector_load_idx %arg11[%add3A_123, %add3A_313] : memref<128x128xf32, #tpu.memory_space<vmem>>[vector<16xi32>, vector<16xi32>], vector<16xf32>,
      %mul3A_315 = arith.mulf %gather3A_310, %gather3A_314 : vector<16xf32>
      %add3A_316 = arith.addf %add3A_302, %mul3A_315 : vector<16xf32>
      %mul3A_317 = arith.mulf %gather3A_310, %gather3A_310 : vector<16xf32>
      %add3A_318 = arith.addf %add3A_304, %mul3A_317 : vector<16xf32>
      %mul3A_319 = arith.mulf %gather3A_314, %gather3A_314 : vector<16xf32>
      %add3A_320 = arith.addf %add3A_306, %mul3A_319 : vector<16xf32>
      %add3A_321 = arith.constant 104 : i32
      %add3A_322 = vector.broadcast %add3A_321 : i32 to vector<16xi32>
      %add3A_323 = arith.addi %gather3A, %add3A_322 : vector<16xi32>
      %gather3A_324 = tpu.vector_load_idx %arg10[%add3A_123, %add3A_323] : memref<128x128xf32, #tpu.memory_space<vmem>>[vector<16xi32>, vector<16xi32>], vector<16xf32>,
      %add3A_325 = arith.constant 104 : i32
      %add3A_326 = vector.broadcast %add3A_325 : i32 to vector<16xi32>
      %add3A_327 = arith.addi %gather3A_132, %add3A_326 : vector<16xi32>
      %gather3A_328 = tpu.vector_load_idx %arg11[%add3A_123, %add3A_327] : memref<128x128xf32, #tpu.memory_space<vmem>>[vector<16xi32>, vector<16xi32>], vector<16xf32>,
      %mul3A_329 = arith.mulf %gather3A_324, %gather3A_328 : vector<16xf32>
      %add3A_330 = arith.addf %add3A_316, %mul3A_329 : vector<16xf32>
      %mul3A_331 = arith.mulf %gather3A_324, %gather3A_324 : vector<16xf32>
      %add3A_332 = arith.addf %add3A_318, %mul3A_331 : vector<16xf32>
      %mul3A_333 = arith.mulf %gather3A_328, %gather3A_328 : vector<16xf32>
      %add3A_334 = arith.addf %add3A_320, %mul3A_333 : vector<16xf32>
      %add3A_335 = arith.constant 112 : i32
      %add3A_336 = vector.broadcast %add3A_335 : i32 to vector<16xi32>
      %add3A_337 = arith.addi %gather3A, %add3A_336 : vector<16xi32>
      %gather3A_338 = tpu.vector_load_idx %arg10[%add3A_123, %add3A_337] : memref<128x128xf32, #tpu.memory_space<vmem>>[vector<16xi32>, vector<16xi32>], vector<16xf32>,
      %add3A_339 = arith.constant 112 : i32
      %add3A_340 = vector.broadcast %add3A_339 : i32 to vector<16xi32>
      %add3A_341 = arith.addi %gather3A_132, %add3A_340 : vector<16xi32>
      %gather3A_342 = tpu.vector_load_idx %arg11[%add3A_123, %add3A_341] : memref<128x128xf32, #tpu.memory_space<vmem>>[vector<16xi32>, vector<16xi32>], vector<16xf32>,
      %mul3A_343 = arith.mulf %gather3A_338, %gather3A_342 : vector<16xf32>
      %add3A_344 = arith.addf %add3A_330, %mul3A_343 : vector<16xf32>
      %mul3A_345 = arith.mulf %gather3A_338, %gather3A_338 : vector<16xf32>
      %add3A_346 = arith.addf %add3A_332, %mul3A_345 : vector<16xf32>
      %mul3A_347 = arith.mulf %gather3A_342, %gather3A_342 : vector<16xf32>
      %add3A_348 = arith.addf %add3A_334, %mul3A_347 : vector<16xf32>
      %add3A_349 = arith.constant 120 : i32
      %add3A_350 = vector.broadcast %add3A_349 : i32 to vector<16xi32>
      %add3A_351 = arith.addi %gather3A, %add3A_350 : vector<16xi32>
      %gather3A_352 = tpu.vector_load_idx %arg10[%add3A_123, %add3A_351] : memref<128x128xf32, #tpu.memory_space<vmem>>[vector<16xi32>, vector<16xi32>], vector<16xf32>,
      %add3A_353 = arith.constant 120 : i32
      %add3A_354 = vector.broadcast %add3A_353 : i32 to vector<16xi32>
      %add3A_355 = arith.addi %gather3A_132, %add3A_354 : vector<16xi32>
      %gather3A_356 = tpu.vector_load_idx %arg11[%add3A_123, %add3A_355] : memref<128x128xf32, #tpu.memory_space<vmem>>[vector<16xi32>, vector<16xi32>], vector<16xf32>,
      %mul3A_357 = arith.mulf %gather3A_352, %gather3A_356 : vector<16xf32>
      %add3A_358 = arith.addf %add3A_344, %mul3A_357 : vector<16xf32>
      %mul3A_359 = arith.mulf %gather3A_352, %gather3A_352 : vector<16xf32>
      %add3A_360 = arith.addf %add3A_346, %mul3A_359 : vector<16xf32>
      %mul3A_361 = arith.mulf %gather3A_356, %gather3A_356 : vector<16xf32>
      %add3A_362 = arith.addf %add3A_348, %mul3A_361 : vector<16xf32>
      %mul3A_363 = arith.mulf %add3A_360, %add3A_362 : vector<16xf32>
      %max3A = arith.maximumf %mul3A_363, %broadcast_in_dim3A_11 : vector<16xf32>
      %bitcast_convert_type3A = tpu.bitcast %max3A : vector<16xf32> -> vector<16xi32>
      %shift_right_logical3A = arith.constant 1 : i32
      %shift_right_logical3A_364 = vector.broadcast %shift_right_logical3A : i32 to vector<16xi32>
      %shift_right_logical3A_365 = arith.shrui %bitcast_convert_type3A, %shift_right_logical3A_364 : vector<16xi32>
      %sub3A = arith.constant 1597463007 : i32
      %sub3A_366 = vector.broadcast %sub3A : i32 to vector<16xi32>
      %sub3A_367 = arith.subi %sub3A_366, %shift_right_logical3A_365 : vector<16xi32>
      %bitcast_convert_type3A_368 = tpu.bitcast %sub3A_367 : vector<16xi32> -> vector<16xf32>
      %mul3A_369 = arith.constant 5.000000e-01 : f32
      %mul3A_370 = vector.broadcast %mul3A_369 : f32 to vector<16xf32>
      %mul3A_371 = arith.mulf %mul3A_370, %max3A : vector<16xf32>
      %mul3A_372 = arith.mulf %mul3A_371, %bitcast_convert_type3A_368 : vector<16xf32>
      %mul3A_373 = arith.mulf %mul3A_372, %bitcast_convert_type3A_368 : vector<16xf32>
      %sub3A_374 = arith.constant 1.500000e+00 : f32
      %sub3A_375 = vector.broadcast %sub3A_374 : f32 to vector<16xf32>
      %sub3A_376 = arith.subf %sub3A_375, %mul3A_373 : vector<16xf32>
      %mul3A_377 = arith.mulf %bitcast_convert_type3A_368, %sub3A_376 : vector<16xf32>
      %mul3A_378 = arith.mulf %mul3A_371, %mul3A_377 : vector<16xf32>
      %mul3A_379 = arith.mulf %mul3A_378, %mul3A_377 : vector<16xf32>
      %sub3A_380 = arith.constant 1.500000e+00 : f32
      %sub3A_381 = vector.broadcast %sub3A_380 : f32 to vector<16xf32>
      %sub3A_382 = arith.subf %sub3A_381, %mul3A_379 : vector<16xf32>
      %mul3A_383 = arith.mulf %mul3A_377, %sub3A_382 : vector<16xf32>
      %mul3A_384 = arith.mulf %mul3A_371, %mul3A_383 : vector<16xf32>
      %mul3A_385 = arith.mulf %mul3A_384, %mul3A_383 : vector<16xf32>
      %sub3A_386 = arith.constant 1.500000e+00 : f32
      %sub3A_387 = vector.broadcast %sub3A_386 : f32 to vector<16xf32>
      %sub3A_388 = arith.subf %sub3A_387, %mul3A_385 : vector<16xf32>
      %mul3A_389 = arith.mulf %mul3A_383, %sub3A_388 : vector<16xf32>
      %mul3A_390 = arith.mulf %add3A_358, %mul3A_389 : vector<16xf32>
      %swap3A = arith.index_cast %add3A_127 : i32 to index
      %swap3A_391 = tpu.vector_load %arg12[%swap3A] {strides = array<i32>} : memref<512xf32, #tpu.memory_space<vmem>>, vector<16xf32>,
      tpu.vector_store %arg12[%swap3A], %mul3A_390 {strides = array<i32>} : memref<512xf32, #tpu.memory_space<vmem>>, vector<16xf32>,
      %scan3A_392 = arith.constant 0 : i32
      scf.yield %scan3A_392 : i32
    }
    %scan3A_117 = arith.constant 8 : i32
    "tpu.region"() ({
      %run_scoped3A = tpu.sem_alloc : memref<!tpu.dma_semaphore, #tpu.memory_space<semaphore_mem>>
      %dma_start3A_118 = tpu.memref_slice %arg4[%mul3A_2] : memref<16384xf32, #tpu.memory_space<hbm>> -> memref<512xf32, #tpu.memory_space<hbm>>
      %dma_start3A_119 = tpu.memref_slice %arg4[%mul3A_2] : memref<16384xf32, #tpu.memory_space<hbm>> -> memref<512xf32, #tpu.memory_space<hbm>>
      tpu.enqueue_dma source(%arg12 : memref<512xf32, #tpu.memory_space<vmem>>) target(%dma_start3A_119 : memref<512xf32, #tpu.memory_space<hbm>>) target_semaphore(%run_scoped3A : memref<!tpu.dma_semaphore, #tpu.memory_space<semaphore_mem>>)
      %dma_wait3A_120 = tpu.memref_slice %arg4[%mul3A_2] : memref<16384xf32, #tpu.memory_space<hbm>> -> memref<512xf32, #tpu.memory_space<hbm>>
      %dma_wait3A_121 = tpu.memref_slice %arg4[%mul3A_2] : memref<16384xf32, #tpu.memory_space<hbm>> -> memref<512xf32, #tpu.memory_space<hbm>>
      tpu.wait_dma2 semaphore(%run_scoped3A : memref<!tpu.dma_semaphore, #tpu.memory_space<semaphore_mem>>) src(%arg12 : memref<512xf32, #tpu.memory_space<vmem>>) dst(%dma_wait3A_121 : memref<512xf32, #tpu.memory_space<hbm>>)
      tpu.yield
    }) : () -> ()
    return
  }
}

</mosaic_0001>

<sc_bundles>
// kernel: kernel.3.cloned.1.call-start
scs
__scs_entry_jumppad:
0x0: {  	(pc) =	sbr.rel $0x88, $3  }
0x1: {  	(tag) =	ssettag $0x0;
	lr =	simm.s32 $0x1  }
0x2: {  	[smem:$0x3F9F] =	sst lr;
	_ =	strace $0xD0000000  }
0x3: {  	_ = 	snop  }
0x4: {  	_ = 	snop  }
0x5: {  	_ = 	snop  }
0x6: {  	_ = 	snop  }
0x7: {  	_ = 	snop  }
__scs_overlays_trampoline_lowered:
0x8: {  	[smem:$0x3FAE] =	sst s0  }
0x9: {  	[smem:$0x3FAF] =	sst s1  }
0xa: {  	[smem:$0x3FB0] =	sst s2  }
0xb: {  	[smem:$0x3FB1] =	sst s3  }
0xc: {  	[smem:$0x3FB2] =	sst s4  }
0xd: {  	[smem:$0x3FB3] =	sst s5  }
0xe: {  	[smem:$0x3FB4] =	sst s6  }
0xf: {  	[smem:$0x3FB5] =	sst s7  }
0x10: {  	[smem:$0x3FB6] =	sst s8  }
0x11: {  	[smem:$0x3FB7] =	sst s9;
	s0 =	simm.s32 @!p0 $0x0  }
0x12: {  	s1 =	sld [smem:$0x3F9D];
	s0 =	simm.s32 @p0 $0x1  }
0x13: {  	[smem:$0x3FB8] =	sst s0;
	s0 =	simm.s32 @!p1 $0x0  }
0x14: {  	s2 =	sld [smem:$0x3F9C];
	s0 =	simm.s32 @p1 $0x1  }
0x15: {  	[smem:$0x3FB9] =	sst s0;
	s0 =	simm.s32 @!p2 $0x0  }
0x16: {  	s3 =	sld [smem:$0x3FDB];
	s0 =	simm.s32 @p2 $0x1  }
0x17: {  	s4 =	simm.s32 $0x1BF5;
	[smem:$0x3FBB] =	sst s0  }
0x18: {  	s0 =	sld [smem:$0x3F9E];
	_ =	swait.ge [sflag:s4], $0x0  }
0x19: {  	s7 =	sld [smem:$0x3F9F]  }
0x1a: {  	s8 =	sadd.s32 $0xFFFFE003, lr  }
0x1b: {  	s9 =	sadd.s32 $0xFFFFFEF7, lr;
	s5 =	simm.s32 $0xFFFFFFFF;
	p2 =	slt.u32 s8, $0xFFFFF086  }
0x1c: {  	p1 =	slt.u32 s9, $0xF7A;
	s5 =	simm.s32 @!p2 $0x0  }
0x1d: {  	s5 =	simm.s32 @p1 $0x1;
	p0 =	seq.s32 s7, s2  }
0x1e: {  	s7 =	smul.u32 @!p0 $0xF7A, s2;
	p2 =	seq.s32 @!p0 s5, $0x0  }
0x1f: {  	s9 =	smul.u32 $0xF7A, s1;
	s8 =	simm.s32 @!p0 $0x1BF5;
	p2 =	por !p2, p0  }
0x20: {  	[sflag:s8] =	ssyncset.s32 @!p0 $0xFFFFF086;
	s6 =	sadd.s32 @!p0 s3, s7;
	s7 =	simm.s32 @!p0 $0x108  }
0x21: {  	s3 =	sadd.s32 s3, s9;
	s6 =	sadd.s32 @!p0 $0x88, s6;
	s7 =	simm.s32 @p2 $0x1082  }
0x22: {  	[simem:s7], [sflag:s8] =	dma.local @!p0 [hbm:s6], $0xF7A  }
0x23: {  	s9 =	sor.u32 $0xD0000000, s2;
	s6 =	simm.s32 $0x108;
	_ =	swait.ge @!p0 [sflag:s8], $0x0  }
0x24: {  	s3 =	sadd.s32 $0x88, s3;
	s6 =	simm.s32 @!p1 $0x1082;
	[sflag:s4] =	ssyncset.s32 $0xFFFFF086  }
0x25: {  	[simem:s6], [sflag:s4] =	dma.local [hbm:s3], $0xF7A  }
0x26: {  	[smem:$0x3F9F] =	sst s1;
	(tag) =	ssettag s2;
	_ =	strace s9  }
0x27: {  	s1 =	sld [smem:$0x3FAF]  }
0x28: {  	s2 =	sld [smem:$0x3FB0]  }
0x29: {  	s4 =	sld [smem:$0x3FB2]  }
0x2a: {  	p0 =	seq.s32 s5, $0x0;
	s5 =	sld [smem:$0x3FB3]  }
0x2b: {  	s6 =	sld [smem:$0x3FB4]  }
0x2c: {  	s7 =	sld [smem:$0x3FB5]  }
0x2d: {  	s3 =	simm.s32 $0x108;
	s8 =	sld [smem:$0x3FB6]  }
0x2e: {  	s3 =	simm.s32 @!p0 $0x1082;
	s9 =	sld [smem:$0x3FB7]  }
0x2f: {  	lr =	sadd.s32 s0, s3;
	s0 =	sld [smem:$0x3FAE]  }
0x30: {  	s3 =	sld [smem:$0x3FB1]  }
0x31: {  	[smem:$0x3FBA] =	sst s10  }
0x32: {  	s10 =	sld [smem:$0x3FB8];
	_ =	sdelay $0x3  }
0x33: {  	p0 =	seq.s32 s10, $0x1;
	s10 =	sld [smem:$0x3FBA];
	_ =	sdelay $0x3  }
0x34: {  	[smem:$0x3FBA] =	sst s10  }
0x35: {  	s10 =	sld [smem:$0x3FB9];
	_ =	sdelay $0x3  }
0x36: {  	p1 =	seq.s32 s10, $0x1;
	s10 =	sld [smem:$0x3FBA];
	_ =	sdelay $0x3  }
0x37: {  	[smem:$0x3FBA] =	sst s10  }
0x38: {  	s10 =	sld [smem:$0x3FBB]  }
0x39: {  	_ = 	snop;
	(pc) =	sbr.ind lr, $3  }
0x3a: {  	_ = 	snop  }
0x3b: {  	_ = 	snop  }
0x3c: {  	p2 =	seq.s32 s10, $0x1;
	s10 =	sld [smem:$0x3FBA]  }
0x3d: {  	_ =	shalt  }
0x3e: {  	_ =	shalt  }
0x3f: {  	_ =	shalt  }
0x40: {  	_ =	shalt  }
0x41: {  	_ =	shalt  }
0x42: {  	_ =	shalt  }
0x43: {  	_ =	shalt  }
0x44: {  	_ =	shalt  }
0x45: {  	_ =	shalt  }
0x46: {  	_ =	shalt  }
0x47: {  	_ =	shalt  }
0x48: {  	_ =	shalt  }
0x49: {  	_ =	shalt  }
0x4a: {  	_ =	shalt  }
0x4b: {  	_ =	shalt  }
0x4c: {  	_ =	shalt  }
0x4d: {  	_ =	shalt  }
0x4e: {  	_ =	shalt  }
0x4f: {  	_ =	shalt  }
0x50: {  	_ =	shalt  }
0x51: {  	_ =	shalt  }
0x52: {  	_ =	shalt  }
0x53: {  	_ =	shalt  }
0x54: {  	_ =	shalt  }
0x55: {  	_ =	shalt  }
0x56: {  	_ =	shalt  }
0x57: {  	_ =	shalt  }
0x58: {  	_ =	shalt  }
0x59: {  	_ =	shalt  }
0x5a: {  	_ =	shalt  }
0x5b: {  	_ =	shalt  }
0x5c: {  	_ =	shalt  }
0x5d: {  	_ =	shalt  }
0x5e: {  	_ =	shalt  }
0x5f: {  	_ =	shalt  }
0x60: {  	_ =	shalt  }
0x61: {  	_ =	shalt  }
0x62: {  	_ =	shalt  }
0x63: {  	_ =	shalt  }
0x64: {  	_ =	shalt  }
0x65: {  	_ =	shalt  }
0x66: {  	_ =	shalt  }
0x67: {  	_ =	shalt  }
0x68: {  	_ =	shalt  }
0x69: {  	_ =	shalt  }
0x6a: {  	_ =	shalt  }
0x6b: {  	_ =	shalt  }
0x6c: {  	_ =	shalt  }
0x6d: {  	_ =	shalt  }
0x6e: {  	_ =	shalt  }
0x6f: {  	_ =	shalt  }
0x70: {  	_ =	shalt  }
0x71: {  	_ =	shalt  }
0x72: {  	_ =	shalt  }
0x73: {  	_ =	shalt  }
0x74: {  	_ =	shalt  }
0x75: {  	_ =	shalt  }
0x76: {  	_ =	shalt  }
0x77: {  	_ =	shalt  }
0x78: {  	_ =	shalt  }
0x79: {  	_ =	shalt  }
0x7a: {  	_ =	shalt  }
0x7b: {  	_ =	shalt  }
0x7c: {  	_ =	shalt  }
0x7d: {  	_ =	shalt  }
0x7e: {  	_ =	shalt  }
0x7f: {  	_ =	shalt  }
0x80: {  	_ =	shalt  }
0x81: {  	_ =	shalt  }
0x82: {  	_ =	shalt  }
0x83: {  	_ =	shalt  }
0x84: {  	_ =	shalt  }
0x85: {  	_ =	shalt  }
0x86: {  	_ =	shalt  }
0x87: {  	_ =	shalt  }
.Lfunc_end0:
.L_simem_size_0:
called_computation.2_lowered:
.L_overlay_start_0:
0x88: {  	s2 =	sld [smem:$0x3FD9]  }
0x89: {  	s3 =	sld [smem:$0x3FFE];
	_ =	sdelay $0x1  }
0x8a: {  	s1 =	srdreg.scid  }
0x8b: {  	s0 =	sand.u32 $0x1, s1  }
0x8c: {  	s17 =	sshll.u32 s0, $0xA;
	s2 =	sadd.s32 s3, s2  }
0x8d: {  	s2 =	sadd.s32 s2, s17  }
0x8e: {  	[smem:$0x3FC6] =	sst s2  }
0x8f: {  	_ = 	snop  }
0x90: {  	s2 =	sld [smem:$0x3FD0];
	(tm) =	ssettm $0x1  }
0x91: {  	s18 =	sld [smem:$0x3FFB];
	_ =	sdelay $0x3  }
0x92: {  	_ =	strace s18  }
0x93: {  	s3 =	sld [smem:$0x3FFC];
	_ =	sdelay $0x3  }
0x94: {  	_ =	strace s3  }
0x95: {  	s3 =	sld [smem:$0x3FFD];
	_ =	sdelay $0x3  }
0x96: {  	_ =	strace s3  }
0x97: {  	_ =	strace $0x8FFFFFFF  }
0x98: {  	s19 =	sld [smem:$0x3FDB];
	_ =	sdelay $0x1  }
0x99: {  	s4 =	simm.s32 $_scs_section_size  }
0x9a: {  	s5 =	simm.s32 $_size__tile_overlayer_lowered;
	s6 =	simm.s32 $_tile_overlayer_lowered  }
0x9b: {  	s22 =	simm.s32 $0x1BFF;
	s21 =	sshll.u32 s6, $0x1;
	s3 =	sadd.s32 s4, s19  }
0x9c: {  	s7 =	simm.s32 $0x0;
	s20 =	sshll.u32 s5, $0x1;
	s5 =	sadd.s32 s21, s3  }
0x9d: {  	[timem:s7], [sflag:s22] =	dma.local [hbm:s5], s20  }
0x9e: {  	_ =	swait.ge [sflag:s22], s20  }
0x9f: {  	s4 =	ssub.s32 $0x0, s20;
	[sflag:s22] =	ssyncset.done $0x0  }
0xa0: {  	[sflag:s22] =	ssyncadd.s32 s4;
	_ =	sdelay $0x1  }
0xa1: {  	s23 =	simm.s32 $0x1B8B  }
0xa2: {  	_ =	swait.ge [sflag:s23], $0x1  }
0xa3: {  	[sflag:s23] =	ssyncset.done $0x0  }
0xa4: {  	s25 =	simm.s32 $0x1B8E;
	s24 =	sld [smem:$0x3FFE];
	[sflag:s23] =	ssyncadd.s32 $0xFFFFFFFF  }
0xa5: {  	s26 =	simm.s32 $execute0_lowered;
	[smem:$0x3FD2] =	sst s25  }
0xa6: {  	s5 =	sshll.u32 s26, $0x1;
	_ =	strace $0x8000004C;
	[dreg:$0x1] =	wrdreg $0xFFFFFFFF  }
0xa7: {  	s28 =	simm.s32 $_size_execute0_lowered;
	s3 =	sadd.s32 s3, s5;
	[dreg:$0x0] =	wrdreg $0x0  }
0xa8: {  	s5 =	sshll.u32 s28, $0x1;
	[dreg:$0x2] =	wrdreg s3  }
0xa9: {  	[dreg:$0x3] =	wrdreg s5  }
0xaa: {  	[dreg:$0x4] =	wrdreg $0xC0  }
0xab: {  	_ =	task [dreg:s7], $0x5FFFF  }
0xac: {  	[dreg:$0x1] =	wrdreg $0xFFFFFFFF  }
0xad: {  	[dreg:$0x0] =	wrdreg $0x60  }
0xae: {  	[dreg:$0x2] =	wrdreg s24  }
0xaf: {  	[dreg:$0x3] =	wrdreg s2  }
0xb0: {  	[dreg:$0x4] =	wrdreg $0x9  }
0xb1: {  	_ =	task.clear_ibuf [dreg:s7], $0x5FFFF;
	_ =	strace $0x9000004C  }
0xb2: {  	s29 =	simm.s32 $0x9;
	_ =	strace $0x8000004E  }
0xb3: {  	_ =	swait.ge [sflag:s29], $0x1  }
0xb4: {  	[sflag:s29] =	ssyncadd.s32 $0xFFFFFFFF  }
0xb5: {  	_ =	strace $0x9000004E  }
0xb6: {  	_ =	sfence  }
0xb7: {  	s30 =	sld [smem:$0x0];
	_ =	sdelay $0x2  }
0xb8: {  	s31 =	sshll.u32 s1, $0xD;
	s1 =	sshrl.u32 s1, $0x2  }
0xb9: {  	s3 =	sand.u32 $0x4000, s31;
	s1 =	sadd.s32 s1, s30  }
0xba: {  	s0 =	sor.u32 s3, s0;
	s1 =	sshll.u32 s1, $0x11  }
0xbb: {  	s0 =	sor.u32 s1, s0  }
0xbc: {  	s0 =	sadd.s32 $0x8F2B, s0  }
0xbd: {  	[sflag:s0] =	ssyncadd.remote.s32 $0x1  }
0xbe: {  	_ =	sfence.sel $0xFFFF  }
0xbf: {  	[dreg:$0x0] =	wrdreg $0xFFFFFFFF;
	(pc) =	sbr.abs _section_cstart, $3  }
0xc0: {  	[dreg:$0x1] =	wrdreg $0xFFFFFFFF  }
0xc1: {  	_ =	task.clear_ibuf [dreg:s7], $0x2FFFF;
	_ =	strace $0x9FFFFFFF  }
0xc2: {  	(tm) =	ssettm $0x7FFFFFFF  }
0xc3: {  	_ =	shalt  }
tec
execute0_lowered:
.L_overlay_start_1:
0x0: {  	(tag) =	ssettag $0x1  }
0x1: {  	s3 =	rddreg [dreg:$0x0];
	s1 =	srdreg.scid  }
0x2: {  	s0 =	stileid.u32;
	s5 =	rddreg [dreg:$0x1]  }
0x3: {  	s2 =	simm.s32 $0x0;
	s9 =	simm.s32 $0x400;
	s10 =	simm.s32 $0xC00  }
0x4: {  	s11 =	simm.s32 $0x600;
	s12 =	simm.s32 $0x4C00;
	s13 =	simm.s32 $0x1  }
0x5: {  	s14 =	simm.s32 $0x800;
	s15 =	simm.s32 $0xA00;
	s16 =	simm.s32 $0x480  }
0x6: {  	s17 =	simm.s32 $0x680;
	s18 =	simm.s32 $0x500;
	s19 =	simm.s32 $0x700  }
0x7: {  	s20 =	simm.s32 $0x580;
	s21 =	simm.s32 $0x780;
	s22 =	simm.s32 $0x8C00  }
0x8: {  	s23 =	simm.s32 $0x0;
	s4 =	sand.u32 $0x1, s1;
	s6 =	sshll.u32 s0, $0x1  }
0x9: {  	[smem:$0x7FF] =	sst s2;
	s6 =	sor.u32 s4, s6;
	s4 =	ssub.s32 $0x2, s4  }
0xa: {  	_ =	strace $0x8000004D;
	s7 =	sshll.u32 s6, $0x7;
	s8 =	sshrl.u32 s4, $0x1  }
0xb: {  	s6 =	sshll.u32 s6, $0x6;
	s7 =	sadd.s32 s7, s3;
	s3 =	sadd.s32 $0xE00, s3  }
0xc: {  	v0 =	vlaneseq.u32;
	s8 =	ssub.s32 s4, s8;
	s5 =	sadd.s32 s5, s6;
	s4 =	sadd.s32 $0x112BA00, s7  }
0xd: {  	v1 =	vmul.u32 $0x2, v0;
	s6 =	smax.u32 s8, $0x1;
	s7 =	simm.s32 $0x2;
	s8 =	simm.s32 $0x80  }
.LBB2_1:
0xe: {  	v2 =	vmov s2  }
0xf: {  	v2 =	vshll.u32 v2, $0x1  }
0x10: {  	v2 =	vor.u32 v1, v2  }
0x11: {  	[tilespmem:s2], [sflag:$0x2] =	stream.linear.gather [hbm4b:s4+s2], $0x400, $0x38;
	[tilespmem:$0x8E00] =	vst v63  }
0x12: {  	_ =	swait.ge [sflag:s7], $0x400  }
0x13: {  	[sflag:s7] =	ssyncset.done $0x0  }
0x14: {  	[sflag:s7] =	ssyncadd.s32 $0xFFFFFC00  }
0x15: {  	v3 =	vld.idx.msk [tilespmem:v2+s2+$0x0], $0xffff;
	_ =	sdelay $0x2  }
0x16: {  	v2 =	vor.u32 $0x1, v2;
	_ =	sdelay $0x1  }
0x17: {  	v4 =	vshrl.u32 v3, $0x3  }
0x18: {  	v3 =	vand.u32 $0x7, v3;
	[tilespmem:s9+$0x0] =	vst v4  }
0x19: {  	[tilespmem:s14+$0x0] =	vst v3  }
0x1a: {  	v3 =	vld.idx.msk [tilespmem:v2+s2+$0x0], $0xffff  }
0x1b: {  	s24 =	simm.s32 $0x10  }
0x1c: {  	v2 =	vmov s24  }
0x1d: {  	v2 =	vshll.u32 v2, $0x1  }
0x1e: {  	v2 =	vor.u32 v1, v2  }
0x1f: {  	s30 =	simm.s32 $0x20;
	s25 =	simm.s32 $0x610;
	s29 =	simm.s32 $0xA00;
	v4 =	vshrl.u32 v3, $0x3  }
0x20: {  	s28 =	simm.s32 $0x400;
	s26 =	simm.s32 $0x800;
	s24 =	simm.s32 $0xA10;
	v3 =	vand.u32 $0x7, v3;
	[tilespmem:s11+$0x0] =	vst v4  }
.LBB2_2:
0x21: {  	s28 =	sadd.s32 $0x10, s28;
	s26 =	sadd.s32 $0x10, s26  }
0x22: {  	[tilespmem:s29+$0x0] =	vst v3;
	s31 =	smov.u32 s30;
	s1 =	sadd.s32 $0x10, s30;
	s29 =	smov.u32 s24  }
0x23: {  	p0 =	sne.s32 s30, $0x1F0;
	v3 =	vld.idx.msk [tilespmem:v2+s2+$0x0], $0xffff;
	_ =	sdelay $0x3  }
0x24: {  	v2 =	vor.u32 $0x1, v2;
	_ =	sdelay $0x1  }
0x25: {  	v4 =	vshrl.u32 v3, $0x3  }
0x26: {  	v3 =	vand.u32 $0x7, v3;
	[tilespmem:s28+$0x0] =	vst v4  }
0x27: {  	[tilespmem:s26+$0x0] =	vst v3  }
0x28: {  	v3 =	vld.idx.msk [tilespmem:v2+s2+$0x0], $0xffff;
	_ =	sdelay $0x1  }
0x29: {  	v2 =	vmov s31  }
.Ltmp0:
0x2a: {  	v2 =	vshll.u32 v2, $0x1;
	(pc) =	sbr.rel @p0 .LBB2_2-.Ltmp0, $3  }
0x2b: {  	v2 =	vor.u32 v1, v2;
	_ =	sdelay $0x1  }
0x2c: {  	v4 =	vshrl.u32 v3, $0x3  }
0x2d: {  	s24 =	sadd.s32 $0x10, s24;
	s30 =	smov.u32 s1;
	v3 =	vand.u32 $0x7, v3;
	[tilespmem:s25+$0x0] =	vst v4;
	s25 =	sadd.s32 $0x10, s25  }
0x2e: {  	_ =	sdelay $0x2  }
0x2f: {  	[tilespmem:s29+$0x0] =	vst v3  }
0x30: {  	v3 =	vld.idx.msk [tilespmem:v2+s2+$0x0], $0xffff;
	_ =	sdelay $0x2  }
0x31: {  	v2 =	vor.u32 $0x1, v2;
	_ =	sdelay $0x1  }
0x32: {  	s1 =	sadd.s32 $0x10, s28;
	v4 =	vshrl.u32 v3, $0x3  }
0x33: {  	s26 =	sadd.s32 $0x10, s26;
	v3 =	vand.u32 $0x7, v3;
	[tilespmem:s1+$0x0] =	vst v4  }
0x34: {  	[tilespmem:s26+$0x0] =	vst v3  }
0x35: {  	v2 =	vld.idx.msk [tilespmem:v2+s2+$0x0], $0xffff;
	_ =	sdelay $0x4  }
0x36: {  	v3 =	vshrl.u32 v2, $0x3  }
0x37: {  	v2 =	vand.u32 $0x7, v2;
	[tilespmem:s25+$0x0] =	vst v3  }
0x38: {  	[tilespmem:s24+$0x0] =	vst v2  }
0x39: {  	[tilespmem:s10], [sflag:$0x1] =	stream.indirect.gather [hbm4b:s3+s8], $0x80, s9, s8, $0xb8;
	[tilespmem:$0x8E00] =	vst v63  }
0x3a: {  	_ = 	snop  }
0x3b: {  	[tilespmem:s12], [sflag:$0x1] =	stream.indirect.gather [hbm4b:s3+s8], $0x80, s11, s8, $0xb8;
	[tilespmem:$0x8E00] =	vst v63  }
0x3c: {  	s30 =	simm.s32 $0x0;
	_ =	swait.ge [sflag:s13], $0x4000  }
0x3d: {  	v14 =	vor.u32 s30, v0;
	[sflag:s13] =	ssyncset.done $0x0  }
0x3e: {  	[sflag:s13] =	ssyncadd.s32 $0xFFFFC000  }
0x3f: {  	_ =	swait.ge [sflag:s13], $0x4000  }
0x40: {  	[sflag:s13] =	ssyncset.done $0x0  }
0x41: {  	[sflag:s13] =	ssyncadd.s32 $0xFFFFC000  }
0x42: {  	v8 =	vld.idx.msk [tilespmem:v14+s15+$0x0], $0xffff;
	_ =	sdelay $0x3  }
0x43: {  	v6 =	vshll.u32 v14, $0x7;
	v28 =	vld.idx.msk [tilespmem:v14+s14+$0x0], $0xffff  }
0x44: {  	v10 =	vadd.s32 $0x78, v8;
	v2 =	vand.u32 $0xFFFFFF80, v8;
	v3 =	vadd.s32 $0x8, v8  }
0x45: {  	v4 =	vand.u32 $0x7F, v8;
	v7 =	vadd.s32 $0x10, v8;
	v15 =	vadd.s32 $0x60, v8  }
0x46: {  	v9 =	vadd.s32 $0x20, v8;
	v11 =	vadd.s32 $0x68, v8;
	v13 =	vadd.s32 $0x28, v8  }
0x47: {  	v16 =	vadd.s32 $0x70, v8;
	v17 =	vadd.s32 $0x30, v8;
	v18 =	vadd.s32 $0x58, v8  }
0x48: {  	v22 =	vadd.s32 $0x50, v8;
	v23 =	vadd.s32 $0x40, v8;
	v29 =	vadd.s32 $0x18, v28  }
0x49: {  	v30 =	vadd.s32 $0x58, v28;
	v31 =	vadd.s32 $0x20, v28;
	v32 =	vadd.s32 $0x50, v28  }
0x4a: {  	v33 =	vadd.s32 $0x28, v28;
	v2 =	vadd.s32 v6, v2;
	v5 =	vand.u32 $0xFFFFFF80, v3  }
0x4b: {  	v3 =	vand.u32 $0x7F, v3;
	v5 =	vadd.s32 v6, v5;
	v2 =	vor.u32 v4, v2  }
0x4c: {  	v34 =	vadd.s32 $0x48, v28;
	v4 =	vor.u32 v3, v5;
	v3 =	vand.u32 $0xFFFFFF80, v7  }
0x4d: {  	v5 =	vand.u32 $0x7F, v7;
	v7 =	vadd.s32 $0x18, v8;
	v3 =	vadd.s32 v6, v3  }
0x4e: {  	v35 =	vadd.s32 $0x30, v28;
	v5 =	vor.u32 v5, v3;
	v3 =	vand.u32 $0xFFFFFF80, v7  }
0x4f: {  	v36 =	vadd.s32 $0x40, v28;
	v7 =	vand.u32 $0x7F, v7;
	v3 =	vadd.s32 v6, v3  }
0x50: {  	v12 =	vand.u32 $0xFFFFFF80, v9;
	v9 =	vand.u32 $0x7F, v9;
	v7 =	vor.u32 v7, v3;
	v3 =	vld.idx.msk [tilespmem:v2+s12+$0x0], $0xffff  }
0x51: {  	v25 =	vand.u32 $0xFFFFFF80, v11;
	v26 =	vand.u32 $0x7F, v11;
	v12 =	vadd.s32 v6, v12;
	v2 =	vld.idx.msk [tilespmem:v4+s12+$0x0], $0xffff  }
0x52: {  	v27 =	vand.u32 $0xFFFFFF80, v18;
	v9 =	vor.u32 v9, v12;
	v4 =	vand.u32 $0xFFFFFF80, v13  }
0x53: {  	v12 =	vand.u32 $0x7F, v13;
	v13 =	vadd.s32 v6, v4;
	v4 =	vld.idx.msk [tilespmem:v5+s12+$0x0], $0xffff;
	v5 =	vand.u32 $0xFFFFFF80, v17  }
0x54: {  	v12 =	vor.u32 v12, v13;
	v17 =	vand.u32 $0x7F, v17;
	v19 =	vadd.s32 v6, v5  }
0x55: {  	v18 =	vand.u32 $0x7F, v18;
	v13 =	vadd.s32 $0x38, v8;
	v5 =	vld.idx.msk [tilespmem:v7+s12+$0x0], $0xffff;
	v17 =	vor.u32 v17, v19  }
0x56: {  	v7 =	vand.u32 $0xFFFFFF80, v13;
	v19 =	vmul.f32 v3, v3;
	v20 =	vmul.f32 v2, v2  }
0x57: {  	v13 =	vand.u32 $0x7F, v13;
	v21 =	vadd.s32 v6, v7;
	v7 =	vld.idx.msk [tilespmem:v9+s12+$0x0], $0xffff;
	v9 =	vand.u32 $0xFFFFFF80, v23  }
0x58: {  	v21 =	vor.u32 v13, v21;
	v13 =	vadd.f32 v20, v19;
	v19 =	vmul.f32 v4, v4  }
0x59: {  	v23 =	vand.u32 $0x7F, v23;
	v9 =	vadd.s32 v6, v9;
	v20 =	vadd.s32 $0x48, v8;
	v8 =	vld.idx.msk [tilespmem:v12+s12+$0x0], $0xffff  }
0x5a: {  	v23 =	vor.u32 v23, v9;
	v13 =	vadd.f32 v19, v13;
	v19 =	vmul.f32 v5, v5  }
0x5b: {  	v12 =	vand.u32 $0x7F, v10;
	v24 =	vand.u32 $0xFFFFFF80, v20;
	v20 =	vand.u32 $0x7F, v20;
	v9 =	vld.idx.msk [tilespmem:v17+s12+$0x0], $0xffff  }
0x5c: {  	v17 =	vadd.s32 v6, v24;
	v24 =	vmul.f32 v7, v7;
	v19 =	vadd.f32 v19, v13  }
0x5d: {  	v17 =	vor.u32 v20, v17;
	v20 =	vand.u32 $0x7F, v16;
	v13 =	vand.u32 $0xFFFFFF80, v10;
	v10 =	vld.idx.msk [tilespmem:v21+s12+$0x0], $0xffff  }
0x5e: {  	v16 =	vand.u32 $0xFFFFFF80, v16;
	v21 =	vmul.f32 v8, v8;
	v19 =	vadd.f32 v24, v19  }
0x5f: {  	v11 =	vld.idx.msk [tilespmem:v23+s12+$0x0], $0xffff;
	v23 =	vand.u32 $0x7F, v22;
	v22 =	vand.u32 $0xFFFFFF80, v22;
	v24 =	vand.u32 $0x7F, v15  }
0x60: {  	v15 =	vand.u32 $0xFFFFFF80, v15;
	v19 =	vadd.f32 v21, v19;
	v21 =	vmul.f32 v9, v9  }
0x61: {  	v16 =	vadd.s32 v6, v16;
	v22 =	vadd.s32 v6, v22;
	v15 =	vadd.s32 v6, v15  }
0x62: {  	v15 =	vor.u32 v24, v15;
	v14 =	vadd.f32 v21, v19;
	v19 =	vmul.f32 v10, v10  }
0x63: {  	v24 =	vand.u32 $0x7F, v28;
	v21 =	vadd.s32 v6, v25;
	v25 =	vadd.s32 v6, v27  }
0x64: {  	v27 =	vmul.f32 v11, v11;
	v19 =	vadd.f32 v19, v14;
	v14 =	vor.u32 v20, v16  }
0x65: {  	v16 =	vor.u32 v18, v25;
	v20 =	vor.u32 v23, v22;
	v23 =	vand.u32 $0xFFFFFF80, v28  }
0x66: {  	v18 =	vor.u32 v26, v21;
	v25 =	vadd.s32 $0x8, v28;
	v23 =	vadd.s32 v6, v23  }
0x67: {  	v26 =	vand.u32 $0xFFFFFF80, v25;
	v19 =	vadd.f32 v27, v19;
	v27 =	vadd.s32 $0x10, v28  }
0x68: {  	v23 =	vor.u32 v24, v23;
	v24 =	vand.u32 $0x7F, v25;
	v25 =	vadd.s32 v6, v26  }
0x69: {  	v37 =	vadd.s32 $0x38, v28;
	v24 =	vor.u32 v24, v25;
	v25 =	vand.u32 $0xFFFFFF80, v27  }
0x6a: {  	v55 =	vand.u32 $0xFFFFFF80, v31;
	v27 =	vand.u32 $0x7F, v27;
	v25 =	vadd.s32 v6, v25  }
0x6b: {  	v31 =	vand.u32 $0x7F, v31;
	v25 =	vor.u32 v27, v25;
	v27 =	vand.u32 $0xFFFFFF80, v29  }
0x6c: {  	v56 =	vand.u32 $0xFFFFFF80, v33;
	v29 =	vand.u32 $0x7F, v29;
	v27 =	vadd.s32 v6, v27  }
0x6d: {  	v33 =	vand.u32 $0x7F, v33;
	v57 =	vand.u32 $0xFFFFFF80, v35;
	v27 =	vor.u32 v29, v27;
	v23 =	vld.idx.msk [tilespmem:v23+s10+$0x0], $0xffff  }
0x6e: {  	v35 =	vand.u32 $0x7F, v35;
	v58 =	vand.u32 $0xFFFFFF80, v37;
	v29 =	vadd.s32 v6, v55;
	v24 =	vld.idx.msk [tilespmem:v24+s10+$0x0], $0xffff  }
0x6f: {  	v37 =	vand.u32 $0x7F, v37;
	v59 =	vand.u32 $0xFFFFFF80, v36;
	v29 =	vor.u32 v31, v29  }
0x70: {  	v36 =	vand.u32 $0x7F, v36;
	v61 =	vand.u32 $0xFFFFFF80, v34;
	v31 =	vadd.s32 v6, v56;
	v25 =	vld.idx.msk [tilespmem:v25+s10+$0x0], $0xffff  }
0x71: {  	v34 =	vand.u32 $0x7F, v34;
	v63 =	vand.u32 $0xFFFFFF80, v32;
	v31 =	vor.u32 v33, v31  }
0x72: {  	v32 =	vand.u32 $0x7F, v32;
	v43 =	vand.u32 $0xFFFFFF80, v30;
	v33 =	vadd.s32 v6, v57;
	v27 =	vld.idx.msk [tilespmem:v27+s10+$0x0], $0xffff  }
0x73: {  	v33 =	vor.u32 v35, v33;
	v38 =	vmul.f32 v23, v23;
	v39 =	vmul.f32 v24, v24  }
0x74: {  	v30 =	vand.u32 $0x7F, v30;
	v13 =	vadd.s32 v6, v13;
	v35 =	vadd.s32 v6, v58;
	v29 =	vld.idx.msk [tilespmem:v29+s10+$0x0], $0xffff  }
0x75: {  	v35 =	vor.u32 v37, v35;
	v38 =	vadd.f32 v39, v38;
	v60 =	vmul.f32 v25, v25  }
0x76: {  	v21 =	vadd.s32 $0x68, v28;
	v22 =	vadd.s32 $0x70, v28;
	v37 =	vadd.s32 v6, v59;
	v31 =	vld.idx.msk [tilespmem:v31+s10+$0x0], $0xffff  }
0x77: {  	v36 =	vor.u32 v36, v37;
	v38 =	vadd.f32 v60, v38;
	v62 =	vmul.f32 v27, v27  }
0x78: {  	v47 =	vand.u32 $0xFFFFFF80, v21;
	v21 =	vand.u32 $0x7F, v21;
	v37 =	vadd.s32 v6, v61;
	v33 =	vld.idx.msk [tilespmem:v33+s10+$0x0], $0xffff  }
0x79: {  	v34 =	vor.u32 v34, v37;
	v42 =	vmul.f32 v29, v29;
	v38 =	vadd.f32 v62, v38  }
0x7a: {  	v49 =	vand.u32 $0xFFFFFF80, v22;
	v26 =	vadd.s32 $0x60, v28;
	v37 =	vadd.s32 v6, v63;
	v35 =	vld.idx.msk [tilespmem:v35+s10+$0x0], $0xffff  }
0x7b: {  	v17 =	vld.idx.msk [tilespmem:v17+s12+$0x0], $0xffff;
	v32 =	vor.u32 v32, v37;
	v44 =	vmul.f32 v31, v31;
	v38 =	vadd.f32 v42, v38  }
0x7c: {  	v22 =	vand.u32 $0x7F, v22;
	v45 =	vand.u32 $0xFFFFFF80, v26;
	v37 =	vadd.s32 v6, v43;
	v36 =	vld.idx.msk [tilespmem:v36+s10+$0x0], $0xffff  }
0x7d: {  	v30 =	vor.u32 v30, v37;
	v46 =	vmul.f32 v33, v33;
	v38 =	vadd.f32 v44, v38  }
0x7e: {  	v28 =	vadd.s32 $0x78, v28;
	v26 =	vand.u32 $0x7F, v26;
	v37 =	vadd.s32 v6, v45;
	v34 =	vld.idx.msk [tilespmem:v34+s10+$0x0], $0xffff  }
0x7f: {  	v20 =	vld.idx.msk [tilespmem:v20+s12+$0x0], $0xffff;
	v26 =	vor.u32 v26, v37;
	v48 =	vmul.f32 v35, v35;
	v38 =	vadd.f32 v46, v38  }
0x80: {  	v51 =	vmul.f32 v17, v17;
	v52 =	vand.u32 $0xFFFFFF80, v28;
	v37 =	vadd.s32 v6, v47;
	v32 =	vld.idx.msk [tilespmem:v32+s10+$0x0], $0xffff  }
0x81: {  	v16 =	vld.idx.msk [tilespmem:v16+s12+$0x0], $0xffff;
	v21 =	vor.u32 v21, v37;
	v50 =	vmul.f32 v36, v36;
	v38 =	vadd.f32 v48, v38  }
0x82: {  	v28 =	vand.u32 $0x7F, v28;
	v37 =	vadd.s32 v6, v49;
	v6 =	vadd.s32 v6, v52;
	v30 =	vld.idx.msk [tilespmem:v30+s10+$0x0], $0xffff  }
0x83: {  	v15 =	vld.idx.msk [tilespmem:v15+s12+$0x0], $0xffff;
	v22 =	vor.u32 v22, v37;
	v53 =	vmul.f32 v34, v34;
	v38 =	vadd.f32 v50, v38  }
0x84: {  	v12 =	vor.u32 v12, v13;
	v19 =	vadd.f32 v51, v19;
	v6 =	vor.u32 v28, v6;
	v13 =	vld.idx.msk [tilespmem:v26+s10+$0x0], $0xffff  }
0x85: {  	v18 =	vld.idx.msk [tilespmem:v18+s12+$0x0], $0xffff;
	v26 =	vmul.f32 v20, v20;
	v55 =	vmul.f32 v32, v32;
	v54 =	vadd.f32 v53, v38  }
0x86: {  	v56 =	vmul.f32 v16, v16;
	v21 =	vld.idx.msk [tilespmem:v21+s10+$0x0], $0xffff  }
0x87: {  	v14 =	vld.idx.msk [tilespmem:v14+s12+$0x0], $0xffff;
	v19 =	vadd.f32 v26, v19;
	v26 =	vmul.f32 v30, v30;
	v28 =	vadd.f32 v55, v54  }
0x88: {  	v57 =	vmul.f32 v15, v15;
	v22 =	vld.idx.msk [tilespmem:v22+s10+$0x0], $0xffff  }
0x89: {  	v12 =	vld.idx.msk [tilespmem:v12+s12+$0x0], $0xffff;
	v19 =	vadd.f32 v56, v19;
	v58 =	vmul.f32 v13, v13;
	v26 =	vadd.f32 v26, v28  }
0x8a: {  	v59 =	vmul.f32 v18, v18;
	v6 =	vld.idx.msk [tilespmem:v6+s10+$0x0], $0xffff  }
0x8b: {  	v19 =	vadd.f32 v57, v19;
	v60 =	vmul.f32 v21, v21;
	v26 =	vadd.f32 v58, v26  }
0x8c: {  	v61 =	vmul.f32 v14, v14  }
0x8d: {  	v62 =	vmul.f32 v22, v22;
	v19 =	vadd.f32 v59, v19;
	v26 =	vadd.f32 v60, v26  }
0x8e: {  	v3 =	vmul.f32 v3, v23;
	v23 =	vmul.f32 v12, v12  }
0x8f: {  	v63 =	vmul.f32 v6, v6;
	v19 =	vadd.f32 v61, v19;
	v26 =	vadd.f32 v62, v26  }
0x90: {  	v2 =	vmul.f32 v2, v24;
	v3 =	vadd.f32 $0.0e+00, v3  }
0x91: {  	v19 =	vadd.f32 v23, v19;
	v24 =	vadd.f32 v63, v26  }
0x92: {  	v2 =	vadd.f32 v2, v3;
	v3 =	vmul.f32 v4, v25  }
0x93: {  	v4 =	vmul.f32 v19, v24  }
0x94: {  	v2 =	vadd.f32 v3, v2;
	v3 =	vmul.f32 v5, v27  }
0x95: {  	v5 =	vmul.f32 v7, v29;
	v4 =	vmax.f32 v4, $1.000000020e-16  }
0x96: {  	v2 =	vadd.f32 v3, v2;
	v3 =	vshrl.u32 v4, $0x1;
	v4 =	vmul.f32 $5.000000000e-01, v4  }
0x97: {  	v3 =	vsub.s32 $0x5F3759DF, v3  }
0x98: {  	v2 =	vadd.f32 v5, v2;
	v5 =	vmul.f32 v8, v31;
	v7 =	vmul.f32 v3, v4;
	_ =	sdelay $0x1  }
0x99: {  	v2 =	vadd.f32 v5, v2;
	v5 =	vmul.f32 v9, v33;
	v7 =	vmul.f32 v3, v7;
	_ =	sdelay $0x1  }
0x9a: {  	v2 =	vadd.f32 v5, v2;
	v5 =	vmul.f32 v10, v35;
	v7 =	vsub.f32 $1.500000000e+00, v7;
	_ =	sdelay $0x1  }
0x9b: {  	v2 =	vadd.f32 v5, v2;
	v5 =	vmul.f32 v11, v36;
	v3 =	vmul.f32 v3, v7;
	_ =	sdelay $0x1  }
0x9c: {  	v2 =	vadd.f32 v5, v2;
	v5 =	vmul.f32 v17, v34;
	v7 =	vmul.f32 v3, v4;
	_ =	sdelay $0x1  }
0x9d: {  	v2 =	vadd.f32 v5, v2;
	v5 =	vmul.f32 v20, v32;
	v7 =	vmul.f32 v7, v3;
	_ =	sdelay $0x1  }
0x9e: {  	v2 =	vadd.f32 v5, v2;
	v5 =	vmul.f32 v16, v30;
	v7 =	vsub.f32 $1.500000000e+00, v7;
	_ =	sdelay $0x1  }
0x9f: {  	v2 =	vadd.f32 v5, v2;
	v5 =	vmul.f32 v15, v13;
	v3 =	vmul.f32 v7, v3;
	_ =	sdelay $0x1  }
0xa0: {  	v2 =	vadd.f32 v5, v2;
	v5 =	vmul.f32 v18, v21;
	v4 =	vmul.f32 v3, v4;
	_ =	sdelay $0x1  }
0xa1: {  	v2 =	vadd.f32 v5, v2;
	v5 =	vmul.f32 v14, v22;
	v4 =	vmul.f32 v4, v3;
	_ =	sdelay $0x1  }
0xa2: {  	v2 =	vadd.f32 v5, v2;
	v5 =	vmul.f32 v12, v6;
	v4 =	vsub.f32 $1.500000000e+00, v4  }
0xa3: {  	s31 =	simm.s32 $0x10  }
0xa4: {  	v14 =	vor.u32 s31, v0;
	v2 =	vadd.f32 v5, v2;
	v3 =	vmul.f32 v4, v3;
	_ =	sdelay $0x1  }
0xa5: {  	v2 =	vmul.f32 v3, v2  }
0xa6: {  	s24 =	simm.s32 $0x8C00  }
0xa7: {  	[tilespmem:s24+$0x0] =	vst v2  }
0xa8: {  	v6 =	vld.idx.msk [tilespmem:v14+s15+$0x0], $0xffff;
	_ =	sdelay $0x3  }
0xa9: {  	v5 =	vshll.u32 v14, $0x7  }
0xaa: {  	v9 =	vadd.s32 $0x78, v6;
	v12 =	vadd.s32 $0x60, v6;
	v19 =	vadd.s32 $0x68, v6  }
0xab: {  	v10 =	vadd.s32 $0x70, v6;
	v2 =	vand.u32 $0xFFFFFF80, v6;
	v3 =	vand.u32 $0x7F, v6  }
0xac: {  	v4 =	vadd.s32 $0x8, v6;
	v8 =	vadd.s32 $0x10, v6;
	v15 =	vadd.s32 $0x58, v6  }
0xad: {  	v16 =	vadd.s32 $0x50, v6;
	v2 =	vadd.s32 v5, v2;
	v7 =	vand.u32 $0xFFFFFF80, v4  }
0xae: {  	v2 =	vor.u32 v3, v2;
	v3 =	vand.u32 $0x7F, v4;
	v4 =	vadd.s32 v5, v7  }
0xaf: {  	v11 =	vadd.s32 $0x20, v6;
	v4 =	vor.u32 v3, v4;
	v3 =	vand.u32 $0xFFFFFF80, v8  }
0xb0: {  	v7 =	vand.u32 $0x7F, v8;
	v8 =	vadd.s32 $0x18, v6;
	v3 =	vadd.s32 v5, v3  }
0xb1: {  	v17 =	vadd.s32 $0x48, v6;
	v7 =	vor.u32 v7, v3;
	v3 =	vand.u32 $0xFFFFFF80, v8  }
0xb2: {  	v18 =	vadd.s32 $0x28, v6;
	v8 =	vand.u32 $0x7F, v8;
	v3 =	vadd.s32 v5, v3  }
0xb3: {  	v20 =	vadd.s32 $0x40, v6;
	v13 =	vand.u32 $0xFFFFFF80, v11;
	v8 =	vor.u32 v8, v3;
	v3 =	vld.idx.msk [tilespmem:v2+s12+$0x0], $0xffff  }
0xb4: {  	v21 =	vadd.s32 $0x30, v6;
	v11 =	vand.u32 $0x7F, v11;
	v13 =	vadd.s32 v5, v13;
	v2 =	vld.idx.msk [tilespmem:v4+s12+$0x0], $0xffff  }
0xb5: {  	v22 =	vadd.s32 $0x38, v6;
	v11 =	vor.u32 v11, v13;
	v4 =	vand.u32 $0xFFFFFF80, v18  }
0xb6: {  	v13 =	vand.u32 $0x7F, v18;
	v18 =	vadd.s32 v5, v4;
	v4 =	vld.idx.msk [tilespmem:v7+s12+$0x0], $0xffff;
	v7 =	vand.u32 $0xFFFFFF80, v21  }
0xb7: {  	v18 =	vor.u32 v13, v18;
	v21 =	vand.u32 $0x7F, v21;
	v7 =	vadd.s32 v5, v7  }
0xb8: {  	v6 =	vld.idx.msk [tilespmem:v8+s12+$0x0], $0xffff;
	v23 =	vor.u32 v21, v7;
	v7 =	vand.u32 $0xFFFFFF80, v22;
	v8 =	vand.u32 $0x7F, v22  }
0xb9: {  	v21 =	vmul.f32 v3, v3;
	v22 =	vmul.f32 v2, v2;
	v24 =	vadd.s32 v5, v7  }
0xba: {  	v7 =	vld.idx.msk [tilespmem:v11+s12+$0x0], $0xffff;
	v11 =	vand.u32 $0x7F, v20;
	v26 =	vor.u32 v8, v24;
	v8 =	vand.u32 $0xFFFFFF80, v20  }
0xbb: {  	v20 =	vadd.f32 v22, v21;
	v21 =	vmul.f32 v4, v4;
	v8 =	vadd.s32 v5, v8  }
0xbc: {  	v11 =	vor.u32 v11, v8;
	v8 =	vand.u32 $0xFFFFFF80, v17  }
0xbd: {  	v22 =	vadd.f32 v21, v20;
	v20 =	vadd.s32 v5, v8;
	v8 =	vld.idx.msk [tilespmem:v18+s12+$0x0], $0xffff  }
0xbe: {  	v13 =	vand.u32 $0x7F, v9;
	v17 =	vand.u32 $0x7F, v17;
	v24 =	vmul.f32 v6, v6  }
0xbf: {  	v18 =	vand.u32 $0x7F, v12;
	v21 =	vor.u32 v17, v20;
	v20 =	vand.u32 $0xFFFFFF80, v9;
	v9 =	vld.idx.msk [tilespmem:v23+s12+$0x0], $0xffff  }
0xc0: {  	v17 =	vand.u32 $0x7F, v10;
	v25 =	vmul.f32 v7, v7;
	v24 =	vadd.f32 v24, v22  }
0xc1: {  	s25 =	simm.s32 $0x20;
	v23 =	vand.u32 $0xFFFFFF80, v19;
	v19 =	vand.u32 $0x7F, v19;
	v22 =	vand.u32 $0xFFFFFF80, v10;
	v10 =	vld.idx.msk [tilespmem:v26+s12+$0x0], $0xffff  }
.LBB2_4:
0xc2: {  	p0 =	sne.s32 s25, $0x70;
	v24 =	vadd.f32 v25, v24;
	v25 =	vmul.f32 v8, v8;
	v11 =	vld.idx.msk [tilespmem:v11+s12+$0x0], $0xffff;
	v26 =	vand.u32 $0xFFFFFF80, v12  }
0xc3: {  	v28 =	vand.u32 $0x7F, v16;
	v27 =	vand.u32 $0xFFFFFF80, v15;
	v15 =	vand.u32 $0x7F, v15  }
0xc4: {  	v16 =	vand.u32 $0xFFFFFF80, v16;
	v24 =	vadd.f32 v25, v24;
	v25 =	vmul.f32 v9, v9;
	v12 =	vld.idx.msk [tilespmem:v21+s12+$0x0], $0xffff  }
0xc5: {  	v20 =	vadd.s32 v5, v20;
	v21 =	vadd.s32 v5, v23;
	v29 =	vld.idx.msk [tilespmem:v14+s14+$0x0], $0xffff;
	v14 =	vadd.s32 v5, v22  }
0xc6: {  	v23 =	vmul.f32 v10, v10;
	v22 =	vadd.f32 v25, v24;
	v24 =	vadd.s32 v5, v26  }
0xc7: {  	v16 =	vadd.s32 v5, v16;
	v13 =	vor.u32 v13, v20;
	v25 =	vadd.s32 v5, v27  }
0xc8: {  	v14 =	vor.u32 v17, v14;
	v20 =	vadd.f32 v23, v22;
	v23 =	vmul.f32 v11, v11  }
0xc9: {  	v27 =	vor.u32 v15, v25;
	v22 =	vor.u32 v18, v24;
	v18 =	vor.u32 v19, v21  }
0xca: {  	v30 =	vor.u32 v28, v16;
	v17 =	vmul.f32 v12, v12;
	v15 =	vadd.f32 v23, v20  }
0xcb: {  	v31 =	vadd.s32 $0x68, v29;
	v32 =	vadd.s32 $0x70, v29;
	v25 =	vadd.s32 $0x78, v29  }
0xcc: {  	v16 =	vand.u32 $0xFFFFFF80, v29;
	v19 =	vand.u32 $0x7F, v29;
	v20 =	vadd.s32 $0x8, v29  }
0xcd: {  	v23 =	vadd.s32 $0x10, v29;
	v16 =	vadd.s32 v5, v16;
	v21 =	vand.u32 $0xFFFFFF80, v20  }
0xce: {  	v16 =	vor.u32 v19, v16;
	v19 =	vand.u32 $0x7F, v20;
	v20 =	vadd.s32 v5, v21  }
0xcf: {  	v33 =	vadd.s32 $0x60, v29;
	v20 =	vor.u32 v19, v20;
	v19 =	vand.u32 $0xFFFFFF80, v23  }
0xd0: {  	v21 =	vand.u32 $0x7F, v23;
	v23 =	vadd.s32 $0x18, v29;
	v19 =	vadd.s32 v5, v19  }
0xd1: {  	v34 =	vadd.s32 $0x58, v29;
	v21 =	vor.u32 v21, v19;
	v19 =	vand.u32 $0xFFFFFF80, v23  }
0xd2: {  	v26 =	vadd.s32 $0x20, v29;
	v23 =	vand.u32 $0x7F, v23;
	v24 =	vadd.s32 v5, v19  }
0xd3: {  	v28 =	vadd.s32 $0x50, v29;
	v23 =	vor.u32 v23, v24;
	v24 =	vand.u32 $0xFFFFFF80, v26;
	v19 =	vld.idx.msk [tilespmem:v16+s10+$0x0], $0xffff  }
0xd4: {  	v24 =	vadd.s32 v5, v24;
	v16 =	vld.idx.msk [tilespmem:v20+s10+$0x0], $0xffff;
	v20 =	vand.u32 $0x7F, v26;
	v26 =	vadd.s32 $0x28, v29  }
0xd5: {  	v36 =	vadd.s32 $0x48, v29;
	v24 =	vor.u32 v20, v24;
	v35 =	vand.u32 $0xFFFFFF80, v26  }
0xd6: {  	v20 =	vld.idx.msk [tilespmem:v21+s10+$0x0], $0xffff;
	v21 =	vand.u32 $0x7F, v26;
	v26 =	vadd.s32 v5, v35;
	v35 =	vadd.s32 $0x30, v29  }
0xd7: {  	v38 =	vadd.s32 $0x40, v29;
	v26 =	vor.u32 v21, v26;
	v37 =	vand.u32 $0xFFFFFF80, v35  }
0xd8: {  	v29 =	vadd.s32 $0x38, v29;
	v21 =	vld.idx.msk [tilespmem:v23+s10+$0x0], $0xffff;
	v23 =	vand.u32 $0x7F, v35;
	v35 =	vadd.s32 v5, v37  }
0xd9: {  	v35 =	vor.u32 v23, v35;
	v23 =	vand.u32 $0xFFFFFF80, v29;
	v29 =	vand.u32 $0x7F, v29  }
0xda: {  	v37 =	vmul.f32 v19, v19;
	v39 =	vmul.f32 v16, v16;
	v24 =	vld.idx.msk [tilespmem:v24+s10+$0x0], $0xffff;
	v23 =	vadd.s32 v5, v23  }
0xdb: {  	v40 =	vand.u32 $0xFFFFFF80, v38;
	v38 =	vand.u32 $0x7F, v38;
	v29 =	vor.u32 v29, v23  }
0xdc: {  	v37 =	vadd.f32 v39, v37;
	v39 =	vmul.f32 v20, v20;
	v23 =	vld.idx.msk [tilespmem:v26+s10+$0x0], $0xffff;
	v26 =	vadd.s32 v5, v40  }
0xdd: {  	v40 =	vand.u32 $0xFFFFFF80, v36;
	v36 =	vand.u32 $0x7F, v36;
	v38 =	vor.u32 v38, v26  }
0xde: {  	v37 =	vadd.f32 v39, v37;
	v39 =	vmul.f32 v21, v21;
	v26 =	vld.idx.msk [tilespmem:v35+s10+$0x0], $0xffff;
	v35 =	vadd.s32 v5, v40  }
0xdf: {  	v40 =	vand.u32 $0x7F, v28;
	v35 =	vor.u32 v36, v35;
	v36 =	vand.u32 $0xFFFFFF80, v28  }
0xe0: {  	v37 =	vadd.f32 v39, v37;
	v39 =	vmul.f32 v24, v24;
	v28 =	vld.idx.msk [tilespmem:v29+s10+$0x0], $0xffff;
	v29 =	vadd.s32 v5, v36  }
0xe1: {  	v36 =	vand.u32 $0xFFFFFF80, v34;
	v34 =	vand.u32 $0x7F, v34;
	v29 =	vor.u32 v40, v29  }
0xe2: {  	v37 =	vadd.f32 v39, v37;
	v39 =	vmul.f32 v23, v23;
	v36 =	vadd.s32 v5, v36;
	v38 =	vld.idx.msk [tilespmem:v38+s10+$0x0], $0xffff  }
0xe3: {  	v34 =	vor.u32 v34, v36;
	v36 =	vand.u32 $0xFFFFFF80, v33;
	v33 =	vand.u32 $0x7F, v33  }
0xe4: {  	v37 =	vadd.f32 v39, v37;
	v39 =	vmul.f32 v26, v26;
	v36 =	vadd.s32 v5, v36;
	v35 =	vld.idx.msk [tilespmem:v35+s10+$0x0], $0xffff  }
0xe5: {  	v33 =	vor.u32 v33, v36;
	v36 =	vand.u32 $0xFFFFFF80, v31;
	v31 =	vand.u32 $0x7F, v31;
	v30 =	vld.idx.msk [tilespmem:v30+s12+$0x0], $0xffff  }
0xe6: {  	v37 =	vadd.f32 v39, v37;
	v39 =	vmul.f32 v28, v28;
	v36 =	vadd.s32 v5, v36;
	v29 =	vld.idx.msk [tilespmem:v29+s10+$0x0], $0xffff  }
0xe7: {  	v31 =	vor.u32 v31, v36;
	v36 =	vand.u32 $0xFFFFFF80, v32;
	v32 =	vand.u32 $0x7F, v32;
	v27 =	vld.idx.msk [tilespmem:v27+s12+$0x0], $0xffff  }
0xe8: {  	v37 =	vadd.f32 v39, v37;
	v39 =	vmul.f32 v38, v38;
	v36 =	vadd.s32 v5, v36;
	v34 =	vld.idx.msk [tilespmem:v34+s10+$0x0], $0xffff  }
0xe9: {  	v32 =	vor.u32 v32, v36;
	v36 =	vand.u32 $0xFFFFFF80, v25;
	v25 =	vand.u32 $0x7F, v25;
	v22 =	vld.idx.msk [tilespmem:v22+s12+$0x0], $0xffff  }
0xea: {  	v37 =	vadd.f32 v39, v37;
	v39 =	vmul.f32 v35, v35;
	v5 =	vadd.s32 v5, v36;
	v33 =	vld.idx.msk [tilespmem:v33+s10+$0x0], $0xffff  }
0xeb: {  	v36 =	vmul.f32 v30, v30;
	v5 =	vor.u32 v25, v5;
	v18 =	vld.idx.msk [tilespmem:v18+s12+$0x0], $0xffff  }
0xec: {  	v15 =	vadd.f32 v17, v15;
	v25 =	vadd.f32 v39, v37;
	v17 =	vmul.f32 v29, v29;
	v31 =	vld.idx.msk [tilespmem:v31+s10+$0x0], $0xffff  }
0xed: {  	v37 =	vmul.f32 v27, v27;
	v14 =	vld.idx.msk [tilespmem:v14+s12+$0x0], $0xffff  }
0xee: {  	v15 =	vadd.f32 v36, v15;
	v17 =	vadd.f32 v17, v25;
	v25 =	vmul.f32 v34, v34;
	v32 =	vld.idx.msk [tilespmem:v32+s10+$0x0], $0xffff  }
0xef: {  	v36 =	vmul.f32 v22, v22;
	v13 =	vld.idx.msk [tilespmem:v13+s12+$0x0], $0xffff  }
0xf0: {  	v15 =	vadd.f32 v37, v15;
	v17 =	vadd.f32 v25, v17;
	v25 =	vmul.f32 v33, v33;
	v5 =	vld.idx.msk [tilespmem:v5+s10+$0x0], $0xffff  }
0xf1: {  	v37 =	vmul.f32 v18, v18  }
0xf2: {  	v15 =	vadd.f32 v36, v15;
	v17 =	vadd.f32 v25, v17;
	v25 =	vmul.f32 v31, v31  }
0xf3: {  	v36 =	vmul.f32 v14, v14  }
0xf4: {  	v15 =	vadd.f32 v37, v15;
	v17 =	vadd.f32 v25, v17;
	v25 =	vmul.f32 v32, v32  }
0xf5: {  	v3 =	vmul.f32 v3, v19;
	v19 =	vmul.f32 v13, v13  }
0xf6: {  	v15 =	vadd.f32 v36, v15;
	v17 =	vadd.f32 v25, v17;
	v25 =	vmul.f32 v5, v5  }
0xf7: {  	v2 =	vmul.f32 v2, v16;
	v3 =	vadd.f32 $0.0e+00, v3  }
0xf8: {  	v15 =	vadd.f32 v19, v15;
	v16 =	vadd.f32 v25, v17  }
0xf9: {  	v2 =	vadd.f32 v2, v3;
	v3 =	vmul.f32 v4, v20  }
0xfa: {  	v4 =	vmul.f32 v15, v16  }
0xfb: {  	v2 =	vadd.f32 v3, v2;
	v3 =	vmul.f32 v6, v21  }
0xfc: {  	v6 =	vmul.f32 v7, v24;
	v4 =	vmax.f32 v4, $1.000000020e-16  }
0xfd: {  	v2 =	vadd.f32 v3, v2;
	v3 =	vshrl.u32 v4, $0x1;
	v4 =	vmul.f32 $5.000000000e-01, v4  }
0xfe: {  	v3 =	vsub.s32 $0x5F3759DF, v3  }
0xff: {  	v2 =	vadd.f32 v6, v2;
	v6 =	vmul.f32 v8, v23;
	v7 =	vmul.f32 v3, v4;
	_ =	sdelay $0x1  }
0x100: {  	v2 =	vadd.f32 v6, v2;
	v6 =	vmul.f32 v9, v26;
	v7 =	vmul.f32 v3, v7;
	_ =	sdelay $0x1  }
0x101: {  	v2 =	vadd.f32 v6, v2;
	v6 =	vmul.f32 v10, v28;
	v7 =	vsub.f32 $1.500000000e+00, v7;
	_ =	sdelay $0x1  }
0x102: {  	v2 =	vadd.f32 v6, v2;
	v6 =	vmul.f32 v11, v38;
	v3 =	vmul.f32 v3, v7;
	_ =	sdelay $0x1  }
0x103: {  	v2 =	vadd.f32 v6, v2;
	v6 =	vmul.f32 v12, v35;
	v7 =	vmul.f32 v3, v4;
	_ =	sdelay $0x1  }
0x104: {  	v2 =	vadd.f32 v6, v2;
	v6 =	vmul.f32 v30, v29;
	v7 =	vmul.f32 v7, v3;
	_ =	sdelay $0x1  }
0x105: {  	v2 =	vadd.f32 v6, v2;
	v6 =	vmul.f32 v27, v34;
	v7 =	vsub.f32 $1.500000000e+00, v7;
	_ =	sdelay $0x1  }
0x106: {  	v2 =	vadd.f32 v6, v2;
	v6 =	vmul.f32 v22, v33;
	v3 =	vmul.f32 v7, v3;
	_ =	sdelay $0x1  }
0x107: {  	v2 =	vadd.f32 v6, v2;
	v6 =	vmul.f32 v18, v31;
	v4 =	vmul.f32 v3, v4;
	_ =	sdelay $0x1  }
0x108: {  	v2 =	vadd.f32 v6, v2;
	v6 =	vmul.f32 v14, v32;
	v4 =	vmul.f32 v4, v3;
	_ =	sdelay $0x1  }
0x109: {  	v5 =	vmul.f32 v13, v5;
	v2 =	vadd.f32 v6, v2;
	v4 =	vsub.f32 $1.500000000e+00, v4;
	_ =	sdelay $0x1  }
0x10a: {  	v14 =	vor.u32 s25, v0;
	v2 =	vadd.f32 v5, v2;
	v3 =	vmul.f32 v4, v3;
	_ =	sdelay $0x1  }
0x10b: {  	v2 =	vmul.f32 v3, v2  }
0x10c: {  	s24 =	sadd.s32 $0x10, s24  }
0x10d: {  	[tilespmem:s24+$0x0] =	vst v2  }
0x10e: {  	v6 =	vld.idx.msk [tilespmem:v14+s15+$0x0], $0xffff;
	_ =	sdelay $0x5  }
0x10f: {  	v5 =	vshll.u32 v14, $0x7;
	v10 =	vadd.s32 $0x78, v6  }
0x110: {  	v12 =	vadd.s32 $0x60, v6;
	v19 =	vadd.s32 $0x68, v6;
	v18 =	vadd.s32 $0x70, v6  }
0x111: {  	v2 =	vand.u32 $0xFFFFFF80, v6;
	v3 =	vand.u32 $0x7F, v6;
	v4 =	vadd.s32 $0x8, v6  }
0x112: {  	v8 =	vadd.s32 $0x10, v6;
	v2 =	vadd.s32 v5, v2;
	v7 =	vand.u32 $0xFFFFFF80, v4  }
0x113: {  	v2 =	vor.u32 v3, v2;
	v3 =	vand.u32 $0x7F, v4;
	v4 =	vadd.s32 v5, v7  }
0x114: {  	v15 =	vadd.s32 $0x58, v6;
	v4 =	vor.u32 v3, v4;
	v3 =	vand.u32 $0xFFFFFF80, v8  }
0x115: {  	v7 =	vand.u32 $0x7F, v8;
	v8 =	vadd.s32 $0x18, v6;
	v3 =	vadd.s32 v5, v3  }
0x116: {  	v16 =	vadd.s32 $0x50, v6;
	v7 =	vor.u32 v7, v3;
	v3 =	vand.u32 $0xFFFFFF80, v8  }
0x117: {  	v11 =	vadd.s32 $0x20, v6;
	v8 =	vand.u32 $0x7F, v8;
	v9 =	vadd.s32 v5, v3  }
0x118: {  	v17 =	vadd.s32 $0x48, v6;
	v8 =	vor.u32 v8, v9;
	v9 =	vand.u32 $0xFFFFFF80, v11;
	v3 =	vld.idx.msk [tilespmem:v2+s12+$0x0], $0xffff  }
0x119: {  	v9 =	vadd.s32 v5, v9;
	v2 =	vld.idx.msk [tilespmem:v4+s12+$0x0], $0xffff;
	v4 =	vand.u32 $0x7F, v11;
	v11 =	vadd.s32 $0x28, v6  }
0x11a: {  	v20 =	vadd.s32 $0x40, v6;
	v9 =	vor.u32 v4, v9;
	v13 =	vand.u32 $0xFFFFFF80, v11  }
0x11b: {  	v4 =	vld.idx.msk [tilespmem:v7+s12+$0x0], $0xffff;
	v7 =	vand.u32 $0x7F, v11;
	v11 =	vadd.s32 v5, v13;
	v13 =	vadd.s32 $0x30, v6  }
0x11c: {  	v21 =	vadd.s32 $0x38, v6;
	v11 =	vor.u32 v7, v11;
	v7 =	vand.u32 $0xFFFFFF80, v13  }
0x11d: {  	v6 =	vld.idx.msk [tilespmem:v8+s12+$0x0], $0xffff;
	v8 =	vand.u32 $0x7F, v13;
	v7 =	vadd.s32 v5, v7;
	v13 =	vand.u32 $0x7F, v10  }
0x11e: {  	v22 =	vor.u32 v8, v7;
	v8 =	vand.u32 $0xFFFFFF80, v21;
	v21 =	vand.u32 $0x7F, v21  }
0x11f: {  	v23 =	vmul.f32 v3, v3;
	v24 =	vmul.f32 v2, v2;
	v7 =	vld.idx.msk [tilespmem:v9+s12+$0x0], $0xffff;
	v8 =	vadd.s32 v5, v8  }
0x120: {  	v9 =	vand.u32 $0xFFFFFF80, v20;
	v20 =	vand.u32 $0x7F, v20;
	v26 =	vor.u32 v21, v8  }
0x121: {  	v21 =	vadd.f32 v24, v23;
	v23 =	vmul.f32 v4, v4;
	v9 =	vadd.s32 v5, v9;
	v8 =	vld.idx.msk [tilespmem:v11+s12+$0x0], $0xffff  }
.Ltmp1:
0x122: {  	v11 =	vor.u32 v20, v9;
	v20 =	vand.u32 $0xFFFFFF80, v17;
	v17 =	vand.u32 $0x7F, v17;
	(pc) =	sbr.rel @p0 .LBB2_4-.Ltmp1, $4  }
0x123: {  	v23 =	vadd.f32 v23, v21;
	v24 =	vmul.f32 v6, v6;
	v20 =	vadd.s32 v5, v20;
	v9 =	vld.idx.msk [tilespmem:v22+s12+$0x0], $0xffff  }
0x124: {  	v21 =	vor.u32 v17, v20;
	v17 =	vand.u32 $0x7F, v18;
	v20 =	vand.u32 $0xFFFFFF80, v10  }
0x125: {  	v22 =	vand.u32 $0xFFFFFF80, v18;
	v24 =	vadd.f32 v24, v23;
	v25 =	vmul.f32 v7, v7;
	v10 =	vld.idx.msk [tilespmem:v26+s12+$0x0], $0xffff  }
0x126: {  	s25 =	sadd.s32 $0x10, s25;
	v18 =	vand.u32 $0x7F, v12;
	v23 =	vand.u32 $0xFFFFFF80, v19;
	v19 =	vand.u32 $0x7F, v19  }
0x127: {  	_ =	sdelay $0x1  }
0x128: {  	v24 =	vadd.f32 v25, v24;
	v25 =	vmul.f32 v8, v8  }
0x129: {  	v26 =	vand.u32 $0xFFFFFF80, v12;
	v27 =	vand.u32 $0x7F, v16;
	v28 =	vand.u32 $0xFFFFFF80, v15  }
0x12a: {  	v15 =	vand.u32 $0x7F, v15;
	v12 =	vld.idx.msk [tilespmem:v21+s12+$0x0], $0xffff;
	v16 =	vand.u32 $0xFFFFFF80, v16;
	v21 =	vadd.s32 v5, v23  }
0x12b: {  	v22 =	vadd.s32 v5, v22;
	v14 =	vld.idx.msk [tilespmem:v14+s14+$0x0], $0xffff;
	v20 =	vadd.s32 v5, v20;
	v16 =	vadd.s32 v5, v16  }
0x12c: {  	v17 =	vor.u32 v17, v22;
	v24 =	vadd.f32 v25, v24;
	v25 =	vmul.f32 v9, v9  }
0x12d: {  	v19 =	vor.u32 v19, v21;
	v13 =	vor.u32 v13, v20;
	v16 =	vor.u32 v27, v16  }
0x12e: {  	v23 =	vadd.f32 v25, v24;
	v25 =	vadd.s32 v5, v26;
	v26 =	vadd.s32 v5, v28  }
0x12f: {  	v24 =	vmul.f32 v10, v10;
	v15 =	vor.u32 v15, v26;
	v18 =	vor.u32 v18, v25  }
0x130: {  	v22 =	vmul.f32 v12, v12;
	v25 =	vadd.s32 $0x78, v14;
	v26 =	vand.u32 $0xFFFFFF80, v14  }
0x131: {  	v27 =	vand.u32 $0x7F, v14;
	v54 =	vadd.s32 $0x8, v14;
	v30 =	vadd.s32 $0x10, v14  }
0x132: {  	v57 =	vadd.s32 $0x60, v14;
	v31 =	vadd.s32 $0x18, v14;
	v32 =	vadd.s32 $0x58, v14  }
0x133: {  	v33 =	vadd.s32 $0x20, v14;
	v34 =	vadd.s32 $0x50, v14;
	v35 =	vadd.s32 $0x28, v14  }
0x134: {  	v11 =	vld.idx.msk [tilespmem:v11+s12+$0x0], $0xffff;
	v36 =	vadd.s32 $0x48, v14;
	v26 =	vadd.s32 v5, v26;
	v29 =	vand.u32 $0xFFFFFF80, v54  }
0x135: {  	v26 =	vor.u32 v27, v26;
	v27 =	vand.u32 $0x7F, v54;
	v55 =	vadd.s32 v5, v29  }
0x136: {  	v37 =	vadd.s32 $0x30, v14;
	v56 =	vand.u32 $0xFFFFFF80, v30;
	v27 =	vor.u32 v27, v55  }
0x137: {  	v38 =	vadd.s32 $0x40, v14;
	v30 =	vand.u32 $0x7F, v30;
	v28 =	vadd.s32 v5, v56  }
0x138: {  	v23 =	vadd.f32 v24, v23;
	v58 =	vand.u32 $0xFFFFFF80, v31;
	v28 =	vor.u32 v30, v28  }
0x139: {  	v24 =	vmul.f32 v11, v11;
	v31 =	vand.u32 $0x7F, v31;
	v30 =	vadd.s32 v5, v58  }
0x13a: {  	v59 =	vand.u32 $0xFFFFFF80, v33;
	v33 =	vand.u32 $0x7F, v33;
	v30 =	vor.u32 v31, v30;
	v26 =	vld.idx.msk [tilespmem:v26+s10+$0x0], $0xffff  }
0x13b: {  	v60 =	vand.u32 $0xFFFFFF80, v35;
	v35 =	vand.u32 $0x7F, v35;
	v31 =	vadd.s32 v5, v59;
	v27 =	vld.idx.msk [tilespmem:v27+s10+$0x0], $0xffff  }
0x13c: {  	v61 =	vand.u32 $0xFFFFFF80, v37;
	v37 =	vand.u32 $0x7F, v37;
	v31 =	vor.u32 v33, v31  }
0x13d: {  	v21 =	vadd.f32 v24, v23;
	v23 =	vadd.s32 $0x68, v14;
	v33 =	vadd.s32 v5, v60;
	v28 =	vld.idx.msk [tilespmem:v28+s10+$0x0], $0xffff  }
0x13e: {  	v24 =	vadd.s32 $0x70, v14;
	v14 =	vadd.s32 $0x38, v14;
	v33 =	vor.u32 v35, v33  }
0x13f: {  	v63 =	vand.u32 $0xFFFFFF80, v38;
	v62 =	vand.u32 $0xFFFFFF80, v14;
	v35 =	vadd.s32 v5, v61;
	v30 =	vld.idx.msk [tilespmem:v30+s10+$0x0], $0xffff  }
0x140: {  	v35 =	vor.u32 v37, v35;
	v39 =	vmul.f32 v26, v26;
	v40 =	vmul.f32 v27, v27  }
0x141: {  	v38 =	vand.u32 $0x7F, v38;
	v14 =	vand.u32 $0x7F, v14;
	v37 =	vadd.s32 v5, v62;
	v31 =	vld.idx.msk [tilespmem:v31+s10+$0x0], $0xffff  }
0x142: {  	v14 =	vor.u32 v14, v37;
	v44 =	vmul.f32 v28, v28;
	v39 =	vadd.f32 v40, v39  }
0x143: {  	v45 =	vand.u32 $0xFFFFFF80, v36;
	v36 =	vand.u32 $0x7F, v36;
	v37 =	vadd.s32 v5, v63;
	v33 =	vld.idx.msk [tilespmem:v33+s10+$0x0], $0xffff  }
0x144: {  	v37 =	vor.u32 v38, v37;
	v46 =	vmul.f32 v30, v30;
	v39 =	vadd.f32 v44, v39  }
0x145: {  	v47 =	vand.u32 $0xFFFFFF80, v34;
	v34 =	vand.u32 $0x7F, v34;
	v38 =	vadd.s32 v5, v45;
	v35 =	vld.idx.msk [tilespmem:v35+s10+$0x0], $0xffff  }
0x146: {  	v36 =	vor.u32 v36, v38;
	v48 =	vmul.f32 v31, v31;
	v39 =	vadd.f32 v46, v39  }
0x147: {  	v49 =	vand.u32 $0xFFFFFF80, v32;
	v32 =	vand.u32 $0x7F, v32;
	v38 =	vadd.s32 v5, v47;
	v14 =	vld.idx.msk [tilespmem:v14+s10+$0x0], $0xffff  }
0x148: {  	v34 =	vor.u32 v34, v38;
	v50 =	vmul.f32 v33, v33;
	v39 =	vadd.f32 v48, v39  }
0x149: {  	v51 =	vand.u32 $0xFFFFFF80, v57;
	v29 =	vand.u32 $0x7F, v57;
	v38 =	vadd.s32 v5, v49;
	v37 =	vld.idx.msk [tilespmem:v37+s10+$0x0], $0xffff  }
0x14a: {  	v32 =	vor.u32 v32, v38;
	v52 =	vmul.f32 v35, v35;
	v39 =	vadd.f32 v50, v39  }
0x14b: {  	v57 =	vand.u32 $0xFFFFFF80, v25;
	v53 =	vand.u32 $0xFFFFFF80, v23;
	v38 =	vadd.s32 v5, v51;
	v36 =	vld.idx.msk [tilespmem:v36+s10+$0x0], $0xffff  }
0x14c: {  	v16 =	vld.idx.msk [tilespmem:v16+s12+$0x0], $0xffff;
	v29 =	vor.u32 v29, v38;
	v54 =	vmul.f32 v14, v14;
	v39 =	vadd.f32 v52, v39  }
0x14d: {  	v23 =	vand.u32 $0x7F, v23;
	v55 =	vand.u32 $0xFFFFFF80, v24;
	v38 =	vadd.s32 v5, v53;
	v34 =	vld.idx.msk [tilespmem:v34+s10+$0x0], $0xffff  }
0x14e: {  	v15 =	vld.idx.msk [tilespmem:v15+s12+$0x0], $0xffff;
	v23 =	vor.u32 v23, v38;
	v56 =	vmul.f32 v37, v37;
	v39 =	vadd.f32 v54, v39  }
0x14f: {  	v25 =	vand.u32 $0x7F, v25;
	v24 =	vand.u32 $0x7F, v24;
	v38 =	vadd.s32 v5, v55;
	v32 =	vld.idx.msk [tilespmem:v32+s10+$0x0], $0xffff  }
0x150: {  	v18 =	vld.idx.msk [tilespmem:v18+s12+$0x0], $0xffff;
	v24 =	vor.u32 v24, v38;
	v58 =	vmul.f32 v36, v36;
	v39 =	vadd.f32 v56, v39  }
0x151: {  	v21 =	vadd.f32 v22, v21;
	v59 =	vmul.f32 v16, v16;
	v5 =	vadd.s32 v5, v57;
	v20 =	vld.idx.msk [tilespmem:v29+s10+$0x0], $0xffff  }
0x152: {  	v19 =	vld.idx.msk [tilespmem:v19+s12+$0x0], $0xffff;
	v5 =	vor.u32 v25, v5;
	v22 =	vmul.f32 v34, v34;
	v25 =	vadd.f32 v58, v39  }
0x153: {  	v21 =	vadd.f32 v59, v21;
	v23 =	vld.idx.msk [tilespmem:v23+s10+$0x0], $0xffff  }
0x154: {  	v17 =	vld.idx.msk [tilespmem:v17+s12+$0x0], $0xffff;
	v60 =	vmul.f32 v15, v15;
	v22 =	vadd.f32 v22, v25;
	v25 =	vmul.f32 v32, v32  }
0x155: {  	v61 =	vmul.f32 v18, v18;
	v24 =	vld.idx.msk [tilespmem:v24+s10+$0x0], $0xffff  }
0x156: {  	v13 =	vld.idx.msk [tilespmem:v13+s12+$0x0], $0xffff;
	v21 =	vadd.f32 v60, v21;
	v22 =	vadd.f32 v25, v22;
	v25 =	vmul.f32 v20, v20  }
0x157: {  	v62 =	vmul.f32 v19, v19;
	v5 =	vld.idx.msk [tilespmem:v5+s10+$0x0], $0xffff  }
0x158: {  	v21 =	vadd.f32 v61, v21;
	v22 =	vadd.f32 v25, v22;
	v25 =	vmul.f32 v23, v23  }
0x159: {  	v63 =	vmul.f32 v17, v17  }
0x15a: {  	v21 =	vadd.f32 v62, v21;
	v22 =	vadd.f32 v25, v22;
	v25 =	vmul.f32 v24, v24  }
0x15b: {  	v3 =	vmul.f32 v3, v26;
	v26 =	vmul.f32 v13, v13  }
0x15c: {  	v21 =	vadd.f32 v63, v21;
	v22 =	vadd.f32 v25, v22;
	v25 =	vmul.f32 v5, v5  }
0x15d: {  	v2 =	vmul.f32 v2, v27;
	v3 =	vadd.f32 $0.0e+00, v3  }
0x15e: {  	v21 =	vadd.f32 v26, v21;
	v22 =	vadd.f32 v25, v22  }
0x15f: {  	v2 =	vadd.f32 v2, v3;
	v3 =	vmul.f32 v4, v28  }
0x160: {  	v4 =	vmul.f32 v21, v22  }
0x161: {  	v2 =	vadd.f32 v3, v2;
	v3 =	vmul.f32 v6, v30  }
0x162: {  	v6 =	vmul.f32 v7, v31;
	v4 =	vmax.f32 v4, $1.000000020e-16  }
0x163: {  	v2 =	vadd.f32 v3, v2;
	v3 =	vshrl.u32 v4, $0x1;
	v4 =	vmul.f32 $5.000000000e-01, v4  }
0x164: {  	v3 =	vsub.s32 $0x5F3759DF, v3  }
0x165: {  	v2 =	vadd.f32 v6, v2;
	v6 =	vmul.f32 v8, v33;
	v7 =	vmul.f32 v3, v4;
	_ =	sdelay $0x1  }
0x166: {  	v2 =	vadd.f32 v6, v2;
	v6 =	vmul.f32 v9, v35;
	v7 =	vmul.f32 v3, v7;
	_ =	sdelay $0x1  }
0x167: {  	v2 =	vadd.f32 v6, v2;
	v6 =	vmul.f32 v10, v14;
	v7 =	vsub.f32 $1.500000000e+00, v7;
	_ =	sdelay $0x1  }
0x168: {  	v2 =	vadd.f32 v6, v2;
	v6 =	vmul.f32 v11, v37;
	v3 =	vmul.f32 v3, v7;
	_ =	sdelay $0x1  }
0x169: {  	v2 =	vadd.f32 v6, v2;
	v6 =	vmul.f32 v12, v36;
	v7 =	vmul.f32 v3, v4;
	_ =	sdelay $0x1  }
0x16a: {  	v2 =	vadd.f32 v6, v2;
	v6 =	vmul.f32 v16, v34;
	v7 =	vmul.f32 v7, v3;
	_ =	sdelay $0x1  }
0x16b: {  	v2 =	vadd.f32 v6, v2;
	v6 =	vmul.f32 v15, v32;
	v7 =	vsub.f32 $1.500000000e+00, v7;
	_ =	sdelay $0x1  }
0x16c: {  	v2 =	vadd.f32 v6, v2;
	v6 =	vmul.f32 v18, v20;
	v3 =	vmul.f32 v7, v3;
	_ =	sdelay $0x1  }
0x16d: {  	v2 =	vadd.f32 v6, v2;
	v6 =	vmul.f32 v19, v23;
	v4 =	vmul.f32 v3, v4;
	_ =	sdelay $0x1  }
0x16e: {  	v2 =	vadd.f32 v6, v2;
	v6 =	vmul.f32 v17, v24;
	v4 =	vmul.f32 v4, v3;
	_ =	sdelay $0x1  }
0x16f: {  	v5 =	vmul.f32 v13, v5;
	v2 =	vadd.f32 v6, v2;
	v4 =	vsub.f32 $1.500000000e+00, v4;
	_ =	sdelay $0x1  }
0x170: {  	v2 =	vadd.f32 v5, v2;
	v3 =	vmul.f32 v4, v3;
	_ =	sdelay $0x1  }
0x171: {  	v2 =	vmul.f32 v3, v2  }
0x172: {  	s1 =	sadd.s32 $0x10, s24  }
0x173: {  	[tilespmem:s1+$0x0] =	vst v2  }
0x174: {  	[tilespmem:s10], [sflag:$0x1] =	stream.indirect.gather [hbm4b:s3+s8], $0x80, s16, s8, $0xb8;
	[tilespmem:$0x8E00] =	vst v63  }
0x175: {  	_ = 	snop  }
0x176: {  	[tilespmem:s12], [sflag:$0x1] =	stream.indirect.gather [hbm4b:s3+s8], $0x80, s17, s8, $0xb8;
	[tilespmem:$0x8E00] =	vst v63  }
0x177: {  	s28 =	simm.s32 $0x80;
	_ =	swait.ge [sflag:s13], $0x4000  }
0x178: {  	v15 =	vor.u32 s28, v0;
	[sflag:s13] =	ssyncset.done $0x0  }
0x179: {  	[sflag:s13] =	ssyncadd.s32 $0xFFFFC000  }
0x17a: {  	_ =	swait.ge [sflag:s13], $0x4000  }
0x17b: {  	[sflag:s13] =	ssyncset.done $0x0  }
0x17c: {  	[sflag:s13] =	ssyncadd.s32 $0xFFFFC000  }
0x17d: {  	v9 =	vld.idx.msk [tilespmem:v15+s15+$0x0], $0xffff  }
0x17e: {  	s29 =	simm.s32 $0x0  }
0x17f: {  	v3 =	vmov s29;
	v2 =	vmul.u32 $0x80, v0  }
0x180: {  	v3 =	vshll.u32 v3, $0x7  }
0x181: {  	v7 =	vor.u32 v2, v3;
	v29 =	vld.idx.msk [tilespmem:v15+s14+$0x0], $0xffff  }
0x182: {  	v11 =	vadd.s32 $0x78, v9;
	v3 =	vand.u32 $0xFFFFFF80, v9;
	v4 =	vadd.s32 $0x8, v9  }
0x183: {  	v5 =	vand.u32 $0x7F, v9;
	v8 =	vadd.s32 $0x10, v9;
	v16 =	vadd.s32 $0x60, v9  }
0x184: {  	v10 =	vadd.s32 $0x20, v9;
	v12 =	vadd.s32 $0x68, v9;
	v14 =	vadd.s32 $0x28, v9  }
0x185: {  	v17 =	vadd.s32 $0x70, v9;
	v18 =	vadd.s32 $0x30, v9;
	v19 =	vadd.s32 $0x58, v9  }
0x186: {  	v23 =	vadd.s32 $0x50, v9;
	v24 =	vadd.s32 $0x40, v9;
	v41 =	vadd.s32 $0x10, v29  }
0x187: {  	v42 =	vadd.s32 $0x18, v29;
	v31 =	vadd.s32 $0x58, v29;
	v44 =	vadd.s32 $0x20, v29  }
0x188: {  	v46 =	vadd.s32 $0x50, v29;
	v47 =	vadd.s32 $0x28, v29;
	v49 =	vadd.s32 $0x48, v29  }
0x189: {  	v50 =	vadd.s32 $0x30, v29;
	v3 =	vadd.s32 v7, v3;
	v6 =	vand.u32 $0xFFFFFF80, v4  }
0x18a: {  	v4 =	vand.u32 $0x7F, v4;
	v6 =	vadd.s32 v7, v6;
	v3 =	vor.u32 v5, v3  }
0x18b: {  	v52 =	vadd.s32 $0x40, v29;
	v5 =	vor.u32 v4, v6;
	v4 =	vand.u32 $0xFFFFFF80, v8  }
0x18c: {  	v6 =	vand.u32 $0x7F, v8;
	v8 =	vadd.s32 $0x18, v9;
	v4 =	vadd.s32 v7, v4  }
0x18d: {  	v53 =	vadd.s32 $0x38, v29;
	v6 =	vor.u32 v6, v4;
	v4 =	vand.u32 $0xFFFFFF80, v8  }
0x18e: {  	v13 =	vand.u32 $0xFFFFFF80, v10;
	v8 =	vand.u32 $0x7F, v8;
	v4 =	vadd.s32 v7, v4  }
0x18f: {  	v10 =	vand.u32 $0x7F, v10;
	v26 =	vand.u32 $0xFFFFFF80, v12;
	v8 =	vor.u32 v8, v4;
	v4 =	vld.idx.msk [tilespmem:v3+s12+$0x0], $0xffff  }
0x190: {  	v27 =	vand.u32 $0x7F, v12;
	v39 =	vand.u32 $0xFFFFFF80, v19;
	v13 =	vadd.s32 v7, v13;
	v3 =	vld.idx.msk [tilespmem:v5+s12+$0x0], $0xffff  }
0x191: {  	v19 =	vand.u32 $0x7F, v19;
	v10 =	vor.u32 v10, v13;
	v5 =	vand.u32 $0xFFFFFF80, v14  }
0x192: {  	v13 =	vand.u32 $0x7F, v14;
	v14 =	vadd.s32 v7, v5;
	v5 =	vld.idx.msk [tilespmem:v6+s12+$0x0], $0xffff;
	v6 =	vand.u32 $0xFFFFFF80, v18  }
0x193: {  	v13 =	vor.u32 v13, v14;
	v18 =	vand.u32 $0x7F, v18;
	v20 =	vadd.s32 v7, v6  }
0x194: {  	v28 =	vand.u32 $0x7F, v41;
	v14 =	vadd.s32 $0x38, v9;
	v6 =	vld.idx.msk [tilespmem:v8+s12+$0x0], $0xffff;
	v18 =	vor.u32 v18, v20  }
0x195: {  	v8 =	vand.u32 $0xFFFFFF80, v14;
	v20 =	vmul.f32 v4, v4;
	v21 =	vmul.f32 v3, v3  }
0x196: {  	v14 =	vand.u32 $0x7F, v14;
	v22 =	vadd.s32 v7, v8;
	v8 =	vld.idx.msk [tilespmem:v10+s12+$0x0], $0xffff;
	v10 =	vand.u32 $0xFFFFFF80, v24  }
0x197: {  	v22 =	vor.u32 v14, v22;
	v14 =	vadd.f32 v21, v20;
	v20 =	vmul.f32 v5, v5  }
0x198: {  	v24 =	vand.u32 $0x7F, v24;
	v10 =	vadd.s32 v7, v10;
	v21 =	vadd.s32 $0x48, v9;
	v9 =	vld.idx.msk [tilespmem:v13+s12+$0x0], $0xffff  }
0x199: {  	v24 =	vor.u32 v24, v10;
	v14 =	vadd.f32 v20, v14;
	v20 =	vmul.f32 v6, v6  }
0x19a: {  	v13 =	vand.u32 $0x7F, v11;
	v25 =	vand.u32 $0xFFFFFF80, v21;
	v21 =	vand.u32 $0x7F, v21;
	v10 =	vld.idx.msk [tilespmem:v18+s12+$0x0], $0xffff  }
0x19b: {  	v18 =	vadd.s32 v7, v25;
	v25 =	vmul.f32 v8, v8;
	v20 =	vadd.f32 v20, v14  }
0x19c: {  	v18 =	vor.u32 v21, v18;
	v21 =	vand.u32 $0x7F, v17;
	v14 =	vand.u32 $0xFFFFFF80, v11;
	v11 =	vld.idx.msk [tilespmem:v22+s12+$0x0], $0xffff  }
0x19d: {  	v17 =	vand.u32 $0xFFFFFF80, v17;
	v22 =	vmul.f32 v9, v9;
	v20 =	vadd.f32 v25, v20  }
0x19e: {  	v12 =	vld.idx.msk [tilespmem:v24+s12+$0x0], $0xffff;
	v24 =	vand.u32 $0x7F, v23;
	v23 =	vand.u32 $0xFFFFFF80, v23;
	v25 =	vand.u32 $0x7F, v16  }
0x19f: {  	v16 =	vand.u32 $0xFFFFFF80, v16;
	v20 =	vadd.f32 v22, v20;
	v22 =	vmul.f32 v10, v10  }
0x1a0: {  	v17 =	vadd.s32 v7, v17;
	v23 =	vadd.s32 v7, v23;
	v16 =	vadd.s32 v7, v16  }
0x1a1: {  	v16 =	vor.u32 v25, v16;
	v15 =	vadd.f32 v22, v20;
	v20 =	vmul.f32 v11, v11  }
0x1a2: {  	v25 =	vand.u32 $0x7F, v29;
	v22 =	vadd.s32 v7, v26;
	v26 =	vadd.s32 v7, v39  }
0x1a3: {  	v20 =	vadd.f32 v20, v15;
	v15 =	vor.u32 v21, v17;
	v17 =	vor.u32 v19, v26  }
0x1a4: {  	v21 =	vor.u32 v24, v23;
	v24 =	vand.u32 $0xFFFFFF80, v29;
	v26 =	vadd.s32 $0x8, v29  }
0x1a5: {  	v19 =	vor.u32 v27, v22;
	v24 =	vadd.s32 v7, v24;
	v27 =	vand.u32 $0xFFFFFF80, v26  }
0x1a6: {  	v24 =	vor.u32 v25, v24;
	v25 =	vand.u32 $0x7F, v26;
	v26 =	vadd.s32 v7, v27  }
0x1a7: {  	v43 =	vand.u32 $0xFFFFFF80, v42;
	v25 =	vor.u32 v25, v26;
	v26 =	vand.u32 $0xFFFFFF80, v41  }
0x1a8: {  	v30 =	vand.u32 $0x7F, v42;
	v45 =	vand.u32 $0xFFFFFF80, v44;
	v26 =	vadd.s32 v7, v26  }
0x1a9: {  	v32 =	vand.u32 $0x7F, v44;
	v48 =	vand.u32 $0xFFFFFF80, v47;
	v26 =	vor.u32 v28, v26  }
0x1aa: {  	v34 =	vand.u32 $0x7F, v47;
	v51 =	vand.u32 $0xFFFFFF80, v50;
	v28 =	vadd.s32 v7, v43  }
0x1ab: {  	v36 =	vand.u32 $0x7F, v50;
	v54 =	vand.u32 $0xFFFFFF80, v53;
	v28 =	vor.u32 v30, v28;
	v24 =	vld.idx.msk [tilespmem:v24+s10+$0x0], $0xffff  }
0x1ac: {  	v38 =	vand.u32 $0x7F, v53;
	v57 =	vand.u32 $0xFFFFFF80, v52;
	v30 =	vadd.s32 v7, v45;
	v25 =	vld.idx.msk [tilespmem:v25+s10+$0x0], $0xffff  }
0x1ad: {  	v37 =	vand.u32 $0x7F, v52;
	v59 =	vand.u32 $0xFFFFFF80, v49;
	v30 =	vor.u32 v32, v30  }
0x1ae: {  	v35 =	vand.u32 $0x7F, v49;
	v61 =	vand.u32 $0xFFFFFF80, v46;
	v32 =	vadd.s32 v7, v48;
	v26 =	vld.idx.msk [tilespmem:v26+s10+$0x0], $0xffff  }
0x1af: {  	v33 =	vand.u32 $0x7F, v46;
	v63 =	vand.u32 $0xFFFFFF80, v31;
	v32 =	vor.u32 v34, v32  }
0x1b0: {  	v31 =	vand.u32 $0x7F, v31;
	v14 =	vadd.s32 v7, v14;
	v34 =	vadd.s32 v7, v51;
	v28 =	vld.idx.msk [tilespmem:v28+s10+$0x0], $0xffff  }
0x1b1: {  	v34 =	vor.u32 v36, v34;
	v55 =	vmul.f32 v24, v24;
	v56 =	vmul.f32 v25, v25  }
0x1b2: {  	v40 =	vmul.f32 v12, v12;
	v22 =	vadd.s32 $0x68, v29;
	v36 =	vadd.s32 v7, v54;
	v30 =	vld.idx.msk [tilespmem:v30+s10+$0x0], $0xffff  }
0x1b3: {  	v36 =	vor.u32 v38, v36;
	v39 =	vadd.f32 v56, v55;
	v58 =	vmul.f32 v26, v26  }
0x1b4: {  	v23 =	vadd.s32 $0x70, v29;
	v47 =	vand.u32 $0xFFFFFF80, v22;
	v38 =	vadd.s32 v7, v57;
	v32 =	vld.idx.msk [tilespmem:v32+s10+$0x0], $0xffff  }
0x1b5: {  	v37 =	vor.u32 v37, v38;
	v60 =	vmul.f32 v28, v28;
	v39 =	vadd.f32 v58, v39  }
0x1b6: {  	v22 =	vand.u32 $0x7F, v22;
	v49 =	vand.u32 $0xFFFFFF80, v23;
	v38 =	vadd.s32 v7, v59;
	v34 =	vld.idx.msk [tilespmem:v34+s10+$0x0], $0xffff  }
0x1b7: {  	v35 =	vor.u32 v35, v38;
	v62 =	vmul.f32 v30, v30;
	v39 =	vadd.f32 v60, v39  }
0x1b8: {  	v23 =	vand.u32 $0x7F, v23;
	v27 =	vadd.s32 $0x60, v29;
	v38 =	vadd.s32 v7, v61;
	v36 =	vld.idx.msk [tilespmem:v36+s10+$0x0], $0xffff  }
0x1b9: {  	v33 =	vor.u32 v33, v38;
	v44 =	vmul.f32 v32, v32;
	v39 =	vadd.f32 v62, v39  }
0x1ba: {  	v20 =	vadd.f32 v40, v20;
	v45 =	vand.u32 $0xFFFFFF80, v27;
	v38 =	vadd.s32 v7, v63;
	v37 =	vld.idx.msk [tilespmem:v37+s10+$0x0], $0xffff  }
0x1bb: {  	v18 =	vld.idx.msk [tilespmem:v18+s12+$0x0], $0xffff;
	v31 =	vor.u32 v31, v38;
	v46 =	vmul.f32 v34, v34;
	v39 =	vadd.f32 v44, v39  }
0x1bc: {  	v29 =	vadd.s32 $0x78, v29;
	v27 =	vand.u32 $0x7F, v27;
	v38 =	vadd.s32 v7, v45;
	v35 =	vld.idx.msk [tilespmem:v35+s10+$0x0], $0xffff  }
0x1bd: {  	v21 =	vld.idx.msk [tilespmem:v21+s12+$0x0], $0xffff;
	v27 =	vor.u32 v27, v38;
	v48 =	vmul.f32 v36, v36;
	v39 =	vadd.f32 v46, v39  }
0x1be: {  	v52 =	vand.u32 $0xFFFFFF80, v29;
	v29 =	vand.u32 $0x7F, v29;
	v38 =	vadd.s32 v7, v47;
	v33 =	vld.idx.msk [tilespmem:v33+s10+$0x0], $0xffff  }
0x1bf: {  	v17 =	vld.idx.msk [tilespmem:v17+s12+$0x0], $0xffff;
	v22 =	vor.u32 v22, v38;
	v50 =	vmul.f32 v37, v37;
	v39 =	vadd.f32 v48, v39  }
0x1c0: {  	v51 =	vmul.f32 v18, v18;
	v38 =	vadd.s32 v7, v49;
	v7 =	vadd.s32 v7, v52;
	v31 =	vld.idx.msk [tilespmem:v31+s10+$0x0], $0xffff  }
0x1c1: {  	v16 =	vld.idx.msk [tilespmem:v16+s12+$0x0], $0xffff;
	v23 =	vor.u32 v23, v38;
	v53 =	vmul.f32 v35, v35;
	v39 =	vadd.f32 v50, v39  }
0x1c2: {  	v13 =	vor.u32 v13, v14;
	v20 =	vadd.f32 v51, v20;
	v7 =	vor.u32 v29, v7;
	v14 =	vld.idx.msk [tilespmem:v27+s10+$0x0], $0xffff  }
0x1c3: {  	v19 =	vld.idx.msk [tilespmem:v19+s12+$0x0], $0xffff;
	v27 =	vmul.f32 v21, v21;
	v55 =	vmul.f32 v33, v33;
	v54 =	vadd.f32 v53, v39  }
0x1c4: {  	v56 =	vmul.f32 v17, v17;
	v22 =	vld.idx.msk [tilespmem:v22+s10+$0x0], $0xffff  }
0x1c5: {  	v15 =	vld.idx.msk [tilespmem:v15+s12+$0x0], $0xffff;
	v20 =	vadd.f32 v27, v20;
	v27 =	vmul.f32 v31, v31;
	v29 =	vadd.f32 v55, v54  }
0x1c6: {  	v57 =	vmul.f32 v16, v16;
	v23 =	vld.idx.msk [tilespmem:v23+s10+$0x0], $0xffff  }
0x1c7: {  	v13 =	vld.idx.msk [tilespmem:v13+s12+$0x0], $0xffff;
	v20 =	vadd.f32 v56, v20;
	v58 =	vmul.f32 v14, v14;
	v27 =	vadd.f32 v27, v29  }
0x1c8: {  	v59 =	vmul.f32 v19, v19;
	v7 =	vld.idx.msk [tilespmem:v7+s10+$0x0], $0xffff  }
0x1c9: {  	v20 =	vadd.f32 v57, v20;
	v60 =	vmul.f32 v22, v22;
	v27 =	vadd.f32 v58, v27  }
0x1ca: {  	v61 =	vmul.f32 v15, v15  }
0x1cb: {  	v62 =	vmul.f32 v23, v23;
	v20 =	vadd.f32 v59, v20;
	v27 =	vadd.f32 v60, v27  }
0x1cc: {  	v4 =	vmul.f32 v4, v24;
	v24 =	vmul.f32 v13, v13  }
0x1cd: {  	v63 =	vmul.f32 v7, v7;
	v20 =	vadd.f32 v61, v20;
	v27 =	vadd.f32 v62, v27  }
0x1ce: {  	v3 =	vmul.f32 v3, v25;
	v4 =	vadd.f32 $0.0e+00, v4  }
0x1cf: {  	v20 =	vadd.f32 v24, v20;
	v25 =	vadd.f32 v63, v27  }
0x1d0: {  	v3 =	vadd.f32 v3, v4;
	v4 =	vmul.f32 v5, v26  }
0x1d1: {  	v5 =	vmul.f32 v20, v25  }
0x1d2: {  	v3 =	vadd.f32 v4, v3;
	v4 =	vmul.f32 v6, v28  }
0x1d3: {  	v6 =	vmul.f32 v8, v30;
	v5 =	vmax.f32 v5, $1.000000020e-16  }
0x1d4: {  	v3 =	vadd.f32 v4, v3;
	v4 =	vshrl.u32 v5, $0x1;
	v5 =	vmul.f32 $5.000000000e-01, v5  }
0x1d5: {  	v4 =	vsub.s32 $0x5F3759DF, v4  }
0x1d6: {  	v3 =	vadd.f32 v6, v3;
	v6 =	vmul.f32 v9, v32;
	v8 =	vmul.f32 v4, v5;
	_ =	sdelay $0x1  }
0x1d7: {  	v3 =	vadd.f32 v6, v3;
	v6 =	vmul.f32 v10, v34;
	v8 =	vmul.f32 v4, v8;
	_ =	sdelay $0x1  }
0x1d8: {  	v3 =	vadd.f32 v6, v3;
	v6 =	vmul.f32 v11, v36;
	v8 =	vsub.f32 $1.500000000e+00, v8;
	_ =	sdelay $0x1  }
0x1d9: {  	v3 =	vadd.f32 v6, v3;
	v6 =	vmul.f32 v12, v37;
	v4 =	vmul.f32 v4, v8;
	_ =	sdelay $0x1  }
0x1da: {  	v3 =	vadd.f32 v6, v3;
	v6 =	vmul.f32 v18, v35;
	v8 =	vmul.f32 v4, v5;
	_ =	sdelay $0x1  }
0x1db: {  	v3 =	vadd.f32 v6, v3;
	v6 =	vmul.f32 v21, v33;
	v8 =	vmul.f32 v8, v4;
	_ =	sdelay $0x1  }
0x1dc: {  	v3 =	vadd.f32 v6, v3;
	v6 =	vmul.f32 v17, v31;
	v8 =	vsub.f32 $1.500000000e+00, v8;
	_ =	sdelay $0x1  }
0x1dd: {  	v3 =	vadd.f32 v6, v3;
	v6 =	vmul.f32 v16, v14;
	v4 =	vmul.f32 v8, v4;
	_ =	sdelay $0x1  }
0x1de: {  	v3 =	vadd.f32 v6, v3;
	v6 =	vmul.f32 v19, v22;
	v5 =	vmul.f32 v4, v5;
	_ =	sdelay $0x1  }
0x1df: {  	v3 =	vadd.f32 v6, v3;
	v6 =	vmul.f32 v15, v23;
	v5 =	vmul.f32 v5, v4;
	_ =	sdelay $0x1  }
0x1e0: {  	v3 =	vadd.f32 v6, v3;
	v6 =	vmul.f32 v13, v7;
	v5 =	vsub.f32 $1.500000000e+00, v5  }
0x1e1: {  	s30 =	simm.s32 $0x90  }
0x1e2: {  	v15 =	vor.u32 s30, v0;
	v3 =	vadd.f32 v6, v3;
	v4 =	vmul.f32 v5, v4;
	_ =	sdelay $0x1  }
0x1e3: {  	v3 =	vmul.f32 v4, v3  }
0x1e4: {  	s24 =	simm.s32 $0x8C80  }
0x1e5: {  	[tilespmem:s24+$0x0] =	vst v3  }
0x1e6: {  	v7 =	vld.idx.msk [tilespmem:v15+s15+$0x0], $0xffff;
	_ =	sdelay $0x1  }
0x1e7: {  	s31 =	simm.s32 $0x10  }
0x1e8: {  	v3 =	vmov s31  }
0x1e9: {  	v3 =	vshll.u32 v3, $0x7  }
0x1ea: {  	v6 =	vor.u32 v2, v3;
	v11 =	vadd.s32 $0x78, v7  }
0x1eb: {  	v13 =	vadd.s32 $0x60, v7;
	v12 =	vadd.s32 $0x68, v7;
	v22 =	vadd.s32 $0x70, v7  }
0x1ec: {  	v3 =	vand.u32 $0xFFFFFF80, v7;
	v4 =	vand.u32 $0x7F, v7;
	v5 =	vadd.s32 $0x8, v7  }
0x1ed: {  	v9 =	vadd.s32 $0x10, v7;
	v17 =	vadd.s32 $0x58, v7;
	v18 =	vadd.s32 $0x50, v7  }
0x1ee: {  	v10 =	vadd.s32 $0x20, v7;
	v3 =	vadd.s32 v6, v3;
	v8 =	vand.u32 $0xFFFFFF80, v5  }
0x1ef: {  	v3 =	vor.u32 v4, v3;
	v4 =	vand.u32 $0x7F, v5;
	v5 =	vadd.s32 v6, v8  }
0x1f0: {  	v16 =	vadd.s32 $0x48, v7;
	v5 =	vor.u32 v4, v5;
	v4 =	vand.u32 $0xFFFFFF80, v9  }
0x1f1: {  	v8 =	vand.u32 $0x7F, v9;
	v9 =	vadd.s32 $0x18, v7;
	v4 =	vadd.s32 v6, v4  }
0x1f2: {  	v19 =	vadd.s32 $0x28, v7;
	v8 =	vor.u32 v8, v4;
	v4 =	vand.u32 $0xFFFFFF80, v9  }
0x1f3: {  	v20 =	vadd.s32 $0x40, v7;
	v9 =	vand.u32 $0x7F, v9;
	v4 =	vadd.s32 v6, v4  }
0x1f4: {  	v21 =	vadd.s32 $0x30, v7;
	v14 =	vand.u32 $0xFFFFFF80, v10;
	v9 =	vor.u32 v9, v4;
	v4 =	vld.idx.msk [tilespmem:v3+s12+$0x0], $0xffff  }
0x1f5: {  	v10 =	vand.u32 $0x7F, v10;
	v14 =	vadd.s32 v6, v14;
	v3 =	vld.idx.msk [tilespmem:v5+s12+$0x0], $0xffff;
	v5 =	vand.u32 $0xFFFFFF80, v19  }
0x1f6: {  	v10 =	vor.u32 v10, v14;
	v14 =	vand.u32 $0x7F, v19;
	v19 =	vadd.s32 v6, v5  }
0x1f7: {  	v23 =	vadd.s32 $0x38, v7;
	v5 =	vld.idx.msk [tilespmem:v8+s12+$0x0], $0xffff;
	v19 =	vor.u32 v14, v19;
	v8 =	vand.u32 $0xFFFFFF80, v21  }
0x1f8: {  	v21 =	vand.u32 $0x7F, v21;
	v14 =	vand.u32 $0x7F, v11;
	v8 =	vadd.s32 v6, v8  }
0x1f9: {  	v7 =	vld.idx.msk [tilespmem:v9+s12+$0x0], $0xffff;
	v24 =	vor.u32 v21, v8;
	v8 =	vand.u32 $0xFFFFFF80, v23;
	v9 =	vand.u32 $0x7F, v23  }
0x1fa: {  	v21 =	vmul.f32 v4, v4;
	v23 =	vmul.f32 v3, v3;
	v25 =	vadd.s32 v6, v8  }
0x1fb: {  	v8 =	vld.idx.msk [tilespmem:v10+s12+$0x0], $0xffff;
	v10 =	vand.u32 $0x7F, v20;
	v25 =	vor.u32 v9, v25;
	v9 =	vand.u32 $0xFFFFFF80, v20  }
0x1fc: {  	v20 =	vadd.f32 v23, v21;
	v23 =	vmul.f32 v5, v5;
	v9 =	vadd.s32 v6, v9  }
0x1fd: {  	v21 =	vor.u32 v10, v9;
	v10 =	vand.u32 $0xFFFFFF80, v16;
	v16 =	vand.u32 $0x7F, v16;
	v9 =	vld.idx.msk [tilespmem:v19+s12+$0x0], $0xffff  }
0x1fe: {  	v23 =	vadd.f32 v23, v20;
	v26 =	vmul.f32 v7, v7;
	v19 =	vadd.s32 v6, v10  }
0x1ff: {  	v10 =	vld.idx.msk [tilespmem:v24+s12+$0x0], $0xffff;
	v20 =	vand.u32 $0x7F, v22;
	v22 =	vand.u32 $0xFFFFFF80, v22;
	v19 =	vor.u32 v16, v19  }
0x200: {  	s25 =	simm.s32 $0x20;
	v16 =	vand.u32 $0xFFFFFF80, v11;
	v24 =	vmul.f32 v8, v8;
	v23 =	vadd.f32 v26, v23;
	v11 =	vld.idx.msk [tilespmem:v25+s12+$0x0], $0xffff  }
.LBB2_6:
0x201: {  	p0 =	sne.s32 s25, $0x70;
	v25 =	vand.u32 $0x7F, v13;
	v26 =	vand.u32 $0xFFFFFF80, v12;
	v27 =	vand.u32 $0x7F, v12  }
0x202: {  	v23 =	vadd.f32 v24, v23;
	v24 =	vmul.f32 v9, v9;
	v12 =	vld.idx.msk [tilespmem:v21+s12+$0x0], $0xffff;
	v21 =	vand.u32 $0xFFFFFF80, v13  }
0x203: {  	v29 =	vand.u32 $0x7F, v18;
	v28 =	vand.u32 $0xFFFFFF80, v17;
	v17 =	vand.u32 $0x7F, v17  }
0x204: {  	v18 =	vand.u32 $0xFFFFFF80, v18;
	v23 =	vadd.f32 v24, v23;
	v24 =	vmul.f32 v10, v10;
	v13 =	vld.idx.msk [tilespmem:v19+s12+$0x0], $0xffff  }
0x205: {  	v16 =	vadd.s32 v6, v16;
	v19 =	vadd.s32 v6, v26;
	v30 =	vld.idx.msk [tilespmem:v15+s14+$0x0], $0xffff;
	v15 =	vadd.s32 v6, v22  }
0x206: {  	v21 =	vadd.s32 v6, v21;
	v22 =	vadd.f32 v24, v23;
	v23 =	vmul.f32 v11, v11  }
0x207: {  	v14 =	vor.u32 v14, v16;
	v24 =	vadd.s32 v6, v18;
	v18 =	vadd.s32 v6, v28  }
0x208: {  	v15 =	vor.u32 v20, v15;
	v16 =	vadd.f32 v23, v22;
	v22 =	vmul.f32 v12, v12  }
0x209: {  	v19 =	vor.u32 v27, v19;
	v28 =	vor.u32 v17, v18;
	v23 =	vor.u32 v25, v21  }
0x20a: {  	v31 =	vor.u32 v29, v24;
	v18 =	vmul.f32 v13, v13;
	v16 =	vadd.f32 v22, v16  }
0x20b: {  	v32 =	vadd.s32 $0x68, v30;
	v33 =	vadd.s32 $0x70, v30;
	v26 =	vadd.s32 $0x78, v30  }
0x20c: {  	v17 =	vand.u32 $0xFFFFFF80, v30;
	v20 =	vand.u32 $0x7F, v30;
	v21 =	vadd.s32 $0x8, v30  }
0x20d: {  	v24 =	vadd.s32 $0x10, v30;
	v17 =	vadd.s32 v6, v17;
	v22 =	vand.u32 $0xFFFFFF80, v21  }
0x20e: {  	v17 =	vor.u32 v20, v17;
	v20 =	vand.u32 $0x7F, v21;
	v21 =	vadd.s32 v6, v22  }
0x20f: {  	v34 =	vadd.s32 $0x60, v30;
	v21 =	vor.u32 v20, v21;
	v20 =	vand.u32 $0xFFFFFF80, v24  }
0x210: {  	v22 =	vand.u32 $0x7F, v24;
	v24 =	vadd.s32 $0x18, v30;
	v20 =	vadd.s32 v6, v20  }
0x211: {  	v35 =	vadd.s32 $0x58, v30;
	v22 =	vor.u32 v22, v20;
	v20 =	vand.u32 $0xFFFFFF80, v24  }
0x212: {  	v27 =	vadd.s32 $0x20, v30;
	v24 =	vand.u32 $0x7F, v24;
	v25 =	vadd.s32 v6, v20  }
0x213: {  	v29 =	vadd.s32 $0x50, v30;
	v24 =	vor.u32 v24, v25;
	v25 =	vand.u32 $0xFFFFFF80, v27;
	v20 =	vld.idx.msk [tilespmem:v17+s10+$0x0], $0xffff  }
0x214: {  	v25 =	vadd.s32 v6, v25;
	v17 =	vld.idx.msk [tilespmem:v21+s10+$0x0], $0xffff;
	v21 =	vand.u32 $0x7F, v27;
	v27 =	vadd.s32 $0x28, v30  }
0x215: {  	v37 =	vadd.s32 $0x48, v30;
	v25 =	vor.u32 v21, v25;
	v36 =	vand.u32 $0xFFFFFF80, v27  }
0x216: {  	v21 =	vld.idx.msk [tilespmem:v22+s10+$0x0], $0xffff;
	v22 =	vand.u32 $0x7F, v27;
	v27 =	vadd.s32 v6, v36;
	v36 =	vadd.s32 $0x30, v30  }
0x217: {  	v39 =	vadd.s32 $0x40, v30;
	v27 =	vor.u32 v22, v27;
	v38 =	vand.u32 $0xFFFFFF80, v36  }
0x218: {  	v30 =	vadd.s32 $0x38, v30;
	v22 =	vld.idx.msk [tilespmem:v24+s10+$0x0], $0xffff;
	v24 =	vand.u32 $0x7F, v36;
	v36 =	vadd.s32 v6, v38  }
0x219: {  	v36 =	vor.u32 v24, v36;
	v24 =	vand.u32 $0xFFFFFF80, v30;
	v30 =	vand.u32 $0x7F, v30  }
0x21a: {  	v38 =	vmul.f32 v20, v20;
	v40 =	vmul.f32 v17, v17;
	v25 =	vld.idx.msk [tilespmem:v25+s10+$0x0], $0xffff;
	v24 =	vadd.s32 v6, v24  }
0x21b: {  	v41 =	vand.u32 $0xFFFFFF80, v39;
	v39 =	vand.u32 $0x7F, v39;
	v30 =	vor.u32 v30, v24  }
0x21c: {  	v38 =	vadd.f32 v40, v38;
	v40 =	vmul.f32 v21, v21;
	v24 =	vld.idx.msk [tilespmem:v27+s10+$0x0], $0xffff;
	v27 =	vadd.s32 v6, v41  }
0x21d: {  	v41 =	vand.u32 $0xFFFFFF80, v37;
	v37 =	vand.u32 $0x7F, v37;
	v39 =	vor.u32 v39, v27  }
0x21e: {  	v38 =	vadd.f32 v40, v38;
	v40 =	vmul.f32 v22, v22;
	v27 =	vld.idx.msk [tilespmem:v36+s10+$0x0], $0xffff;
	v36 =	vadd.s32 v6, v41  }
0x21f: {  	v41 =	vand.u32 $0x7F, v29;
	v36 =	vor.u32 v37, v36;
	v37 =	vand.u32 $0xFFFFFF80, v29  }
0x220: {  	v38 =	vadd.f32 v40, v38;
	v40 =	vmul.f32 v25, v25;
	v29 =	vld.idx.msk [tilespmem:v30+s10+$0x0], $0xffff;
	v30 =	vadd.s32 v6, v37  }
0x221: {  	v37 =	vand.u32 $0xFFFFFF80, v35;
	v35 =	vand.u32 $0x7F, v35;
	v30 =	vor.u32 v41, v30  }
0x222: {  	v38 =	vadd.f32 v40, v38;
	v40 =	vmul.f32 v24, v24;
	v37 =	vadd.s32 v6, v37;
	v39 =	vld.idx.msk [tilespmem:v39+s10+$0x0], $0xffff  }
0x223: {  	v35 =	vor.u32 v35, v37;
	v37 =	vand.u32 $0xFFFFFF80, v34;
	v34 =	vand.u32 $0x7F, v34  }
0x224: {  	v38 =	vadd.f32 v40, v38;
	v40 =	vmul.f32 v27, v27;
	v37 =	vadd.s32 v6, v37;
	v36 =	vld.idx.msk [tilespmem:v36+s10+$0x0], $0xffff  }
0x225: {  	v34 =	vor.u32 v34, v37;
	v37 =	vand.u32 $0xFFFFFF80, v32;
	v32 =	vand.u32 $0x7F, v32;
	v31 =	vld.idx.msk [tilespmem:v31+s12+$0x0], $0xffff  }
0x226: {  	v38 =	vadd.f32 v40, v38;
	v40 =	vmul.f32 v29, v29;
	v37 =	vadd.s32 v6, v37;
	v30 =	vld.idx.msk [tilespmem:v30+s10+$0x0], $0xffff  }
0x227: {  	v32 =	vor.u32 v32, v37;
	v37 =	vand.u32 $0xFFFFFF80, v33;
	v33 =	vand.u32 $0x7F, v33;
	v28 =	vld.idx.msk [tilespmem:v28+s12+$0x0], $0xffff  }
0x228: {  	v38 =	vadd.f32 v40, v38;
	v40 =	vmul.f32 v39, v39;
	v37 =	vadd.s32 v6, v37;
	v35 =	vld.idx.msk [tilespmem:v35+s10+$0x0], $0xffff  }
0x229: {  	v33 =	vor.u32 v33, v37;
	v37 =	vand.u32 $0xFFFFFF80, v26;
	v26 =	vand.u32 $0x7F, v26;
	v23 =	vld.idx.msk [tilespmem:v23+s12+$0x0], $0xffff  }
0x22a: {  	v38 =	vadd.f32 v40, v38;
	v40 =	vmul.f32 v36, v36;
	v6 =	vadd.s32 v6, v37;
	v34 =	vld.idx.msk [tilespmem:v34+s10+$0x0], $0xffff  }
0x22b: {  	v37 =	vmul.f32 v31, v31;
	v6 =	vor.u32 v26, v6;
	v19 =	vld.idx.msk [tilespmem:v19+s12+$0x0], $0xffff  }
0x22c: {  	v16 =	vadd.f32 v18, v16;
	v26 =	vadd.f32 v40, v38;
	v18 =	vmul.f32 v30, v30;
	v32 =	vld.idx.msk [tilespmem:v32+s10+$0x0], $0xffff  }
0x22d: {  	v38 =	vmul.f32 v28, v28;
	v15 =	vld.idx.msk [tilespmem:v15+s12+$0x0], $0xffff  }
0x22e: {  	v16 =	vadd.f32 v37, v16;
	v18 =	vadd.f32 v18, v26;
	v26 =	vmul.f32 v35, v35;
	v33 =	vld.idx.msk [tilespmem:v33+s10+$0x0], $0xffff  }
0x22f: {  	v37 =	vmul.f32 v23, v23;
	v14 =	vld.idx.msk [tilespmem:v14+s12+$0x0], $0xffff  }
0x230: {  	v16 =	vadd.f32 v38, v16;
	v18 =	vadd.f32 v26, v18;
	v26 =	vmul.f32 v34, v34;
	v6 =	vld.idx.msk [tilespmem:v6+s10+$0x0], $0xffff  }
0x231: {  	v38 =	vmul.f32 v19, v19  }
0x232: {  	v16 =	vadd.f32 v37, v16;
	v18 =	vadd.f32 v26, v18;
	v26 =	vmul.f32 v32, v32  }
0x233: {  	v37 =	vmul.f32 v15, v15  }
0x234: {  	v16 =	vadd.f32 v38, v16;
	v18 =	vadd.f32 v26, v18;
	v26 =	vmul.f32 v33, v33  }
0x235: {  	v4 =	vmul.f32 v4, v20;
	v20 =	vmul.f32 v14, v14  }
0x236: {  	v16 =	vadd.f32 v37, v16;
	v18 =	vadd.f32 v26, v18;
	v26 =	vmul.f32 v6, v6  }
0x237: {  	v3 =	vmul.f32 v3, v17;
	v4 =	vadd.f32 $0.0e+00, v4  }
0x238: {  	v16 =	vadd.f32 v20, v16;
	v17 =	vadd.f32 v26, v18  }
0x239: {  	v3 =	vadd.f32 v3, v4;
	v4 =	vmul.f32 v5, v21  }
0x23a: {  	v5 =	vmul.f32 v16, v17  }
0x23b: {  	v3 =	vadd.f32 v4, v3;
	v4 =	vmul.f32 v7, v22  }
0x23c: {  	v7 =	vmul.f32 v8, v25;
	v5 =	vmax.f32 v5, $1.000000020e-16  }
0x23d: {  	v3 =	vadd.f32 v4, v3;
	v4 =	vshrl.u32 v5, $0x1;
	v5 =	vmul.f32 $5.000000000e-01, v5  }
0x23e: {  	v4 =	vsub.s32 $0x5F3759DF, v4  }
0x23f: {  	v3 =	vadd.f32 v7, v3;
	v7 =	vmul.f32 v9, v24;
	v8 =	vmul.f32 v4, v5;
	_ =	sdelay $0x1  }
0x240: {  	v3 =	vadd.f32 v7, v3;
	v7 =	vmul.f32 v10, v27;
	v8 =	vmul.f32 v4, v8;
	_ =	sdelay $0x1  }
0x241: {  	v3 =	vadd.f32 v7, v3;
	v7 =	vmul.f32 v11, v29;
	v8 =	vsub.f32 $1.500000000e+00, v8;
	_ =	sdelay $0x1  }
0x242: {  	v3 =	vadd.f32 v7, v3;
	v7 =	vmul.f32 v12, v39;
	v4 =	vmul.f32 v4, v8;
	_ =	sdelay $0x1  }
0x243: {  	v3 =	vadd.f32 v7, v3;
	v7 =	vmul.f32 v13, v36;
	v8 =	vmul.f32 v4, v5;
	_ =	sdelay $0x1  }
0x244: {  	v3 =	vadd.f32 v7, v3;
	v7 =	vmul.f32 v31, v30;
	v8 =	vmul.f32 v8, v4;
	_ =	sdelay $0x1  }
0x245: {  	v3 =	vadd.f32 v7, v3;
	v7 =	vmul.f32 v28, v35;
	v8 =	vsub.f32 $1.500000000e+00, v8;
	_ =	sdelay $0x1  }
0x246: {  	v3 =	vadd.f32 v7, v3;
	v7 =	vmul.f32 v23, v34;
	v4 =	vmul.f32 v8, v4;
	_ =	sdelay $0x1  }
0x247: {  	v3 =	vadd.f32 v7, v3;
	v7 =	vmul.f32 v19, v32;
	v5 =	vmul.f32 v4, v5;
	_ =	sdelay $0x1  }
0x248: {  	v3 =	vadd.f32 v7, v3;
	v7 =	vmul.f32 v15, v33;
	v5 =	vmul.f32 v5, v4;
	_ =	sdelay $0x1  }
0x249: {  	v6 =	vmul.f32 v14, v6;
	v3 =	vadd.f32 v7, v3;
	v5 =	vsub.f32 $1.500000000e+00, v5  }
0x24a: {  	s1 =	sadd.s32 $0x80, s25  }
0x24b: {  	v15 =	vor.u32 s1, v0;
	v3 =	vadd.f32 v6, v3;
	v4 =	vmul.f32 v5, v4;
	_ =	sdelay $0x1  }
0x24c: {  	v3 =	vmul.f32 v4, v3  }
0x24d: {  	s24 =	sadd.s32 $0x10, s24  }
0x24e: {  	[tilespmem:s24+$0x0] =	vst v3  }
0x24f: {  	v7 =	vld.idx.msk [tilespmem:v15+s15+$0x0], $0xffff;
	_ =	sdelay $0x3  }
0x250: {  	v3 =	vmov s25  }
0x251: {  	v3 =	vshll.u32 v3, $0x7  }
0x252: {  	v6 =	vor.u32 v2, v3;
	v11 =	vadd.s32 $0x78, v7  }
0x253: {  	v13 =	vadd.s32 $0x60, v7;
	v12 =	vadd.s32 $0x68, v7;
	v22 =	vadd.s32 $0x70, v7  }
0x254: {  	v3 =	vand.u32 $0xFFFFFF80, v7;
	v4 =	vand.u32 $0x7F, v7;
	v5 =	vadd.s32 $0x8, v7  }
0x255: {  	v9 =	vadd.s32 $0x10, v7;
	v3 =	vadd.s32 v6, v3;
	v8 =	vand.u32 $0xFFFFFF80, v5  }
0x256: {  	v3 =	vor.u32 v4, v3;
	v4 =	vand.u32 $0x7F, v5;
	v5 =	vadd.s32 v6, v8  }
0x257: {  	v17 =	vadd.s32 $0x58, v7;
	v5 =	vor.u32 v4, v5;
	v4 =	vand.u32 $0xFFFFFF80, v9  }
0x258: {  	v8 =	vand.u32 $0x7F, v9;
	v9 =	vadd.s32 $0x18, v7;
	v4 =	vadd.s32 v6, v4  }
0x259: {  	v18 =	vadd.s32 $0x50, v7;
	v8 =	vor.u32 v8, v4;
	v4 =	vand.u32 $0xFFFFFF80, v9  }
0x25a: {  	v14 =	vadd.s32 $0x20, v7;
	v9 =	vand.u32 $0x7F, v9;
	v10 =	vadd.s32 v6, v4  }
0x25b: {  	v16 =	vadd.s32 $0x48, v7;
	v9 =	vor.u32 v9, v10;
	v10 =	vand.u32 $0xFFFFFF80, v14;
	v4 =	vld.idx.msk [tilespmem:v3+s12+$0x0], $0xffff  }
0x25c: {  	v10 =	vadd.s32 v6, v10;
	v3 =	vld.idx.msk [tilespmem:v5+s12+$0x0], $0xffff;
	v5 =	vand.u32 $0x7F, v14;
	v14 =	vadd.s32 $0x28, v7  }
0x25d: {  	v20 =	vadd.s32 $0x40, v7;
	v10 =	vor.u32 v5, v10;
	v19 =	vand.u32 $0xFFFFFF80, v14  }
0x25e: {  	v5 =	vld.idx.msk [tilespmem:v8+s12+$0x0], $0xffff;
	v8 =	vand.u32 $0x7F, v14;
	v14 =	vadd.s32 v6, v19;
	v19 =	vadd.s32 $0x30, v7  }
0x25f: {  	v23 =	vadd.s32 $0x38, v7;
	v21 =	vor.u32 v8, v14;
	v8 =	vand.u32 $0xFFFFFF80, v19  }
0x260: {  	v14 =	vand.u32 $0x7F, v11;
	v7 =	vld.idx.msk [tilespmem:v9+s12+$0x0], $0xffff;
	v9 =	vand.u32 $0x7F, v19;
	v8 =	vadd.s32 v6, v8  }
0x261: {  	v19 =	vor.u32 v9, v8;
	v9 =	vand.u32 $0xFFFFFF80, v23;
	v23 =	vand.u32 $0x7F, v23  }
0x262: {  	v24 =	vmul.f32 v4, v4;
	v25 =	vmul.f32 v3, v3;
	v8 =	vld.idx.msk [tilespmem:v10+s12+$0x0], $0xffff;
	v9 =	vadd.s32 v6, v9  }
0x263: {  	v10 =	vand.u32 $0xFFFFFF80, v20;
	v20 =	vand.u32 $0x7F, v20;
	v26 =	vor.u32 v23, v9  }
.Ltmp2:
0x264: {  	v23 =	vadd.f32 v25, v24;
	v24 =	vmul.f32 v5, v5;
	v10 =	vadd.s32 v6, v10;
	v9 =	vld.idx.msk [tilespmem:v21+s12+$0x0], $0xffff;
	(pc) =	sbr.rel @p0 .LBB2_6-.Ltmp2, $4  }
0x265: {  	v21 =	vor.u32 v20, v10;
	v20 =	vand.u32 $0xFFFFFF80, v16;
	v16 =	vand.u32 $0x7F, v16  }
0x266: {  	v23 =	vadd.f32 v24, v23;
	v24 =	vmul.f32 v7, v7;
	v10 =	vld.idx.msk [tilespmem:v19+s12+$0x0], $0xffff;
	v19 =	vadd.s32 v6, v20  }
0x267: {  	v20 =	vand.u32 $0x7F, v22;
	v19 =	vor.u32 v16, v19;
	v16 =	vand.u32 $0xFFFFFF80, v11  }
0x268: {  	s25 =	sadd.s32 $0x10, s25;
	v22 =	vand.u32 $0xFFFFFF80, v22;
	v23 =	vadd.f32 v24, v23;
	v24 =	vmul.f32 v8, v8;
	v11 =	vld.idx.msk [tilespmem:v26+s12+$0x0], $0xffff  }
0x269: {  	v25 =	vand.u32 $0x7F, v13;
	v26 =	vand.u32 $0xFFFFFF80, v12  }
0x26a: {  	v27 =	vand.u32 $0x7F, v12;
	v13 =	vand.u32 $0xFFFFFF80, v13;
	v28 =	vand.u32 $0xFFFFFF80, v17  }
0x26b: {  	v17 =	vand.u32 $0x7F, v17;
	v22 =	vadd.s32 v6, v22;
	v16 =	vadd.s32 v6, v16  }
0x26c: {  	v23 =	vadd.f32 v24, v23;
	v24 =	vmul.f32 v9, v9;
	v26 =	vadd.s32 v6, v26  }
0x26d: {  	v15 =	vld.idx.msk [tilespmem:v15+s14+$0x0], $0xffff;
	v29 =	vadd.s32 v6, v13;
	v28 =	vadd.s32 v6, v28;
	v13 =	vor.u32 v20, v22  }
0x26e: {  	v12 =	vld.idx.msk [tilespmem:v21+s12+$0x0], $0xffff;
	v14 =	vor.u32 v14, v16;
	v17 =	vor.u32 v17, v28;
	v21 =	vadd.f32 v24, v23  }
0x26f: {  	v23 =	vmul.f32 v10, v10;
	v24 =	vand.u32 $0x7F, v18;
	v18 =	vand.u32 $0xFFFFFF80, v18  }
0x270: {  	v20 =	vor.u32 v25, v29;
	v22 =	vor.u32 v27, v26;
	v18 =	vadd.s32 v6, v18  }
0x271: {  	v21 =	vadd.f32 v23, v21;
	v23 =	vmul.f32 v11, v11;
	v18 =	vor.u32 v24, v18  }
0x272: {  	v24 =	vadd.s32 $0x70, v15;
	v25 =	vand.u32 $0xFFFFFF80, v15;
	v26 =	vand.u32 $0x7F, v15  }
0x273: {  	v27 =	vadd.s32 $0x8, v15;
	v50 =	vadd.s32 $0x10, v15;
	v51 =	vadd.s32 $0x60, v15  }
0x274: {  	v30 =	vadd.s32 $0x18, v15;
	v31 =	vadd.s32 $0x58, v15;
	v32 =	vadd.s32 $0x20, v15  }
0x275: {  	v33 =	vadd.s32 $0x50, v15;
	v34 =	vadd.s32 $0x28, v15;
	v35 =	vadd.s32 $0x48, v15  }
0x276: {  	v36 =	vadd.s32 $0x30, v15;
	v25 =	vadd.s32 v6, v25;
	v49 =	vand.u32 $0xFFFFFF80, v27  }
0x277: {  	v25 =	vor.u32 v26, v25;
	v26 =	vand.u32 $0x7F, v27;
	v27 =	vadd.s32 v6, v49  }
0x278: {  	v37 =	vadd.s32 $0x40, v15;
	v26 =	vor.u32 v26, v27;
	v27 =	vand.u32 $0xFFFFFF80, v50  }
0x279: {  	v38 =	vadd.s32 $0x38, v15;
	v29 =	vand.u32 $0x7F, v50;
	v27 =	vadd.s32 v6, v27  }
0x27a: {  	v52 =	vand.u32 $0xFFFFFF80, v30;
	v30 =	vand.u32 $0x7F, v30;
	v27 =	vor.u32 v29, v27  }
0x27b: {  	v53 =	vand.u32 $0xFFFFFF80, v32;
	v32 =	vand.u32 $0x7F, v32;
	v29 =	vadd.s32 v6, v52  }
0x27c: {  	v54 =	vand.u32 $0xFFFFFF80, v34;
	v34 =	vand.u32 $0x7F, v34;
	v29 =	vor.u32 v30, v29;
	v25 =	vld.idx.msk [tilespmem:v25+s10+$0x0], $0xffff  }
0x27d: {  	v55 =	vand.u32 $0xFFFFFF80, v36;
	v36 =	vand.u32 $0x7F, v36;
	v30 =	vadd.s32 v6, v53;
	v26 =	vld.idx.msk [tilespmem:v26+s10+$0x0], $0xffff  }
0x27e: {  	v56 =	vand.u32 $0xFFFFFF80, v38;
	v38 =	vand.u32 $0x7F, v38;
	v30 =	vor.u32 v32, v30  }
0x27f: {  	v57 =	vand.u32 $0xFFFFFF80, v37;
	v37 =	vand.u32 $0x7F, v37;
	v32 =	vadd.s32 v6, v54;
	v27 =	vld.idx.msk [tilespmem:v27+s10+$0x0], $0xffff  }
0x280: {  	v59 =	vand.u32 $0xFFFFFF80, v35;
	v35 =	vand.u32 $0x7F, v35;
	v32 =	vor.u32 v34, v32  }
0x281: {  	v61 =	vand.u32 $0xFFFFFF80, v33;
	v33 =	vand.u32 $0x7F, v33;
	v34 =	vadd.s32 v6, v55;
	v29 =	vld.idx.msk [tilespmem:v29+s10+$0x0], $0xffff  }
0x282: {  	v19 =	vld.idx.msk [tilespmem:v19+s12+$0x0], $0xffff;
	v34 =	vor.u32 v36, v34;
	v39 =	vmul.f32 v25, v25;
	v40 =	vmul.f32 v26, v26  }
0x283: {  	v63 =	vand.u32 $0xFFFFFF80, v31;
	v31 =	vand.u32 $0x7F, v31;
	v36 =	vadd.s32 v6, v56;
	v30 =	vld.idx.msk [tilespmem:v30+s10+$0x0], $0xffff  }
0x284: {  	v36 =	vor.u32 v38, v36;
	v39 =	vadd.f32 v40, v39;
	v58 =	vmul.f32 v27, v27  }
0x285: {  	v45 =	vand.u32 $0xFFFFFF80, v51;
	v28 =	vand.u32 $0x7F, v51;
	v38 =	vadd.s32 v6, v57;
	v32 =	vld.idx.msk [tilespmem:v32+s10+$0x0], $0xffff  }
0x286: {  	v37 =	vor.u32 v37, v38;
	v60 =	vmul.f32 v29, v29;
	v39 =	vadd.f32 v58, v39  }
0x287: {  	v51 =	vmul.f32 v19, v19;
	v21 =	vadd.f32 v23, v21;
	v38 =	vadd.s32 v6, v59;
	v34 =	vld.idx.msk [tilespmem:v34+s10+$0x0], $0xffff  }
0x288: {  	v35 =	vor.u32 v35, v38;
	v62 =	vmul.f32 v30, v30;
	v39 =	vadd.f32 v60, v39  }
0x289: {  	v23 =	vmul.f32 v12, v12;
	v49 =	vand.u32 $0xFFFFFF80, v24;
	v38 =	vadd.s32 v6, v61;
	v36 =	vld.idx.msk [tilespmem:v36+s10+$0x0], $0xffff  }
0x28a: {  	v33 =	vor.u32 v33, v38;
	v44 =	vmul.f32 v32, v32;
	v39 =	vadd.f32 v62, v39  }
0x28b: {  	v21 =	vadd.f32 v23, v21;
	v23 =	vadd.s32 $0x68, v15;
	v38 =	vadd.s32 v6, v63;
	v37 =	vld.idx.msk [tilespmem:v37+s10+$0x0], $0xffff  }
0x28c: {  	v31 =	vor.u32 v31, v38;
	v46 =	vmul.f32 v34, v34;
	v39 =	vadd.f32 v44, v39  }
0x28d: {  	v24 =	vand.u32 $0x7F, v24;
	v47 =	vand.u32 $0xFFFFFF80, v23;
	v38 =	vadd.s32 v6, v45;
	v35 =	vld.idx.msk [tilespmem:v35+s10+$0x0], $0xffff  }
0x28e: {  	v18 =	vld.idx.msk [tilespmem:v18+s12+$0x0], $0xffff;
	v28 =	vor.u32 v28, v38;
	v48 =	vmul.f32 v36, v36;
	v39 =	vadd.f32 v46, v39  }
0x28f: {  	v15 =	vadd.s32 $0x78, v15;
	v23 =	vand.u32 $0x7F, v23;
	v38 =	vadd.s32 v6, v47;
	v33 =	vld.idx.msk [tilespmem:v33+s10+$0x0], $0xffff  }
0x290: {  	v17 =	vld.idx.msk [tilespmem:v17+s12+$0x0], $0xffff;
	v23 =	vor.u32 v23, v38;
	v50 =	vmul.f32 v37, v37;
	v39 =	vadd.f32 v48, v39  }
0x291: {  	v52 =	vand.u32 $0xFFFFFF80, v15;
	v15 =	vand.u32 $0x7F, v15;
	v38 =	vadd.s32 v6, v49;
	v31 =	vld.idx.msk [tilespmem:v31+s10+$0x0], $0xffff  }
0x292: {  	v20 =	vld.idx.msk [tilespmem:v20+s12+$0x0], $0xffff;
	v24 =	vor.u32 v24, v38;
	v53 =	vmul.f32 v35, v35;
	v39 =	vadd.f32 v50, v39  }
0x293: {  	v21 =	vadd.f32 v51, v21;
	v54 =	vmul.f32 v18, v18;
	v6 =	vadd.s32 v6, v52;
	v16 =	vld.idx.msk [tilespmem:v28+s10+$0x0], $0xffff  }
0x294: {  	v6 =	vor.u32 v15, v6;
	v15 =	vld.idx.msk [tilespmem:v22+s12+$0x0], $0xffff;
	v55 =	vmul.f32 v33, v33;
	v22 =	vadd.f32 v53, v39  }
0x295: {  	v56 =	vmul.f32 v17, v17;
	v21 =	vadd.f32 v54, v21;
	v23 =	vld.idx.msk [tilespmem:v23+s10+$0x0], $0xffff  }
0x296: {  	v13 =	vld.idx.msk [tilespmem:v13+s12+$0x0], $0xffff;
	v57 =	vmul.f32 v31, v31;
	v22 =	vadd.f32 v55, v22  }
0x297: {  	v21 =	vadd.f32 v56, v21;
	v58 =	vmul.f32 v20, v20;
	v24 =	vld.idx.msk [tilespmem:v24+s10+$0x0], $0xffff  }
0x298: {  	v14 =	vld.idx.msk [tilespmem:v14+s12+$0x0], $0xffff;
	v59 =	vmul.f32 v16, v16;
	v22 =	vadd.f32 v57, v22  }
0x299: {  	v21 =	vadd.f32 v58, v21;
	v6 =	vld.idx.msk [tilespmem:v6+s10+$0x0], $0xffff  }
0x29a: {  	v60 =	vmul.f32 v15, v15;
	v61 =	vmul.f32 v23, v23;
	v22 =	vadd.f32 v59, v22  }
0x29b: {  	v62 =	vmul.f32 v13, v13  }
0x29c: {  	v21 =	vadd.f32 v60, v21;
	v63 =	vmul.f32 v24, v24;
	v22 =	vadd.f32 v61, v22  }
0x29d: {  	v4 =	vmul.f32 v4, v25;
	v25 =	vmul.f32 v14, v14  }
0x29e: {  	v21 =	vadd.f32 v62, v21;
	v38 =	vmul.f32 v6, v6;
	v22 =	vadd.f32 v63, v22  }
0x29f: {  	v3 =	vmul.f32 v3, v26;
	v4 =	vadd.f32 $0.0e+00, v4  }
0x2a0: {  	v21 =	vadd.f32 v25, v21;
	v22 =	vadd.f32 v38, v22  }
0x2a1: {  	v3 =	vadd.f32 v3, v4;
	v4 =	vmul.f32 v5, v27  }
0x2a2: {  	v5 =	vmul.f32 v21, v22  }
0x2a3: {  	v3 =	vadd.f32 v4, v3;
	v4 =	vmul.f32 v7, v29  }
0x2a4: {  	v7 =	vmul.f32 v8, v30;
	v5 =	vmax.f32 v5, $1.000000020e-16  }
0x2a5: {  	v3 =	vadd.f32 v4, v3;
	v4 =	vshrl.u32 v5, $0x1;
	v5 =	vmul.f32 $5.000000000e-01, v5  }
0x2a6: {  	v4 =	vsub.s32 $0x5F3759DF, v4  }
0x2a7: {  	v3 =	vadd.f32 v7, v3;
	v7 =	vmul.f32 v9, v32;
	v8 =	vmul.f32 v4, v5;
	_ =	sdelay $0x1  }
0x2a8: {  	v3 =	vadd.f32 v7, v3;
	v7 =	vmul.f32 v10, v34;
	v8 =	vmul.f32 v4, v8;
	_ =	sdelay $0x1  }
0x2a9: {  	v3 =	vadd.f32 v7, v3;
	v7 =	vmul.f32 v11, v36;
	v8 =	vsub.f32 $1.500000000e+00, v8;
	_ =	sdelay $0x1  }
0x2aa: {  	v3 =	vadd.f32 v7, v3;
	v7 =	vmul.f32 v12, v37;
	v4 =	vmul.f32 v4, v8;
	_ =	sdelay $0x1  }
0x2ab: {  	v3 =	vadd.f32 v7, v3;
	v7 =	vmul.f32 v19, v35;
	v8 =	vmul.f32 v4, v5;
	_ =	sdelay $0x1  }
0x2ac: {  	v3 =	vadd.f32 v7, v3;
	v7 =	vmul.f32 v18, v33;
	v8 =	vmul.f32 v8, v4;
	_ =	sdelay $0x1  }
0x2ad: {  	v3 =	vadd.f32 v7, v3;
	v7 =	vmul.f32 v17, v31;
	v8 =	vsub.f32 $1.500000000e+00, v8;
	_ =	sdelay $0x1  }
0x2ae: {  	v3 =	vadd.f32 v7, v3;
	v7 =	vmul.f32 v20, v16;
	v4 =	vmul.f32 v8, v4;
	_ =	sdelay $0x1  }
0x2af: {  	v3 =	vadd.f32 v7, v3;
	v7 =	vmul.f32 v15, v23;
	v5 =	vmul.f32 v4, v5;
	_ =	sdelay $0x1  }
0x2b0: {  	v3 =	vadd.f32 v7, v3;
	v7 =	vmul.f32 v13, v24;
	v5 =	vmul.f32 v5, v4;
	_ =	sdelay $0x1  }
0x2b1: {  	v6 =	vmul.f32 v14, v6;
	v3 =	vadd.f32 v7, v3;
	v5 =	vsub.f32 $1.500000000e+00, v5;
	_ =	sdelay $0x1  }
0x2b2: {  	v3 =	vadd.f32 v6, v3;
	v4 =	vmul.f32 v5, v4;
	_ =	sdelay $0x1  }
0x2b3: {  	v3 =	vmul.f32 v4, v3  }
0x2b4: {  	s1 =	sadd.s32 $0x10, s24  }
0x2b5: {  	[tilespmem:s1+$0x0] =	vst v3  }
0x2b6: {  	[tilespmem:s10], [sflag:$0x1] =	stream.indirect.gather [hbm4b:s3+s8], $0x80, s18, s8, $0xb8;
	[tilespmem:$0x8E00] =	vst v63  }
0x2b7: {  	_ = 	snop  }
0x2b8: {  	[tilespmem:s12], [sflag:$0x1] =	stream.indirect.gather [hbm4b:s3+s8], $0x80, s19, s8, $0xb8;
	[tilespmem:$0x8E00] =	vst v63  }
0x2b9: {  	s28 =	simm.s32 $0x100;
	_ =	swait.ge [sflag:s13], $0x4000  }
0x2ba: {  	v15 =	vor.u32 s28, v0;
	[sflag:s13] =	ssyncset.done $0x0  }
0x2bb: {  	[sflag:s13] =	ssyncadd.s32 $0xFFFFC000  }
0x2bc: {  	_ =	swait.ge [sflag:s13], $0x4000  }
0x2bd: {  	[sflag:s13] =	ssyncset.done $0x0  }
0x2be: {  	[sflag:s13] =	ssyncadd.s32 $0xFFFFC000  }
0x2bf: {  	v9 =	vld.idx.msk [tilespmem:v15+s15+$0x0], $0xffff  }
0x2c0: {  	s29 =	simm.s32 $0x0  }
0x2c1: {  	v3 =	vmov s29  }
0x2c2: {  	v3 =	vshll.u32 v3, $0x7  }
0x2c3: {  	v7 =	vor.u32 v2, v3;
	v29 =	vld.idx.msk [tilespmem:v15+s14+$0x0], $0xffff  }
0x2c4: {  	v11 =	vadd.s32 $0x78, v9;
	v3 =	vand.u32 $0xFFFFFF80, v9;
	v4 =	vadd.s32 $0x8, v9  }
0x2c5: {  	v5 =	vand.u32 $0x7F, v9;
	v8 =	vadd.s32 $0x10, v9;
	v16 =	vadd.s32 $0x60, v9  }
0x2c6: {  	v10 =	vadd.s32 $0x20, v9;
	v12 =	vadd.s32 $0x68, v9;
	v14 =	vadd.s32 $0x28, v9  }
0x2c7: {  	v17 =	vadd.s32 $0x70, v9;
	v18 =	vadd.s32 $0x30, v9;
	v19 =	vadd.s32 $0x58, v9  }
0x2c8: {  	v23 =	vadd.s32 $0x50, v9;
	v24 =	vadd.s32 $0x40, v9;
	v41 =	vadd.s32 $0x10, v29  }
0x2c9: {  	v42 =	vadd.s32 $0x18, v29;
	v31 =	vadd.s32 $0x58, v29;
	v44 =	vadd.s32 $0x20, v29  }
0x2ca: {  	v46 =	vadd.s32 $0x50, v29;
	v47 =	vadd.s32 $0x28, v29;
	v49 =	vadd.s32 $0x48, v29  }
0x2cb: {  	v50 =	vadd.s32 $0x30, v29;
	v3 =	vadd.s32 v7, v3;
	v6 =	vand.u32 $0xFFFFFF80, v4  }
0x2cc: {  	v4 =	vand.u32 $0x7F, v4;
	v6 =	vadd.s32 v7, v6;
	v3 =	vor.u32 v5, v3  }
0x2cd: {  	v52 =	vadd.s32 $0x40, v29;
	v5 =	vor.u32 v4, v6;
	v4 =	vand.u32 $0xFFFFFF80, v8  }
0x2ce: {  	v6 =	vand.u32 $0x7F, v8;
	v8 =	vadd.s32 $0x18, v9;
	v4 =	vadd.s32 v7, v4  }
0x2cf: {  	v53 =	vadd.s32 $0x38, v29;
	v6 =	vor.u32 v6, v4;
	v4 =	vand.u32 $0xFFFFFF80, v8  }
0x2d0: {  	v13 =	vand.u32 $0xFFFFFF80, v10;
	v8 =	vand.u32 $0x7F, v8;
	v4 =	vadd.s32 v7, v4  }
0x2d1: {  	v10 =	vand.u32 $0x7F, v10;
	v26 =	vand.u32 $0xFFFFFF80, v12;
	v8 =	vor.u32 v8, v4;
	v4 =	vld.idx.msk [tilespmem:v3+s12+$0x0], $0xffff  }
0x2d2: {  	v27 =	vand.u32 $0x7F, v12;
	v39 =	vand.u32 $0xFFFFFF80, v19;
	v13 =	vadd.s32 v7, v13;
	v3 =	vld.idx.msk [tilespmem:v5+s12+$0x0], $0xffff  }
0x2d3: {  	v19 =	vand.u32 $0x7F, v19;
	v10 =	vor.u32 v10, v13;
	v5 =	vand.u32 $0xFFFFFF80, v14  }
0x2d4: {  	v13 =	vand.u32 $0x7F, v14;
	v14 =	vadd.s32 v7, v5;
	v5 =	vld.idx.msk [tilespmem:v6+s12+$0x0], $0xffff;
	v6 =	vand.u32 $0xFFFFFF80, v18  }
0x2d5: {  	v13 =	vor.u32 v13, v14;
	v18 =	vand.u32 $0x7F, v18;
	v20 =	vadd.s32 v7, v6  }
0x2d6: {  	v28 =	vand.u32 $0x7F, v41;
	v14 =	vadd.s32 $0x38, v9;
	v6 =	vld.idx.msk [tilespmem:v8+s12+$0x0], $0xffff;
	v18 =	vor.u32 v18, v20  }
0x2d7: {  	v8 =	vand.u32 $0xFFFFFF80, v14;
	v20 =	vmul.f32 v4, v4;
	v21 =	vmul.f32 v3, v3  }
0x2d8: {  	v14 =	vand.u32 $0x7F, v14;
	v22 =	vadd.s32 v7, v8;
	v8 =	vld.idx.msk [tilespmem:v10+s12+$0x0], $0xffff;
	v10 =	vand.u32 $0xFFFFFF80, v24  }
0x2d9: {  	v22 =	vor.u32 v14, v22;
	v14 =	vadd.f32 v21, v20;
	v20 =	vmul.f32 v5, v5  }
0x2da: {  	v24 =	vand.u32 $0x7F, v24;
	v10 =	vadd.s32 v7, v10;
	v21 =	vadd.s32 $0x48, v9;
	v9 =	vld.idx.msk [tilespmem:v13+s12+$0x0], $0xffff  }
0x2db: {  	v24 =	vor.u32 v24, v10;
	v14 =	vadd.f32 v20, v14;
	v20 =	vmul.f32 v6, v6  }
0x2dc: {  	v13 =	vand.u32 $0x7F, v11;
	v25 =	vand.u32 $0xFFFFFF80, v21;
	v21 =	vand.u32 $0x7F, v21;
	v10 =	vld.idx.msk [tilespmem:v18+s12+$0x0], $0xffff  }
0x2dd: {  	v18 =	vadd.s32 v7, v25;
	v25 =	vmul.f32 v8, v8;
	v20 =	vadd.f32 v20, v14  }
0x2de: {  	v18 =	vor.u32 v21, v18;
	v21 =	vand.u32 $0x7F, v17;
	v14 =	vand.u32 $0xFFFFFF80, v11;
	v11 =	vld.idx.msk [tilespmem:v22+s12+$0x0], $0xffff  }
0x2df: {  	v17 =	vand.u32 $0xFFFFFF80, v17;
	v22 =	vmul.f32 v9, v9;
	v20 =	vadd.f32 v25, v20  }
0x2e0: {  	v12 =	vld.idx.msk [tilespmem:v24+s12+$0x0], $0xffff;
	v24 =	vand.u32 $0x7F, v23;
	v23 =	vand.u32 $0xFFFFFF80, v23;
	v25 =	vand.u32 $0x7F, v16  }
0x2e1: {  	v16 =	vand.u32 $0xFFFFFF80, v16;
	v20 =	vadd.f32 v22, v20;
	v22 =	vmul.f32 v10, v10  }
0x2e2: {  	v17 =	vadd.s32 v7, v17;
	v23 =	vadd.s32 v7, v23;
	v16 =	vadd.s32 v7, v16  }
0x2e3: {  	v16 =	vor.u32 v25, v16;
	v15 =	vadd.f32 v22, v20;
	v20 =	vmul.f32 v11, v11  }
0x2e4: {  	v25 =	vand.u32 $0x7F, v29;
	v22 =	vadd.s32 v7, v26;
	v26 =	vadd.s32 v7, v39  }
0x2e5: {  	v20 =	vadd.f32 v20, v15;
	v15 =	vor.u32 v21, v17;
	v17 =	vor.u32 v19, v26  }
0x2e6: {  	v21 =	vor.u32 v24, v23;
	v24 =	vand.u32 $0xFFFFFF80, v29;
	v26 =	vadd.s32 $0x8, v29  }
0x2e7: {  	v19 =	vor.u32 v27, v22;
	v24 =	vadd.s32 v7, v24;
	v27 =	vand.u32 $0xFFFFFF80, v26  }
0x2e8: {  	v24 =	vor.u32 v25, v24;
	v25 =	vand.u32 $0x7F, v26;
	v26 =	vadd.s32 v7, v27  }
0x2e9: {  	v43 =	vand.u32 $0xFFFFFF80, v42;
	v25 =	vor.u32 v25, v26;
	v26 =	vand.u32 $0xFFFFFF80, v41  }
0x2ea: {  	v30 =	vand.u32 $0x7F, v42;
	v45 =	vand.u32 $0xFFFFFF80, v44;
	v26 =	vadd.s32 v7, v26  }
0x2eb: {  	v32 =	vand.u32 $0x7F, v44;
	v48 =	vand.u32 $0xFFFFFF80, v47;
	v26 =	vor.u32 v28, v26  }
0x2ec: {  	v34 =	vand.u32 $0x7F, v47;
	v51 =	vand.u32 $0xFFFFFF80, v50;
	v28 =	vadd.s32 v7, v43  }
0x2ed: {  	v36 =	vand.u32 $0x7F, v50;
	v54 =	vand.u32 $0xFFFFFF80, v53;
	v28 =	vor.u32 v30, v28;
	v24 =	vld.idx.msk [tilespmem:v24+s10+$0x0], $0xffff  }
0x2ee: {  	v38 =	vand.u32 $0x7F, v53;
	v57 =	vand.u32 $0xFFFFFF80, v52;
	v30 =	vadd.s32 v7, v45;
	v25 =	vld.idx.msk [tilespmem:v25+s10+$0x0], $0xffff  }
0x2ef: {  	v37 =	vand.u32 $0x7F, v52;
	v59 =	vand.u32 $0xFFFFFF80, v49;
	v30 =	vor.u32 v32, v30  }
0x2f0: {  	v35 =	vand.u32 $0x7F, v49;
	v61 =	vand.u32 $0xFFFFFF80, v46;
	v32 =	vadd.s32 v7, v48;
	v26 =	vld.idx.msk [tilespmem:v26+s10+$0x0], $0xffff  }
0x2f1: {  	v33 =	vand.u32 $0x7F, v46;
	v63 =	vand.u32 $0xFFFFFF80, v31;
	v32 =	vor.u32 v34, v32  }
0x2f2: {  	v31 =	vand.u32 $0x7F, v31;
	v14 =	vadd.s32 v7, v14;
	v34 =	vadd.s32 v7, v51;
	v28 =	vld.idx.msk [tilespmem:v28+s10+$0x0], $0xffff  }
0x2f3: {  	v34 =	vor.u32 v36, v34;
	v55 =	vmul.f32 v24, v24;
	v56 =	vmul.f32 v25, v25  }
0x2f4: {  	v40 =	vmul.f32 v12, v12;
	v22 =	vadd.s32 $0x68, v29;
	v36 =	vadd.s32 v7, v54;
	v30 =	vld.idx.msk [tilespmem:v30+s10+$0x0], $0xffff  }
0x2f5: {  	v36 =	vor.u32 v38, v36;
	v39 =	vadd.f32 v56, v55;
	v58 =	vmul.f32 v26, v26  }
0x2f6: {  	v23 =	vadd.s32 $0x70, v29;
	v47 =	vand.u32 $0xFFFFFF80, v22;
	v38 =	vadd.s32 v7, v57;
	v32 =	vld.idx.msk [tilespmem:v32+s10+$0x0], $0xffff  }
0x2f7: {  	v37 =	vor.u32 v37, v38;
	v60 =	vmul.f32 v28, v28;
	v39 =	vadd.f32 v58, v39  }
0x2f8: {  	v22 =	vand.u32 $0x7F, v22;
	v49 =	vand.u32 $0xFFFFFF80, v23;
	v38 =	vadd.s32 v7, v59;
	v34 =	vld.idx.msk [tilespmem:v34+s10+$0x0], $0xffff  }
0x2f9: {  	v35 =	vor.u32 v35, v38;
	v62 =	vmul.f32 v30, v30;
	v39 =	vadd.f32 v60, v39  }
0x2fa: {  	v23 =	vand.u32 $0x7F, v23;
	v27 =	vadd.s32 $0x60, v29;
	v38 =	vadd.s32 v7, v61;
	v36 =	vld.idx.msk [tilespmem:v36+s10+$0x0], $0xffff  }
0x2fb: {  	v33 =	vor.u32 v33, v38;
	v44 =	vmul.f32 v32, v32;
	v39 =	vadd.f32 v62, v39  }
0x2fc: {  	v20 =	vadd.f32 v40, v20;
	v45 =	vand.u32 $0xFFFFFF80, v27;
	v38 =	vadd.s32 v7, v63;
	v37 =	vld.idx.msk [tilespmem:v37+s10+$0x0], $0xffff  }
0x2fd: {  	v18 =	vld.idx.msk [tilespmem:v18+s12+$0x0], $0xffff;
	v31 =	vor.u32 v31, v38;
	v46 =	vmul.f32 v34, v34;
	v39 =	vadd.f32 v44, v39  }
0x2fe: {  	v29 =	vadd.s32 $0x78, v29;
	v27 =	vand.u32 $0x7F, v27;
	v38 =	vadd.s32 v7, v45;
	v35 =	vld.idx.msk [tilespmem:v35+s10+$0x0], $0xffff  }
0x2ff: {  	v21 =	vld.idx.msk [tilespmem:v21+s12+$0x0], $0xffff;
	v27 =	vor.u32 v27, v38;
	v48 =	vmul.f32 v36, v36;
	v39 =	vadd.f32 v46, v39  }
0x300: {  	v52 =	vand.u32 $0xFFFFFF80, v29;
	v29 =	vand.u32 $0x7F, v29;
	v38 =	vadd.s32 v7, v47;
	v33 =	vld.idx.msk [tilespmem:v33+s10+$0x0], $0xffff  }
0x301: {  	v17 =	vld.idx.msk [tilespmem:v17+s12+$0x0], $0xffff;
	v22 =	vor.u32 v22, v38;
	v50 =	vmul.f32 v37, v37;
	v39 =	vadd.f32 v48, v39  }
0x302: {  	v51 =	vmul.f32 v18, v18;
	v38 =	vadd.s32 v7, v49;
	v7 =	vadd.s32 v7, v52;
	v31 =	vld.idx.msk [tilespmem:v31+s10+$0x0], $0xffff  }
0x303: {  	v16 =	vld.idx.msk [tilespmem:v16+s12+$0x0], $0xffff;
	v23 =	vor.u32 v23, v38;
	v53 =	vmul.f32 v35, v35;
	v39 =	vadd.f32 v50, v39  }
0x304: {  	v13 =	vor.u32 v13, v14;
	v20 =	vadd.f32 v51, v20;
	v7 =	vor.u32 v29, v7;
	v14 =	vld.idx.msk [tilespmem:v27+s10+$0x0], $0xffff  }
0x305: {  	v19 =	vld.idx.msk [tilespmem:v19+s12+$0x0], $0xffff;
	v27 =	vmul.f32 v21, v21;
	v55 =	vmul.f32 v33, v33;
	v54 =	vadd.f32 v53, v39  }
0x306: {  	v56 =	vmul.f32 v17, v17;
	v22 =	vld.idx.msk [tilespmem:v22+s10+$0x0], $0xffff  }
0x307: {  	v15 =	vld.idx.msk [tilespmem:v15+s12+$0x0], $0xffff;
	v20 =	vadd.f32 v27, v20;
	v27 =	vmul.f32 v31, v31;
	v29 =	vadd.f32 v55, v54  }
0x308: {  	v57 =	vmul.f32 v16, v16;
	v23 =	vld.idx.msk [tilespmem:v23+s10+$0x0], $0xffff  }
0x309: {  	v13 =	vld.idx.msk [tilespmem:v13+s12+$0x0], $0xffff;
	v20 =	vadd.f32 v56, v20;
	v58 =	vmul.f32 v14, v14;
	v27 =	vadd.f32 v27, v29  }
0x30a: {  	v59 =	vmul.f32 v19, v19;
	v7 =	vld.idx.msk [tilespmem:v7+s10+$0x0], $0xffff  }
0x30b: {  	v20 =	vadd.f32 v57, v20;
	v60 =	vmul.f32 v22, v22;
	v27 =	vadd.f32 v58, v27  }
0x30c: {  	v61 =	vmul.f32 v15, v15  }
0x30d: {  	v62 =	vmul.f32 v23, v23;
	v20 =	vadd.f32 v59, v20;
	v27 =	vadd.f32 v60, v27  }
0x30e: {  	v4 =	vmul.f32 v4, v24;
	v24 =	vmul.f32 v13, v13  }
0x30f: {  	v63 =	vmul.f32 v7, v7;
	v20 =	vadd.f32 v61, v20;
	v27 =	vadd.f32 v62, v27  }
0x310: {  	v3 =	vmul.f32 v3, v25;
	v4 =	vadd.f32 $0.0e+00, v4  }
0x311: {  	v20 =	vadd.f32 v24, v20;
	v25 =	vadd.f32 v63, v27  }
0x312: {  	v3 =	vadd.f32 v3, v4;
	v4 =	vmul.f32 v5, v26  }
0x313: {  	v5 =	vmul.f32 v20, v25  }
0x314: {  	v3 =	vadd.f32 v4, v3;
	v4 =	vmul.f32 v6, v28  }
0x315: {  	v6 =	vmul.f32 v8, v30;
	v5 =	vmax.f32 v5, $1.000000020e-16  }
0x316: {  	v3 =	vadd.f32 v4, v3;
	v4 =	vshrl.u32 v5, $0x1;
	v5 =	vmul.f32 $5.000000000e-01, v5  }
0x317: {  	v4 =	vsub.s32 $0x5F3759DF, v4  }
0x318: {  	v3 =	vadd.f32 v6, v3;
	v6 =	vmul.f32 v9, v32;
	v8 =	vmul.f32 v4, v5;
	_ =	sdelay $0x1  }
0x319: {  	v3 =	vadd.f32 v6, v3;
	v6 =	vmul.f32 v10, v34;
	v8 =	vmul.f32 v4, v8;
	_ =	sdelay $0x1  }
0x31a: {  	v3 =	vadd.f32 v6, v3;
	v6 =	vmul.f32 v11, v36;
	v8 =	vsub.f32 $1.500000000e+00, v8;
	_ =	sdelay $0x1  }
0x31b: {  	v3 =	vadd.f32 v6, v3;
	v6 =	vmul.f32 v12, v37;
	v4 =	vmul.f32 v4, v8;
	_ =	sdelay $0x1  }
0x31c: {  	v3 =	vadd.f32 v6, v3;
	v6 =	vmul.f32 v18, v35;
	v8 =	vmul.f32 v4, v5;
	_ =	sdelay $0x1  }
0x31d: {  	v3 =	vadd.f32 v6, v3;
	v6 =	vmul.f32 v21, v33;
	v8 =	vmul.f32 v8, v4;
	_ =	sdelay $0x1  }
0x31e: {  	v3 =	vadd.f32 v6, v3;
	v6 =	vmul.f32 v17, v31;
	v8 =	vsub.f32 $1.500000000e+00, v8;
	_ =	sdelay $0x1  }
0x31f: {  	v3 =	vadd.f32 v6, v3;
	v6 =	vmul.f32 v16, v14;
	v4 =	vmul.f32 v8, v4;
	_ =	sdelay $0x1  }
0x320: {  	v3 =	vadd.f32 v6, v3;
	v6 =	vmul.f32 v19, v22;
	v5 =	vmul.f32 v4, v5;
	_ =	sdelay $0x1  }
0x321: {  	v3 =	vadd.f32 v6, v3;
	v6 =	vmul.f32 v15, v23;
	v5 =	vmul.f32 v5, v4;
	_ =	sdelay $0x1  }
0x322: {  	v3 =	vadd.f32 v6, v3;
	v6 =	vmul.f32 v13, v7;
	v5 =	vsub.f32 $1.500000000e+00, v5  }
0x323: {  	s30 =	simm.s32 $0x110  }
0x324: {  	v15 =	vor.u32 s30, v0;
	v3 =	vadd.f32 v6, v3;
	v4 =	vmul.f32 v5, v4;
	_ =	sdelay $0x1  }
0x325: {  	v3 =	vmul.f32 v4, v3  }
0x326: {  	s24 =	simm.s32 $0x8D00  }
0x327: {  	[tilespmem:s24+$0x0] =	vst v3  }
0x328: {  	v7 =	vld.idx.msk [tilespmem:v15+s15+$0x0], $0xffff;
	_ =	sdelay $0x1  }
0x329: {  	s31 =	simm.s32 $0x10  }
0x32a: {  	v3 =	vmov s31  }
0x32b: {  	v3 =	vshll.u32 v3, $0x7  }
0x32c: {  	v6 =	vor.u32 v2, v3;
	v11 =	vadd.s32 $0x78, v7  }
0x32d: {  	v13 =	vadd.s32 $0x60, v7;
	v12 =	vadd.s32 $0x68, v7;
	v22 =	vadd.s32 $0x70, v7  }
0x32e: {  	v3 =	vand.u32 $0xFFFFFF80, v7;
	v4 =	vand.u32 $0x7F, v7;
	v5 =	vadd.s32 $0x8, v7  }
0x32f: {  	v9 =	vadd.s32 $0x10, v7;
	v17 =	vadd.s32 $0x58, v7;
	v18 =	vadd.s32 $0x50, v7  }
0x330: {  	v10 =	vadd.s32 $0x20, v7;
	v3 =	vadd.s32 v6, v3;
	v8 =	vand.u32 $0xFFFFFF80, v5  }
0x331: {  	v3 =	vor.u32 v4, v3;
	v4 =	vand.u32 $0x7F, v5;
	v5 =	vadd.s32 v6, v8  }
0x332: {  	v16 =	vadd.s32 $0x48, v7;
	v5 =	vor.u32 v4, v5;
	v4 =	vand.u32 $0xFFFFFF80, v9  }
0x333: {  	v8 =	vand.u32 $0x7F, v9;
	v9 =	vadd.s32 $0x18, v7;
	v4 =	vadd.s32 v6, v4  }
0x334: {  	v19 =	vadd.s32 $0x28, v7;
	v8 =	vor.u32 v8, v4;
	v4 =	vand.u32 $0xFFFFFF80, v9  }
0x335: {  	v20 =	vadd.s32 $0x40, v7;
	v9 =	vand.u32 $0x7F, v9;
	v4 =	vadd.s32 v6, v4  }
0x336: {  	v21 =	vadd.s32 $0x30, v7;
	v14 =	vand.u32 $0xFFFFFF80, v10;
	v9 =	vor.u32 v9, v4;
	v4 =	vld.idx.msk [tilespmem:v3+s12+$0x0], $0xffff  }
0x337: {  	v10 =	vand.u32 $0x7F, v10;
	v14 =	vadd.s32 v6, v14;
	v3 =	vld.idx.msk [tilespmem:v5+s12+$0x0], $0xffff;
	v5 =	vand.u32 $0xFFFFFF80, v19  }
0x338: {  	v10 =	vor.u32 v10, v14;
	v14 =	vand.u32 $0x7F, v19;
	v19 =	vadd.s32 v6, v5  }
0x339: {  	v23 =	vadd.s32 $0x38, v7;
	v5 =	vld.idx.msk [tilespmem:v8+s12+$0x0], $0xffff;
	v19 =	vor.u32 v14, v19;
	v8 =	vand.u32 $0xFFFFFF80, v21  }
0x33a: {  	v21 =	vand.u32 $0x7F, v21;
	v14 =	vand.u32 $0x7F, v11;
	v8 =	vadd.s32 v6, v8  }
0x33b: {  	v7 =	vld.idx.msk [tilespmem:v9+s12+$0x0], $0xffff;
	v24 =	vor.u32 v21, v8;
	v8 =	vand.u32 $0xFFFFFF80, v23;
	v9 =	vand.u32 $0x7F, v23  }
0x33c: {  	v21 =	vmul.f32 v4, v4;
	v23 =	vmul.f32 v3, v3;
	v25 =	vadd.s32 v6, v8  }
0x33d: {  	v8 =	vld.idx.msk [tilespmem:v10+s12+$0x0], $0xffff;
	v10 =	vand.u32 $0x7F, v20;
	v25 =	vor.u32 v9, v25;
	v9 =	vand.u32 $0xFFFFFF80, v20  }
0x33e: {  	v20 =	vadd.f32 v23, v21;
	v23 =	vmul.f32 v5, v5;
	v9 =	vadd.s32 v6, v9  }
0x33f: {  	v21 =	vor.u32 v10, v9;
	v10 =	vand.u32 $0xFFFFFF80, v16;
	v16 =	vand.u32 $0x7F, v16;
	v9 =	vld.idx.msk [tilespmem:v19+s12+$0x0], $0xffff  }
0x340: {  	v23 =	vadd.f32 v23, v20;
	v26 =	vmul.f32 v7, v7;
	v19 =	vadd.s32 v6, v10  }
0x341: {  	v10 =	vld.idx.msk [tilespmem:v24+s12+$0x0], $0xffff;
	v20 =	vand.u32 $0x7F, v22;
	v22 =	vand.u32 $0xFFFFFF80, v22;
	v19 =	vor.u32 v16, v19  }
0x342: {  	s25 =	simm.s32 $0x20;
	v16 =	vand.u32 $0xFFFFFF80, v11;
	v24 =	vmul.f32 v8, v8;
	v23 =	vadd.f32 v26, v23;
	v11 =	vld.idx.msk [tilespmem:v25+s12+$0x0], $0xffff  }
.LBB2_8:
0x343: {  	p0 =	sne.s32 s25, $0x70;
	v25 =	vand.u32 $0x7F, v13;
	v26 =	vand.u32 $0xFFFFFF80, v12;
	v27 =	vand.u32 $0x7F, v12  }
0x344: {  	v23 =	vadd.f32 v24, v23;
	v24 =	vmul.f32 v9, v9;
	v12 =	vld.idx.msk [tilespmem:v21+s12+$0x0], $0xffff;
	v21 =	vand.u32 $0xFFFFFF80, v13  }
0x345: {  	v29 =	vand.u32 $0x7F, v18;
	v28 =	vand.u32 $0xFFFFFF80, v17;
	v17 =	vand.u32 $0x7F, v17  }
0x346: {  	v18 =	vand.u32 $0xFFFFFF80, v18;
	v23 =	vadd.f32 v24, v23;
	v24 =	vmul.f32 v10, v10;
	v13 =	vld.idx.msk [tilespmem:v19+s12+$0x0], $0xffff  }
0x347: {  	v16 =	vadd.s32 v6, v16;
	v19 =	vadd.s32 v6, v26;
	v30 =	vld.idx.msk [tilespmem:v15+s14+$0x0], $0xffff;
	v15 =	vadd.s32 v6, v22  }
0x348: {  	v21 =	vadd.s32 v6, v21;
	v22 =	vadd.f32 v24, v23;
	v23 =	vmul.f32 v11, v11  }
0x349: {  	v14 =	vor.u32 v14, v16;
	v24 =	vadd.s32 v6, v18;
	v18 =	vadd.s32 v6, v28  }
0x34a: {  	v15 =	vor.u32 v20, v15;
	v16 =	vadd.f32 v23, v22;
	v22 =	vmul.f32 v12, v12  }
0x34b: {  	v19 =	vor.u32 v27, v19;
	v28 =	vor.u32 v17, v18;
	v23 =	vor.u32 v25, v21  }
0x34c: {  	v31 =	vor.u32 v29, v24;
	v18 =	vmul.f32 v13, v13;
	v16 =	vadd.f32 v22, v16  }
0x34d: {  	v32 =	vadd.s32 $0x68, v30;
	v33 =	vadd.s32 $0x70, v30;
	v26 =	vadd.s32 $0x78, v30  }
0x34e: {  	v17 =	vand.u32 $0xFFFFFF80, v30;
	v20 =	vand.u32 $0x7F, v30;
	v21 =	vadd.s32 $0x8, v30  }
0x34f: {  	v24 =	vadd.s32 $0x10, v30;
	v17 =	vadd.s32 v6, v17;
	v22 =	vand.u32 $0xFFFFFF80, v21  }
0x350: {  	v17 =	vor.u32 v20, v17;
	v20 =	vand.u32 $0x7F, v21;
	v21 =	vadd.s32 v6, v22  }
0x351: {  	v34 =	vadd.s32 $0x60, v30;
	v21 =	vor.u32 v20, v21;
	v20 =	vand.u32 $0xFFFFFF80, v24  }
0x352: {  	v22 =	vand.u32 $0x7F, v24;
	v24 =	vadd.s32 $0x18, v30;
	v20 =	vadd.s32 v6, v20  }
0x353: {  	v35 =	vadd.s32 $0x58, v30;
	v22 =	vor.u32 v22, v20;
	v20 =	vand.u32 $0xFFFFFF80, v24  }
0x354: {  	v27 =	vadd.s32 $0x20, v30;
	v24 =	vand.u32 $0x7F, v24;
	v25 =	vadd.s32 v6, v20  }
0x355: {  	v29 =	vadd.s32 $0x50, v30;
	v24 =	vor.u32 v24, v25;
	v25 =	vand.u32 $0xFFFFFF80, v27;
	v20 =	vld.idx.msk [tilespmem:v17+s10+$0x0], $0xffff  }
0x356: {  	v25 =	vadd.s32 v6, v25;
	v17 =	vld.idx.msk [tilespmem:v21+s10+$0x0], $0xffff;
	v21 =	vand.u32 $0x7F, v27;
	v27 =	vadd.s32 $0x28, v30  }
0x357: {  	v37 =	vadd.s32 $0x48, v30;
	v25 =	vor.u32 v21, v25;
	v36 =	vand.u32 $0xFFFFFF80, v27  }
0x358: {  	v21 =	vld.idx.msk [tilespmem:v22+s10+$0x0], $0xffff;
	v22 =	vand.u32 $0x7F, v27;
	v27 =	vadd.s32 v6, v36;
	v36 =	vadd.s32 $0x30, v30  }
0x359: {  	v39 =	vadd.s32 $0x40, v30;
	v27 =	vor.u32 v22, v27;
	v38 =	vand.u32 $0xFFFFFF80, v36  }
0x35a: {  	v30 =	vadd.s32 $0x38, v30;
	v22 =	vld.idx.msk [tilespmem:v24+s10+$0x0], $0xffff;
	v24 =	vand.u32 $0x7F, v36;
	v36 =	vadd.s32 v6, v38  }
0x35b: {  	v36 =	vor.u32 v24, v36;
	v24 =	vand.u32 $0xFFFFFF80, v30;
	v30 =	vand.u32 $0x7F, v30  }
0x35c: {  	v38 =	vmul.f32 v20, v20;
	v40 =	vmul.f32 v17, v17;
	v25 =	vld.idx.msk [tilespmem:v25+s10+$0x0], $0xffff;
	v24 =	vadd.s32 v6, v24  }
0x35d: {  	v41 =	vand.u32 $0xFFFFFF80, v39;
	v39 =	vand.u32 $0x7F, v39;
	v30 =	vor.u32 v30, v24  }
0x35e: {  	v38 =	vadd.f32 v40, v38;
	v40 =	vmul.f32 v21, v21;
	v24 =	vld.idx.msk [tilespmem:v27+s10+$0x0], $0xffff;
	v27 =	vadd.s32 v6, v41  }
0x35f: {  	v41 =	vand.u32 $0xFFFFFF80, v37;
	v37 =	vand.u32 $0x7F, v37;
	v39 =	vor.u32 v39, v27  }
0x360: {  	v38 =	vadd.f32 v40, v38;
	v40 =	vmul.f32 v22, v22;
	v27 =	vld.idx.msk [tilespmem:v36+s10+$0x0], $0xffff;
	v36 =	vadd.s32 v6, v41  }
0x361: {  	v41 =	vand.u32 $0x7F, v29;
	v36 =	vor.u32 v37, v36;
	v37 =	vand.u32 $0xFFFFFF80, v29  }
0x362: {  	v38 =	vadd.f32 v40, v38;
	v40 =	vmul.f32 v25, v25;
	v29 =	vld.idx.msk [tilespmem:v30+s10+$0x0], $0xffff;
	v30 =	vadd.s32 v6, v37  }
0x363: {  	v37 =	vand.u32 $0xFFFFFF80, v35;
	v35 =	vand.u32 $0x7F, v35;
	v30 =	vor.u32 v41, v30  }
0x364: {  	v38 =	vadd.f32 v40, v38;
	v40 =	vmul.f32 v24, v24;
	v37 =	vadd.s32 v6, v37;
	v39 =	vld.idx.msk [tilespmem:v39+s10+$0x0], $0xffff  }
0x365: {  	v35 =	vor.u32 v35, v37;
	v37 =	vand.u32 $0xFFFFFF80, v34;
	v34 =	vand.u32 $0x7F, v34  }
0x366: {  	v38 =	vadd.f32 v40, v38;
	v40 =	vmul.f32 v27, v27;
	v37 =	vadd.s32 v6, v37;
	v36 =	vld.idx.msk [tilespmem:v36+s10+$0x0], $0xffff  }
0x367: {  	v34 =	vor.u32 v34, v37;
	v37 =	vand.u32 $0xFFFFFF80, v32;
	v32 =	vand.u32 $0x7F, v32;
	v31 =	vld.idx.msk [tilespmem:v31+s12+$0x0], $0xffff  }
0x368: {  	v38 =	vadd.f32 v40, v38;
	v40 =	vmul.f32 v29, v29;
	v37 =	vadd.s32 v6, v37;
	v30 =	vld.idx.msk [tilespmem:v30+s10+$0x0], $0xffff  }
0x369: {  	v32 =	vor.u32 v32, v37;
	v37 =	vand.u32 $0xFFFFFF80, v33;
	v33 =	vand.u32 $0x7F, v33;
	v28 =	vld.idx.msk [tilespmem:v28+s12+$0x0], $0xffff  }
0x36a: {  	v38 =	vadd.f32 v40, v38;
	v40 =	vmul.f32 v39, v39;
	v37 =	vadd.s32 v6, v37;
	v35 =	vld.idx.msk [tilespmem:v35+s10+$0x0], $0xffff  }
0x36b: {  	v33 =	vor.u32 v33, v37;
	v37 =	vand.u32 $0xFFFFFF80, v26;
	v26 =	vand.u32 $0x7F, v26;
	v23 =	vld.idx.msk [tilespmem:v23+s12+$0x0], $0xffff  }
0x36c: {  	v38 =	vadd.f32 v40, v38;
	v40 =	vmul.f32 v36, v36;
	v6 =	vadd.s32 v6, v37;
	v34 =	vld.idx.msk [tilespmem:v34+s10+$0x0], $0xffff  }
0x36d: {  	v37 =	vmul.f32 v31, v31;
	v6 =	vor.u32 v26, v6;
	v19 =	vld.idx.msk [tilespmem:v19+s12+$0x0], $0xffff  }
0x36e: {  	v16 =	vadd.f32 v18, v16;
	v26 =	vadd.f32 v40, v38;
	v18 =	vmul.f32 v30, v30;
	v32 =	vld.idx.msk [tilespmem:v32+s10+$0x0], $0xffff  }
0x36f: {  	v38 =	vmul.f32 v28, v28;
	v15 =	vld.idx.msk [tilespmem:v15+s12+$0x0], $0xffff  }
0x370: {  	v16 =	vadd.f32 v37, v16;
	v18 =	vadd.f32 v18, v26;
	v26 =	vmul.f32 v35, v35;
	v33 =	vld.idx.msk [tilespmem:v33+s10+$0x0], $0xffff  }
0x371: {  	v37 =	vmul.f32 v23, v23;
	v14 =	vld.idx.msk [tilespmem:v14+s12+$0x0], $0xffff  }
0x372: {  	v16 =	vadd.f32 v38, v16;
	v18 =	vadd.f32 v26, v18;
	v26 =	vmul.f32 v34, v34;
	v6 =	vld.idx.msk [tilespmem:v6+s10+$0x0], $0xffff  }
0x373: {  	v38 =	vmul.f32 v19, v19  }
0x374: {  	v16 =	vadd.f32 v37, v16;
	v18 =	vadd.f32 v26, v18;
	v26 =	vmul.f32 v32, v32  }
0x375: {  	v37 =	vmul.f32 v15, v15  }
0x376: {  	v16 =	vadd.f32 v38, v16;
	v18 =	vadd.f32 v26, v18;
	v26 =	vmul.f32 v33, v33  }
0x377: {  	v4 =	vmul.f32 v4, v20;
	v20 =	vmul.f32 v14, v14  }
0x378: {  	v16 =	vadd.f32 v37, v16;
	v18 =	vadd.f32 v26, v18;
	v26 =	vmul.f32 v6, v6  }
0x379: {  	v3 =	vmul.f32 v3, v17;
	v4 =	vadd.f32 $0.0e+00, v4  }
0x37a: {  	v16 =	vadd.f32 v20, v16;
	v17 =	vadd.f32 v26, v18  }
0x37b: {  	v3 =	vadd.f32 v3, v4;
	v4 =	vmul.f32 v5, v21  }
0x37c: {  	v5 =	vmul.f32 v16, v17  }
0x37d: {  	v3 =	vadd.f32 v4, v3;
	v4 =	vmul.f32 v7, v22  }
0x37e: {  	v7 =	vmul.f32 v8, v25;
	v5 =	vmax.f32 v5, $1.000000020e-16  }
0x37f: {  	v3 =	vadd.f32 v4, v3;
	v4 =	vshrl.u32 v5, $0x1;
	v5 =	vmul.f32 $5.000000000e-01, v5  }
0x380: {  	v4 =	vsub.s32 $0x5F3759DF, v4  }
0x381: {  	v3 =	vadd.f32 v7, v3;
	v7 =	vmul.f32 v9, v24;
	v8 =	vmul.f32 v4, v5;
	_ =	sdelay $0x1  }
0x382: {  	v3 =	vadd.f32 v7, v3;
	v7 =	vmul.f32 v10, v27;
	v8 =	vmul.f32 v4, v8;
	_ =	sdelay $0x1  }
0x383: {  	v3 =	vadd.f32 v7, v3;
	v7 =	vmul.f32 v11, v29;
	v8 =	vsub.f32 $1.500000000e+00, v8;
	_ =	sdelay $0x1  }
0x384: {  	v3 =	vadd.f32 v7, v3;
	v7 =	vmul.f32 v12, v39;
	v4 =	vmul.f32 v4, v8;
	_ =	sdelay $0x1  }
0x385: {  	v3 =	vadd.f32 v7, v3;
	v7 =	vmul.f32 v13, v36;
	v8 =	vmul.f32 v4, v5;
	_ =	sdelay $0x1  }
0x386: {  	v3 =	vadd.f32 v7, v3;
	v7 =	vmul.f32 v31, v30;
	v8 =	vmul.f32 v8, v4;
	_ =	sdelay $0x1  }
0x387: {  	v3 =	vadd.f32 v7, v3;
	v7 =	vmul.f32 v28, v35;
	v8 =	vsub.f32 $1.500000000e+00, v8;
	_ =	sdelay $0x1  }
0x388: {  	v3 =	vadd.f32 v7, v3;
	v7 =	vmul.f32 v23, v34;
	v4 =	vmul.f32 v8, v4;
	_ =	sdelay $0x1  }
0x389: {  	v3 =	vadd.f32 v7, v3;
	v7 =	vmul.f32 v19, v32;
	v5 =	vmul.f32 v4, v5;
	_ =	sdelay $0x1  }
0x38a: {  	v3 =	vadd.f32 v7, v3;
	v7 =	vmul.f32 v15, v33;
	v5 =	vmul.f32 v5, v4;
	_ =	sdelay $0x1  }
0x38b: {  	v6 =	vmul.f32 v14, v6;
	v3 =	vadd.f32 v7, v3;
	v5 =	vsub.f32 $1.500000000e+00, v5  }
0x38c: {  	s1 =	sadd.s32 $0x100, s25  }
0x38d: {  	v15 =	vor.u32 s1, v0;
	v3 =	vadd.f32 v6, v3;
	v4 =	vmul.f32 v5, v4;
	_ =	sdelay $0x1  }
0x38e: {  	v3 =	vmul.f32 v4, v3  }
0x38f: {  	s24 =	sadd.s32 $0x10, s24  }
0x390: {  	[tilespmem:s24+$0x0] =	vst v3  }
0x391: {  	v7 =	vld.idx.msk [tilespmem:v15+s15+$0x0], $0xffff;
	_ =	sdelay $0x3  }
0x392: {  	v3 =	vmov s25  }
0x393: {  	v3 =	vshll.u32 v3, $0x7  }
0x394: {  	v6 =	vor.u32 v2, v3;
	v11 =	vadd.s32 $0x78, v7  }
0x395: {  	v13 =	vadd.s32 $0x60, v7;
	v12 =	vadd.s32 $0x68, v7;
	v22 =	vadd.s32 $0x70, v7  }
0x396: {  	v3 =	vand.u32 $0xFFFFFF80, v7;
	v4 =	vand.u32 $0x7F, v7;
	v5 =	vadd.s32 $0x8, v7  }
0x397: {  	v9 =	vadd.s32 $0x10, v7;
	v3 =	vadd.s32 v6, v3;
	v8 =	vand.u32 $0xFFFFFF80, v5  }
0x398: {  	v3 =	vor.u32 v4, v3;
	v4 =	vand.u32 $0x7F, v5;
	v5 =	vadd.s32 v6, v8  }
0x399: {  	v17 =	vadd.s32 $0x58, v7;
	v5 =	vor.u32 v4, v5;
	v4 =	vand.u32 $0xFFFFFF80, v9  }
0x39a: {  	v8 =	vand.u32 $0x7F, v9;
	v9 =	vadd.s32 $0x18, v7;
	v4 =	vadd.s32 v6, v4  }
0x39b: {  	v18 =	vadd.s32 $0x50, v7;
	v8 =	vor.u32 v8, v4;
	v4 =	vand.u32 $0xFFFFFF80, v9  }
0x39c: {  	v14 =	vadd.s32 $0x20, v7;
	v9 =	vand.u32 $0x7F, v9;
	v10 =	vadd.s32 v6, v4  }
0x39d: {  	v16 =	vadd.s32 $0x48, v7;
	v9 =	vor.u32 v9, v10;
	v10 =	vand.u32 $0xFFFFFF80, v14;
	v4 =	vld.idx.msk [tilespmem:v3+s12+$0x0], $0xffff  }
0x39e: {  	v10 =	vadd.s32 v6, v10;
	v3 =	vld.idx.msk [tilespmem:v5+s12+$0x0], $0xffff;
	v5 =	vand.u32 $0x7F, v14;
	v14 =	vadd.s32 $0x28, v7  }
0x39f: {  	v20 =	vadd.s32 $0x40, v7;
	v10 =	vor.u32 v5, v10;
	v19 =	vand.u32 $0xFFFFFF80, v14  }
0x3a0: {  	v5 =	vld.idx.msk [tilespmem:v8+s12+$0x0], $0xffff;
	v8 =	vand.u32 $0x7F, v14;
	v14 =	vadd.s32 v6, v19;
	v19 =	vadd.s32 $0x30, v7  }
0x3a1: {  	v23 =	vadd.s32 $0x38, v7;
	v21 =	vor.u32 v8, v14;
	v8 =	vand.u32 $0xFFFFFF80, v19  }
0x3a2: {  	v14 =	vand.u32 $0x7F, v11;
	v7 =	vld.idx.msk [tilespmem:v9+s12+$0x0], $0xffff;
	v9 =	vand.u32 $0x7F, v19;
	v8 =	vadd.s32 v6, v8  }
0x3a3: {  	v19 =	vor.u32 v9, v8;
	v9 =	vand.u32 $0xFFFFFF80, v23;
	v23 =	vand.u32 $0x7F, v23  }
0x3a4: {  	v24 =	vmul.f32 v4, v4;
	v25 =	vmul.f32 v3, v3;
	v8 =	vld.idx.msk [tilespmem:v10+s12+$0x0], $0xffff;
	v9 =	vadd.s32 v6, v9  }
0x3a5: {  	v10 =	vand.u32 $0xFFFFFF80, v20;
	v20 =	vand.u32 $0x7F, v20;
	v26 =	vor.u32 v23, v9  }
.Ltmp3:
0x3a6: {  	v23 =	vadd.f32 v25, v24;
	v24 =	vmul.f32 v5, v5;
	v10 =	vadd.s32 v6, v10;
	v9 =	vld.idx.msk [tilespmem:v21+s12+$0x0], $0xffff;
	(pc) =	sbr.rel @p0 .LBB2_8-.Ltmp3, $4  }
0x3a7: {  	v21 =	vor.u32 v20, v10;
	v20 =	vand.u32 $0xFFFFFF80, v16;
	v16 =	vand.u32 $0x7F, v16  }
0x3a8: {  	v23 =	vadd.f32 v24, v23;
	v24 =	vmul.f32 v7, v7;
	v10 =	vld.idx.msk [tilespmem:v19+s12+$0x0], $0xffff;
	v19 =	vadd.s32 v6, v20  }
0x3a9: {  	v20 =	vand.u32 $0x7F, v22;
	v19 =	vor.u32 v16, v19;
	v16 =	vand.u32 $0xFFFFFF80, v11  }
0x3aa: {  	s25 =	sadd.s32 $0x10, s25;
	v22 =	vand.u32 $0xFFFFFF80, v22;
	v23 =	vadd.f32 v24, v23;
	v24 =	vmul.f32 v8, v8;
	v11 =	vld.idx.msk [tilespmem:v26+s12+$0x0], $0xffff  }
0x3ab: {  	v25 =	vand.u32 $0x7F, v13;
	v26 =	vand.u32 $0xFFFFFF80, v12  }
0x3ac: {  	v27 =	vand.u32 $0x7F, v12;
	v13 =	vand.u32 $0xFFFFFF80, v13;
	v28 =	vand.u32 $0xFFFFFF80, v17  }
0x3ad: {  	v17 =	vand.u32 $0x7F, v17;
	v22 =	vadd.s32 v6, v22;
	v16 =	vadd.s32 v6, v16  }
0x3ae: {  	v23 =	vadd.f32 v24, v23;
	v24 =	vmul.f32 v9, v9;
	v26 =	vadd.s32 v6, v26  }
0x3af: {  	v15 =	vld.idx.msk [tilespmem:v15+s14+$0x0], $0xffff;
	v29 =	vadd.s32 v6, v13;
	v28 =	vadd.s32 v6, v28;
	v13 =	vor.u32 v20, v22  }
0x3b0: {  	v12 =	vld.idx.msk [tilespmem:v21+s12+$0x0], $0xffff;
	v14 =	vor.u32 v14, v16;
	v17 =	vor.u32 v17, v28;
	v21 =	vadd.f32 v24, v23  }
0x3b1: {  	v23 =	vmul.f32 v10, v10;
	v24 =	vand.u32 $0x7F, v18;
	v18 =	vand.u32 $0xFFFFFF80, v18  }
0x3b2: {  	v20 =	vor.u32 v25, v29;
	v22 =	vor.u32 v27, v26;
	v18 =	vadd.s32 v6, v18  }
0x3b3: {  	v21 =	vadd.f32 v23, v21;
	v23 =	vmul.f32 v11, v11;
	v18 =	vor.u32 v24, v18  }
0x3b4: {  	v24 =	vadd.s32 $0x70, v15;
	v25 =	vand.u32 $0xFFFFFF80, v15;
	v26 =	vand.u32 $0x7F, v15  }
0x3b5: {  	v27 =	vadd.s32 $0x8, v15;
	v50 =	vadd.s32 $0x10, v15;
	v51 =	vadd.s32 $0x60, v15  }
0x3b6: {  	v30 =	vadd.s32 $0x18, v15;
	v31 =	vadd.s32 $0x58, v15;
	v32 =	vadd.s32 $0x20, v15  }
0x3b7: {  	v33 =	vadd.s32 $0x50, v15;
	v34 =	vadd.s32 $0x28, v15;
	v35 =	vadd.s32 $0x48, v15  }
0x3b8: {  	v36 =	vadd.s32 $0x30, v15;
	v25 =	vadd.s32 v6, v25;
	v49 =	vand.u32 $0xFFFFFF80, v27  }
0x3b9: {  	v25 =	vor.u32 v26, v25;
	v26 =	vand.u32 $0x7F, v27;
	v27 =	vadd.s32 v6, v49  }
0x3ba: {  	v37 =	vadd.s32 $0x40, v15;
	v26 =	vor.u32 v26, v27;
	v27 =	vand.u32 $0xFFFFFF80, v50  }
0x3bb: {  	v38 =	vadd.s32 $0x38, v15;
	v29 =	vand.u32 $0x7F, v50;
	v27 =	vadd.s32 v6, v27  }
0x3bc: {  	v52 =	vand.u32 $0xFFFFFF80, v30;
	v30 =	vand.u32 $0x7F, v30;
	v27 =	vor.u32 v29, v27  }
0x3bd: {  	v53 =	vand.u32 $0xFFFFFF80, v32;
	v32 =	vand.u32 $0x7F, v32;
	v29 =	vadd.s32 v6, v52  }
0x3be: {  	v54 =	vand.u32 $0xFFFFFF80, v34;
	v34 =	vand.u32 $0x7F, v34;
	v29 =	vor.u32 v30, v29;
	v25 =	vld.idx.msk [tilespmem:v25+s10+$0x0], $0xffff  }
0x3bf: {  	v55 =	vand.u32 $0xFFFFFF80, v36;
	v36 =	vand.u32 $0x7F, v36;
	v30 =	vadd.s32 v6, v53;
	v26 =	vld.idx.msk [tilespmem:v26+s10+$0x0], $0xffff  }
0x3c0: {  	v56 =	vand.u32 $0xFFFFFF80, v38;
	v38 =	vand.u32 $0x7F, v38;
	v30 =	vor.u32 v32, v30  }
0x3c1: {  	v57 =	vand.u32 $0xFFFFFF80, v37;
	v37 =	vand.u32 $0x7F, v37;
	v32 =	vadd.s32 v6, v54;
	v27 =	vld.idx.msk [tilespmem:v27+s10+$0x0], $0xffff  }
0x3c2: {  	v59 =	vand.u32 $0xFFFFFF80, v35;
	v35 =	vand.u32 $0x7F, v35;
	v32 =	vor.u32 v34, v32  }
0x3c3: {  	v61 =	vand.u32 $0xFFFFFF80, v33;
	v33 =	vand.u32 $0x7F, v33;
	v34 =	vadd.s32 v6, v55;
	v29 =	vld.idx.msk [tilespmem:v29+s10+$0x0], $0xffff  }
0x3c4: {  	v19 =	vld.idx.msk [tilespmem:v19+s12+$0x0], $0xffff;
	v34 =	vor.u32 v36, v34;
	v39 =	vmul.f32 v25, v25;
	v40 =	vmul.f32 v26, v26  }
0x3c5: {  	v63 =	vand.u32 $0xFFFFFF80, v31;
	v31 =	vand.u32 $0x7F, v31;
	v36 =	vadd.s32 v6, v56;
	v30 =	vld.idx.msk [tilespmem:v30+s10+$0x0], $0xffff  }
0x3c6: {  	v36 =	vor.u32 v38, v36;
	v39 =	vadd.f32 v40, v39;
	v58 =	vmul.f32 v27, v27  }
0x3c7: {  	v45 =	vand.u32 $0xFFFFFF80, v51;
	v28 =	vand.u32 $0x7F, v51;
	v38 =	vadd.s32 v6, v57;
	v32 =	vld.idx.msk [tilespmem:v32+s10+$0x0], $0xffff  }
0x3c8: {  	v37 =	vor.u32 v37, v38;
	v60 =	vmul.f32 v29, v29;
	v39 =	vadd.f32 v58, v39  }
0x3c9: {  	v51 =	vmul.f32 v19, v19;
	v21 =	vadd.f32 v23, v21;
	v38 =	vadd.s32 v6, v59;
	v34 =	vld.idx.msk [tilespmem:v34+s10+$0x0], $0xffff  }
0x3ca: {  	v35 =	vor.u32 v35, v38;
	v62 =	vmul.f32 v30, v30;
	v39 =	vadd.f32 v60, v39  }
0x3cb: {  	v23 =	vmul.f32 v12, v12;
	v49 =	vand.u32 $0xFFFFFF80, v24;
	v38 =	vadd.s32 v6, v61;
	v36 =	vld.idx.msk [tilespmem:v36+s10+$0x0], $0xffff  }
0x3cc: {  	v33 =	vor.u32 v33, v38;
	v44 =	vmul.f32 v32, v32;
	v39 =	vadd.f32 v62, v39  }
0x3cd: {  	v21 =	vadd.f32 v23, v21;
	v23 =	vadd.s32 $0x68, v15;
	v38 =	vadd.s32 v6, v63;
	v37 =	vld.idx.msk [tilespmem:v37+s10+$0x0], $0xffff  }
0x3ce: {  	v31 =	vor.u32 v31, v38;
	v46 =	vmul.f32 v34, v34;
	v39 =	vadd.f32 v44, v39  }
0x3cf: {  	v24 =	vand.u32 $0x7F, v24;
	v47 =	vand.u32 $0xFFFFFF80, v23;
	v38 =	vadd.s32 v6, v45;
	v35 =	vld.idx.msk [tilespmem:v35+s10+$0x0], $0xffff  }
0x3d0: {  	v18 =	vld.idx.msk [tilespmem:v18+s12+$0x0], $0xffff;
	v28 =	vor.u32 v28, v38;
	v48 =	vmul.f32 v36, v36;
	v39 =	vadd.f32 v46, v39  }
0x3d1: {  	v15 =	vadd.s32 $0x78, v15;
	v23 =	vand.u32 $0x7F, v23;
	v38 =	vadd.s32 v6, v47;
	v33 =	vld.idx.msk [tilespmem:v33+s10+$0x0], $0xffff  }
0x3d2: {  	v17 =	vld.idx.msk [tilespmem:v17+s12+$0x0], $0xffff;
	v23 =	vor.u32 v23, v38;
	v50 =	vmul.f32 v37, v37;
	v39 =	vadd.f32 v48, v39  }
0x3d3: {  	v52 =	vand.u32 $0xFFFFFF80, v15;
	v15 =	vand.u32 $0x7F, v15;
	v38 =	vadd.s32 v6, v49;
	v31 =	vld.idx.msk [tilespmem:v31+s10+$0x0], $0xffff  }
0x3d4: {  	v20 =	vld.idx.msk [tilespmem:v20+s12+$0x0], $0xffff;
	v24 =	vor.u32 v24, v38;
	v53 =	vmul.f32 v35, v35;
	v39 =	vadd.f32 v50, v39  }
0x3d5: {  	v21 =	vadd.f32 v51, v21;
	v54 =	vmul.f32 v18, v18;
	v6 =	vadd.s32 v6, v52;
	v16 =	vld.idx.msk [tilespmem:v28+s10+$0x0], $0xffff  }
0x3d6: {  	v6 =	vor.u32 v15, v6;
	v15 =	vld.idx.msk [tilespmem:v22+s12+$0x0], $0xffff;
	v55 =	vmul.f32 v33, v33;
	v22 =	vadd.f32 v53, v39  }
0x3d7: {  	v56 =	vmul.f32 v17, v17;
	v21 =	vadd.f32 v54, v21;
	v23 =	vld.idx.msk [tilespmem:v23+s10+$0x0], $0xffff  }
0x3d8: {  	v13 =	vld.idx.msk [tilespmem:v13+s12+$0x0], $0xffff;
	v57 =	vmul.f32 v31, v31;
	v22 =	vadd.f32 v55, v22  }
0x3d9: {  	v21 =	vadd.f32 v56, v21;
	v58 =	vmul.f32 v20, v20;
	v24 =	vld.idx.msk [tilespmem:v24+s10+$0x0], $0xffff  }
0x3da: {  	v14 =	vld.idx.msk [tilespmem:v14+s12+$0x0], $0xffff;
	v59 =	vmul.f32 v16, v16;
	v22 =	vadd.f32 v57, v22  }
0x3db: {  	v21 =	vadd.f32 v58, v21;
	v6 =	vld.idx.msk [tilespmem:v6+s10+$0x0], $0xffff  }
0x3dc: {  	v60 =	vmul.f32 v15, v15;
	v61 =	vmul.f32 v23, v23;
	v22 =	vadd.f32 v59, v22  }
0x3dd: {  	v62 =	vmul.f32 v13, v13  }
0x3de: {  	v21 =	vadd.f32 v60, v21;
	v63 =	vmul.f32 v24, v24;
	v22 =	vadd.f32 v61, v22  }
0x3df: {  	v4 =	vmul.f32 v4, v25;
	v25 =	vmul.f32 v14, v14  }
0x3e0: {  	v21 =	vadd.f32 v62, v21;
	v38 =	vmul.f32 v6, v6;
	v22 =	vadd.f32 v63, v22  }
0x3e1: {  	v3 =	vmul.f32 v3, v26;
	v4 =	vadd.f32 $0.0e+00, v4  }
0x3e2: {  	v21 =	vadd.f32 v25, v21;
	v22 =	vadd.f32 v38, v22  }
0x3e3: {  	v3 =	vadd.f32 v3, v4;
	v4 =	vmul.f32 v5, v27  }
0x3e4: {  	v5 =	vmul.f32 v21, v22  }
0x3e5: {  	v3 =	vadd.f32 v4, v3;
	v4 =	vmul.f32 v7, v29  }
0x3e6: {  	v7 =	vmul.f32 v8, v30;
	v5 =	vmax.f32 v5, $1.000000020e-16  }
0x3e7: {  	v3 =	vadd.f32 v4, v3;
	v4 =	vshrl.u32 v5, $0x1;
	v5 =	vmul.f32 $5.000000000e-01, v5  }
0x3e8: {  	v4 =	vsub.s32 $0x5F3759DF, v4  }
0x3e9: {  	v3 =	vadd.f32 v7, v3;
	v7 =	vmul.f32 v9, v32;
	v8 =	vmul.f32 v4, v5;
	_ =	sdelay $0x1  }
0x3ea: {  	v3 =	vadd.f32 v7, v3;
	v7 =	vmul.f32 v10, v34;
	v8 =	vmul.f32 v4, v8;
	_ =	sdelay $0x1  }
0x3eb: {  	v3 =	vadd.f32 v7, v3;
	v7 =	vmul.f32 v11, v36;
	v8 =	vsub.f32 $1.500000000e+00, v8;
	_ =	sdelay $0x1  }
0x3ec: {  	v3 =	vadd.f32 v7, v3;
	v7 =	vmul.f32 v12, v37;
	v4 =	vmul.f32 v4, v8;
	_ =	sdelay $0x1  }
0x3ed: {  	v3 =	vadd.f32 v7, v3;
	v7 =	vmul.f32 v19, v35;
	v8 =	vmul.f32 v4, v5;
	_ =	sdelay $0x1  }
0x3ee: {  	v3 =	vadd.f32 v7, v3;
	v7 =	vmul.f32 v18, v33;
	v8 =	vmul.f32 v8, v4;
	_ =	sdelay $0x1  }
0x3ef: {  	v3 =	vadd.f32 v7, v3;
	v7 =	vmul.f32 v17, v31;
	v8 =	vsub.f32 $1.500000000e+00, v8;
	_ =	sdelay $0x1  }
0x3f0: {  	v3 =	vadd.f32 v7, v3;
	v7 =	vmul.f32 v20, v16;
	v4 =	vmul.f32 v8, v4;
	_ =	sdelay $0x1  }
0x3f1: {  	v3 =	vadd.f32 v7, v3;
	v7 =	vmul.f32 v15, v23;
	v5 =	vmul.f32 v4, v5;
	_ =	sdelay $0x1  }
0x3f2: {  	v3 =	vadd.f32 v7, v3;
	v7 =	vmul.f32 v13, v24;
	v5 =	vmul.f32 v5, v4;
	_ =	sdelay $0x1  }
0x3f3: {  	v6 =	vmul.f32 v14, v6;
	v3 =	vadd.f32 v7, v3;
	v5 =	vsub.f32 $1.500000000e+00, v5;
	_ =	sdelay $0x1  }
0x3f4: {  	v3 =	vadd.f32 v6, v3;
	v4 =	vmul.f32 v5, v4;
	_ =	sdelay $0x1  }
0x3f5: {  	v3 =	vmul.f32 v4, v3  }
0x3f6: {  	s1 =	sadd.s32 $0x10, s24  }
0x3f7: {  	[tilespmem:s1+$0x0] =	vst v3  }
0x3f8: {  	[tilespmem:s10], [sflag:$0x1] =	stream.indirect.gather [hbm4b:s3+s8], $0x80, s20, s8, $0xb8;
	[tilespmem:$0x8E00] =	vst v63  }
0x3f9: {  	_ = 	snop  }
0x3fa: {  	[tilespmem:s12], [sflag:$0x1] =	stream.indirect.gather [hbm4b:s3+s8], $0x80, s21, s8, $0xb8;
	[tilespmem:$0x8E00] =	vst v63  }
0x3fb: {  	s28 =	simm.s32 $0x180;
	_ =	swait.ge [sflag:s13], $0x4000  }
0x3fc: {  	v15 =	vor.u32 s28, v0;
	[sflag:s13] =	ssyncset.done $0x0  }
0x3fd: {  	[sflag:s13] =	ssyncadd.s32 $0xFFFFC000  }
0x3fe: {  	_ =	swait.ge [sflag:s13], $0x4000  }
0x3ff: {  	[sflag:s13] =	ssyncset.done $0x0  }
0x400: {  	[sflag:s13] =	ssyncadd.s32 $0xFFFFC000  }
0x401: {  	v9 =	vld.idx.msk [tilespmem:v15+s15+$0x0], $0xffff  }
0x402: {  	s29 =	simm.s32 $0x0  }
0x403: {  	v3 =	vmov s29  }
0x404: {  	v3 =	vshll.u32 v3, $0x7  }
0x405: {  	v7 =	vor.u32 v2, v3;
	v29 =	vld.idx.msk [tilespmem:v15+s14+$0x0], $0xffff  }
0x406: {  	v11 =	vadd.s32 $0x78, v9;
	v3 =	vand.u32 $0xFFFFFF80, v9;
	v4 =	vadd.s32 $0x8, v9  }
0x407: {  	v5 =	vand.u32 $0x7F, v9;
	v8 =	vadd.s32 $0x10, v9;
	v16 =	vadd.s32 $0x60, v9  }
0x408: {  	v10 =	vadd.s32 $0x20, v9;
	v12 =	vadd.s32 $0x68, v9;
	v14 =	vadd.s32 $0x28, v9  }
0x409: {  	v17 =	vadd.s32 $0x70, v9;
	v18 =	vadd.s32 $0x30, v9;
	v19 =	vadd.s32 $0x58, v9  }
0x40a: {  	v23 =	vadd.s32 $0x50, v9;
	v24 =	vadd.s32 $0x40, v9;
	v41 =	vadd.s32 $0x10, v29  }
0x40b: {  	v42 =	vadd.s32 $0x18, v29;
	v31 =	vadd.s32 $0x58, v29;
	v44 =	vadd.s32 $0x20, v29  }
0x40c: {  	v46 =	vadd.s32 $0x50, v29;
	v47 =	vadd.s32 $0x28, v29;
	v49 =	vadd.s32 $0x48, v29  }
0x40d: {  	v50 =	vadd.s32 $0x30, v29;
	v3 =	vadd.s32 v7, v3;
	v6 =	vand.u32 $0xFFFFFF80, v4  }
0x40e: {  	v4 =	vand.u32 $0x7F, v4;
	v6 =	vadd.s32 v7, v6;
	v3 =	vor.u32 v5, v3  }
0x40f: {  	v52 =	vadd.s32 $0x40, v29;
	v5 =	vor.u32 v4, v6;
	v4 =	vand.u32 $0xFFFFFF80, v8  }
0x410: {  	v6 =	vand.u32 $0x7F, v8;
	v8 =	vadd.s32 $0x18, v9;
	v4 =	vadd.s32 v7, v4  }
0x411: {  	v53 =	vadd.s32 $0x38, v29;
	v6 =	vor.u32 v6, v4;
	v4 =	vand.u32 $0xFFFFFF80, v8  }
0x412: {  	v13 =	vand.u32 $0xFFFFFF80, v10;
	v8 =	vand.u32 $0x7F, v8;
	v4 =	vadd.s32 v7, v4  }
0x413: {  	v10 =	vand.u32 $0x7F, v10;
	v26 =	vand.u32 $0xFFFFFF80, v12;
	v8 =	vor.u32 v8, v4;
	v4 =	vld.idx.msk [tilespmem:v3+s12+$0x0], $0xffff  }
0x414: {  	v27 =	vand.u32 $0x7F, v12;
	v39 =	vand.u32 $0xFFFFFF80, v19;
	v13 =	vadd.s32 v7, v13;
	v3 =	vld.idx.msk [tilespmem:v5+s12+$0x0], $0xffff  }
0x415: {  	v19 =	vand.u32 $0x7F, v19;
	v10 =	vor.u32 v10, v13;
	v5 =	vand.u32 $0xFFFFFF80, v14  }
0x416: {  	v13 =	vand.u32 $0x7F, v14;
	v14 =	vadd.s32 v7, v5;
	v5 =	vld.idx.msk [tilespmem:v6+s12+$0x0], $0xffff;
	v6 =	vand.u32 $0xFFFFFF80, v18  }
0x417: {  	v13 =	vor.u32 v13, v14;
	v18 =	vand.u32 $0x7F, v18;
	v20 =	vadd.s32 v7, v6  }
0x418: {  	v28 =	vand.u32 $0x7F, v41;
	v14 =	vadd.s32 $0x38, v9;
	v6 =	vld.idx.msk [tilespmem:v8+s12+$0x0], $0xffff;
	v18 =	vor.u32 v18, v20  }
0x419: {  	v8 =	vand.u32 $0xFFFFFF80, v14;
	v20 =	vmul.f32 v4, v4;
	v21 =	vmul.f32 v3, v3  }
0x41a: {  	v14 =	vand.u32 $0x7F, v14;
	v22 =	vadd.s32 v7, v8;
	v8 =	vld.idx.msk [tilespmem:v10+s12+$0x0], $0xffff;
	v10 =	vand.u32 $0xFFFFFF80, v24  }
0x41b: {  	v22 =	vor.u32 v14, v22;
	v14 =	vadd.f32 v21, v20;
	v20 =	vmul.f32 v5, v5  }
0x41c: {  	v24 =	vand.u32 $0x7F, v24;
	v10 =	vadd.s32 v7, v10;
	v21 =	vadd.s32 $0x48, v9;
	v9 =	vld.idx.msk [tilespmem:v13+s12+$0x0], $0xffff  }
0x41d: {  	v24 =	vor.u32 v24, v10;
	v14 =	vadd.f32 v20, v14;
	v20 =	vmul.f32 v6, v6  }
0x41e: {  	v13 =	vand.u32 $0x7F, v11;
	v25 =	vand.u32 $0xFFFFFF80, v21;
	v21 =	vand.u32 $0x7F, v21;
	v10 =	vld.idx.msk [tilespmem:v18+s12+$0x0], $0xffff  }
0x41f: {  	v18 =	vadd.s32 v7, v25;
	v25 =	vmul.f32 v8, v8;
	v20 =	vadd.f32 v20, v14  }
0x420: {  	v18 =	vor.u32 v21, v18;
	v21 =	vand.u32 $0x7F, v17;
	v14 =	vand.u32 $0xFFFFFF80, v11;
	v11 =	vld.idx.msk [tilespmem:v22+s12+$0x0], $0xffff  }
0x421: {  	v17 =	vand.u32 $0xFFFFFF80, v17;
	v22 =	vmul.f32 v9, v9;
	v20 =	vadd.f32 v25, v20  }
0x422: {  	v12 =	vld.idx.msk [tilespmem:v24+s12+$0x0], $0xffff;
	v24 =	vand.u32 $0x7F, v23;
	v23 =	vand.u32 $0xFFFFFF80, v23;
	v25 =	vand.u32 $0x7F, v16  }
0x423: {  	v16 =	vand.u32 $0xFFFFFF80, v16;
	v20 =	vadd.f32 v22, v20;
	v22 =	vmul.f32 v10, v10  }
0x424: {  	v17 =	vadd.s32 v7, v17;
	v23 =	vadd.s32 v7, v23;
	v16 =	vadd.s32 v7, v16  }
0x425: {  	v16 =	vor.u32 v25, v16;
	v15 =	vadd.f32 v22, v20;
	v20 =	vmul.f32 v11, v11  }
0x426: {  	v25 =	vand.u32 $0x7F, v29;
	v22 =	vadd.s32 v7, v26;
	v26 =	vadd.s32 v7, v39  }
0x427: {  	v20 =	vadd.f32 v20, v15;
	v15 =	vor.u32 v21, v17;
	v17 =	vor.u32 v19, v26  }
0x428: {  	v21 =	vor.u32 v24, v23;
	v24 =	vand.u32 $0xFFFFFF80, v29;
	v26 =	vadd.s32 $0x8, v29  }
0x429: {  	v19 =	vor.u32 v27, v22;
	v24 =	vadd.s32 v7, v24;
	v27 =	vand.u32 $0xFFFFFF80, v26  }
0x42a: {  	v24 =	vor.u32 v25, v24;
	v25 =	vand.u32 $0x7F, v26;
	v26 =	vadd.s32 v7, v27  }
0x42b: {  	v43 =	vand.u32 $0xFFFFFF80, v42;
	v25 =	vor.u32 v25, v26;
	v26 =	vand.u32 $0xFFFFFF80, v41  }
0x42c: {  	v30 =	vand.u32 $0x7F, v42;
	v45 =	vand.u32 $0xFFFFFF80, v44;
	v26 =	vadd.s32 v7, v26  }
0x42d: {  	v32 =	vand.u32 $0x7F, v44;
	v48 =	vand.u32 $0xFFFFFF80, v47;
	v26 =	vor.u32 v28, v26  }
0x42e: {  	v34 =	vand.u32 $0x7F, v47;
	v51 =	vand.u32 $0xFFFFFF80, v50;
	v28 =	vadd.s32 v7, v43  }
0x42f: {  	v36 =	vand.u32 $0x7F, v50;
	v54 =	vand.u32 $0xFFFFFF80, v53;
	v28 =	vor.u32 v30, v28;
	v24 =	vld.idx.msk [tilespmem:v24+s10+$0x0], $0xffff  }
0x430: {  	v38 =	vand.u32 $0x7F, v53;
	v57 =	vand.u32 $0xFFFFFF80, v52;
	v30 =	vadd.s32 v7, v45;
	v25 =	vld.idx.msk [tilespmem:v25+s10+$0x0], $0xffff  }
0x431: {  	v37 =	vand.u32 $0x7F, v52;
	v59 =	vand.u32 $0xFFFFFF80, v49;
	v30 =	vor.u32 v32, v30  }
0x432: {  	v35 =	vand.u32 $0x7F, v49;
	v61 =	vand.u32 $0xFFFFFF80, v46;
	v32 =	vadd.s32 v7, v48;
	v26 =	vld.idx.msk [tilespmem:v26+s10+$0x0], $0xffff  }
0x433: {  	v33 =	vand.u32 $0x7F, v46;
	v63 =	vand.u32 $0xFFFFFF80, v31;
	v32 =	vor.u32 v34, v32  }
0x434: {  	v31 =	vand.u32 $0x7F, v31;
	v14 =	vadd.s32 v7, v14;
	v34 =	vadd.s32 v7, v51;
	v28 =	vld.idx.msk [tilespmem:v28+s10+$0x0], $0xffff  }
0x435: {  	v34 =	vor.u32 v36, v34;
	v55 =	vmul.f32 v24, v24;
	v56 =	vmul.f32 v25, v25  }
0x436: {  	v40 =	vmul.f32 v12, v12;
	v22 =	vadd.s32 $0x68, v29;
	v36 =	vadd.s32 v7, v54;
	v30 =	vld.idx.msk [tilespmem:v30+s10+$0x0], $0xffff  }
0x437: {  	v36 =	vor.u32 v38, v36;
	v39 =	vadd.f32 v56, v55;
	v58 =	vmul.f32 v26, v26  }
0x438: {  	v23 =	vadd.s32 $0x70, v29;
	v47 =	vand.u32 $0xFFFFFF80, v22;
	v38 =	vadd.s32 v7, v57;
	v32 =	vld.idx.msk [tilespmem:v32+s10+$0x0], $0xffff  }
0x439: {  	v37 =	vor.u32 v37, v38;
	v60 =	vmul.f32 v28, v28;
	v39 =	vadd.f32 v58, v39  }
0x43a: {  	v22 =	vand.u32 $0x7F, v22;
	v49 =	vand.u32 $0xFFFFFF80, v23;
	v38 =	vadd.s32 v7, v59;
	v34 =	vld.idx.msk [tilespmem:v34+s10+$0x0], $0xffff  }
0x43b: {  	v35 =	vor.u32 v35, v38;
	v62 =	vmul.f32 v30, v30;
	v39 =	vadd.f32 v60, v39  }
0x43c: {  	v23 =	vand.u32 $0x7F, v23;
	v27 =	vadd.s32 $0x60, v29;
	v38 =	vadd.s32 v7, v61;
	v36 =	vld.idx.msk [tilespmem:v36+s10+$0x0], $0xffff  }
0x43d: {  	v33 =	vor.u32 v33, v38;
	v44 =	vmul.f32 v32, v32;
	v39 =	vadd.f32 v62, v39  }
0x43e: {  	v20 =	vadd.f32 v40, v20;
	v45 =	vand.u32 $0xFFFFFF80, v27;
	v38 =	vadd.s32 v7, v63;
	v37 =	vld.idx.msk [tilespmem:v37+s10+$0x0], $0xffff  }
0x43f: {  	v18 =	vld.idx.msk [tilespmem:v18+s12+$0x0], $0xffff;
	v31 =	vor.u32 v31, v38;
	v46 =	vmul.f32 v34, v34;
	v39 =	vadd.f32 v44, v39  }
0x440: {  	v29 =	vadd.s32 $0x78, v29;
	v27 =	vand.u32 $0x7F, v27;
	v38 =	vadd.s32 v7, v45;
	v35 =	vld.idx.msk [tilespmem:v35+s10+$0x0], $0xffff  }
0x441: {  	v21 =	vld.idx.msk [tilespmem:v21+s12+$0x0], $0xffff;
	v27 =	vor.u32 v27, v38;
	v48 =	vmul.f32 v36, v36;
	v39 =	vadd.f32 v46, v39  }
0x442: {  	v52 =	vand.u32 $0xFFFFFF80, v29;
	v29 =	vand.u32 $0x7F, v29;
	v38 =	vadd.s32 v7, v47;
	v33 =	vld.idx.msk [tilespmem:v33+s10+$0x0], $0xffff  }
0x443: {  	v17 =	vld.idx.msk [tilespmem:v17+s12+$0x0], $0xffff;
	v22 =	vor.u32 v22, v38;
	v50 =	vmul.f32 v37, v37;
	v39 =	vadd.f32 v48, v39  }
0x444: {  	v51 =	vmul.f32 v18, v18;
	v38 =	vadd.s32 v7, v49;
	v7 =	vadd.s32 v7, v52;
	v31 =	vld.idx.msk [tilespmem:v31+s10+$0x0], $0xffff  }
0x445: {  	v16 =	vld.idx.msk [tilespmem:v16+s12+$0x0], $0xffff;
	v23 =	vor.u32 v23, v38;
	v53 =	vmul.f32 v35, v35;
	v39 =	vadd.f32 v50, v39  }
0x446: {  	v13 =	vor.u32 v13, v14;
	v20 =	vadd.f32 v51, v20;
	v7 =	vor.u32 v29, v7;
	v14 =	vld.idx.msk [tilespmem:v27+s10+$0x0], $0xffff  }
0x447: {  	v19 =	vld.idx.msk [tilespmem:v19+s12+$0x0], $0xffff;
	v27 =	vmul.f32 v21, v21;
	v55 =	vmul.f32 v33, v33;
	v54 =	vadd.f32 v53, v39  }
0x448: {  	v56 =	vmul.f32 v17, v17;
	v22 =	vld.idx.msk [tilespmem:v22+s10+$0x0], $0xffff  }
0x449: {  	v15 =	vld.idx.msk [tilespmem:v15+s12+$0x0], $0xffff;
	v20 =	vadd.f32 v27, v20;
	v27 =	vmul.f32 v31, v31;
	v29 =	vadd.f32 v55, v54  }
0x44a: {  	v57 =	vmul.f32 v16, v16;
	v23 =	vld.idx.msk [tilespmem:v23+s10+$0x0], $0xffff  }
0x44b: {  	v13 =	vld.idx.msk [tilespmem:v13+s12+$0x0], $0xffff;
	v20 =	vadd.f32 v56, v20;
	v58 =	vmul.f32 v14, v14;
	v27 =	vadd.f32 v27, v29  }
0x44c: {  	v59 =	vmul.f32 v19, v19;
	v7 =	vld.idx.msk [tilespmem:v7+s10+$0x0], $0xffff  }
0x44d: {  	v20 =	vadd.f32 v57, v20;
	v60 =	vmul.f32 v22, v22;
	v27 =	vadd.f32 v58, v27  }
0x44e: {  	v61 =	vmul.f32 v15, v15  }
0x44f: {  	v62 =	vmul.f32 v23, v23;
	v20 =	vadd.f32 v59, v20;
	v27 =	vadd.f32 v60, v27  }
0x450: {  	v4 =	vmul.f32 v4, v24;
	v24 =	vmul.f32 v13, v13  }
0x451: {  	v63 =	vmul.f32 v7, v7;
	v20 =	vadd.f32 v61, v20;
	v27 =	vadd.f32 v62, v27  }
0x452: {  	v3 =	vmul.f32 v3, v25;
	v4 =	vadd.f32 $0.0e+00, v4  }
0x453: {  	v20 =	vadd.f32 v24, v20;
	v25 =	vadd.f32 v63, v27  }
0x454: {  	v3 =	vadd.f32 v3, v4;
	v4 =	vmul.f32 v5, v26  }
0x455: {  	v5 =	vmul.f32 v20, v25  }
0x456: {  	v3 =	vadd.f32 v4, v3;
	v4 =	vmul.f32 v6, v28  }
0x457: {  	v6 =	vmul.f32 v8, v30;
	v5 =	vmax.f32 v5, $1.000000020e-16  }
0x458: {  	v3 =	vadd.f32 v4, v3;
	v4 =	vshrl.u32 v5, $0x1;
	v5 =	vmul.f32 $5.000000000e-01, v5  }
0x459: {  	v4 =	vsub.s32 $0x5F3759DF, v4  }
0x45a: {  	v3 =	vadd.f32 v6, v3;
	v6 =	vmul.f32 v9, v32;
	v8 =	vmul.f32 v4, v5;
	_ =	sdelay $0x1  }
0x45b: {  	v3 =	vadd.f32 v6, v3;
	v6 =	vmul.f32 v10, v34;
	v8 =	vmul.f32 v4, v8;
	_ =	sdelay $0x1  }
0x45c: {  	v3 =	vadd.f32 v6, v3;
	v6 =	vmul.f32 v11, v36;
	v8 =	vsub.f32 $1.500000000e+00, v8;
	_ =	sdelay $0x1  }
0x45d: {  	v3 =	vadd.f32 v6, v3;
	v6 =	vmul.f32 v12, v37;
	v4 =	vmul.f32 v4, v8;
	_ =	sdelay $0x1  }
0x45e: {  	v3 =	vadd.f32 v6, v3;
	v6 =	vmul.f32 v18, v35;
	v8 =	vmul.f32 v4, v5;
	_ =	sdelay $0x1  }
0x45f: {  	v3 =	vadd.f32 v6, v3;
	v6 =	vmul.f32 v21, v33;
	v8 =	vmul.f32 v8, v4;
	_ =	sdelay $0x1  }
0x460: {  	v3 =	vadd.f32 v6, v3;
	v6 =	vmul.f32 v17, v31;
	v8 =	vsub.f32 $1.500000000e+00, v8;
	_ =	sdelay $0x1  }
0x461: {  	v3 =	vadd.f32 v6, v3;
	v6 =	vmul.f32 v16, v14;
	v4 =	vmul.f32 v8, v4;
	_ =	sdelay $0x1  }
0x462: {  	v3 =	vadd.f32 v6, v3;
	v6 =	vmul.f32 v19, v22;
	v5 =	vmul.f32 v4, v5;
	_ =	sdelay $0x1  }
0x463: {  	v3 =	vadd.f32 v6, v3;
	v6 =	vmul.f32 v15, v23;
	v5 =	vmul.f32 v5, v4;
	_ =	sdelay $0x1  }
0x464: {  	v3 =	vadd.f32 v6, v3;
	v6 =	vmul.f32 v13, v7;
	v5 =	vsub.f32 $1.500000000e+00, v5  }
0x465: {  	s30 =	simm.s32 $0x190  }
0x466: {  	v15 =	vor.u32 s30, v0;
	v3 =	vadd.f32 v6, v3;
	v4 =	vmul.f32 v5, v4;
	_ =	sdelay $0x1  }
0x467: {  	v3 =	vmul.f32 v4, v3  }
0x468: {  	s24 =	simm.s32 $0x8D80  }
0x469: {  	[tilespmem:s24+$0x0] =	vst v3  }
0x46a: {  	v7 =	vld.idx.msk [tilespmem:v15+s15+$0x0], $0xffff;
	_ =	sdelay $0x1  }
0x46b: {  	s31 =	simm.s32 $0x10  }
0x46c: {  	v3 =	vmov s31  }
0x46d: {  	v3 =	vshll.u32 v3, $0x7  }
0x46e: {  	v6 =	vor.u32 v2, v3;
	v11 =	vadd.s32 $0x78, v7  }
0x46f: {  	v13 =	vadd.s32 $0x60, v7;
	v12 =	vadd.s32 $0x68, v7;
	v22 =	vadd.s32 $0x70, v7  }
0x470: {  	v3 =	vand.u32 $0xFFFFFF80, v7;
	v4 =	vand.u32 $0x7F, v7;
	v5 =	vadd.s32 $0x8, v7  }
0x471: {  	v9 =	vadd.s32 $0x10, v7;
	v17 =	vadd.s32 $0x58, v7;
	v18 =	vadd.s32 $0x50, v7  }
0x472: {  	v10 =	vadd.s32 $0x20, v7;
	v3 =	vadd.s32 v6, v3;
	v8 =	vand.u32 $0xFFFFFF80, v5  }
0x473: {  	v3 =	vor.u32 v4, v3;
	v4 =	vand.u32 $0x7F, v5;
	v5 =	vadd.s32 v6, v8  }
0x474: {  	v16 =	vadd.s32 $0x48, v7;
	v5 =	vor.u32 v4, v5;
	v4 =	vand.u32 $0xFFFFFF80, v9  }
0x475: {  	v8 =	vand.u32 $0x7F, v9;
	v9 =	vadd.s32 $0x18, v7;
	v4 =	vadd.s32 v6, v4  }
0x476: {  	v19 =	vadd.s32 $0x28, v7;
	v8 =	vor.u32 v8, v4;
	v4 =	vand.u32 $0xFFFFFF80, v9  }
0x477: {  	v20 =	vadd.s32 $0x40, v7;
	v9 =	vand.u32 $0x7F, v9;
	v4 =	vadd.s32 v6, v4  }
0x478: {  	v21 =	vadd.s32 $0x30, v7;
	v14 =	vand.u32 $0xFFFFFF80, v10;
	v9 =	vor.u32 v9, v4;
	v4 =	vld.idx.msk [tilespmem:v3+s12+$0x0], $0xffff  }
0x479: {  	v10 =	vand.u32 $0x7F, v10;
	v14 =	vadd.s32 v6, v14;
	v3 =	vld.idx.msk [tilespmem:v5+s12+$0x0], $0xffff;
	v5 =	vand.u32 $0xFFFFFF80, v19  }
0x47a: {  	v10 =	vor.u32 v10, v14;
	v14 =	vand.u32 $0x7F, v19;
	v19 =	vadd.s32 v6, v5  }
0x47b: {  	v23 =	vadd.s32 $0x38, v7;
	v5 =	vld.idx.msk [tilespmem:v8+s12+$0x0], $0xffff;
	v19 =	vor.u32 v14, v19;
	v8 =	vand.u32 $0xFFFFFF80, v21  }
0x47c: {  	v21 =	vand.u32 $0x7F, v21;
	v14 =	vand.u32 $0x7F, v11;
	v8 =	vadd.s32 v6, v8  }
0x47d: {  	v7 =	vld.idx.msk [tilespmem:v9+s12+$0x0], $0xffff;
	v24 =	vor.u32 v21, v8;
	v8 =	vand.u32 $0xFFFFFF80, v23;
	v9 =	vand.u32 $0x7F, v23  }
0x47e: {  	v21 =	vmul.f32 v4, v4;
	v23 =	vmul.f32 v3, v3;
	v25 =	vadd.s32 v6, v8  }
0x47f: {  	v8 =	vld.idx.msk [tilespmem:v10+s12+$0x0], $0xffff;
	v10 =	vand.u32 $0x7F, v20;
	v25 =	vor.u32 v9, v25;
	v9 =	vand.u32 $0xFFFFFF80, v20  }
0x480: {  	v20 =	vadd.f32 v23, v21;
	v23 =	vmul.f32 v5, v5;
	v9 =	vadd.s32 v6, v9  }
0x481: {  	v21 =	vor.u32 v10, v9;
	v10 =	vand.u32 $0xFFFFFF80, v16;
	v16 =	vand.u32 $0x7F, v16;
	v9 =	vld.idx.msk [tilespmem:v19+s12+$0x0], $0xffff  }
0x482: {  	v23 =	vadd.f32 v23, v20;
	v26 =	vmul.f32 v7, v7;
	v19 =	vadd.s32 v6, v10  }
0x483: {  	v10 =	vld.idx.msk [tilespmem:v24+s12+$0x0], $0xffff;
	v20 =	vand.u32 $0x7F, v22;
	v22 =	vand.u32 $0xFFFFFF80, v22;
	v19 =	vor.u32 v16, v19  }
0x484: {  	s25 =	simm.s32 $0x20;
	v16 =	vand.u32 $0xFFFFFF80, v11;
	v24 =	vmul.f32 v8, v8;
	v23 =	vadd.f32 v26, v23;
	v11 =	vld.idx.msk [tilespmem:v25+s12+$0x0], $0xffff  }
.LBB2_10:
0x485: {  	p0 =	sne.s32 s25, $0x70;
	v25 =	vand.u32 $0x7F, v13;
	v26 =	vand.u32 $0xFFFFFF80, v12;
	v27 =	vand.u32 $0x7F, v12  }
0x486: {  	v23 =	vadd.f32 v24, v23;
	v24 =	vmul.f32 v9, v9;
	v12 =	vld.idx.msk [tilespmem:v21+s12+$0x0], $0xffff;
	v21 =	vand.u32 $0xFFFFFF80, v13  }
0x487: {  	v29 =	vand.u32 $0x7F, v18;
	v28 =	vand.u32 $0xFFFFFF80, v17;
	v17 =	vand.u32 $0x7F, v17  }
0x488: {  	v18 =	vand.u32 $0xFFFFFF80, v18;
	v23 =	vadd.f32 v24, v23;
	v24 =	vmul.f32 v10, v10;
	v13 =	vld.idx.msk [tilespmem:v19+s12+$0x0], $0xffff  }
0x489: {  	v16 =	vadd.s32 v6, v16;
	v19 =	vadd.s32 v6, v26;
	v30 =	vld.idx.msk [tilespmem:v15+s14+$0x0], $0xffff;
	v15 =	vadd.s32 v6, v22  }
0x48a: {  	v21 =	vadd.s32 v6, v21;
	v22 =	vadd.f32 v24, v23;
	v23 =	vmul.f32 v11, v11  }
0x48b: {  	v14 =	vor.u32 v14, v16;
	v24 =	vadd.s32 v6, v18;
	v18 =	vadd.s32 v6, v28  }
0x48c: {  	v15 =	vor.u32 v20, v15;
	v16 =	vadd.f32 v23, v22;
	v22 =	vmul.f32 v12, v12  }
0x48d: {  	v19 =	vor.u32 v27, v19;
	v28 =	vor.u32 v17, v18;
	v23 =	vor.u32 v25, v21  }
0x48e: {  	v31 =	vor.u32 v29, v24;
	v18 =	vmul.f32 v13, v13;
	v16 =	vadd.f32 v22, v16  }
0x48f: {  	v32 =	vadd.s32 $0x68, v30;
	v33 =	vadd.s32 $0x70, v30;
	v26 =	vadd.s32 $0x78, v30  }
0x490: {  	v17 =	vand.u32 $0xFFFFFF80, v30;
	v20 =	vand.u32 $0x7F, v30;
	v21 =	vadd.s32 $0x8, v30  }
0x491: {  	v24 =	vadd.s32 $0x10, v30;
	v17 =	vadd.s32 v6, v17;
	v22 =	vand.u32 $0xFFFFFF80, v21  }
0x492: {  	v17 =	vor.u32 v20, v17;
	v20 =	vand.u32 $0x7F, v21;
	v21 =	vadd.s32 v6, v22  }
0x493: {  	v34 =	vadd.s32 $0x60, v30;
	v21 =	vor.u32 v20, v21;
	v20 =	vand.u32 $0xFFFFFF80, v24  }
0x494: {  	v22 =	vand.u32 $0x7F, v24;
	v24 =	vadd.s32 $0x18, v30;
	v20 =	vadd.s32 v6, v20  }
0x495: {  	v35 =	vadd.s32 $0x58, v30;
	v22 =	vor.u32 v22, v20;
	v20 =	vand.u32 $0xFFFFFF80, v24  }
0x496: {  	v27 =	vadd.s32 $0x20, v30;
	v24 =	vand.u32 $0x7F, v24;
	v25 =	vadd.s32 v6, v20  }
0x497: {  	v29 =	vadd.s32 $0x50, v30;
	v24 =	vor.u32 v24, v25;
	v25 =	vand.u32 $0xFFFFFF80, v27;
	v20 =	vld.idx.msk [tilespmem:v17+s10+$0x0], $0xffff  }
0x498: {  	v25 =	vadd.s32 v6, v25;
	v17 =	vld.idx.msk [tilespmem:v21+s10+$0x0], $0xffff;
	v21 =	vand.u32 $0x7F, v27;
	v27 =	vadd.s32 $0x28, v30  }
0x499: {  	v37 =	vadd.s32 $0x48, v30;
	v25 =	vor.u32 v21, v25;
	v36 =	vand.u32 $0xFFFFFF80, v27  }
0x49a: {  	v21 =	vld.idx.msk [tilespmem:v22+s10+$0x0], $0xffff;
	v22 =	vand.u32 $0x7F, v27;
	v27 =	vadd.s32 v6, v36;
	v36 =	vadd.s32 $0x30, v30  }
0x49b: {  	v39 =	vadd.s32 $0x40, v30;
	v27 =	vor.u32 v22, v27;
	v38 =	vand.u32 $0xFFFFFF80, v36  }
0x49c: {  	v30 =	vadd.s32 $0x38, v30;
	v22 =	vld.idx.msk [tilespmem:v24+s10+$0x0], $0xffff;
	v24 =	vand.u32 $0x7F, v36;
	v36 =	vadd.s32 v6, v38  }
0x49d: {  	v36 =	vor.u32 v24, v36;
	v24 =	vand.u32 $0xFFFFFF80, v30;
	v30 =	vand.u32 $0x7F, v30  }
0x49e: {  	v38 =	vmul.f32 v20, v20;
	v40 =	vmul.f32 v17, v17;
	v25 =	vld.idx.msk [tilespmem:v25+s10+$0x0], $0xffff;
	v24 =	vadd.s32 v6, v24  }
0x49f: {  	v41 =	vand.u32 $0xFFFFFF80, v39;
	v39 =	vand.u32 $0x7F, v39;
	v30 =	vor.u32 v30, v24  }
0x4a0: {  	v38 =	vadd.f32 v40, v38;
	v40 =	vmul.f32 v21, v21;
	v24 =	vld.idx.msk [tilespmem:v27+s10+$0x0], $0xffff;
	v27 =	vadd.s32 v6, v41  }
0x4a1: {  	v41 =	vand.u32 $0xFFFFFF80, v37;
	v37 =	vand.u32 $0x7F, v37;
	v39 =	vor.u32 v39, v27  }
0x4a2: {  	v38 =	vadd.f32 v40, v38;
	v40 =	vmul.f32 v22, v22;
	v27 =	vld.idx.msk [tilespmem:v36+s10+$0x0], $0xffff;
	v36 =	vadd.s32 v6, v41  }
0x4a3: {  	v41 =	vand.u32 $0x7F, v29;
	v36 =	vor.u32 v37, v36;
	v37 =	vand.u32 $0xFFFFFF80, v29  }
0x4a4: {  	v38 =	vadd.f32 v40, v38;
	v40 =	vmul.f32 v25, v25;
	v29 =	vld.idx.msk [tilespmem:v30+s10+$0x0], $0xffff;
	v30 =	vadd.s32 v6, v37  }
0x4a5: {  	v37 =	vand.u32 $0xFFFFFF80, v35;
	v35 =	vand.u32 $0x7F, v35;
	v30 =	vor.u32 v41, v30  }
0x4a6: {  	v38 =	vadd.f32 v40, v38;
	v40 =	vmul.f32 v24, v24;
	v37 =	vadd.s32 v6, v37;
	v39 =	vld.idx.msk [tilespmem:v39+s10+$0x0], $0xffff  }
0x4a7: {  	v35 =	vor.u32 v35, v37;
	v37 =	vand.u32 $0xFFFFFF80, v34;
	v34 =	vand.u32 $0x7F, v34  }
0x4a8: {  	v38 =	vadd.f32 v40, v38;
	v40 =	vmul.f32 v27, v27;
	v37 =	vadd.s32 v6, v37;
	v36 =	vld.idx.msk [tilespmem:v36+s10+$0x0], $0xffff  }
0x4a9: {  	v34 =	vor.u32 v34, v37;
	v37 =	vand.u32 $0xFFFFFF80, v32;
	v32 =	vand.u32 $0x7F, v32;
	v31 =	vld.idx.msk [tilespmem:v31+s12+$0x0], $0xffff  }
0x4aa: {  	v38 =	vadd.f32 v40, v38;
	v40 =	vmul.f32 v29, v29;
	v37 =	vadd.s32 v6, v37;
	v30 =	vld.idx.msk [tilespmem:v30+s10+$0x0], $0xffff  }
0x4ab: {  	v32 =	vor.u32 v32, v37;
	v37 =	vand.u32 $0xFFFFFF80, v33;
	v33 =	vand.u32 $0x7F, v33;
	v28 =	vld.idx.msk [tilespmem:v28+s12+$0x0], $0xffff  }
0x4ac: {  	v38 =	vadd.f32 v40, v38;
	v40 =	vmul.f32 v39, v39;
	v37 =	vadd.s32 v6, v37;
	v35 =	vld.idx.msk [tilespmem:v35+s10+$0x0], $0xffff  }
0x4ad: {  	v33 =	vor.u32 v33, v37;
	v37 =	vand.u32 $0xFFFFFF80, v26;
	v26 =	vand.u32 $0x7F, v26;
	v23 =	vld.idx.msk [tilespmem:v23+s12+$0x0], $0xffff  }
0x4ae: {  	v38 =	vadd.f32 v40, v38;
	v40 =	vmul.f32 v36, v36;
	v6 =	vadd.s32 v6, v37;
	v34 =	vld.idx.msk [tilespmem:v34+s10+$0x0], $0xffff  }
0x4af: {  	v37 =	vmul.f32 v31, v31;
	v6 =	vor.u32 v26, v6;
	v19 =	vld.idx.msk [tilespmem:v19+s12+$0x0], $0xffff  }
0x4b0: {  	v16 =	vadd.f32 v18, v16;
	v26 =	vadd.f32 v40, v38;
	v18 =	vmul.f32 v30, v30;
	v32 =	vld.idx.msk [tilespmem:v32+s10+$0x0], $0xffff  }
0x4b1: {  	v38 =	vmul.f32 v28, v28;
	v15 =	vld.idx.msk [tilespmem:v15+s12+$0x0], $0xffff  }
0x4b2: {  	v16 =	vadd.f32 v37, v16;
	v18 =	vadd.f32 v18, v26;
	v26 =	vmul.f32 v35, v35;
	v33 =	vld.idx.msk [tilespmem:v33+s10+$0x0], $0xffff  }
0x4b3: {  	v37 =	vmul.f32 v23, v23;
	v14 =	vld.idx.msk [tilespmem:v14+s12+$0x0], $0xffff  }
0x4b4: {  	v16 =	vadd.f32 v38, v16;
	v18 =	vadd.f32 v26, v18;
	v26 =	vmul.f32 v34, v34;
	v6 =	vld.idx.msk [tilespmem:v6+s10+$0x0], $0xffff  }
0x4b5: {  	v38 =	vmul.f32 v19, v19  }
0x4b6: {  	v16 =	vadd.f32 v37, v16;
	v18 =	vadd.f32 v26, v18;
	v26 =	vmul.f32 v32, v32  }
0x4b7: {  	v37 =	vmul.f32 v15, v15  }
0x4b8: {  	v16 =	vadd.f32 v38, v16;
	v18 =	vadd.f32 v26, v18;
	v26 =	vmul.f32 v33, v33  }
0x4b9: {  	v4 =	vmul.f32 v4, v20;
	v20 =	vmul.f32 v14, v14  }
0x4ba: {  	v16 =	vadd.f32 v37, v16;
	v18 =	vadd.f32 v26, v18;
	v26 =	vmul.f32 v6, v6  }
0x4bb: {  	v3 =	vmul.f32 v3, v17;
	v4 =	vadd.f32 $0.0e+00, v4  }
0x4bc: {  	v16 =	vadd.f32 v20, v16;
	v17 =	vadd.f32 v26, v18  }
0x4bd: {  	v3 =	vadd.f32 v3, v4;
	v4 =	vmul.f32 v5, v21  }
0x4be: {  	v5 =	vmul.f32 v16, v17  }
0x4bf: {  	v3 =	vadd.f32 v4, v3;
	v4 =	vmul.f32 v7, v22  }
0x4c0: {  	v7 =	vmul.f32 v8, v25;
	v5 =	vmax.f32 v5, $1.000000020e-16  }
0x4c1: {  	v3 =	vadd.f32 v4, v3;
	v4 =	vshrl.u32 v5, $0x1;
	v5 =	vmul.f32 $5.000000000e-01, v5  }
0x4c2: {  	v4 =	vsub.s32 $0x5F3759DF, v4  }
0x4c3: {  	v3 =	vadd.f32 v7, v3;
	v7 =	vmul.f32 v9, v24;
	v8 =	vmul.f32 v4, v5;
	_ =	sdelay $0x1  }
0x4c4: {  	v3 =	vadd.f32 v7, v3;
	v7 =	vmul.f32 v10, v27;
	v8 =	vmul.f32 v4, v8;
	_ =	sdelay $0x1  }
0x4c5: {  	v3 =	vadd.f32 v7, v3;
	v7 =	vmul.f32 v11, v29;
	v8 =	vsub.f32 $1.500000000e+00, v8;
	_ =	sdelay $0x1  }
0x4c6: {  	v3 =	vadd.f32 v7, v3;
	v7 =	vmul.f32 v12, v39;
	v4 =	vmul.f32 v4, v8;
	_ =	sdelay $0x1  }
0x4c7: {  	v3 =	vadd.f32 v7, v3;
	v7 =	vmul.f32 v13, v36;
	v8 =	vmul.f32 v4, v5;
	_ =	sdelay $0x1  }
0x4c8: {  	v3 =	vadd.f32 v7, v3;
	v7 =	vmul.f32 v31, v30;
	v8 =	vmul.f32 v8, v4;
	_ =	sdelay $0x1  }
0x4c9: {  	v3 =	vadd.f32 v7, v3;
	v7 =	vmul.f32 v28, v35;
	v8 =	vsub.f32 $1.500000000e+00, v8;
	_ =	sdelay $0x1  }
0x4ca: {  	v3 =	vadd.f32 v7, v3;
	v7 =	vmul.f32 v23, v34;
	v4 =	vmul.f32 v8, v4;
	_ =	sdelay $0x1  }
0x4cb: {  	v3 =	vadd.f32 v7, v3;
	v7 =	vmul.f32 v19, v32;
	v5 =	vmul.f32 v4, v5;
	_ =	sdelay $0x1  }
0x4cc: {  	v3 =	vadd.f32 v7, v3;
	v7 =	vmul.f32 v15, v33;
	v5 =	vmul.f32 v5, v4;
	_ =	sdelay $0x1  }
0x4cd: {  	v6 =	vmul.f32 v14, v6;
	v3 =	vadd.f32 v7, v3;
	v5 =	vsub.f32 $1.500000000e+00, v5  }
0x4ce: {  	s1 =	sadd.s32 $0x180, s25  }
0x4cf: {  	v15 =	vor.u32 s1, v0;
	v3 =	vadd.f32 v6, v3;
	v4 =	vmul.f32 v5, v4;
	_ =	sdelay $0x1  }
0x4d0: {  	v3 =	vmul.f32 v4, v3  }
0x4d1: {  	s24 =	sadd.s32 $0x10, s24  }
0x4d2: {  	[tilespmem:s24+$0x0] =	vst v3  }
0x4d3: {  	v7 =	vld.idx.msk [tilespmem:v15+s15+$0x0], $0xffff;
	_ =	sdelay $0x3  }
0x4d4: {  	v3 =	vmov s25  }
0x4d5: {  	v3 =	vshll.u32 v3, $0x7  }
0x4d6: {  	v6 =	vor.u32 v2, v3;
	v11 =	vadd.s32 $0x78, v7  }
0x4d7: {  	v13 =	vadd.s32 $0x60, v7;
	v12 =	vadd.s32 $0x68, v7;
	v22 =	vadd.s32 $0x70, v7  }
0x4d8: {  	v3 =	vand.u32 $0xFFFFFF80, v7;
	v4 =	vand.u32 $0x7F, v7;
	v5 =	vadd.s32 $0x8, v7  }
0x4d9: {  	v9 =	vadd.s32 $0x10, v7;
	v3 =	vadd.s32 v6, v3;
	v8 =	vand.u32 $0xFFFFFF80, v5  }
0x4da: {  	v3 =	vor.u32 v4, v3;
	v4 =	vand.u32 $0x7F, v5;
	v5 =	vadd.s32 v6, v8  }
0x4db: {  	v17 =	vadd.s32 $0x58, v7;
	v5 =	vor.u32 v4, v5;
	v4 =	vand.u32 $0xFFFFFF80, v9  }
0x4dc: {  	v8 =	vand.u32 $0x7F, v9;
	v9 =	vadd.s32 $0x18, v7;
	v4 =	vadd.s32 v6, v4  }
0x4dd: {  	v18 =	vadd.s32 $0x50, v7;
	v8 =	vor.u32 v8, v4;
	v4 =	vand.u32 $0xFFFFFF80, v9  }
0x4de: {  	v14 =	vadd.s32 $0x20, v7;
	v9 =	vand.u32 $0x7F, v9;
	v10 =	vadd.s32 v6, v4  }
0x4df: {  	v16 =	vadd.s32 $0x48, v7;
	v9 =	vor.u32 v9, v10;
	v10 =	vand.u32 $0xFFFFFF80, v14;
	v4 =	vld.idx.msk [tilespmem:v3+s12+$0x0], $0xffff  }
0x4e0: {  	v10 =	vadd.s32 v6, v10;
	v3 =	vld.idx.msk [tilespmem:v5+s12+$0x0], $0xffff;
	v5 =	vand.u32 $0x7F, v14;
	v14 =	vadd.s32 $0x28, v7  }
0x4e1: {  	v20 =	vadd.s32 $0x40, v7;
	v10 =	vor.u32 v5, v10;
	v19 =	vand.u32 $0xFFFFFF80, v14  }
0x4e2: {  	v5 =	vld.idx.msk [tilespmem:v8+s12+$0x0], $0xffff;
	v8 =	vand.u32 $0x7F, v14;
	v14 =	vadd.s32 v6, v19;
	v19 =	vadd.s32 $0x30, v7  }
0x4e3: {  	v23 =	vadd.s32 $0x38, v7;
	v21 =	vor.u32 v8, v14;
	v8 =	vand.u32 $0xFFFFFF80, v19  }
0x4e4: {  	v14 =	vand.u32 $0x7F, v11;
	v7 =	vld.idx.msk [tilespmem:v9+s12+$0x0], $0xffff;
	v9 =	vand.u32 $0x7F, v19;
	v8 =	vadd.s32 v6, v8  }
0x4e5: {  	v19 =	vor.u32 v9, v8;
	v9 =	vand.u32 $0xFFFFFF80, v23;
	v23 =	vand.u32 $0x7F, v23  }
0x4e6: {  	v24 =	vmul.f32 v4, v4;
	v25 =	vmul.f32 v3, v3;
	v8 =	vld.idx.msk [tilespmem:v10+s12+$0x0], $0xffff;
	v9 =	vadd.s32 v6, v9  }
0x4e7: {  	v10 =	vand.u32 $0xFFFFFF80, v20;
	v20 =	vand.u32 $0x7F, v20;
	v26 =	vor.u32 v23, v9  }
.Ltmp4:
0x4e8: {  	v23 =	vadd.f32 v25, v24;
	v24 =	vmul.f32 v5, v5;
	v10 =	vadd.s32 v6, v10;
	v9 =	vld.idx.msk [tilespmem:v21+s12+$0x0], $0xffff;
	(pc) =	sbr.rel @p0 .LBB2_10-.Ltmp4, $4  }
0x4e9: {  	v21 =	vor.u32 v20, v10;
	v20 =	vand.u32 $0xFFFFFF80, v16;
	v16 =	vand.u32 $0x7F, v16  }
0x4ea: {  	v23 =	vadd.f32 v24, v23;
	v24 =	vmul.f32 v7, v7;
	v10 =	vld.idx.msk [tilespmem:v19+s12+$0x0], $0xffff;
	v19 =	vadd.s32 v6, v20  }
0x4eb: {  	v20 =	vand.u32 $0x7F, v22;
	v19 =	vor.u32 v16, v19;
	v16 =	vand.u32 $0xFFFFFF80, v11  }
0x4ec: {  	s25 =	sadd.s32 $0x10, s25;
	v22 =	vand.u32 $0xFFFFFF80, v22;
	v23 =	vadd.f32 v24, v23;
	v24 =	vmul.f32 v8, v8;
	v11 =	vld.idx.msk [tilespmem:v26+s12+$0x0], $0xffff  }
0x4ed: {  	_ = 	snop  }
0x4ee: {  	v45 =	vmul.f32 v9, v9;
	v25 =	vand.u32 $0x7F, v13  }
0x4ef: {  	v26 =	vand.u32 $0xFFFFFF80, v12;
	v27 =	vand.u32 $0x7F, v12;
	v46 =	vand.u32 $0xFFFFFF80, v13  }
0x4f0: {  	v49 =	vand.u32 $0x7F, v18;
	v50 =	vand.u32 $0xFFFFFF80, v17;
	v51 =	vand.u32 $0x7F, v17  }
0x4f1: {  	v2 =	vld.idx.msk [tilespmem:v21+s12+$0x0], $0xffff;
	v52 =	vand.u32 $0xFFFFFF80, v18;
	v22 =	vadd.s32 v6, v22;
	v16 =	vadd.s32 v6, v16  }
0x4f2: {  	v15 =	vld.idx.msk [tilespmem:v15+s14+$0x0], $0xffff;
	v23 =	vadd.f32 v24, v23;
	v26 =	vadd.s32 v6, v26;
	v28 =	vadd.s32 v6, v46  }
0x4f3: {  	v24 =	vadd.s32 v6, v50;
	v18 =	vadd.s32 v6, v52;
	v12 =	vor.u32 v20, v22  }
0x4f4: {  	v14 =	vor.u32 v14, v16;
	v48 =	vmul.f32 v10, v10;
	v47 =	vadd.f32 v45, v23  }
0x4f5: {  	v17 =	vor.u32 v51, v24;
	v20 =	vor.u32 v25, v28;
	v22 =	vor.u32 v27, v26  }
0x4f6: {  	v18 =	vor.u32 v49, v18;
	v53 =	vmul.f32 v11, v11;
	v13 =	vadd.f32 v48, v47  }
0x4f7: {  	v54 =	vmul.f32 v2, v2;
	v21 =	vadd.s32 $0x68, v15;
	v23 =	vadd.s32 $0x70, v15  }
0x4f8: {  	v55 =	vand.u32 $0xFFFFFF80, v15;
	v56 =	vand.u32 $0x7F, v15;
	v57 =	vadd.s32 $0x8, v15  }
0x4f9: {  	v59 =	vadd.s32 $0x10, v15;
	v63 =	vadd.s32 $0x60, v15;
	v29 =	vadd.s32 $0x18, v15  }
0x4fa: {  	v30 =	vadd.s32 $0x58, v15;
	v31 =	vadd.s32 $0x20, v15;
	v32 =	vadd.s32 $0x50, v15  }
0x4fb: {  	v33 =	vadd.s32 $0x28, v15;
	v24 =	vadd.s32 v6, v55;
	v58 =	vand.u32 $0xFFFFFF80, v57  }
0x4fc: {  	v60 =	vand.u32 $0x7F, v57;
	v24 =	vor.u32 v56, v24;
	v61 =	vadd.s32 v6, v58  }
0x4fd: {  	v34 =	vadd.s32 $0x48, v15;
	v62 =	vand.u32 $0xFFFFFF80, v59;
	v25 =	vor.u32 v60, v61  }
0x4fe: {  	v35 =	vadd.s32 $0x30, v15;
	v28 =	vand.u32 $0x7F, v59;
	v26 =	vadd.s32 v6, v62  }
0x4ff: {  	v36 =	vadd.s32 $0x40, v15;
	v41 =	vand.u32 $0xFFFFFF80, v29;
	v26 =	vor.u32 v28, v26  }
0x500: {  	v37 =	vadd.s32 $0x38, v15;
	v29 =	vand.u32 $0x7F, v29;
	v28 =	vadd.s32 v6, v41  }
0x501: {  	v15 =	vadd.s32 $0x78, v15;
	v42 =	vand.u32 $0xFFFFFF80, v31;
	v28 =	vor.u32 v29, v28;
	v24 =	vld.idx.msk [tilespmem:v24+s10+$0x0], $0xffff  }
0x502: {  	v31 =	vand.u32 $0x7F, v31;
	v43 =	vand.u32 $0xFFFFFF80, v33;
	v29 =	vadd.s32 v6, v42;
	v25 =	vld.idx.msk [tilespmem:v25+s10+$0x0], $0xffff  }
0x503: {  	v33 =	vand.u32 $0x7F, v33;
	v44 =	vand.u32 $0xFFFFFF80, v35;
	v29 =	vor.u32 v31, v29  }
0x504: {  	v35 =	vand.u32 $0x7F, v35;
	v45 =	vand.u32 $0xFFFFFF80, v37;
	v31 =	vadd.s32 v6, v43;
	v26 =	vld.idx.msk [tilespmem:v26+s10+$0x0], $0xffff  }
0x505: {  	v37 =	vand.u32 $0x7F, v37;
	v46 =	vand.u32 $0xFFFFFF80, v36;
	v31 =	vor.u32 v33, v31  }
0x506: {  	v36 =	vand.u32 $0x7F, v36;
	v48 =	vand.u32 $0xFFFFFF80, v34;
	v33 =	vadd.s32 v6, v44;
	v28 =	vld.idx.msk [tilespmem:v28+s10+$0x0], $0xffff  }
0x507: {  	v33 =	vor.u32 v35, v33;
	v38 =	vmul.f32 v24, v24;
	v39 =	vmul.f32 v25, v25  }
0x508: {  	v34 =	vand.u32 $0x7F, v34;
	v50 =	vand.u32 $0xFFFFFF80, v32;
	v35 =	vadd.s32 v6, v45;
	v29 =	vld.idx.msk [tilespmem:v29+s10+$0x0], $0xffff  }
0x509: {  	v35 =	vor.u32 v37, v35;
	v47 =	vmul.f32 v26, v26;
	v38 =	vadd.f32 v39, v38  }
0x50a: {  	v32 =	vand.u32 $0x7F, v32;
	v52 =	vand.u32 $0xFFFFFF80, v30;
	v37 =	vadd.s32 v6, v46;
	v31 =	vld.idx.msk [tilespmem:v31+s10+$0x0], $0xffff  }
0x50b: {  	v36 =	vor.u32 v36, v37;
	v49 =	vmul.f32 v28, v28;
	v38 =	vadd.f32 v47, v38  }
0x50c: {  	v30 =	vand.u32 $0x7F, v30;
	v27 =	vand.u32 $0x7F, v63;
	v37 =	vadd.s32 v6, v48;
	v33 =	vld.idx.msk [tilespmem:v33+s10+$0x0], $0xffff  }
0x50d: {  	v34 =	vor.u32 v34, v37;
	v51 =	vmul.f32 v29, v29;
	v38 =	vadd.f32 v49, v38  }
0x50e: {  	v13 =	vadd.f32 v53, v13;
	v56 =	vand.u32 $0xFFFFFF80, v21;
	v37 =	vadd.s32 v6, v50;
	v35 =	vld.idx.msk [tilespmem:v35+s10+$0x0], $0xffff  }
0x50f: {  	v19 =	vld.idx.msk [tilespmem:v19+s12+$0x0], $0xffff;
	v32 =	vor.u32 v32, v37;
	v53 =	vmul.f32 v31, v31;
	v38 =	vadd.f32 v51, v38  }
0x510: {  	v13 =	vadd.f32 v54, v13;
	v54 =	vand.u32 $0xFFFFFF80, v63;
	v37 =	vadd.s32 v6, v52;
	v36 =	vld.idx.msk [tilespmem:v36+s10+$0x0], $0xffff  }
0x511: {  	v30 =	vor.u32 v30, v37;
	v55 =	vmul.f32 v33, v33;
	v38 =	vadd.f32 v53, v38  }
0x512: {  	v21 =	vand.u32 $0x7F, v21;
	v58 =	vand.u32 $0xFFFFFF80, v23;
	v37 =	vadd.s32 v6, v54;
	v34 =	vld.idx.msk [tilespmem:v34+s10+$0x0], $0xffff  }
0x513: {  	v18 =	vld.idx.msk [tilespmem:v18+s12+$0x0], $0xffff;
	v27 =	vor.u32 v27, v37;
	v57 =	vmul.f32 v35, v35;
	v38 =	vadd.f32 v55, v38  }
0x514: {  	v23 =	vand.u32 $0x7F, v23;
	v60 =	vmul.f32 v19, v19;
	v37 =	vadd.s32 v6, v56;
	v32 =	vld.idx.msk [tilespmem:v32+s10+$0x0], $0xffff  }
0x515: {  	v17 =	vld.idx.msk [tilespmem:v17+s12+$0x0], $0xffff;
	v21 =	vor.u32 v21, v37;
	v59 =	vmul.f32 v36, v36;
	v38 =	vadd.f32 v57, v38  }
0x516: {  	v61 =	vand.u32 $0xFFFFFF80, v15;
	v15 =	vand.u32 $0x7F, v15;
	v37 =	vadd.s32 v6, v58;
	v30 =	vld.idx.msk [tilespmem:v30+s10+$0x0], $0xffff  }
0x517: {  	v20 =	vld.idx.msk [tilespmem:v20+s12+$0x0], $0xffff;
	v23 =	vor.u32 v23, v37;
	v63 =	vmul.f32 v34, v34;
	v38 =	vadd.f32 v59, v38  }
0x518: {  	v62 =	vadd.s32 v6, v61;
	v13 =	vadd.f32 v60, v13;
	v40 =	vmul.f32 v18, v18;
	v16 =	vld.idx.msk [tilespmem:v27+s10+$0x0], $0xffff  }
0x519: {  	v41 =	vld.idx.msk [tilespmem:v22+s12+$0x0], $0xffff;
	v6 =	vor.u32 v15, v62;
	v43 =	vmul.f32 v32, v32;
	v42 =	vadd.f32 v63, v38  }
0x51a: {  	v44 =	vmul.f32 v17, v17;
	v21 =	vld.idx.msk [tilespmem:v21+s10+$0x0], $0xffff  }
0x51b: {  	v12 =	vld.idx.msk [tilespmem:v12+s12+$0x0], $0xffff;
	v13 =	vadd.f32 v40, v13;
	v45 =	vmul.f32 v30, v30;
	v22 =	vadd.f32 v43, v42  }
0x51c: {  	v46 =	vmul.f32 v20, v20;
	v23 =	vld.idx.msk [tilespmem:v23+s10+$0x0], $0xffff  }
0x51d: {  	v14 =	vld.idx.msk [tilespmem:v14+s12+$0x0], $0xffff;
	v13 =	vadd.f32 v44, v13;
	v47 =	vmul.f32 v16, v16;
	v22 =	vadd.f32 v45, v22  }
0x51e: {  	v48 =	vmul.f32 v41, v41;
	v6 =	vld.idx.msk [tilespmem:v6+s10+$0x0], $0xffff  }
0x51f: {  	v13 =	vadd.f32 v46, v13;
	v49 =	vmul.f32 v21, v21;
	v22 =	vadd.f32 v47, v22  }
0x520: {  	v50 =	vmul.f32 v12, v12;
	v4 =	vmul.f32 v4, v24  }
0x521: {  	v13 =	vadd.f32 v48, v13;
	v51 =	vmul.f32 v23, v23;
	v22 =	vadd.f32 v49, v22  }
0x522: {  	v52 =	vmul.f32 v14, v14;
	v3 =	vmul.f32 v3, v25;
	v4 =	vadd.f32 $0.0e+00, v4  }
0x523: {  	v13 =	vadd.f32 v50, v13;
	v53 =	vmul.f32 v6, v6;
	v22 =	vadd.f32 v51, v22  }
0x524: {  	v3 =	vadd.f32 v3, v4  }
0x525: {  	v54 =	vmul.f32 v5, v26;
	v13 =	vadd.f32 v52, v13;
	v22 =	vadd.f32 v53, v22;
	_ =	sdelay $0x1  }
0x526: {  	v56 =	vmul.f32 v7, v28;
	v3 =	vadd.f32 v54, v3;
	v55 =	vmul.f32 v13, v22;
	_ =	sdelay $0x1  }
0x527: {  	v3 =	vadd.f32 v56, v3;
	v5 =	vmax.f32 v55, $1.000000020e-16  }
0x528: {  	v57 =	vmul.f32 v8, v29;
	v58 =	vshrl.u32 v5, $0x1;
	v5 =	vmul.f32 $5.000000000e-01, v5  }
0x529: {  	v4 =	vsub.s32 $0x5F3759DF, v58  }
0x52a: {  	v3 =	vadd.f32 v57, v3;
	v59 =	vmul.f32 v9, v31;
	v60 =	vmul.f32 v4, v5;
	_ =	sdelay $0x1  }
0x52b: {  	v61 =	vmul.f32 v10, v33;
	v3 =	vadd.f32 v59, v3;
	v8 =	vmul.f32 v4, v60;
	_ =	sdelay $0x1  }
0x52c: {  	v62 =	vmul.f32 v11, v35;
	v3 =	vadd.f32 v61, v3;
	v8 =	vsub.f32 $1.500000000e+00, v8;
	_ =	sdelay $0x1  }
0x52d: {  	v2 =	vmul.f32 v2, v36;
	v3 =	vadd.f32 v62, v3;
	v4 =	vmul.f32 v4, v8;
	_ =	sdelay $0x1  }
0x52e: {  	v2 =	vadd.f32 v2, v3;
	v3 =	vmul.f32 v19, v34;
	v63 =	vmul.f32 v4, v5;
	_ =	sdelay $0x1  }
0x52f: {  	v2 =	vadd.f32 v3, v2;
	v3 =	vmul.f32 v18, v32;
	v7 =	vmul.f32 v63, v4;
	_ =	sdelay $0x1  }
0x530: {  	v2 =	vadd.f32 v3, v2;
	v3 =	vmul.f32 v17, v30;
	v7 =	vsub.f32 $1.500000000e+00, v7;
	_ =	sdelay $0x1  }
0x531: {  	v2 =	vadd.f32 v3, v2;
	v3 =	vmul.f32 v20, v16;
	v4 =	vmul.f32 v7, v4;
	_ =	sdelay $0x1  }
0x532: {  	v2 =	vadd.f32 v3, v2;
	v3 =	vmul.f32 v41, v21;
	v5 =	vmul.f32 v4, v5;
	_ =	sdelay $0x1  }
0x533: {  	v2 =	vadd.f32 v3, v2;
	v3 =	vmul.f32 v12, v23;
	v5 =	vmul.f32 v5, v4;
	_ =	sdelay $0x1  }
0x534: {  	v2 =	vadd.f32 v3, v2;
	v3 =	vmul.f32 v14, v6;
	v5 =	vsub.f32 $1.500000000e+00, v5;
	_ =	sdelay $0x1  }
0x535: {  	v2 =	vadd.f32 v3, v2;
	v3 =	vmul.f32 v5, v4;
	_ =	sdelay $0x1  }
0x536: {  	s23 =	sadd.s32 $0x1, s23;
	v2 =	vmul.f32 v3, v2  }
0x537: {  	s1 =	sadd.s32 $0x10, s24;
	p0 =	sne.s32 s23, s6  }
.Ltmp5:
0x538: {  	[tilespmem:s1+$0x0] =	vst v2;
	(pc) =	sbr.rel @p0 .LBB2_1-.Ltmp5, $4  }
0x539: {  	[hbm4b:s5+s2] =	stream.linear.scatter [tilespmem:s22], [sflag:$0x2], $0x200, $0x38;
	[tilespmem:$0x8E00] =	vst v63  }
0x53a: {  	_ =	swait.ge [sflag:s7], $0x200  }
0x53b: {  	[sflag:s7] =	ssyncset.done $0x0  }
0x53c: {  	[sflag:s7] =	ssyncadd.s32 $0xFFFFFE00  }
0x53d: {  	_ =	sfence.sel $0x180000  }
0x53e: {  	[bflag:$0x0] =	sbarrier.arrive $0xFFFF  }
0x53f: {  	_ =	strace $0x9000004D  }
0x540: {  	[bflag:$0x2] =	sbarrier.arrive $0xFFFF  }
0x541: {  	p0 =	sne.s32 s0, $0x0;
	s0 =	rddreg [dreg:$0x2]  }
0x542: {  	s0 =	sadd.s32 @!p0 $0x100000, s0  }
0x543: {  	[sflag:s0] =	ssyncadd.tile.s32 @!p0 $0x1;
	_ =	shalt  }
.Lfunc_end2:
_tile_overlayer_lowered:
.L_overlay_start_2:
0x544: {  	(tag) =	ssettag $0x2  }
0x545: {  	s0 =	rddreg [dreg:$0x0];
	s2 =	stileid.u32  }
0x546: {  	s1 =	rddreg [dreg:$0x1];
	p0 =	sne.s32 s2, $0x0  }
0x547: {  	s3 =	rddreg [dreg:$0x2];
	[bflag:$0x3] =	sbarrier.arrive $0xFFFF;
	s2 =	simm.s32 @!p0 $0x1C02  }
0x548: {  	[timem:s3], [sflag:s2] =	dma.local @!p0 [hbm:s0], s1  }
0x549: {  	s0 =	simm.s32 @!p0 $0x2  }
0x54a: {  	_ =	swait.ge @!p0 [sflag:s0], s1  }
0x54b: {  	s1 =	ssub.s32 @!p0 $0x0, s1;
	[sflag:s0] =	ssyncset.done @!p0 $0x0  }
0x54c: {  	[sflag:s0] =	ssyncadd.s32 @!p0 s1  }
0x54d: {  	[bflag:$0x3] =	sbarrier.arrive $0xFFFF  }
0x54e: {  	_ =	shalt  }

// kernel: sparse-core-data-format-call.1.cloned.1.call-start
scs
called_computation.1_lowered:
.L_overlay_start_0:
0x0: {  	s2 =	sld [smem:$0x3FD9]  }
0x1: {  	s3 =	sld [smem:$0x3FFE];
	_ =	sdelay $0x1  }
0x2: {  	s1 =	srdreg.scid  }
0x3: {  	s0 =	sand.u32 $0x1, s1  }
0x4: {  	s18 =	sshll.u32 s0, $0xA;
	s2 =	sadd.s32 s3, s2  }
0x5: {  	s2 =	sadd.s32 s2, s18  }
0x6: {  	[smem:$0x3FC6] =	sst s2  }
0x7: {  	_ = 	snop  }
0x8: {  	s2 =	sld [smem:$0x3FC8];
	(tm) =	ssettm $0x1  }
0x9: {  	s19 =	sld [smem:$0x3FFB];
	_ =	sdelay $0x3  }
0xa: {  	_ =	strace s19  }
0xb: {  	s3 =	sld [smem:$0x3FFC];
	_ =	sdelay $0x3  }
0xc: {  	_ =	strace s3  }
0xd: {  	s3 =	sld [smem:$0x3FFD];
	_ =	sdelay $0x3  }
0xe: {  	_ =	strace s3  }
0xf: {  	_ =	strace $0x8FFFFFFF  }
0x10: {  	s20 =	sld [smem:$0x3FDB];
	_ =	sdelay $0x1  }
0x11: {  	s4 =	simm.s32 $_scs_section_size  }
0x12: {  	s5 =	simm.s32 $_size__tile_overlayer_lowered;
	s6 =	simm.s32 $_tile_overlayer_lowered  }
0x13: {  	s23 =	simm.s32 $0x1BFF;
	s22 =	sshll.u32 s6, $0x1;
	s3 =	sadd.s32 s4, s20  }
0x14: {  	s7 =	simm.s32 $0x0;
	s21 =	sshll.u32 s5, $0x1;
	s5 =	sadd.s32 s22, s3  }
0x15: {  	[timem:s7], [sflag:s23] =	dma.local [hbm:s5], s21  }
0x16: {  	_ =	swait.ge [sflag:s23], s21  }
0x17: {  	s4 =	ssub.s32 $0x0, s21;
	[sflag:s23] =	ssyncset.done $0x0  }
0x18: {  	[sflag:s23] =	ssyncadd.s32 s4;
	_ =	sdelay $0x1  }
0x19: {  	s24 =	simm.s32 $0x1B8B  }
0x1a: {  	_ =	swait.ge [sflag:s24], $0x1  }
0x1b: {  	[sflag:s24] =	ssyncset.done $0x0  }
0x1c: {  	s26 =	simm.s32 $0x1B8E;
	s25 =	sld [smem:$0x3FFE];
	[sflag:s24] =	ssyncadd.s32 $0xFFFFFFFF  }
0x1d: {  	s27 =	simm.s32 $execute0_lowered;
	[smem:$0x3FD2] =	sst s26  }
0x1e: {  	s5 =	sshll.u32 s27, $0x1;
	_ =	strace $0x80000046;
	[dreg:$0x1] =	wrdreg $0xFFFFFFFF  }
0x1f: {  	s28 =	simm.s32 $_size_execute0_lowered;
	s3 =	sadd.s32 s3, s5;
	[dreg:$0x0] =	wrdreg $0x0  }
0x20: {  	s5 =	sshll.u32 s28, $0x1;
	[dreg:$0x2] =	wrdreg s3  }
0x21: {  	[dreg:$0x3] =	wrdreg s5  }
0x22: {  	[dreg:$0x4] =	wrdreg $0xC0  }
0x23: {  	_ =	task [dreg:s7], $0x5FFFF  }
0x24: {  	[dreg:$0x1] =	wrdreg $0xFFFFFFFF  }
0x25: {  	[dreg:$0x0] =	wrdreg $0x60  }
0x26: {  	[dreg:$0x2] =	wrdreg s2  }
0x27: {  	[dreg:$0x3] =	wrdreg s25  }
0x28: {  	[dreg:$0x4] =	wrdreg $0x9  }
0x29: {  	_ =	task.clear_ibuf [dreg:s7], $0x5FFFF;
	_ =	strace $0x90000046  }
0x2a: {  	s29 =	simm.s32 $0x9;
	_ =	strace $0x80000048  }
0x2b: {  	_ =	swait.ge [sflag:s29], $0x1  }
0x2c: {  	[sflag:s29] =	ssyncadd.s32 $0xFFFFFFFF  }
0x2d: {  	_ =	strace $0x90000048  }
0x2e: {  	_ =	sfence  }
0x2f: {  	s30 =	sld [smem:$0x0];
	_ =	sdelay $0x2  }
0x30: {  	s31 =	sshll.u32 s1, $0xD;
	s1 =	sshrl.u32 s1, $0x2  }
0x31: {  	s3 =	sand.u32 $0x4000, s31;
	s1 =	sadd.s32 s1, s30  }
0x32: {  	s0 =	sor.u32 s3, s0;
	s1 =	sshll.u32 s1, $0x11  }
0x33: {  	s0 =	sor.u32 s1, s0  }
0x34: {  	s0 =	sadd.s32 $0x8F2B, s0  }
0x35: {  	[sflag:s0] =	ssyncadd.remote.s32 $0x1  }
0x36: {  	_ =	sfence.sel $0xFFFF  }
0x37: {  	[dreg:$0x0] =	wrdreg $0xFFFFFFFF;
	(pc) =	sbr.abs _section_cstart, $3  }
0x38: {  	[dreg:$0x1] =	wrdreg $0xFFFFFFFF  }
0x39: {  	_ =	task.clear_ibuf [dreg:s7], $0x2FFFF;
	_ =	strace $0x9FFFFFFF  }
0x3a: {  	(tm) =	ssettm $0x7FFFFFFF  }
0x3b: {  	_ =	shalt  }
tec
execute0_lowered:
.L_overlay_start_1:
0x0: {  	(tag) =	ssettag $0x1  }
0x1: {  	s0 =	srdreg.scid;
	s2 =	rddreg [dreg:$0x0]  }
0x2: {  	s5 =	rddreg [dreg:$0x1];
	s1 =	stileid.u32  }
0x3: {  	s4 =	simm.s32 $0x1;
	s6 =	simm.s32 $0x2;
	s15 =	simm.s32 $0x0  }
0x4: {  	p0 =	por $0x0, $0x0;
	s8 =	simm.s32 $0x80;
	s0 =	sshll.u32 s0, $0x4  }
0x5: {  	s14 =	simm.s32 $0x0;
	s9 =	simm.s32 $0x0;
	s3 =	sand.u32 $0x10, s0  }
.Ltmp0:
0x6: {  	s10 =	simm.s32 $0x0;
	s3 =	sor.u32 s1, s3;
	(pc) =	sbr.rel .LBB1_1-.Ltmp0, $4  }
0x7: {  	s0 =	rddreg [dreg:$0x2];
	_ =	strace $0x80000047;
	s3 =	sshll.u32 s3, $0x7  }
0x8: {  	s12 =	simm.s32 $0x0;
	[sflag:s4] =	ssyncpa.u1 $0x0;
	s7 =	ssub.s32 $0xF4200, s3  }
0x9: {  	s13 =	simm.s32 $0x0;
	[sflag:s6] =	ssyncpa.u1 $0x0;
	s6 =	sshrl.u32 s7, $0xC  }
0xa: {  	s5 =	sadd.s32 $0xE00, s5;
	s11 =	smov.u32 s3;
	s7 =	sadd.s32 $0x2, s6  }
.LBB1_5:
0xb: {  	p1 =	slt.u32 s13, $0x2  }
0xc: {  	s17 =	smov.u32 s15;
	p2 =	sgt.s32 @!p1 s15, $0xF41C0;
	s16 =	sshra.s32 @!p1 s15, $0x1F  }
0xd: {  	p3 =	sgt.s32 @!p1 s14, $0x70;
	s18 =	sshra.s32 @!p1 s14, $0x1F;
	p2 =	por !p2, p1  }
0xe: {  	s15 =	sand.u32 @!p1 s16, s15;
	p3 =	por !p3, p1;
	s16 =	smov.u32 s14  }
0xf: {  	s14 =	sand.u32 @!p1 s18, s14;
	s17 =	simm.s32 @p2 $0xF41C0;
	s16 =	simm.s32 @p3 $0x70  }
0x10: {  	s15 =	ssub.s32 @!p1 s17, s15;
	s14 =	ssub.s32 @!p1 s16, s14  }
0x11: {  	s18 =	smov.u32 s12;
	s16 =	sadd.s32 @!p1 $0xFFF0BE40, s15;
	s17 =	sadd.s32 @!p1 $0xFFFFFF90, s14  }
0x12: {  	s15 =	ssub.s32 @!p1 $0xF4240, s15;
	p2 =	sgt.s32 @!p1 s16, $0x7F;
	p3 =	sgt.s32 @!p1 s17, $0xF  }
0x13: {  	s14 =	ssub.s32 @!p1 $0x80, s14;
	p2 =	por !p2, p1;
	p3 =	por !p3, p1  }
0x14: {  	s16 =	sadd.s32 $0x1000, s11;
	s15 =	simm.s32 @!p2 $0x0;
	s14 =	simm.s32 @!p3 $0x0  }
0x15: {  	p2 =	sgt.s32 s16, $0xF423F;
	s14 =	smul.u32 @!p1 s14, s15;
	s15 =	sadd.s32 $0x10, s12  }
0x16: {  	s18 =	smov.u32 @p2 s15  }
0x17: {  	s16 =	smov.u32 @p2 s3;
	p2 =	sgt.s32 s18, $0xF  }
0x18: {  	s18 =	simm.s32 @p2 $0x0;
	p2 =	sne.s32 s13, s7  }
.Ltmp1:
0x19: {  	p0 =	por !p0, !p0;
	s17 =	simm.s32 @!p1 $0x2;
	(pc) =	sbr.rel @!p2 .LBB1_6-.Ltmp1, $4  }
0x1a: {  	s15 =	smov.u32 s9;
	s9 =	smov.u32 s11;
	s14 =	sand.u32 @!p1 $0x3FFFFFFF, s14  }
0x1b: {  	s11 =	smov.u32 s16;
	_ =	swait.ge @!p1 [sflag:s17], s14;
	s19 =	ssub.s32 @!p1 $0x0, s14  }
0x1c: {  	s14 =	smov.u32 s10;
	s13 =	sadd.s32 $0x1, s13;
	[sflag:s17] =	ssyncset.done @!p1 $0x0  }
0x1d: {  	s10 =	smov.u32 s12;
	s12 =	smov.u32 s18;
	[sflag:s17] =	ssyncadd.s32 @!p1 s19  }
.LBB1_1:
0x1e: {  	p1 =	sgt.u32 s13, s6  }
0x1f: {  	s16 =	sshrl.u32 @!p1 s12, $0x3  }
0x20: {  	s17 =	sshll.u32 @!p1 s11, $0x3;
	s16 =	smul.u32 @!p1 $0x7A1400, s16  }
0x21: {  	s18 =	sshll.u32 @!p1 s12, $0x7;
	s17 =	sand.u32 @!p1 $0xFFFFFC00, s17  }
0x22: {  	s16 =	sadd.s32 @!p1 s16, s17;
	s17 =	sand.u32 @!p1 $0x380, s18  }
0x23: {  	s18 =	sand.u32 @!p1 $0x7F, s11;
	s16 =	sor.u32 @!p1 s17, s16  }
0x24: {  	s17 =	sor.u32 @!p1 s18, s16  }
0x25: {  	s18 =	smulhi.u32 @!p1 $0x218D6287, s17;
	_ =	sdelay $0x1  }
0x26: {  	s16 =	smulhi.u32 @!p1 $0x218D6287, s16;
	s18 =	sshrl.u32 @!p1 s18, $0x11  }
0x27: {  	s18 =	smul.u32 @!p1 $0xF4280, s18  }
0x28: {  	s19 =	sxor.u32 @!p1 $0xFFFFFFFF, s13;
	s16 =	sshrl.u32 @!p1 s16, $0x11  }
0x29: {  	s19 =	sshll.u32 @!p1 s19, $0xB;
	s16 =	sand.u32 @!p1 $0xF, s16;
	s17 =	ssub.s32 @!p1 s17, s18  }
0x2a: {  	s16 =	smul.u32 @!p1 $0x1E850, s16;
	s18 =	sshrl.u32 @!p1 s17, $0x3;
	s17 =	sand.u32 @!p1 $0x7, s17  }
0x2b: {  	s19 =	sand.u32 @!p1 $0x800, s19;
	s18 =	sadd.s32 @!p1 s2, s18;
	s17 =	sshll.u32 @!p1 s17, $0x12  }
0x2c: {  	s16 =	sadd.s32 @!p1 s16, s18;
	s17 =	sor.u32 @!p1 $0x400, s17;
	s18 =	simm.s32 @!p1 $0x7A1400  }
0x2d: {  	[tilespmem:s19], [sflag:$0x1] =	stream.strided.gather @!p1 [hbm4b:s16+s17], $0x800, s18, s17, $0x38;
	[tilespmem:$0x2100] =	vst v63  }
0x2e: {  	p1 =	seq.s32 s13, $0x0  }
0x2f: {  	p2 =	sge.u32 @!p1 s13, s7  }
0x30: {  	p1 =	por p1, p2  }
.Ltmp2:
0x31: {  	_ = 	snop;
	(pc) =	sbr.rel @p1 .LBB1_5-.Ltmp2, $1  }
0x32: {  	_ =	sdelay $0x3  }
0x33: {  	s16 =	simm.s32 $0x1  }
0x34: {  	_ =	swait.ge [sflag:s4], $0x800;
	s16 =	simm.s32 @!p0 $0x0  }
0x35: {  	[sflag:s4] =	ssyncset.done $0x0;
	s17 =	sshll.u32 s16, $0xB  }
0x36: {  	[sflag:s4] =	ssyncadd.s32 $0xFFFFF800;
	s17 =	sor.u32 $0x40, s17  }
0x37: {  	s16 =	smul.u32 $0x2200, s16;
	v0 =	vld [tilespmem:s17+$0x30]  }
0x38: {  	v1 =	vld [tilespmem:s17+$0xFFFFFFD0]  }
0x39: {  	s16 =	sshrl.u32 s16, $0x2;
	v5 =	vld [tilespmem:s17+$0xFFFFFFE0]  }
0x3a: {  	v6 =	vld [tilespmem:s17+$0xFFFFFFF0];
	s19 =	sor.u32 $0x1000, s16  }
0x3b: {  	s31 =	sand.u32 $0x1, s13;
	v4 =	vld [tilespmem:s17+$0x0];
	s18 =	sadd.s32 $0x0, s19  }
0x3c: {  	v3 =	vld [tilespmem:s17+$0x10];
	s16 =	smul.u32 $0x2200, s31;
	[tilespmem:s18+$0x770 ss:$0x11] =	vst.msk $0xffff, v0  }
0x3d: {  	v2 =	vld [tilespmem:s17+$0x20];
	[tilespmem:s18+$0x110 ss:$0x11] =	vst.msk $0xffff, v1  }
0x3e: {  	s16 =	sshrl.u32 s16, $0x2;
	v1 =	vld [tilespmem:s17+$0xFFFFFFC0];
	[tilespmem:s18+$0x220 ss:$0x11] =	vst.msk $0xffff, v5;
	s17 =	sadd.s32 $0x80, s17  }
0x3f: {  	s20 =	simm.s32 $0x4;
	s21 =	simm.s32 $0x8;
	s16 =	sor.u32 $0x1000, s16;
	[tilespmem:s18+$0x330 ss:$0x11] =	vst.msk $0xffff, v6;
	v0 =	vld [tilespmem:s17+$0x30]  }
.LBB1_3:
0x40: {  	p1 =	sne.s32 s21, $0x3C;
	v5 =	vld [tilespmem:s17+$0xFFFFFFD0];
	[tilespmem:s18+$0x440 ss:$0x11] =	vst.msk $0xffff, v4  }
0x41: {  	v6 =	vld [tilespmem:s17+$0xFFFFFFE0];
	[tilespmem:s18+$0x550 ss:$0x11] =	vst.msk $0xffff, v3  }
0x42: {  	s22 =	sshra.s32 s20, $0x2;
	s20 =	smov.u32 s21;
	v7 =	vld [tilespmem:s17+$0xFFFFFFF0];
	[tilespmem:s18+$0x660 ss:$0x11] =	vst.msk $0xffff, v2  }
.Ltmp3:
0x43: {  	v4 =	vld [tilespmem:s17+$0x0];
	[tilespmem:s18+$0x0 ss:$0x11] =	vst.msk $0xffff, v1;
	s18 =	sadd.s32 s22, s19;
	(pc) =	sbr.rel @p1 .LBB1_3-.Ltmp3, $4  }
0x44: {  	v3 =	vld [tilespmem:s17+$0x10];
	[tilespmem:s18+$0x770 ss:$0x11] =	vst.msk $0xffff, v0  }
0x45: {  	[tilespmem:s18+$0x110 ss:$0x11] =	vst.msk $0xffff, v5;
	v2 =	vld [tilespmem:s17+$0x20]  }
0x46: {  	v1 =	vld [tilespmem:s17+$0xFFFFFFC0];
	[tilespmem:s18+$0x220 ss:$0x11] =	vst.msk $0xffff, v6;
	s17 =	sadd.s32 $0x80, s17  }
0x47: {  	s21 =	sadd.s32 $0x4, s21;
	v0 =	vld [tilespmem:s17+$0x30];
	[tilespmem:s18+$0x330 ss:$0x11] =	vst.msk $0xffff, v7  }
0x48: {  	s21 =	sshll.u32 s9, $0x7;
	s22 =	sshll.u32 s10, $0x3;
	s20 =	sshra.s32 s20, $0x2  }
0x49: {  	p1 =	sgt.s32 s9, $0xF41C0;
	s30 =	sshra.s32 s9, $0x1F;
	s25 =	sshra.s32 s10, $0x1F  }
0x4a: {  	v5 =	vld [tilespmem:s17+$0xFFFFFFD0];
	s28 =	sshrl.u32 s10, $0x3;
	s23 =	sand.u32 $0xFFFFFC00, s21;
	s22 =	sand.u32 $0xFFFFFC00, s22  }
0x4b: {  	[tilespmem:s18+$0x440 ss:$0x11] =	vst.msk $0xffff, v4;
	v58 =	vld [tilespmem:s17+$0xFFFFFFE0];
	s21 =	sand.u32 $0x380, s21;
	s19 =	sadd.s32 s20, s19;
	s22 =	sadd.s32 s22, s23  }
0x4c: {  	v59 =	vld [tilespmem:s17+$0xFFFFFFF0];
	[tilespmem:s18+$0x550 ss:$0x11] =	vst.msk $0xffff, v3;
	s29 =	sor.u32 s21, s22;
	s21 =	smov.u32 s9;
	s22 =	sand.u32 s30, s9  }
0x4d: {  	v60 =	vld [tilespmem:s17+$0x0];
	[tilespmem:s18+$0x660 ss:$0x11] =	vst.msk $0xffff, v2;
	s30 =	sand.u32 $0x7, s10;
	s20 =	sshrl.u32 s29, $0x7;
	s21 =	simm.s32 @!p1 $0xF41C0  }
0x4e: {  	v61 =	vld [tilespmem:s17+$0x10];
	[tilespmem:s18+$0x0 ss:$0x11] =	vst.msk $0xffff, v1;
	p1 =	sgt.s32 s10, $0x70;
	s24 =	ssub.s32 s21, s22;
	s21 =	smov.u32 s10  }
0x4f: {  	v62 =	vld [tilespmem:s17+$0x20];
	[tilespmem:s19+$0x770 ss:$0x11] =	vst.msk $0xffff, v0;
	s31 =	smulhi.u32 $0x218DEF5, s20;
	s22 =	sand.u32 s25, s10;
	s21 =	simm.s32 @!p1 $0x70  }
0x50: {  	v63 =	vld [tilespmem:s17+$0xFFFFFFC0];
	[tilespmem:s19+$0x110 ss:$0x11] =	vst.msk $0xffff, v5;
	s26 =	sadd.s32 $0xFFF0BE40, s24;
	s17 =	ssub.s32 $0xF4240, s24;
	s21 =	ssub.s32 s21, s22  }
0x51: {  	[tilespmem:s19+$0x220 ss:$0x11] =	vst.msk $0xffff, v58;
	s23 =	sshrl.u32 s31, $0xD;
	p1 =	sgt.s32 s26, $0x7F;
	s27 =	sadd.s32 $0xFFFFFF90, s21  }
0x52: {  	[tilespmem:s19+$0x330 ss:$0x11] =	vst.msk $0xffff, v59;
	s23 =	smul.u32 $0xF4240, s23;
	s18 =	ssub.s32 $0x80, s21;
	p2 =	sgt.s32 s27, $0xF  }
.Ltmp4:
0x53: {  	[tilespmem:s19+$0x440 ss:$0x11] =	vst.msk $0xffff, v60;
	s17 =	simm.s32 @p1 $0x0;
	s18 =	simm.s32 @p2 $0x0;
	(pc) =	sbr.rel .LBB1_5-.Ltmp4, $4  }
0x54: {  	s29 =	sand.u32 $0xF, s28;
	[tilespmem:s19+$0x550 ss:$0x11] =	vst.msk $0xffff, v61;
	s20 =	ssub.s32 s20, s23;
	s17 =	smul.u32 s18, s17  }
0x55: {  	[tilespmem:s19+$0x660 ss:$0x11] =	vst.msk $0xffff, v62;
	s21 =	sshll.u32 s30, $0x12;
	s20 =	sshll.u32 s20, $0x4;
	s18 =	sadd.s32 s5, s29  }
0x56: {  	[tilespmem:s19+$0x0 ss:$0x11] =	vst.msk $0xffff, v63;
	s31 =	sor.u32 $0x10, s21;
	s18 =	sadd.s32 s20, s18;
	s17 =	sand.u32 $0x3FFFFFFF, s17  }
0x57: {  	[hbm4b:s18+s31] =	stream.strided.scatter [tilespmem:s16], [sflag:$0x2], s17, s8, s31, $0x8;
	[tilespmem:$0x2100] =	vst v63  }
.LBB1_6:
0x58: {  	_ =	sfence.sel $0x180000  }
0x59: {  	s2 =	simm.s32 $0x1;
	[bflag:$0x0] =	sbarrier.arrive $0xFFFF  }
0x5a: {  	s31 =	simm.s32 $0x2;
	[sflag:s2] =	ssyncpa.u1 $0x1  }
0x5b: {  	[sflag:s31] =	ssyncpa.u1 $0x1  }
0x5c: {  	p0 =	sne.s32 s1, $0x0;
	_ =	strace $0x90000047  }
0x5d: {  	s0 =	sadd.s32 @!p0 $0x100000, s0;
	[bflag:$0x2] =	sbarrier.arrive $0xFFFF  }
0x5e: {  	[sflag:s0] =	ssyncadd.tile.s32 @!p0 $0x1;
	_ =	shalt  }
.Lfunc_end1:
_tile_overlayer_lowered:
.L_overlay_start_2:
0x5f: {  	(tag) =	ssettag $0x2  }
0x60: {  	s0 =	rddreg [dreg:$0x0];
	s2 =	stileid.u32  }
0x61: {  	s1 =	rddreg [dreg:$0x1];
	p0 =	sne.s32 s2, $0x0  }
0x62: {  	s3 =	rddreg [dreg:$0x2];
	[bflag:$0x3] =	sbarrier.arrive $0xFFFF;
	s2 =	simm.s32 @!p0 $0x1C01  }
0x63: {  	[timem:s3], [sflag:s2] =	dma.local @!p0 [hbm:s0], s1  }
0x64: {  	s0 =	simm.s32 @!p0 $0x1  }
0x65: {  	_ =	swait.ge @!p0 [sflag:s0], s1  }
0x66: {  	s1 =	ssub.s32 @!p0 $0x0, s1;
	[sflag:s0] =	ssyncset.done @!p0 $0x0  }
0x67: {  	[sflag:s0] =	ssyncadd.s32 @!p0 s1  }
0x68: {  	[bflag:$0x3] =	sbarrier.arrive $0xFFFF  }
0x69: {  	_ =	shalt  }

// kernel: sparse-core-data-format-call.cloned.1.call-start
scs
called_computation_lowered:
.L_overlay_start_0:
0x0: {  	s1 =	sld [smem:$0x3FD9]  }
0x1: {  	s2 =	sld [smem:$0x3FFE];
	_ =	sdelay $0x1  }
0x2: {  	s3 =	srdreg.scid  }
0x3: {  	s0 =	sand.u32 $0x1, s3  }
0x4: {  	s17 =	sshll.u32 s0, $0xA;
	s1 =	sadd.s32 s2, s1  }
0x5: {  	s1 =	sadd.s32 s1, s17  }
0x6: {  	[smem:$0x3FC6] =	sst s1  }
0x7: {  	_ = 	snop  }
0x8: {  	(tm) =	ssettm $0x1  }
0x9: {  	s18 =	sld [smem:$0x3FFB];
	_ =	sdelay $0x3  }
0xa: {  	_ =	strace s18  }
0xb: {  	s1 =	sld [smem:$0x3FFC];
	_ =	sdelay $0x3  }
0xc: {  	_ =	strace s1  }
0xd: {  	s1 =	sld [smem:$0x3FFD];
	_ =	sdelay $0x3  }
0xe: {  	_ =	strace s1  }
0xf: {  	_ =	strace $0x8FFFFFFF  }
0x10: {  	s19 =	sld [smem:$0x3FDB];
	_ =	sdelay $0x1  }
0x11: {  	s20 =	simm.s32 $_scs_section_size  }
0x12: {  	s4 =	simm.s32 $_size__tile_overlayer_lowered;
	s5 =	simm.s32 $_tile_overlayer_lowered  }
0x13: {  	s23 =	simm.s32 $0x1BFF;
	s22 =	sshll.u32 s5, $0x1;
	s1 =	sadd.s32 s20, s19  }
0x14: {  	s6 =	simm.s32 $0x0;
	s21 =	sshll.u32 s4, $0x1;
	s4 =	sadd.s32 s22, s1  }
0x15: {  	[timem:s6], [sflag:s23] =	dma.local [hbm:s4], s21  }
0x16: {  	_ =	swait.ge [sflag:s23], s21  }
0x17: {  	s2 =	ssub.s32 $0x0, s21;
	[sflag:s23] =	ssyncset.done $0x0  }
0x18: {  	[sflag:s23] =	ssyncadd.s32 s2;
	_ =	sdelay $0x1  }
0x19: {  	s24 =	simm.s32 $0x1B8B  }
0x1a: {  	_ =	swait.ge [sflag:s24], $0x1  }
0x1b: {  	[sflag:s24] =	ssyncset.done $0x0  }
0x1c: {  	s26 =	simm.s32 $0x1B8E;
	s25 =	sld [smem:$0x3FFE];
	[sflag:s24] =	ssyncadd.s32 $0xFFFFFFFF  }
0x1d: {  	s27 =	simm.s32 $execute0_lowered;
	[smem:$0x3FD2] =	sst s26  }
0x1e: {  	s4 =	sshll.u32 s27, $0x1;
	_ =	strace $0x80000049;
	[dreg:$0x1] =	wrdreg $0xFFFFFFFF  }
0x1f: {  	s28 =	simm.s32 $_size_execute0_lowered;
	s1 =	sadd.s32 s1, s4;
	[dreg:$0x0] =	wrdreg $0x0  }
0x20: {  	s4 =	sshll.u32 s28, $0x1;
	[dreg:$0x2] =	wrdreg s1  }
0x21: {  	[dreg:$0x3] =	wrdreg s4  }
0x22: {  	[dreg:$0x4] =	wrdreg $0xC0  }
0x23: {  	_ =	task [dreg:s6], $0x5FFFF  }
0x24: {  	[dreg:$0x1] =	wrdreg $0xFFFFFFFF  }
0x25: {  	[dreg:$0x0] =	wrdreg $0x60  }
0x26: {  	[dreg:$0x2] =	wrdreg s25  }
0x27: {  	[dreg:$0x3] =	wrdreg $0x9  }
0x28: {  	_ =	task.clear_ibuf [dreg:s6], $0x4FFFF;
	_ =	strace $0x90000049  }
0x29: {  	s29 =	simm.s32 $0x9;
	_ =	strace $0x8000004B  }
0x2a: {  	_ =	swait.ge [sflag:s29], $0x1  }
0x2b: {  	[sflag:s29] =	ssyncadd.s32 $0xFFFFFFFF  }
0x2c: {  	_ =	strace $0x9000004B  }
0x2d: {  	_ =	sfence  }
0x2e: {  	s30 =	sld [smem:$0x0];
	_ =	sdelay $0x2  }
0x2f: {  	s31 =	sshll.u32 s3, $0xD;
	s3 =	sshrl.u32 s3, $0x2  }
0x30: {  	s2 =	sand.u32 $0x4000, s31;
	s1 =	sadd.s32 s3, s30  }
0x31: {  	s0 =	sor.u32 s2, s0;
	s1 =	sshll.u32 s1, $0x11  }
0x32: {  	s0 =	sor.u32 s1, s0  }
0x33: {  	s0 =	sadd.s32 $0x8F2B, s0  }
0x34: {  	[sflag:s0] =	ssyncadd.remote.s32 $0x1  }
0x35: {  	_ =	sfence.sel $0xFFFF  }
0x36: {  	[dreg:$0x0] =	wrdreg $0xFFFFFFFF;
	(pc) =	sbr.abs _section_cstart, $3  }
0x37: {  	[dreg:$0x1] =	wrdreg $0xFFFFFFFF  }
0x38: {  	_ =	task.clear_ibuf [dreg:s6], $0x2FFFF;
	_ =	strace $0x9FFFFFFF  }
0x39: {  	(tm) =	ssettm $0x7FFFFFFF  }
tec
execute0_lowered:
.L_overlay_start_1:
0x0: {  	(tag) =	ssettag $0x1  }
0x1: {  	s0 =	srdreg.scid  }
0x2: {  	s4 =	rddreg [dreg:$0x0];
	s1 =	stileid.u32  }
0x3: {  	s5 =	simm.s32 $0x1;
	s7 =	simm.s32 $0x2;
	s0 =	sshll.u32 s0, $0x4  }
0x4: {  	s11 =	simm.s32 $0x0;
	p0 =	por $0x0, $0x0;
	s2 =	sand.u32 $0x10, s0  }
.Ltmp0:
0x5: {  	s8 =	simm.s32 $0xF4400;
	s3 =	sor.u32 s1, s2;
	(pc) =	sbr.rel .LBB1_1-.Ltmp0, $4  }
0x6: {  	s10 =	simm.s32 $0x0;
	s0 =	rddreg [dreg:$0x1];
	s3 =	sshll.u32 s3, $0x7  }
0x7: {  	_ =	strace $0x8000004A;
	s2 =	sadd.s32 $0xE00, s4;
	s6 =	ssub.s32 $0x1E800, s3  }
0x8: {  	s4 =	sadd.s32 $0xF43200, s4;
	[sflag:s5] =	ssyncpa.u1 $0x0;
	s6 =	sshrl.u32 s6, $0xC  }
0x9: {  	[sflag:s7] =	ssyncpa.u1 $0x0;
	s9 =	smov.u32 s3;
	s7 =	sadd.s32 $0x2, s6  }
.LBB1_5:
0xa: {  	s13 =	sadd.s32 $0x1000, s9  }
0xb: {  	p2 =	sgt.s32 s13, $0x1E847  }
0xc: {  	s13 =	smov.u32 @p2 s3;
	p2 =	sne.s32 s10, s7  }
.Ltmp1:
0xd: {  	p1 =	slt.u32 s10, $0x2;
	(pc) =	sbr.rel @!p2 .LBB1_6-.Ltmp1, $4  }
0xe: {  	s12 =	simm.s32 @!p1 $0x2  }
0xf: {  	s14 =	sadd.s32 $0x1, s10;
	_ =	swait.ge @!p1 [sflag:s12], $0x4000  }
0x10: {  	s11 =	smov.u32 s9;
	p0 =	por !p0, !p0;
	[sflag:s12] =	ssyncset.done @!p1 $0x0  }
0x11: {  	s10 =	smov.u32 s14;
	s9 =	smov.u32 s13;
	[sflag:s12] =	ssyncadd.s32 @!p1 $0xFFFFC000  }
.LBB1_1:
0x12: {  	p1 =	sgt.u32 s10, s6  }
0x13: {  	p2 =	sgt.s32 @!p1 s9, $0x1E7C8  }
0x14: {  	s12 =	smov.u32 s9;
	s13 =	sshra.s32 @!p1 s9, $0x1F;
	p2 =	por !p2, p1  }
0x15: {  	s13 =	sand.u32 @!p1 s13, s9;
	s12 =	simm.s32 @p2 $0x1E7C8  }
0x16: {  	s12 =	ssub.s32 @!p1 s12, s13  }
0x17: {  	s14 =	sxor.u32 @!p1 $0xFFFFFFFF, s10;
	s12 =	sadd.s32 @!p1 $0xFFFE1838, s12  }
0x18: {  	s15 =	simm.s32 @!p1 $0x10;
	s16 =	simm.s32 @!p1 $0x80;
	s13 =	sshll.u32 @!p1 s12, $0x9  }
0x19: {  	p2 =	sgt.s32 @!p1 s12, $0x7F;
	s12 =	ssub.s32 @!p1 $0x10000, s13;
	s13 =	sshll.u32 @!p1 s14, $0xE  }
0x1a: {  	p2 =	por !p2, p1;
	s14 =	sshll.u32 @!p1 s9, $0x7;
	s12 =	sshrl.u32 @!p1 s12, $0x2  }
0x1b: {  	s13 =	sand.u32 @!p1 $0x4000, s13;
	s14 =	sadd.s32 @!p1 s2, s14;
	s12 =	simm.s32 @!p2 $0x0  }
0x1c: {  	[tilespmem:s13], [sflag:$0x1] =	stream.strided.gather @!p1 [hbm4b:s14+s15], s12, s16, s15, $0x38;
	[tilespmem:$0x10100] =	vst v63  }
0x1d: {  	p1 =	seq.s32 s10, $0x0  }
0x1e: {  	p2 =	sge.u32 @!p1 s10, s7  }
0x1f: {  	p1 =	por p1, p2  }
.Ltmp2:
0x20: {  	_ = 	snop;
	(pc) =	sbr.rel @p1 .LBB1_5-.Ltmp2, $1  }
0x21: {  	_ =	sdelay $0x3  }
0x22: {  	p1 =	sgt.s32 s11, $0x1E7C8;
	s12 =	smov.u32 s11;
	s13 =	sshra.s32 s11, $0x1F  }
0x23: {  	s12 =	simm.s32 @!p1 $0x1E7C8;
	s13 =	sand.u32 s13, s11  }
0x24: {  	s12 =	ssub.s32 s12, s13  }
0x25: {  	s12 =	sadd.s32 $0xFFFE1838, s12  }
0x26: {  	s29 =	sshll.u32 s12, $0x9  }
0x27: {  	s13 =	ssub.s32 $0x10000, s29  }
0x28: {  	p1 =	sgt.s32 s12, $0x7F;
	s12 =	sshrl.u32 s13, $0x2  }
0x29: {  	s13 =	simm.s32 $0x1;
	s12 =	simm.s32 @p1 $0x0  }
0x2a: {  	s13 =	simm.s32 @!p0 $0x0;
	_ =	swait.ge [sflag:s5], s12  }
0x2b: {  	s14 =	sshll.u32 s13, $0xE;
	s12 =	ssub.s32 $0x0, s12;
	[sflag:s5] =	ssyncset.done $0x0  }
0x2c: {  	s15 =	sor.u32 $0x40, s14;
	[sflag:s5] =	ssyncadd.s32 s12  }
0x2d: {  	s30 =	smul.u32 $0x10200, s13;
	v0 =	vld [tilespmem:s15+$0x30]  }
0x2e: {  	v1 =	vld [tilespmem:s15+$0xFFFFFFD0]  }
0x2f: {  	s12 =	sshrl.u32 s30, $0x2;
	v5 =	vld [tilespmem:s15+$0xFFFFFFE0]  }
0x30: {  	s13 =	sor.u32 $0x8000, s12;
	v6 =	vld [tilespmem:s15+$0xFFFFFFF0]  }
0x31: {  	s31 =	sand.u32 $0x1, s10;
	v3 =	vld [tilespmem:s15+$0x0];
	s14 =	sadd.s32 $0x0, s13  }
0x32: {  	s12 =	smul.u32 $0x10200, s31;
	v4 =	vld [tilespmem:s15+$0x10];
	[tilespmem:s14+$0x387 ss:$0x408] =	vst.msk $0xffff, v0  }
0x33: {  	v2 =	vld [tilespmem:s15+$0x20];
	[tilespmem:s14+$0x81 ss:$0x408] =	vst.msk $0xffff, v1  }
0x34: {  	s12 =	sshrl.u32 s12, $0x2;
	v0 =	vld [tilespmem:s15+$0xFFFFFFC0];
	[tilespmem:s14+$0x102 ss:$0x408] =	vst.msk $0xffff, v5;
	s15 =	sadd.s32 $0x80, s15  }
0x35: {  	s16 =	simm.s32 $0x4;
	s17 =	simm.s32 $0x8;
	s12 =	sor.u32 $0x8000, s12;
	[tilespmem:s14+$0x183 ss:$0x408] =	vst.msk $0xffff, v6;
	v1 =	vld [tilespmem:s15+$0x30]  }
.LBB1_3:
0x36: {  	p1 =	sne.s32 s17, $0x1FC;
	v5 =	vld [tilespmem:s15+$0xFFFFFFD0];
	[tilespmem:s14+$0x204 ss:$0x408] =	vst.msk $0xffff, v3  }
0x37: {  	v6 =	vld [tilespmem:s15+$0xFFFFFFE0];
	[tilespmem:s14+$0x285 ss:$0x408] =	vst.msk $0xffff, v4  }
0x38: {  	s18 =	sshra.s32 s16, $0x2;
	s16 =	smov.u32 s17;
	v7 =	vld [tilespmem:s15+$0xFFFFFFF0];
	[tilespmem:s14+$0x306 ss:$0x408] =	vst.msk $0xffff, v2  }
.Ltmp3:
0x39: {  	v3 =	vld [tilespmem:s15+$0x0];
	[tilespmem:s14+$0x0 ss:$0x408] =	vst.msk $0xffff, v0;
	s14 =	sadd.s32 s18, s13;
	(pc) =	sbr.rel @p1 .LBB1_3-.Ltmp3, $4  }
0x3a: {  	v4 =	vld [tilespmem:s15+$0x10];
	[tilespmem:s14+$0x387 ss:$0x408] =	vst.msk $0xffff, v1  }
0x3b: {  	[tilespmem:s14+$0x81 ss:$0x408] =	vst.msk $0xffff, v5;
	v2 =	vld [tilespmem:s15+$0x20]  }
0x3c: {  	v0 =	vld [tilespmem:s15+$0xFFFFFFC0];
	[tilespmem:s14+$0x102 ss:$0x408] =	vst.msk $0xffff, v6;
	s15 =	sadd.s32 $0x80, s15  }
0x3d: {  	s17 =	sadd.s32 $0x4, s17;
	v1 =	vld [tilespmem:s15+$0x30];
	[tilespmem:s14+$0x183 ss:$0x408] =	vst.msk $0xffff, v7  }
0x3e: {  	v5 =	vld [tilespmem:s15+$0xFFFFFFD0];
	[tilespmem:s14+$0x204 ss:$0x408] =	vst.msk $0xffff, v3;
	s17 =	sshll.u32 s11, $0x3  }
0x3f: {  	v58 =	vld [tilespmem:s15+$0xFFFFFFE0];
	[tilespmem:s14+$0x285 ss:$0x408] =	vst.msk $0xffff, v4;
	s17 =	sand.u32 $0xFFFFFC00, s17  }
0x40: {  	s16 =	sshra.s32 s16, $0x2;
	v59 =	vld [tilespmem:s15+$0xFFFFFFF0];
	[tilespmem:s14+$0x306 ss:$0x408] =	vst.msk $0xffff, v2;
	s18 =	sshrl.u32 s17, $0x7  }
0x41: {  	v60 =	vld [tilespmem:s15+$0x0];
	s13 =	sadd.s32 s16, s13;
	[tilespmem:s14+$0x0 ss:$0x408] =	vst.msk $0xffff, v0;
	s28 =	smulhi.u32 $0x218A169, s18  }
0x42: {  	v61 =	vld [tilespmem:s15+$0x10];
	[tilespmem:s13+$0x387 ss:$0x408] =	vst.msk $0xffff, v1  }
0x43: {  	v62 =	vld [tilespmem:s15+$0x20];
	[tilespmem:s13+$0x81 ss:$0x408] =	vst.msk $0xffff, v5;
	s14 =	sshrl.u32 s28, $0x3  }
0x44: {  	v63 =	vld [tilespmem:s15+$0xFFFFFFC0];
	s29 =	sand.u32 $0x7F, s11;
	[tilespmem:s13+$0x102 ss:$0x408] =	vst.msk $0xffff, v58;
	s30 =	smul.u32 $0x1E880, s14  }
0x45: {  	s11 =	sor.u32 s29, s17;
	[tilespmem:s13+$0x183 ss:$0x408] =	vst.msk $0xffff, v59  }
.Ltmp4:
0x46: {  	[tilespmem:s13+$0x204 ss:$0x408] =	vst.msk $0xffff, v60;
	s14 =	sand.u32 $0x7, s14;
	s11 =	ssub.s32 s11, s30;
	(pc) =	sbr.rel .LBB1_5-.Ltmp4, $4  }
0x47: {  	[tilespmem:s13+$0x285 ss:$0x408] =	vst.msk $0xffff, v61;
	s14 =	smul.u32 $0x3D10, s14;
	s15 =	sshrl.u32 s11, $0x3;
	s11 =	sand.u32 $0x7, s11  }
0x48: {  	[tilespmem:s13+$0x306 ss:$0x408] =	vst.msk $0xffff, v62;
	s15 =	sadd.s32 s4, s15;
	s11 =	sshll.u32 s11, $0x12  }
0x49: {  	[tilespmem:s13+$0x0 ss:$0x408] =	vst.msk $0xffff, v63;
	s31 =	sadd.s32 s14, s15;
	s11 =	sor.u32 $0x400, s11  }
0x4a: {  	[hbm4b:s31+s11] =	stream.strided.scatter [tilespmem:s12], [sflag:$0x2], $0x4000, s8, s11, $0x20;
	[tilespmem:$0x10100] =	vst v63  }
.LBB1_6:
0x4b: {  	_ =	sfence.sel $0x180000  }
0x4c: {  	s2 =	simm.s32 $0x1;
	[bflag:$0x0] =	sbarrier.arrive $0xFFFF  }
0x4d: {  	s31 =	simm.s32 $0x2;
	[sflag:s2] =	ssyncpa.u1 $0x1  }
0x4e: {  	[sflag:s31] =	ssyncpa.u1 $0x1  }
0x4f: {  	p0 =	sne.s32 s1, $0x0;
	_ =	strace $0x9000004A  }
0x50: {  	s0 =	sadd.s32 @!p0 $0x100000, s0;
	[bflag:$0x2] =	sbarrier.arrive $0xFFFF  }
0x51: {  	[sflag:s0] =	ssyncadd.tile.s32 @!p0 $0x1;
	_ =	shalt  }
.Lfunc_end1:
_tile_overlayer_lowered:
.L_overlay_start_2:
0x52: {  	(tag) =	ssettag $0x2  }
0x53: {  	s0 =	rddreg [dreg:$0x0];
	s2 =	stileid.u32  }
0x54: {  	s1 =	rddreg [dreg:$0x1];
	p0 =	sne.s32 s2, $0x0  }
0x55: {  	s3 =	rddreg [dreg:$0x2];
	[bflag:$0x3] =	sbarrier.arrive $0xFFFF;
	s2 =	simm.s32 @!p0 $0x1C01  }
0x56: {  	[timem:s3], [sflag:s2] =	dma.local @!p0 [hbm:s0], s1  }
0x57: {  	s0 =	simm.s32 @!p0 $0x1  }
0x58: {  	_ =	swait.ge @!p0 [sflag:s0], s1  }
0x59: {  	s1 =	ssub.s32 @!p0 $0x0, s1;
	[sflag:s0] =	ssyncset.done @!p0 $0x0  }
0x5a: {  	[sflag:s0] =	ssyncadd.s32 @!p0 s1  }
0x5b: {  	[bflag:$0x3] =	sbarrier.arrive $0xFFFF  }
0x5c: {  	_ =	shalt  }

</sc_bundles>
